<compile_context>
chip_gen: v7x
topology: tpu7x:2x2x1
jax: 0.10.2.dev20260603
libtpu: 0.0.44.dev20260713+nightly
codegen_flags: <defaults>
</compile_context>

<pallas_src>
import jax
import jax.numpy as jnp
from jax import lax
from jax.experimental import pallas as pl
from jax.experimental.pallas import tpu as pltpu
from jax.experimental.pallas import tpu_sc as plsc

B, N, E, C, H = 1, 10000, 320000, 128, 8
DH = C // H

NC, NS = 2, 16
NW = NC * NS
NPAD = 10240
EH = E // 2
EPT = EH // NW
GCH = 200
NCHG = EPT // GCH
GPAD = 208
SCH = 40
NCHS = EPT // SCH
BE = 1280
NB = 2048


def _mesh():
    return plsc.VectorSubcoreMesh(
        core_axis_name="c", subcore_axis_name="s",
        num_cores=NC, num_subcores=NS)


def _gather_body(feat, px, py, pz, src, dst, sf, df, diffall,
                 sidx_all, didx_all, srow, drow, sbuf, dbuf,
                 semr, semw, semwb):
    c = lax.axis_index("c")
    s = lax.axis_index("s")
    wid = s * NC + c
    base = wid * EPT

    pltpu.sync_copy(src.at[pl.ds(base, EPT)], sidx_all)
    pltpu.sync_copy(dst.at[pl.ds(base, EPT)], didx_all)

    def idx_refs(i):
        return (sidx_all.at[pl.ds(i * GCH, GCH)],
                didx_all.at[pl.ds(i * GCH, GCH)])

    def wb_descs(i, b):
        off = base + i * GCH
        return [
            pltpu.make_async_copy(srow[b], sf.at[pl.ds(off, GCH)], semwb[b]),
            pltpu.make_async_copy(drow[b], df.at[pl.ds(off, GCH)], semwb[b]),
        ] + [pltpu.make_async_copy(
                dbuf[b][comp].at[pl.ds(0, GCH)],
                diffall.at[pl.ds(comp * EH + off, GCH)], semwb[b])
             for comp in range(3)]

    def fire(i, b):
        sidx, didx = idx_refs(i)
        pltpu.async_copy(feat.at[sidx], srow[b], semr[b])
        pltpu.async_copy(feat.at[didx], drow[b], semr[b])
        pass

    def drain(i, b):
        sidx, didx = idx_refs(i)
        pltpu.make_async_copy(feat.at[sidx], srow[b], semr[b]).wait()
        pltpu.make_async_copy(feat.at[didx], drow[b], semr[b]).wait()
        pass

        @pl.loop(0, GPAD // 16)
        def _(g):
            sl = pl.ds(g * 16, 16)
            for comp in range(3):
                dbuf[b][comp][sl] = sbuf[b][comp][sl] - dbuf[b][comp][sl]

        for d in wb_descs(i, b):
            d.start()

    def wait_wb(i, b):
        for d in wb_descs(i, b):
            d.wait()

    fire(0, 0)
    fire(1, 1)

    @pl.loop(0, NCHG - (NCHG % 2), step=2)
    def _(i):
        drain(i, 0)

        @pl.when(i + 2 < NCHG)
        def _():
            wait_wb(i, 0)
            fire(i + 2, 0)
        drain(i + 1, 1)

        @pl.when(i + 3 < NCHG)
        def _():
            wait_wb(i + 1, 1)
            fire(i + 3, 1)

    if NCHG % 2:
        drain(NCHG - 1, 0)
        wait_wb(NCHG - 1, 0)
        wait_wb(NCHG - 2, 1)
    else:
        wait_wb(NCHG - 2, 0)
        wait_wb(NCHG - 1, 1)


def _gather(feat, px, py, pz, src, dst):
    return pl.kernel(
        _gather_body,
        out_type=[jax.ShapeDtypeStruct((EH, C), jnp.float32),
                  jax.ShapeDtypeStruct((EH, C), jnp.float32),
                  jax.ShapeDtypeStruct((4 * EH,), jnp.float32)],
        mesh=_mesh(),
        scratch_types=[
            pltpu.VMEM((EPT,), jnp.int32),
            pltpu.VMEM((EPT,), jnp.int32),
            [pltpu.VMEM((GCH, C), jnp.float32)] * 2,
            [pltpu.VMEM((GCH, C), jnp.float32)] * 2,
            [[pltpu.VMEM((GPAD,), jnp.float32)] * 3] * 2,
            [[pltpu.VMEM((GPAD,), jnp.float32)] * 3] * 2,
            [pltpu.SemaphoreType.DMA] * 2,
            [pltpu.SemaphoreType.DMA] * 2,
            [pltpu.SemaphoreType.DMA] * 2,
        ],
    )(feat, px, py, pz, src, dst)


def _edge_mlp_body(sf_ref, df_ref, d3_ref,
                   wkf, wkd, bk, gk, zk,
                   wvf, wvd, bv, gv, zv,
                   wqf, wqd, bq, gq, zq,
                   wv_out, wden_out):
    sf = sf_ref[...]
    df = df_ref[...]
    row = lax.broadcasted_iota(jnp.int32, (4, BE), 0)
    d3 = jnp.where(row < 3, d3_ref[...], 0.0)

    def mlp(x, wf, wd, b, g, z):
        h = (jnp.dot(x, wf[...], preferred_element_type=jnp.float32)
             + lax.dot_general(d3, wd[...], (((0,), (0,)), ((), ())),
                               preferred_element_type=jnp.float32)
             + b[...])
        h = jnp.maximum(h, 0.0)
        mu = jnp.mean(h, axis=1, keepdims=True)
        hc = h - mu
        var = jnp.mean(hc * hc, axis=1, keepdims=True)
        return hc * lax.rsqrt(var + 1e-5) * g[...] + z[...]

    k = mlp(sf, wkf, wkd, bk, gk, zk)
    v = mlp(sf, wvf, wvd, bv, gv, zv)
    q = mlp(df, wqf, wqd, bq, gq, zq)

    rr = lax.broadcasted_iota(jnp.int32, (C, C), 0) // DH
    cc = lax.broadcasted_iota(jnp.int32, (C, C), 1) // DH
    p4 = jnp.where(rr == cc, 0.25, 0.0).astype(jnp.float32)
    s128 = jnp.dot(k * q, p4, preferred_element_type=jnp.float32)
    w128 = jnp.exp(s128)
    wv_out[...] = v * w128
    lane = lax.broadcasted_iota(jnp.int32, (BE, C), 1)
    wden_out[...] = jnp.where(lane == C - 1, 1.0, w128)


def _edge_mlp(sf, df, diff3, wb):
    specs = [pl.BlockSpec((BE, C), lambda i: (i, 0)),
             pl.BlockSpec((BE, C), lambda i: (i, 0)),
             pl.BlockSpec((4, BE), lambda i: (0, i))]
    for shp in [(C, C), (4, C), (1, C), (1, C), (1, C)] * 3:
        specs.append(pl.BlockSpec(shp, lambda i: (0, 0)))
    return pl.pallas_call(
        _edge_mlp_body,
        grid=(EH // BE,),
        in_specs=specs,
        out_specs=[pl.BlockSpec((BE, C), lambda i: (i, 0)),
                   pl.BlockSpec((BE, C), lambda i: (i, 0))],
        out_shape=[jax.ShapeDtypeStruct((EH, C), jnp.float32),
                   jax.ShapeDtypeStruct((EH, C), jnp.float32)],
    )(sf, df, diff3, *wb)


def _scatter_loop(stream, out, zrows, idx2, wbuf, acc_sp, semld, semsc,
                  base, my_rows, core):
    pltpu.sync_copy(zrows, acc_sp.at[my_rows])
    plsc.subcore_barrier()

    def fire(j, b):
        pltpu.async_copy(stream.at[pl.ds(base + j * SCH, SCH)],
                         wbuf[b], semld[b])

    def drain(j, b):
        pltpu.make_async_copy(stream.at[pl.ds(base + j * SCH, SCH)],
                              wbuf[b], semld[b]).wait()
        pltpu.async_copy(wbuf[b], acc_sp.at[idx2.at[j]], semsc[b],
                         add=True)

    def wait_sc(j, b):
        pltpu.make_async_copy(wbuf[b], acc_sp.at[idx2.at[j]],
                              semsc[b]).wait()

    fire(0, 0)
    fire(1, 1)

    @pl.loop(0, NCHS - 1, step=2)
    def _(i):
        drain(i, 0)

        @pl.when(i + 2 < NCHS)
        def _():
            wait_sc(i, 0)
            fire(i + 2, 0)
        drain(i + 1, 1)

        @pl.when(i + 3 < NCHS)
        def _():
            wait_sc(i + 1, 1)
            fire(i + 3, 1)

    drain(NCHS - 1, 0)
    wait_sc(NCHS - 1, 0)
    wait_sc(NCHS - 2, 1)

    plsc.subcore_barrier()
    pltpu.sync_copy(acc_sp.at[my_rows], out.at[core, my_rows])


def _scatter_body(dstw2, wv, wden, z128, numer_out, den_out,
                  idx2, wbuf, acc_sp, semld, semsc):
    c = lax.axis_index("c")
    s = lax.axis_index("s")
    rows = NPAD // NS
    my_rows = pl.ds(s * rows, rows)
    wid = s * NC + c
    pltpu.sync_copy(dstw2.at[wid], idx2)
    _scatter_loop(wv, numer_out, z128.at[my_rows], idx2, wbuf, acc_sp,
                  semld, semsc, wid * EPT, my_rows, c)
    plsc.subcore_barrier()
    _scatter_loop(wden, den_out, z128.at[my_rows], idx2, wbuf, acc_sp,
                  semld, semsc, wid * EPT, my_rows, c)


def _scatter(dstw2, wv, wden):
    z128 = jnp.zeros((NPAD, C), jnp.float32)
    return pl.kernel(
        _scatter_body,
        out_type=[jax.ShapeDtypeStruct((NC, NPAD, C), jnp.float32),
                  jax.ShapeDtypeStruct((NC, NPAD, C), jnp.float32)],
        mesh=_mesh(),
        scratch_types=[
            pltpu.VMEM((NCHS, SCH), jnp.int32),
            [pltpu.VMEM((SCH, C), jnp.float32)] * 2,
            pltpu.VMEM_SHARED((NPAD, C), jnp.float32),
            [pltpu.SemaphoreType.DMA] * 2,
            [pltpu.SemaphoreType.DMA] * 2,
        ],
    )(dstw2, wv, wden, z128)


def _update_body(numer_a, den_a, numer_b, den_b,
                 feat_ref, wu, bu, gu, zu, out_ref):
    numer = (numer_a[0] + numer_a[1]) + (numer_b[0] + numer_b[1])
    denr = (den_a[0] + den_a[1]) + (den_b[0] + den_b[1])

    rr = lax.broadcasted_iota(jnp.int32, (C, H), 0)
    cc = lax.broadcasted_iota(jnp.int32, (C, H), 1)
    sel8 = jnp.where(rr == cc * DH, 1.0, 0.0).astype(jnp.float32)
    den8 = jnp.dot(denr, sel8, preferred_element_type=jnp.float32)
    cnt_col = (lax.broadcasted_iota(jnp.int32, (C, 1), 0) == C - 1)
    cnt = jnp.dot(denr, cnt_col.astype(jnp.float32),
                  preferred_element_type=jnp.float32)

    r2 = lax.broadcasted_iota(jnp.int32, (H, C), 0)
    c2 = lax.broadcasted_iota(jnp.int32, (H, C), 1) // DH
    s8 = jnp.where(r2 == c2, 1.0, 0.0).astype(jnp.float32)
    den_b = jnp.dot(den8, s8, preferred_element_type=jnp.float32)

    agg = numer / jnp.maximum(den_b, 1e-30) / jnp.maximum(cnt, 1.0)

    ht = lax.dot_general(wu[...], agg, (((1,), (1,)), ((), ())),
                         preferred_element_type=jnp.float32) + bu[...]
    ht = jnp.maximum(ht, 0.0)
    mu = jnp.mean(ht, axis=0, keepdims=True)
    hc = ht - mu
    var = jnp.mean(hc * hc, axis=0, keepdims=True)
    upd = hc * lax.rsqrt(var + 1e-5) * gu[...] + zu[...]
    out_ref[0] = upd + feat_ref[0]


def _update(numer_a, den_a, numer_b, den_b, featpad, wu, bu, gu, zu):
    return pl.pallas_call(
        _update_body,
        grid=(NPAD // NB,),
        in_specs=[
            pl.BlockSpec((NC, NB, C), lambda i: (0, i, 0)),
            pl.BlockSpec((NC, NB, C), lambda i: (0, i, 0)),
            pl.BlockSpec((NC, NB, C), lambda i: (0, i, 0)),
            pl.BlockSpec((NC, NB, C), lambda i: (0, i, 0)),
            pl.BlockSpec((1, C, NB), lambda i: (0, 0, i)),
            pl.BlockSpec((C, C), lambda i: (0, 0)),
            pl.BlockSpec((C, 1), lambda i: (0, 0)),
            pl.BlockSpec((C, 1), lambda i: (0, 0)),
            pl.BlockSpec((C, 1), lambda i: (0, 0)),
        ],
        out_specs=pl.BlockSpec((1, C, NB), lambda i: (0, 0, i)),
        out_shape=jax.ShapeDtypeStruct((1, C, NPAD), jnp.float32),
    )(numer_a, den_a, numer_b, den_b, featpad, wu, bu, gu, zu)


def kernel(xyz, features, edges,
           key_W, key_b, key_g, key_beta,
           value_W, value_b, value_g, value_beta,
           query_W, query_b, query_g, query_beta,
           update_W, update_b, update_g, update_beta):
    feat = jnp.transpose(features[0], (1, 0))
    px, py, pz = xyz[0, :, 0], xyz[0, :, 1], xyz[0, :, 2]
    src = edges[0, :, 0]
    dst = edges[0, :, 1]

    wb = []
    for W, b, g, z in [(key_W, key_b, key_g, key_beta),
                       (value_W, value_b, value_g, value_beta),
                       (query_W, query_b, query_g, query_beta)]:
        wb += [jnp.transpose(W[:, :C], (1, 0)),
               jnp.pad(jnp.transpose(W[:, C:], (1, 0)), ((0, 1), (0, 0))),
               b.reshape(1, C), g.reshape(1, C), z.reshape(1, C)]

    partials = []
    for h in range(2):
        srch = lax.slice(src, (h * EH,), ((h + 1) * EH,))
        dsth = lax.slice(dst, (h * EH,), ((h + 1) * EH,))
        sfh, dfh, diffh = _gather(feat, px, py, pz, srch, dsth)
        wvh, wdenh = _edge_mlp(sfh, dfh, diffh.reshape(4, EH), wb)
        partials += list(_scatter(dsth.reshape(NW, NCHS, SCH), wvh, wdenh))

    featpad = jnp.pad(features, ((0, 0), (0, 0), (0, NPAD - N)))
    out_pad = _update(partials[0], partials[1], partials[2], partials[3],
                      featpad,
                      update_W,
                      update_b.reshape(C, 1),
                      update_g.reshape(C, 1),
                      update_beta.reshape(C, 1))
    return out_pad[:, :, :N]

# --- scband reference (transcript-rebuilt; emitter-appended) ---
"""Pipeline reference for scband-gan-module-2989297238600 (READ-ONLY COPY).

The authoritative reference and input builder live on the scoring server;
editing this copy changes nothing except your own understanding.
"""

import jax, jax.numpy as jnp
import numpy as np
import math

B, N, E, C, H = 1, 10000, 320000, 128, 8
DH = C // H

def _mlp(x, W, b, g, beta):
    h = x @ W.T + b
    h = jax.nn.relu(h)
    mu = jnp.mean(h, axis=-1, keepdims=True)
    var = jnp.var(h, axis=-1, keepdims=True)
    h = (h - mu) / jnp.sqrt(var + 1e-5)
    return h * g + beta

def _lin_init(k, out_d, in_d):
    bd = 1.0 / np.sqrt(in_d)
    k1, k2 = jax.random.split(k)
    W = jax.random.uniform(k1, (out_d, in_d), minval=-bd, maxval=bd, dtype=jnp.float32)
    b = jax.random.uniform(k2, (out_d,), minval=-bd, maxval=bd, dtype=jnp.float32)
    return W, b

def setup_inputs(seed: int = 0):
    key = jax.random.key(seed)
    ks = jax.random.split(key, 8)
    inp = {}
    inp['xyz'] = jax.random.normal(ks[0], (B, N, 3), dtype=jnp.float32)
    inp['features'] = jax.random.normal(ks[1], (B, C, N), dtype=jnp.float32)
    inp['edges'] = jax.random.randint(ks[2], (B, E, 2), 0, N, dtype=jnp.int32)
    for i, nm in enumerate(['key', 'value', 'query']):
        W, b = _lin_init(ks[3 + i], C, C + 3)
        inp[nm + '_W'] = W
        inp[nm + '_b'] = b
        inp[nm + '_g'] = jnp.ones((C,), jnp.float32)
        inp[nm + '_beta'] = jnp.zeros((C,), jnp.float32)
    W, b = _lin_init(ks[6], C, C)
    inp['update_W'] = W
    inp['update_b'] = b
    inp['update_g'] = jnp.ones((C,), jnp.float32)
    inp['update_beta'] = jnp.zeros((C,), jnp.float32)
    return inp

def reference(xyz, features, edges, key_W, key_b, key_g, key_beta, value_W, value_b, value_g, value_beta, query_W, query_b, query_g, query_beta, update_W, update_b, update_g, update_beta):
    inp_feat = jnp.transpose(features, (0, 2, 1))
    src = edges[:, :, 0]
    dst = edges[:, :, 1]
    sf = jnp.take_along_axis(inp_feat, jnp.broadcast_to(src[:, :, None], (B, E, C)), axis=1)
    sc = jnp.take_along_axis(xyz, jnp.broadcast_to(src[:, :, None], (B, E, 3)), axis=1)
    df = jnp.take_along_axis(inp_feat, jnp.broadcast_to(dst[:, :, None], (B, E, C)), axis=1)
    dc = jnp.take_along_axis(xyz, jnp.broadcast_to(dst[:, :, None], (B, E, 3)), axis=1)
    diff = sc - dc
    sfe = jnp.concatenate([sf, diff], axis=-1).reshape(-1, C + 3)
    dfe = jnp.concatenate([df, diff], axis=-1).reshape(-1, C + 3)
    k = _mlp(sfe, key_W, key_b, key_g, key_beta).reshape(B, E, H, DH)
    v = _mlp(sfe, value_W, value_b, value_g, value_beta).reshape(B, E, H, DH)
    q = _mlp(dfe, query_W, query_b, query_g, query_beta).reshape(B, E, H, DH)
    simi = jnp.sum(k * q, axis=-1) / math.sqrt(DH)
    segmax = jax.vmap(lambda s, d: jax.ops.segment_max(s, d, num_segments=N))(simi, dst)
    mx = jnp.take_along_axis(segmax, jnp.broadcast_to(dst[:, :, None], (B, E, H)), axis=1)
    simi = jnp.exp(simi - mx)
    segsum = jax.vmap(lambda s, d: jax.ops.segment_sum(s, d, num_segments=N))(simi, dst)
    base = jnp.take_along_axis(segsum, jnp.broadcast_to(dst[:, :, None], (B, E, H)), axis=1)
    simi = simi / base
    v = (v * simi[:, :, :, None]).reshape(B, E, C)
    vsum = jax.vmap(lambda s, d: jax.ops.segment_sum(s, d, num_segments=N))(v, dst)
    cnt = jax.vmap(lambda d: jax.ops.segment_sum(jnp.ones((E,), jnp.float32), d, num_segments=N))(dst)
    agg = vsum / jnp.maximum(cnt, 1.0)[:, :, None]
    upd = _mlp(agg.reshape(-1, C), update_W, update_b, update_g, update_beta).reshape(B, N, C)
    out = upd + inp_feat
    return jnp.transpose(out, (0, 2, 1))

if __name__ == "__main__":
    import jax
    _d = setup_inputs()
    print(jax.jit(kernel)(*tuple(_d.values())))

</pallas_src>

<mosaic_0001>
#map = affine_map<(d0, d1) -> (0, 0)>
#map1 = affine_map<(d0, d1) -> (0)>
module attributes {stable_mosaic.version = 14 : i64} {
  func.func @_gather_body(%arg0: i32, %arg1: i32, %arg2: memref<10000x128xf32, #tpu.memory_space<hbm>>, %arg3: memref<10000xf32, #tpu.memory_space<hbm>>, %arg4: memref<10000xf32, #tpu.memory_space<hbm>>, %arg5: memref<10000xf32, #tpu.memory_space<hbm>>, %arg6: memref<160000xi32, #tpu.memory_space<hbm>>, %arg7: memref<160000xi32, #tpu.memory_space<hbm>>, %arg8: memref<160000x128xf32, #tpu.memory_space<hbm>>, %arg9: memref<160000x128xf32, #tpu.memory_space<hbm>>, %arg10: memref<640000xf32, #tpu.memory_space<hbm>>, %arg11: memref<5000xi32, #tpu.memory_space<vmem>>, %arg12: memref<5000xi32, #tpu.memory_space<vmem>>, %arg13: memref<200x128xf32, #tpu.memory_space<vmem>>, %arg14: memref<200x128xf32, #tpu.memory_space<vmem>>, %arg15: memref<200x128xf32, #tpu.memory_space<vmem>>, %arg16: memref<200x128xf32, #tpu.memory_space<vmem>>, %arg17: memref<208xf32, #tpu.memory_space<vmem>>, %arg18: memref<208xf32, #tpu.memory_space<vmem>>, %arg19: memref<208xf32, #tpu.memory_space<vmem>>, %arg20: memref<208xf32, #tpu.memory_space<vmem>>, %arg21: memref<208xf32, #tpu.memory_space<vmem>>, %arg22: memref<208xf32, #tpu.memory_space<vmem>>, %arg23: memref<208xf32, #tpu.memory_space<vmem>>, %arg24: memref<208xf32, #tpu.memory_space<vmem>>, %arg25: memref<208xf32, #tpu.memory_space<vmem>>, %arg26: memref<208xf32, #tpu.memory_space<vmem>>, %arg27: memref<208xf32, #tpu.memory_space<vmem>>, %arg28: memref<208xf32, #tpu.memory_space<vmem>>, %arg29: memref<!tpu.dma_semaphore, #tpu.memory_space<semaphore_mem>>, %arg30: memref<!tpu.dma_semaphore, #tpu.memory_space<semaphore_mem>>, %arg31: memref<!tpu.dma_semaphore, #tpu.memory_space<semaphore_mem>>, %arg32: memref<!tpu.dma_semaphore, #tpu.memory_space<semaphore_mem>>, %arg33: memref<!tpu.dma_semaphore, #tpu.memory_space<semaphore_mem>>, %arg34: memref<!tpu.dma_semaphore, #tpu.memory_space<semaphore_mem>>) attributes {dimension_semantics = [#tpu.dimension_semantics<core_parallel>, #tpu.dimension_semantics<subcore_parallel>], iteration_bounds = array<i64: 2, 16>, scalar_prefetch = 0 : i64, scratch_operands = 24 : i64, tpu.core_type = #tpu.core_type<sc_vector_subcore>, window_params = [{transform_indices = #map}, {transform_indices = #map1}, {transform_indices = #map1}, {transform_indices = #map1}, {transform_indices = #map1}, {transform_indices = #map1}, {transform_indices = #map}, {transform_indices = #map}, {transform_indices = #map1}]} {
    %mul3A = arith.constant 2 : i32
    %mul3A_0 = arith.muli %arg1, %mul3A : i32
    %add3A = arith.addi %mul3A_0, %arg0 : i32
    %mul3A_1 = arith.constant 5000 : i32
    %mul3A_2 = arith.muli %add3A, %mul3A_1 : i32
    "tpu.region"() ({
      %run_scoped3A = tpu.sem_alloc : memref<!tpu.dma_semaphore, #tpu.memory_space<semaphore_mem>>
      %dma_start3A_142 = tpu.memref_slice %arg6[%mul3A_2] : memref<160000xi32, #tpu.memory_space<hbm>> -> memref<5000xi32, #tpu.memory_space<hbm>>
      %dma_start3A_143 = tpu.memref_slice %arg6[%mul3A_2] : memref<160000xi32, #tpu.memory_space<hbm>> -> memref<5000xi32, #tpu.memory_space<hbm>>
      tpu.enqueue_dma source(%dma_start3A_143 : memref<5000xi32, #tpu.memory_space<hbm>>) target(%arg11 : memref<5000xi32, #tpu.memory_space<vmem>>) target_semaphore(%run_scoped3A : memref<!tpu.dma_semaphore, #tpu.memory_space<semaphore_mem>>)
      %dma_wait3A_144 = tpu.memref_slice %arg6[%mul3A_2] : memref<160000xi32, #tpu.memory_space<hbm>> -> memref<5000xi32, #tpu.memory_space<hbm>>
      %dma_wait3A_145 = tpu.memref_slice %arg6[%mul3A_2] : memref<160000xi32, #tpu.memory_space<hbm>> -> memref<5000xi32, #tpu.memory_space<hbm>>
      tpu.wait_dma2 semaphore(%run_scoped3A : memref<!tpu.dma_semaphore, #tpu.memory_space<semaphore_mem>>) src(%dma_wait3A_145 : memref<5000xi32, #tpu.memory_space<hbm>>) dst(%arg11 : memref<5000xi32, #tpu.memory_space<vmem>>)
      tpu.yield
    }) : () -> ()
    "tpu.region"() ({
      %run_scoped3A = tpu.sem_alloc : memref<!tpu.dma_semaphore, #tpu.memory_space<semaphore_mem>>
      %dma_start3A_142 = tpu.memref_slice %arg7[%mul3A_2] : memref<160000xi32, #tpu.memory_space<hbm>> -> memref<5000xi32, #tpu.memory_space<hbm>>
      %dma_start3A_143 = tpu.memref_slice %arg7[%mul3A_2] : memref<160000xi32, #tpu.memory_space<hbm>> -> memref<5000xi32, #tpu.memory_space<hbm>>
      tpu.enqueue_dma source(%dma_start3A_143 : memref<5000xi32, #tpu.memory_space<hbm>>) target(%arg12 : memref<5000xi32, #tpu.memory_space<vmem>>) target_semaphore(%run_scoped3A : memref<!tpu.dma_semaphore, #tpu.memory_space<semaphore_mem>>)
      %dma_wait3A_144 = tpu.memref_slice %arg7[%mul3A_2] : memref<160000xi32, #tpu.memory_space<hbm>> -> memref<5000xi32, #tpu.memory_space<hbm>>
      %dma_wait3A_145 = tpu.memref_slice %arg7[%mul3A_2] : memref<160000xi32, #tpu.memory_space<hbm>> -> memref<5000xi32, #tpu.memory_space<hbm>>
      tpu.wait_dma2 semaphore(%run_scoped3A : memref<!tpu.dma_semaphore, #tpu.memory_space<semaphore_mem>>) src(%dma_wait3A_145 : memref<5000xi32, #tpu.memory_space<hbm>>) dst(%arg12 : memref<5000xi32, #tpu.memory_space<vmem>>)
      tpu.yield
    }) : () -> ()
    %dma_start3A = arith.constant 0 : i32
    %dma_start3A_3 = tpu.memref_slice %arg11[%dma_start3A] : memref<5000xi32, #tpu.memory_space<vmem>> -> memref<200xi32, #tpu.memory_space<vmem>>
    %dma_start3A_4 = arith.constant 0 : i32
    %dma_start3A_5 = arith.constant 0 : i32
    %dma_start3A_6 = tpu.memref_slice %arg2[%dma_start3A_4, %dma_start3A_5] : memref<10000x128xf32, #tpu.memory_space<hbm>> -> memref<10000x128xf32, #tpu.memory_space<hbm>>
    tpu.enqueue_indirect_dma source(%dma_start3A_6 : memref<10000x128xf32, #tpu.memory_space<hbm>>) target(%arg13 : memref<200x128xf32, #tpu.memory_space<vmem>>) offsets(%dma_start3A_3 : memref<200xi32, #tpu.memory_space<vmem>>) semaphore(%arg29 : memref<!tpu.dma_semaphore, #tpu.memory_space<semaphore_mem>>)
    %dma_start3A_7 = arith.constant 0 : i32
    %dma_start3A_8 = tpu.memref_slice %arg12[%dma_start3A_7] : memref<5000xi32, #tpu.memory_space<vmem>> -> memref<200xi32, #tpu.memory_space<vmem>>
    %dma_start3A_9 = arith.constant 0 : i32
    %dma_start3A_10 = arith.constant 0 : i32
    %dma_start3A_11 = tpu.memref_slice %arg2[%dma_start3A_9, %dma_start3A_10] : memref<10000x128xf32, #tpu.memory_space<hbm>> -> memref<10000x128xf32, #tpu.memory_space<hbm>>
    tpu.enqueue_indirect_dma source(%dma_start3A_11 : memref<10000x128xf32, #tpu.memory_space<hbm>>) target(%arg15 : memref<200x128xf32, #tpu.memory_space<vmem>>) offsets(%dma_start3A_8 : memref<200xi32, #tpu.memory_space<vmem>>) semaphore(%arg29 : memref<!tpu.dma_semaphore, #tpu.memory_space<semaphore_mem>>)
    %dma_start3A_12 = arith.constant 200 : i32
    %dma_start3A_13 = tpu.memref_slice %arg11[%dma_start3A_12] : memref<5000xi32, #tpu.memory_space<vmem>> -> memref<200xi32, #tpu.memory_space<vmem>>
    %dma_start3A_14 = arith.constant 0 : i32
    %dma_start3A_15 = arith.constant 0 : i32
    %dma_start3A_16 = tpu.memref_slice %arg2[%dma_start3A_14, %dma_start3A_15] : memref<10000x128xf32, #tpu.memory_space<hbm>> -> memref<10000x128xf32, #tpu.memory_space<hbm>>
    tpu.enqueue_indirect_dma source(%dma_start3A_16 : memref<10000x128xf32, #tpu.memory_space<hbm>>) target(%arg14 : memref<200x128xf32, #tpu.memory_space<vmem>>) offsets(%dma_start3A_13 : memref<200xi32, #tpu.memory_space<vmem>>) semaphore(%arg30 : memref<!tpu.dma_semaphore, #tpu.memory_space<semaphore_mem>>)
    %dma_start3A_17 = arith.constant 200 : i32
    %dma_start3A_18 = tpu.memref_slice %arg12[%dma_start3A_17] : memref<5000xi32, #tpu.memory_space<vmem>> -> memref<200xi32, #tpu.memory_space<vmem>>
    %dma_start3A_19 = arith.constant 0 : i32
    %dma_start3A_20 = arith.constant 0 : i32
    %dma_start3A_21 = tpu.memref_slice %arg2[%dma_start3A_19, %dma_start3A_20] : memref<10000x128xf32, #tpu.memory_space<hbm>> -> memref<10000x128xf32, #tpu.memory_space<hbm>>
    tpu.enqueue_indirect_dma source(%dma_start3A_21 : memref<10000x128xf32, #tpu.memory_space<hbm>>) target(%arg16 : memref<200x128xf32, #tpu.memory_space<vmem>>) offsets(%dma_start3A_18 : memref<200xi32, #tpu.memory_space<vmem>>) semaphore(%arg30 : memref<!tpu.dma_semaphore, #tpu.memory_space<semaphore_mem>>)
    %scan3A = arith.constant 0 : i32
    %scan3A_22 = arith.constant 12 : i32
    %scan3A_23 = arith.addi %scan3A, %scan3A_22 : i32
    %scan3A_24 = arith.constant 1 : i32
    scf.for %scan3A_142 = %scan3A to %scan3A_23 step %scan3A_24  : i32 {
      %mul3A_143 = arith.constant 2 : i32
      %mul3A_144 = arith.muli %scan3A_142, %mul3A_143 : i32
      %add3A_145 = arith.constant 0 : i32
      %add3A_146 = arith.addi %add3A_145, %mul3A_144 : i32
      %mul3A_147 = arith.constant 200 : i32
      %mul3A_148 = arith.muli %add3A_146, %mul3A_147 : i32
      %mul3A_149 = arith.constant 200 : i32
      %mul3A_150 = arith.muli %add3A_146, %mul3A_149 : i32
      %dma_wait3A_151 = tpu.memref_slice %arg11[%mul3A_148] : memref<5000xi32, #tpu.memory_space<vmem>> -> memref<200xi32, #tpu.memory_space<vmem>>
      %dma_wait3A_152 = arith.constant 0 : i32
      %dma_wait3A_153 = arith.constant 0 : i32
      %dma_wait3A_154 = tpu.memref_slice %arg2[%dma_wait3A_152, %dma_wait3A_153] : memref<10000x128xf32, #tpu.memory_space<hbm>> -> memref<10000x128xf32, #tpu.memory_space<hbm>>
      tpu.wait_indirect_dma semaphore(%arg29 : memref<!tpu.dma_semaphore, #tpu.memory_space<semaphore_mem>>) src(%dma_wait3A_154 : memref<10000x128xf32, #tpu.memory_space<hbm>>) dst(%arg13 : memref<200x128xf32, #tpu.memory_space<vmem>>)
      %dma_wait3A_155 = tpu.memref_slice %arg12[%mul3A_150] : memref<5000xi32, #tpu.memory_space<vmem>> -> memref<200xi32, #tpu.memory_space<vmem>>
      %dma_wait3A_156 = arith.constant 0 : i32
      %dma_wait3A_157 = arith.constant 0 : i32
      %dma_wait3A_158 = tpu.memref_slice %arg2[%dma_wait3A_156, %dma_wait3A_157] : memref<10000x128xf32, #tpu.memory_space<hbm>> -> memref<10000x128xf32, #tpu.memory_space<hbm>>
      tpu.wait_indirect_dma semaphore(%arg29 : memref<!tpu.dma_semaphore, #tpu.memory_space<semaphore_mem>>) src(%dma_wait3A_158 : memref<10000x128xf32, #tpu.memory_space<hbm>>) dst(%arg15 : memref<200x128xf32, #tpu.memory_space<vmem>>)
      %scan3A_159 = arith.constant 0 : i32
      %scan3A_160 = arith.constant 13 : i32
      %scan3A_161 = arith.addi %scan3A_159, %scan3A_160 : i32
      %scan3A_162 = arith.constant 1 : i32
      scf.for %scan3A_264 = %scan3A_159 to %scan3A_161 step %scan3A_162  : i32 {
        %mul3A_265 = arith.constant 1 : i32
        %mul3A_266 = arith.muli %scan3A_264, %mul3A_265 : i32
        %add3A_267 = arith.constant 0 : i32
        %add3A_268 = arith.addi %add3A_267, %mul3A_266 : i32
        %mul3A_269 = arith.constant 16 : i32
        %mul3A_270 = arith.muli %add3A_268, %mul3A_269 : i32
        %get3A = arith.index_cast %mul3A_270 : i32 to index
        %get3A_271 = tpu.vector_load %arg17[%get3A] {strides = array<i32>} : memref<208xf32, #tpu.memory_space<vmem>>, vector<16xf32>,
        %get3A_272 = vector.shape_cast %get3A_271 : vector<16xf32> to vector<16xf32>
        %get3A_273 = arith.index_cast %mul3A_270 : i32 to index
        %get3A_274 = tpu.vector_load %arg23[%get3A_273] {strides = array<i32>} : memref<208xf32, #tpu.memory_space<vmem>>, vector<16xf32>,
        %get3A_275 = vector.shape_cast %get3A_274 : vector<16xf32> to vector<16xf32>
        %sub3A = arith.subf %get3A_272, %get3A_275 : vector<16xf32>
        %swap3A = arith.index_cast %mul3A_270 : i32 to index
        %swap3A_276 = tpu.vector_load %arg23[%swap3A] {strides = array<i32>} : memref<208xf32, #tpu.memory_space<vmem>>, vector<16xf32>,
        %swap3A_277 = vector.shape_cast %swap3A_276 : vector<16xf32> to vector<16xf32>
        %swap3A_278 = vector.shape_cast %sub3A : vector<16xf32> to vector<16xf32>
        tpu.vector_store %arg23[%swap3A], %swap3A_278 {strides = array<i32>} : memref<208xf32, #tpu.memory_space<vmem>>, vector<16xf32>,
        %get3A_279 = arith.index_cast %mul3A_270 : i32 to index
        %get3A_280 = tpu.vector_load %arg18[%get3A_279] {strides = array<i32>} : memref<208xf32, #tpu.memory_space<vmem>>, vector<16xf32>,
        %get3A_281 = vector.shape_cast %get3A_280 : vector<16xf32> to vector<16xf32>
        %get3A_282 = arith.index_cast %mul3A_270 : i32 to index
        %get3A_283 = tpu.vector_load %arg24[%get3A_282] {strides = array<i32>} : memref<208xf32, #tpu.memory_space<vmem>>, vector<16xf32>,
        %get3A_284 = vector.shape_cast %get3A_283 : vector<16xf32> to vector<16xf32>
        %sub3A_285 = arith.subf %get3A_281, %get3A_284 : vector<16xf32>
        %swap3A_286 = arith.index_cast %mul3A_270 : i32 to index
        %swap3A_287 = tpu.vector_load %arg24[%swap3A_286] {strides = array<i32>} : memref<208xf32, #tpu.memory_space<vmem>>, vector<16xf32>,
        %swap3A_288 = vector.shape_cast %swap3A_287 : vector<16xf32> to vector<16xf32>
        %swap3A_289 = vector.shape_cast %sub3A_285 : vector<16xf32> to vector<16xf32>
        tpu.vector_store %arg24[%swap3A_286], %swap3A_289 {strides = array<i32>} : memref<208xf32, #tpu.memory_space<vmem>>, vector<16xf32>,
        %get3A_290 = arith.index_cast %mul3A_270 : i32 to index
        %get3A_291 = tpu.vector_load %arg19[%get3A_290] {strides = array<i32>} : memref<208xf32, #tpu.memory_space<vmem>>, vector<16xf32>,
        %get3A_292 = vector.shape_cast %get3A_291 : vector<16xf32> to vector<16xf32>
        %get3A_293 = arith.index_cast %mul3A_270 : i32 to index
        %get3A_294 = tpu.vector_load %arg25[%get3A_293] {strides = array<i32>} : memref<208xf32, #tpu.memory_space<vmem>>, vector<16xf32>,
        %get3A_295 = vector.shape_cast %get3A_294 : vector<16xf32> to vector<16xf32>
        %sub3A_296 = arith.subf %get3A_292, %get3A_295 : vector<16xf32>
        %swap3A_297 = arith.index_cast %mul3A_270 : i32 to index
        %swap3A_298 = tpu.vector_load %arg25[%swap3A_297] {strides = array<i32>} : memref<208xf32, #tpu.memory_space<vmem>>, vector<16xf32>,
        %swap3A_299 = vector.shape_cast %swap3A_298 : vector<16xf32> to vector<16xf32>
        %swap3A_300 = vector.shape_cast %sub3A_296 : vector<16xf32> to vector<16xf32>
        tpu.vector_store %arg25[%swap3A_297], %swap3A_300 {strides = array<i32>} : memref<208xf32, #tpu.memory_space<vmem>>, vector<16xf32>,
      }
      %scan3A_163 = arith.constant 13 : i32
      %mul3A_164 = arith.constant 200 : i32
      %mul3A_165 = arith.muli %add3A_146, %mul3A_164 : i32
      %add3A_166 = arith.addi %mul3A_2, %mul3A_165 : i32
      %add3A_167 = arith.constant 0 : i32
      %add3A_168 = arith.addi %add3A_167, %add3A_166 : i32
      %add3A_169 = arith.constant 160000 : i32
      %add3A_170 = arith.addi %add3A_169, %add3A_166 : i32
      %add3A_171 = arith.constant 320000 : i32
      %add3A_172 = arith.addi %add3A_171, %add3A_166 : i32
      %dma_start3A_173 = arith.constant 0 : i32
      %dma_start3A_174 = tpu.memref_slice %arg8[%add3A_166, %dma_start3A_173] : memref<160000x128xf32, #tpu.memory_space<hbm>> -> memref<200x128xf32, #tpu.memory_space<hbm>>
      %dma_start3A_175 = arith.constant 0 : i32
      %dma_start3A_176 = tpu.memref_slice %arg8[%add3A_166, %dma_start3A_175] : memref<160000x128xf32, #tpu.memory_space<hbm>> -> memref<200x128xf32, #tpu.memory_space<hbm>>
      tpu.enqueue_dma source(%arg13 : memref<200x128xf32, #tpu.memory_space<vmem>>) target(%dma_start3A_176 : memref<200x128xf32, #tpu.memory_space<hbm>>) target_semaphore(%arg33 : memref<!tpu.dma_semaphore, #tpu.memory_space<semaphore_mem>>)
      %dma_start3A_177 = arith.constant 0 : i32
      %dma_start3A_178 = tpu.memref_slice %arg9[%add3A_166, %dma_start3A_177] : memref<160000x128xf32, #tpu.memory_space<hbm>> -> memref<200x128xf32, #tpu.memory_space<hbm>>
      %dma_start3A_179 = arith.constant 0 : i32
      %dma_start3A_180 = tpu.memref_slice %arg9[%add3A_166, %dma_start3A_179] : memref<160000x128xf32, #tpu.memory_space<hbm>> -> memref<200x128xf32, #tpu.memory_space<hbm>>
      tpu.enqueue_dma source(%arg15 : memref<200x128xf32, #tpu.memory_space<vmem>>) target(%dma_start3A_180 : memref<200x128xf32, #tpu.memory_space<hbm>>) target_semaphore(%arg33 : memref<!tpu.dma_semaphore, #tpu.memory_space<semaphore_mem>>)
      %dma_start3A_181 = arith.constant 0 : i32
      %dma_start3A_182 = tpu.memref_slice %arg23[%dma_start3A_181] : memref<208xf32, #tpu.memory_space<vmem>> -> memref<200xf32, #tpu.memory_space<vmem>>
      %dma_start3A_183 = tpu.memref_slice %arg10[%add3A_168] : memref<640000xf32, #tpu.memory_space<hbm>> -> memref<200xf32, #tpu.memory_space<hbm>>
      %dma_start3A_184 = tpu.memref_slice %arg10[%add3A_168] : memref<640000xf32, #tpu.memory_space<hbm>> -> memref<200xf32, #tpu.memory_space<hbm>>
      %dma_start3A_185 = arith.constant 0 : i32
      %dma_start3A_186 = tpu.memref_slice %arg23[%dma_start3A_185] : memref<208xf32, #tpu.memory_space<vmem>> -> memref<200xf32, #tpu.memory_space<vmem>>
      tpu.enqueue_dma source(%dma_start3A_186 : memref<200xf32, #tpu.memory_space<vmem>>) target(%dma_start3A_184 : memref<200xf32, #tpu.memory_space<hbm>>) target_semaphore(%arg33 : memref<!tpu.dma_semaphore, #tpu.memory_space<semaphore_mem>>)
      %dma_start3A_187 = arith.constant 0 : i32
      %dma_start3A_188 = tpu.memref_slice %arg24[%dma_start3A_187] : memref<208xf32, #tpu.memory_space<vmem>> -> memref<200xf32, #tpu.memory_space<vmem>>
      %dma_start3A_189 = tpu.memref_slice %arg10[%add3A_170] : memref<640000xf32, #tpu.memory_space<hbm>> -> memref<200xf32, #tpu.memory_space<hbm>>
      %dma_start3A_190 = tpu.memref_slice %arg10[%add3A_170] : memref<640000xf32, #tpu.memory_space<hbm>> -> memref<200xf32, #tpu.memory_space<hbm>>
      %dma_start3A_191 = arith.constant 0 : i32
      %dma_start3A_192 = tpu.memref_slice %arg24[%dma_start3A_191] : memref<208xf32, #tpu.memory_space<vmem>> -> memref<200xf32, #tpu.memory_space<vmem>>
      tpu.enqueue_dma source(%dma_start3A_192 : memref<200xf32, #tpu.memory_space<vmem>>) target(%dma_start3A_190 : memref<200xf32, #tpu.memory_space<hbm>>) target_semaphore(%arg33 : memref<!tpu.dma_semaphore, #tpu.memory_space<semaphore_mem>>)
      %dma_start3A_193 = arith.constant 0 : i32
      %dma_start3A_194 = tpu.memref_slice %arg25[%dma_start3A_193] : memref<208xf32, #tpu.memory_space<vmem>> -> memref<200xf32, #tpu.memory_space<vmem>>
      %dma_start3A_195 = tpu.memref_slice %arg10[%add3A_172] : memref<640000xf32, #tpu.memory_space<hbm>> -> memref<200xf32, #tpu.memory_space<hbm>>
      %dma_start3A_196 = tpu.memref_slice %arg10[%add3A_172] : memref<640000xf32, #tpu.memory_space<hbm>> -> memref<200xf32, #tpu.memory_space<hbm>>
      %dma_start3A_197 = arith.constant 0 : i32
      %dma_start3A_198 = tpu.memref_slice %arg25[%dma_start3A_197] : memref<208xf32, #tpu.memory_space<vmem>> -> memref<200xf32, #tpu.memory_space<vmem>>
      tpu.enqueue_dma source(%dma_start3A_198 : memref<200xf32, #tpu.memory_space<vmem>>) target(%dma_start3A_196 : memref<200xf32, #tpu.memory_space<hbm>>) target_semaphore(%arg33 : memref<!tpu.dma_semaphore, #tpu.memory_space<semaphore_mem>>)
      %add3A_199 = arith.constant 2 : i32
      %add3A_200 = arith.addi %add3A_146, %add3A_199 : i32
      %lt3A = arith.constant 25 : i32
      %lt3A_201 = arith.cmpi slt, %add3A_200, %lt3A : i32
      %convert_element_type3A = arith.extui %lt3A_201 : i1 to i32
      %cond3A = arith.constant 0 : i32
      %cond3A_202 = arith.cmpi ne, %convert_element_type3A, %cond3A : i32
      scf.if %cond3A_202 {
        %mul3A_264 = arith.constant 200 : i32
        %mul3A_265 = arith.muli %add3A_146, %mul3A_264 : i32
        %add3A_266 = arith.addi %mul3A_2, %mul3A_265 : i32
        %add3A_267 = arith.constant 0 : i32
        %add3A_268 = arith.addi %add3A_267, %add3A_266 : i32
        %add3A_269 = arith.constant 160000 : i32
        %add3A_270 = arith.addi %add3A_269, %add3A_266 : i32
        %add3A_271 = arith.constant 320000 : i32
        %add3A_272 = arith.addi %add3A_271, %add3A_266 : i32
        %dma_wait3A_273 = arith.constant 0 : i32
        %dma_wait3A_274 = tpu.memref_slice %arg8[%add3A_266, %dma_wait3A_273] : memref<160000x128xf32, #tpu.memory_space<hbm>> -> memref<200x128xf32, #tpu.memory_space<hbm>>
        %dma_wait3A_275 = arith.constant 0 : i32
        %dma_wait3A_276 = tpu.memref_slice %arg8[%add3A_266, %dma_wait3A_275] : memref<160000x128xf32, #tpu.memory_space<hbm>> -> memref<200x128xf32, #tpu.memory_space<hbm>>
        tpu.wait_dma2 semaphore(%arg33 : memref<!tpu.dma_semaphore, #tpu.memory_space<semaphore_mem>>) src(%arg13 : memref<200x128xf32, #tpu.memory_space<vmem>>) dst(%dma_wait3A_276 : memref<200x128xf32, #tpu.memory_space<hbm>>)
        %dma_wait3A_277 = arith.constant 0 : i32
        %dma_wait3A_278 = tpu.memref_slice %arg9[%add3A_266, %dma_wait3A_277] : memref<160000x128xf32, #tpu.memory_space<hbm>> -> memref<200x128xf32, #tpu.memory_space<hbm>>
        %dma_wait3A_279 = arith.constant 0 : i32
        %dma_wait3A_280 = tpu.memref_slice %arg9[%add3A_266, %dma_wait3A_279] : memref<160000x128xf32, #tpu.memory_space<hbm>> -> memref<200x128xf32, #tpu.memory_space<hbm>>
        tpu.wait_dma2 semaphore(%arg33 : memref<!tpu.dma_semaphore, #tpu.memory_space<semaphore_mem>>) src(%arg15 : memref<200x128xf32, #tpu.memory_space<vmem>>) dst(%dma_wait3A_280 : memref<200x128xf32, #tpu.memory_space<hbm>>)
        %dma_wait3A_281 = arith.constant 0 : i32
        %dma_wait3A_282 = tpu.memref_slice %arg23[%dma_wait3A_281] : memref<208xf32, #tpu.memory_space<vmem>> -> memref<200xf32, #tpu.memory_space<vmem>>
        %dma_wait3A_283 = tpu.memref_slice %arg10[%add3A_268] : memref<640000xf32, #tpu.memory_space<hbm>> -> memref<200xf32, #tpu.memory_space<hbm>>
        %dma_wait3A_284 = tpu.memref_slice %arg10[%add3A_268] : memref<640000xf32, #tpu.memory_space<hbm>> -> memref<200xf32, #tpu.memory_space<hbm>>
        %dma_wait3A_285 = arith.constant 0 : i32
        %dma_wait3A_286 = tpu.memref_slice %arg23[%dma_wait3A_285] : memref<208xf32, #tpu.memory_space<vmem>> -> memref<200xf32, #tpu.memory_space<vmem>>
        tpu.wait_dma2 semaphore(%arg33 : memref<!tpu.dma_semaphore, #tpu.memory_space<semaphore_mem>>) src(%dma_wait3A_286 : memref<200xf32, #tpu.memory_space<vmem>>) dst(%dma_wait3A_284 : memref<200xf32, #tpu.memory_space<hbm>>)
        %dma_wait3A_287 = arith.constant 0 : i32
        %dma_wait3A_288 = tpu.memref_slice %arg24[%dma_wait3A_287] : memref<208xf32, #tpu.memory_space<vmem>> -> memref<200xf32, #tpu.memory_space<vmem>>
        %dma_wait3A_289 = tpu.memref_slice %arg10[%add3A_270] : memref<640000xf32, #tpu.memory_space<hbm>> -> memref<200xf32, #tpu.memory_space<hbm>>
        %dma_wait3A_290 = tpu.memref_slice %arg10[%add3A_270] : memref<640000xf32, #tpu.memory_space<hbm>> -> memref<200xf32, #tpu.memory_space<hbm>>
        %dma_wait3A_291 = arith.constant 0 : i32
        %dma_wait3A_292 = tpu.memref_slice %arg24[%dma_wait3A_291] : memref<208xf32, #tpu.memory_space<vmem>> -> memref<200xf32, #tpu.memory_space<vmem>>
        tpu.wait_dma2 semaphore(%arg33 : memref<!tpu.dma_semaphore, #tpu.memory_space<semaphore_mem>>) src(%dma_wait3A_292 : memref<200xf32, #tpu.memory_space<vmem>>) dst(%dma_wait3A_290 : memref<200xf32, #tpu.memory_space<hbm>>)
        %dma_wait3A_293 = arith.constant 0 : i32
        %dma_wait3A_294 = tpu.memref_slice %arg25[%dma_wait3A_293] : memref<208xf32, #tpu.memory_space<vmem>> -> memref<200xf32, #tpu.memory_space<vmem>>
        %dma_wait3A_295 = tpu.memref_slice %arg10[%add3A_272] : memref<640000xf32, #tpu.memory_space<hbm>> -> memref<200xf32, #tpu.memory_space<hbm>>
        %dma_wait3A_296 = tpu.memref_slice %arg10[%add3A_272] : memref<640000xf32, #tpu.memory_space<hbm>> -> memref<200xf32, #tpu.memory_space<hbm>>
        %dma_wait3A_297 = arith.constant 0 : i32
        %dma_wait3A_298 = tpu.memref_slice %arg25[%dma_wait3A_297] : memref<208xf32, #tpu.memory_space<vmem>> -> memref<200xf32, #tpu.memory_space<vmem>>
        tpu.wait_dma2 semaphore(%arg33 : memref<!tpu.dma_semaphore, #tpu.memory_space<semaphore_mem>>) src(%dma_wait3A_298 : memref<200xf32, #tpu.memory_space<vmem>>) dst(%dma_wait3A_296 : memref<200xf32, #tpu.memory_space<hbm>>)
        %add3A_299 = arith.constant 2 : i32
        %add3A_300 = arith.addi %add3A_146, %add3A_299 : i32
        %mul3A_301 = arith.constant 200 : i32
        %mul3A_302 = arith.muli %add3A_300, %mul3A_301 : i32
        %mul3A_303 = arith.constant 200 : i32
        %mul3A_304 = arith.muli %add3A_300, %mul3A_303 : i32
        %dma_start3A_305 = tpu.memref_slice %arg11[%mul3A_302] : memref<5000xi32, #tpu.memory_space<vmem>> -> memref<200xi32, #tpu.memory_space<vmem>>
        %dma_start3A_306 = arith.constant 0 : i32
        %dma_start3A_307 = arith.constant 0 : i32
        %dma_start3A_308 = tpu.memref_slice %arg2[%dma_start3A_306, %dma_start3A_307] : memref<10000x128xf32, #tpu.memory_space<hbm>> -> memref<10000x128xf32, #tpu.memory_space<hbm>>
        tpu.enqueue_indirect_dma source(%dma_start3A_308 : memref<10000x128xf32, #tpu.memory_space<hbm>>) target(%arg13 : memref<200x128xf32, #tpu.memory_space<vmem>>) offsets(%dma_start3A_305 : memref<200xi32, #tpu.memory_space<vmem>>) semaphore(%arg29 : memref<!tpu.dma_semaphore, #tpu.memory_space<semaphore_mem>>)
        %dma_start3A_309 = tpu.memref_slice %arg12[%mul3A_304] : memref<5000xi32, #tpu.memory_space<vmem>> -> memref<200xi32, #tpu.memory_space<vmem>>
        %dma_start3A_310 = arith.constant 0 : i32
        %dma_start3A_311 = arith.constant 0 : i32
        %dma_start3A_312 = tpu.memref_slice %arg2[%dma_start3A_310, %dma_start3A_311] : memref<10000x128xf32, #tpu.memory_space<hbm>> -> memref<10000x128xf32, #tpu.memory_space<hbm>>
        tpu.enqueue_indirect_dma source(%dma_start3A_312 : memref<10000x128xf32, #tpu.memory_space<hbm>>) target(%arg15 : memref<200x128xf32, #tpu.memory_space<vmem>>) offsets(%dma_start3A_309 : memref<200xi32, #tpu.memory_space<vmem>>) semaphore(%arg29 : memref<!tpu.dma_semaphore, #tpu.memory_space<semaphore_mem>>)
      } else {
      }
      %add3A_203 = arith.constant 1 : i32
      %add3A_204 = arith.addi %add3A_146, %add3A_203 : i32
      %mul3A_205 = arith.constant 200 : i32
      %mul3A_206 = arith.muli %add3A_204, %mul3A_205 : i32
      %mul3A_207 = arith.constant 200 : i32
      %mul3A_208 = arith.muli %add3A_204, %mul3A_207 : i32
      %dma_wait3A_209 = tpu.memref_slice %arg11[%mul3A_206] : memref<5000xi32, #tpu.memory_space<vmem>> -> memref<200xi32, #tpu.memory_space<vmem>>
      %dma_wait3A_210 = arith.constant 0 : i32
      %dma_wait3A_211 = arith.constant 0 : i32
      %dma_wait3A_212 = tpu.memref_slice %arg2[%dma_wait3A_210, %dma_wait3A_211] : memref<10000x128xf32, #tpu.memory_space<hbm>> -> memref<10000x128xf32, #tpu.memory_space<hbm>>
      tpu.wait_indirect_dma semaphore(%arg30 : memref<!tpu.dma_semaphore, #tpu.memory_space<semaphore_mem>>) src(%dma_wait3A_212 : memref<10000x128xf32, #tpu.memory_space<hbm>>) dst(%arg14 : memref<200x128xf32, #tpu.memory_space<vmem>>)
      %dma_wait3A_213 = tpu.memref_slice %arg12[%mul3A_208] : memref<5000xi32, #tpu.memory_space<vmem>> -> memref<200xi32, #tpu.memory_space<vmem>>
      %dma_wait3A_214 = arith.constant 0 : i32
      %dma_wait3A_215 = arith.constant 0 : i32
      %dma_wait3A_216 = tpu.memref_slice %arg2[%dma_wait3A_214, %dma_wait3A_215] : memref<10000x128xf32, #tpu.memory_space<hbm>> -> memref<10000x128xf32, #tpu.memory_space<hbm>>
      tpu.wait_indirect_dma semaphore(%arg30 : memref<!tpu.dma_semaphore, #tpu.memory_space<semaphore_mem>>) src(%dma_wait3A_216 : memref<10000x128xf32, #tpu.memory_space<hbm>>) dst(%arg16 : memref<200x128xf32, #tpu.memory_space<vmem>>)
      %scan3A_217 = arith.constant 0 : i32
      %scan3A_218 = arith.constant 13 : i32
      %scan3A_219 = arith.addi %scan3A_217, %scan3A_218 : i32
      %scan3A_220 = arith.constant 1 : i32
      scf.for %scan3A_264 = %scan3A_217 to %scan3A_219 step %scan3A_220  : i32 {
        %mul3A_265 = arith.constant 1 : i32
        %mul3A_266 = arith.muli %scan3A_264, %mul3A_265 : i32
        %add3A_267 = arith.constant 0 : i32
        %add3A_268 = arith.addi %add3A_267, %mul3A_266 : i32
        %mul3A_269 = arith.constant 16 : i32
        %mul3A_270 = arith.muli %add3A_268, %mul3A_269 : i32
        %get3A = arith.index_cast %mul3A_270 : i32 to index
        %get3A_271 = tpu.vector_load %arg20[%get3A] {strides = array<i32>} : memref<208xf32, #tpu.memory_space<vmem>>, vector<16xf32>,
        %get3A_272 = vector.shape_cast %get3A_271 : vector<16xf32> to vector<16xf32>
        %get3A_273 = arith.index_cast %mul3A_270 : i32 to index
        %get3A_274 = tpu.vector_load %arg26[%get3A_273] {strides = array<i32>} : memref<208xf32, #tpu.memory_space<vmem>>, vector<16xf32>,
        %get3A_275 = vector.shape_cast %get3A_274 : vector<16xf32> to vector<16xf32>
        %sub3A = arith.subf %get3A_272, %get3A_275 : vector<16xf32>
        %swap3A = arith.index_cast %mul3A_270 : i32 to index
        %swap3A_276 = tpu.vector_load %arg26[%swap3A] {strides = array<i32>} : memref<208xf32, #tpu.memory_space<vmem>>, vector<16xf32>,
        %swap3A_277 = vector.shape_cast %swap3A_276 : vector<16xf32> to vector<16xf32>
        %swap3A_278 = vector.shape_cast %sub3A : vector<16xf32> to vector<16xf32>
        tpu.vector_store %arg26[%swap3A], %swap3A_278 {strides = array<i32>} : memref<208xf32, #tpu.memory_space<vmem>>, vector<16xf32>,
        %get3A_279 = arith.index_cast %mul3A_270 : i32 to index
        %get3A_280 = tpu.vector_load %arg21[%get3A_279] {strides = array<i32>} : memref<208xf32, #tpu.memory_space<vmem>>, vector<16xf32>,
        %get3A_281 = vector.shape_cast %get3A_280 : vector<16xf32> to vector<16xf32>
        %get3A_282 = arith.index_cast %mul3A_270 : i32 to index
        %get3A_283 = tpu.vector_load %arg27[%get3A_282] {strides = array<i32>} : memref<208xf32, #tpu.memory_space<vmem>>, vector<16xf32>,
        %get3A_284 = vector.shape_cast %get3A_283 : vector<16xf32> to vector<16xf32>
        %sub3A_285 = arith.subf %get3A_281, %get3A_284 : vector<16xf32>
        %swap3A_286 = arith.index_cast %mul3A_270 : i32 to index
        %swap3A_287 = tpu.vector_load %arg27[%swap3A_286] {strides = array<i32>} : memref<208xf32, #tpu.memory_space<vmem>>, vector<16xf32>,
        %swap3A_288 = vector.shape_cast %swap3A_287 : vector<16xf32> to vector<16xf32>
        %swap3A_289 = vector.shape_cast %sub3A_285 : vector<16xf32> to vector<16xf32>
        tpu.vector_store %arg27[%swap3A_286], %swap3A_289 {strides = array<i32>} : memref<208xf32, #tpu.memory_space<vmem>>, vector<16xf32>,
        %get3A_290 = arith.index_cast %mul3A_270 : i32 to index
        %get3A_291 = tpu.vector_load %arg22[%get3A_290] {strides = array<i32>} : memref<208xf32, #tpu.memory_space<vmem>>, vector<16xf32>,
        %get3A_292 = vector.shape_cast %get3A_291 : vector<16xf32> to vector<16xf32>
        %get3A_293 = arith.index_cast %mul3A_270 : i32 to index
        %get3A_294 = tpu.vector_load %arg28[%get3A_293] {strides = array<i32>} : memref<208xf32, #tpu.memory_space<vmem>>, vector<16xf32>,
        %get3A_295 = vector.shape_cast %get3A_294 : vector<16xf32> to vector<16xf32>
        %sub3A_296 = arith.subf %get3A_292, %get3A_295 : vector<16xf32>
        %swap3A_297 = arith.index_cast %mul3A_270 : i32 to index
        %swap3A_298 = tpu.vector_load %arg28[%swap3A_297] {strides = array<i32>} : memref<208xf32, #tpu.memory_space<vmem>>, vector<16xf32>,
        %swap3A_299 = vector.shape_cast %swap3A_298 : vector<16xf32> to vector<16xf32>
        %swap3A_300 = vector.shape_cast %sub3A_296 : vector<16xf32> to vector<16xf32>
        tpu.vector_store %arg28[%swap3A_297], %swap3A_300 {strides = array<i32>} : memref<208xf32, #tpu.memory_space<vmem>>, vector<16xf32>,
      }
      %scan3A_221 = arith.constant 13 : i32
      %mul3A_222 = arith.constant 200 : i32
      %mul3A_223 = arith.muli %add3A_204, %mul3A_222 : i32
      %add3A_224 = arith.addi %mul3A_2, %mul3A_223 : i32
      %add3A_225 = arith.constant 0 : i32
      %add3A_226 = arith.addi %add3A_225, %add3A_224 : i32
      %add3A_227 = arith.constant 160000 : i32
      %add3A_228 = arith.addi %add3A_227, %add3A_224 : i32
      %add3A_229 = arith.constant 320000 : i32
      %add3A_230 = arith.addi %add3A_229, %add3A_224 : i32
      %dma_start3A_231 = arith.constant 0 : i32
      %dma_start3A_232 = tpu.memref_slice %arg8[%add3A_224, %dma_start3A_231] : memref<160000x128xf32, #tpu.memory_space<hbm>> -> memref<200x128xf32, #tpu.memory_space<hbm>>
      %dma_start3A_233 = arith.constant 0 : i32
      %dma_start3A_234 = tpu.memref_slice %arg8[%add3A_224, %dma_start3A_233] : memref<160000x128xf32, #tpu.memory_space<hbm>> -> memref<200x128xf32, #tpu.memory_space<hbm>>
      tpu.enqueue_dma source(%arg14 : memref<200x128xf32, #tpu.memory_space<vmem>>) target(%dma_start3A_234 : memref<200x128xf32, #tpu.memory_space<hbm>>) target_semaphore(%arg34 : memref<!tpu.dma_semaphore, #tpu.memory_space<semaphore_mem>>)
      %dma_start3A_235 = arith.constant 0 : i32
      %dma_start3A_236 = tpu.memref_slice %arg9[%add3A_224, %dma_start3A_235] : memref<160000x128xf32, #tpu.memory_space<hbm>> -> memref<200x128xf32, #tpu.memory_space<hbm>>
      %dma_start3A_237 = arith.constant 0 : i32
      %dma_start3A_238 = tpu.memref_slice %arg9[%add3A_224, %dma_start3A_237] : memref<160000x128xf32, #tpu.memory_space<hbm>> -> memref<200x128xf32, #tpu.memory_space<hbm>>
      tpu.enqueue_dma source(%arg16 : memref<200x128xf32, #tpu.memory_space<vmem>>) target(%dma_start3A_238 : memref<200x128xf32, #tpu.memory_space<hbm>>) target_semaphore(%arg34 : memref<!tpu.dma_semaphore, #tpu.memory_space<semaphore_mem>>)
      %dma_start3A_239 = arith.constant 0 : i32
      %dma_start3A_240 = tpu.memref_slice %arg26[%dma_start3A_239] : memref<208xf32, #tpu.memory_space<vmem>> -> memref<200xf32, #tpu.memory_space<vmem>>
      %dma_start3A_241 = tpu.memref_slice %arg10[%add3A_226] : memref<640000xf32, #tpu.memory_space<hbm>> -> memref<200xf32, #tpu.memory_space<hbm>>
      %dma_start3A_242 = tpu.memref_slice %arg10[%add3A_226] : memref<640000xf32, #tpu.memory_space<hbm>> -> memref<200xf32, #tpu.memory_space<hbm>>
      %dma_start3A_243 = arith.constant 0 : i32
      %dma_start3A_244 = tpu.memref_slice %arg26[%dma_start3A_243] : memref<208xf32, #tpu.memory_space<vmem>> -> memref<200xf32, #tpu.memory_space<vmem>>
      tpu.enqueue_dma source(%dma_start3A_244 : memref<200xf32, #tpu.memory_space<vmem>>) target(%dma_start3A_242 : memref<200xf32, #tpu.memory_space<hbm>>) target_semaphore(%arg34 : memref<!tpu.dma_semaphore, #tpu.memory_space<semaphore_mem>>)
      %dma_start3A_245 = arith.constant 0 : i32
      %dma_start3A_246 = tpu.memref_slice %arg27[%dma_start3A_245] : memref<208xf32, #tpu.memory_space<vmem>> -> memref<200xf32, #tpu.memory_space<vmem>>
      %dma_start3A_247 = tpu.memref_slice %arg10[%add3A_228] : memref<640000xf32, #tpu.memory_space<hbm>> -> memref<200xf32, #tpu.memory_space<hbm>>
      %dma_start3A_248 = tpu.memref_slice %arg10[%add3A_228] : memref<640000xf32, #tpu.memory_space<hbm>> -> memref<200xf32, #tpu.memory_space<hbm>>
      %dma_start3A_249 = arith.constant 0 : i32
      %dma_start3A_250 = tpu.memref_slice %arg27[%dma_start3A_249] : memref<208xf32, #tpu.memory_space<vmem>> -> memref<200xf32, #tpu.memory_space<vmem>>
      tpu.enqueue_dma source(%dma_start3A_250 : memref<200xf32, #tpu.memory_space<vmem>>) target(%dma_start3A_248 : memref<200xf32, #tpu.memory_space<hbm>>) target_semaphore(%arg34 : memref<!tpu.dma_semaphore, #tpu.memory_space<semaphore_mem>>)
      %dma_start3A_251 = arith.constant 0 : i32
      %dma_start3A_252 = tpu.memref_slice %arg28[%dma_start3A_251] : memref<208xf32, #tpu.memory_space<vmem>> -> memref<200xf32, #tpu.memory_space<vmem>>
      %dma_start3A_253 = tpu.memref_slice %arg10[%add3A_230] : memref<640000xf32, #tpu.memory_space<hbm>> -> memref<200xf32, #tpu.memory_space<hbm>>
      %dma_start3A_254 = tpu.memref_slice %arg10[%add3A_230] : memref<640000xf32, #tpu.memory_space<hbm>> -> memref<200xf32, #tpu.memory_space<hbm>>
      %dma_start3A_255 = arith.constant 0 : i32
      %dma_start3A_256 = tpu.memref_slice %arg28[%dma_start3A_255] : memref<208xf32, #tpu.memory_space<vmem>> -> memref<200xf32, #tpu.memory_space<vmem>>
      tpu.enqueue_dma source(%dma_start3A_256 : memref<200xf32, #tpu.memory_space<vmem>>) target(%dma_start3A_254 : memref<200xf32, #tpu.memory_space<hbm>>) target_semaphore(%arg34 : memref<!tpu.dma_semaphore, #tpu.memory_space<semaphore_mem>>)
      %add3A_257 = arith.constant 3 : i32
      %add3A_258 = arith.addi %add3A_146, %add3A_257 : i32
      %lt3A_259 = arith.constant 25 : i32
      %lt3A_260 = arith.cmpi slt, %add3A_258, %lt3A_259 : i32
      %convert_element_type3A_261 = arith.extui %lt3A_260 : i1 to i32
      %cond3A_262 = arith.constant 0 : i32
      %cond3A_263 = arith.cmpi ne, %convert_element_type3A_261, %cond3A_262 : i32
      scf.if %cond3A_263 {
        %add3A_264 = arith.constant 1 : i32
        %add3A_265 = arith.addi %add3A_146, %add3A_264 : i32
        %mul3A_266 = arith.constant 200 : i32
        %mul3A_267 = arith.muli %add3A_265, %mul3A_266 : i32
        %add3A_268 = arith.addi %mul3A_2, %mul3A_267 : i32
        %add3A_269 = arith.constant 0 : i32
        %add3A_270 = arith.addi %add3A_269, %add3A_268 : i32
        %add3A_271 = arith.constant 160000 : i32
        %add3A_272 = arith.addi %add3A_271, %add3A_268 : i32
        %add3A_273 = arith.constant 320000 : i32
        %add3A_274 = arith.addi %add3A_273, %add3A_268 : i32
        %dma_wait3A_275 = arith.constant 0 : i32
        %dma_wait3A_276 = tpu.memref_slice %arg8[%add3A_268, %dma_wait3A_275] : memref<160000x128xf32, #tpu.memory_space<hbm>> -> memref<200x128xf32, #tpu.memory_space<hbm>>
        %dma_wait3A_277 = arith.constant 0 : i32
        %dma_wait3A_278 = tpu.memref_slice %arg8[%add3A_268, %dma_wait3A_277] : memref<160000x128xf32, #tpu.memory_space<hbm>> -> memref<200x128xf32, #tpu.memory_space<hbm>>
        tpu.wait_dma2 semaphore(%arg34 : memref<!tpu.dma_semaphore, #tpu.memory_space<semaphore_mem>>) src(%arg14 : memref<200x128xf32, #tpu.memory_space<vmem>>) dst(%dma_wait3A_278 : memref<200x128xf32, #tpu.memory_space<hbm>>)
        %dma_wait3A_279 = arith.constant 0 : i32
        %dma_wait3A_280 = tpu.memref_slice %arg9[%add3A_268, %dma_wait3A_279] : memref<160000x128xf32, #tpu.memory_space<hbm>> -> memref<200x128xf32, #tpu.memory_space<hbm>>
        %dma_wait3A_281 = arith.constant 0 : i32
        %dma_wait3A_282 = tpu.memref_slice %arg9[%add3A_268, %dma_wait3A_281] : memref<160000x128xf32, #tpu.memory_space<hbm>> -> memref<200x128xf32, #tpu.memory_space<hbm>>
        tpu.wait_dma2 semaphore(%arg34 : memref<!tpu.dma_semaphore, #tpu.memory_space<semaphore_mem>>) src(%arg16 : memref<200x128xf32, #tpu.memory_space<vmem>>) dst(%dma_wait3A_282 : memref<200x128xf32, #tpu.memory_space<hbm>>)
        %dma_wait3A_283 = arith.constant 0 : i32
        %dma_wait3A_284 = tpu.memref_slice %arg26[%dma_wait3A_283] : memref<208xf32, #tpu.memory_space<vmem>> -> memref<200xf32, #tpu.memory_space<vmem>>
        %dma_wait3A_285 = tpu.memref_slice %arg10[%add3A_270] : memref<640000xf32, #tpu.memory_space<hbm>> -> memref<200xf32, #tpu.memory_space<hbm>>
        %dma_wait3A_286 = tpu.memref_slice %arg10[%add3A_270] : memref<640000xf32, #tpu.memory_space<hbm>> -> memref<200xf32, #tpu.memory_space<hbm>>
        %dma_wait3A_287 = arith.constant 0 : i32
        %dma_wait3A_288 = tpu.memref_slice %arg26[%dma_wait3A_287] : memref<208xf32, #tpu.memory_space<vmem>> -> memref<200xf32, #tpu.memory_space<vmem>>
        tpu.wait_dma2 semaphore(%arg34 : memref<!tpu.dma_semaphore, #tpu.memory_space<semaphore_mem>>) src(%dma_wait3A_288 : memref<200xf32, #tpu.memory_space<vmem>>) dst(%dma_wait3A_286 : memref<200xf32, #tpu.memory_space<hbm>>)
        %dma_wait3A_289 = arith.constant 0 : i32
        %dma_wait3A_290 = tpu.memref_slice %arg27[%dma_wait3A_289] : memref<208xf32, #tpu.memory_space<vmem>> -> memref<200xf32, #tpu.memory_space<vmem>>
        %dma_wait3A_291 = tpu.memref_slice %arg10[%add3A_272] : memref<640000xf32, #tpu.memory_space<hbm>> -> memref<200xf32, #tpu.memory_space<hbm>>
        %dma_wait3A_292 = tpu.memref_slice %arg10[%add3A_272] : memref<640000xf32, #tpu.memory_space<hbm>> -> memref<200xf32, #tpu.memory_space<hbm>>
        %dma_wait3A_293 = arith.constant 0 : i32
        %dma_wait3A_294 = tpu.memref_slice %arg27[%dma_wait3A_293] : memref<208xf32, #tpu.memory_space<vmem>> -> memref<200xf32, #tpu.memory_space<vmem>>
        tpu.wait_dma2 semaphore(%arg34 : memref<!tpu.dma_semaphore, #tpu.memory_space<semaphore_mem>>) src(%dma_wait3A_294 : memref<200xf32, #tpu.memory_space<vmem>>) dst(%dma_wait3A_292 : memref<200xf32, #tpu.memory_space<hbm>>)
        %dma_wait3A_295 = arith.constant 0 : i32
        %dma_wait3A_296 = tpu.memref_slice %arg28[%dma_wait3A_295] : memref<208xf32, #tpu.memory_space<vmem>> -> memref<200xf32, #tpu.memory_space<vmem>>
        %dma_wait3A_297 = tpu.memref_slice %arg10[%add3A_274] : memref<640000xf32, #tpu.memory_space<hbm>> -> memref<200xf32, #tpu.memory_space<hbm>>
        %dma_wait3A_298 = tpu.memref_slice %arg10[%add3A_274] : memref<640000xf32, #tpu.memory_space<hbm>> -> memref<200xf32, #tpu.memory_space<hbm>>
        %dma_wait3A_299 = arith.constant 0 : i32
        %dma_wait3A_300 = tpu.memref_slice %arg28[%dma_wait3A_299] : memref<208xf32, #tpu.memory_space<vmem>> -> memref<200xf32, #tpu.memory_space<vmem>>
        tpu.wait_dma2 semaphore(%arg34 : memref<!tpu.dma_semaphore, #tpu.memory_space<semaphore_mem>>) src(%dma_wait3A_300 : memref<200xf32, #tpu.memory_space<vmem>>) dst(%dma_wait3A_298 : memref<200xf32, #tpu.memory_space<hbm>>)
        %add3A_301 = arith.constant 3 : i32
        %add3A_302 = arith.addi %add3A_146, %add3A_301 : i32
        %mul3A_303 = arith.constant 200 : i32
        %mul3A_304 = arith.muli %add3A_302, %mul3A_303 : i32
        %mul3A_305 = arith.constant 200 : i32
        %mul3A_306 = arith.muli %add3A_302, %mul3A_305 : i32
        %dma_start3A_307 = tpu.memref_slice %arg11[%mul3A_304] : memref<5000xi32, #tpu.memory_space<vmem>> -> memref<200xi32, #tpu.memory_space<vmem>>
        %dma_start3A_308 = arith.constant 0 : i32
        %dma_start3A_309 = arith.constant 0 : i32
        %dma_start3A_310 = tpu.memref_slice %arg2[%dma_start3A_308, %dma_start3A_309] : memref<10000x128xf32, #tpu.memory_space<hbm>> -> memref<10000x128xf32, #tpu.memory_space<hbm>>
        tpu.enqueue_indirect_dma source(%dma_start3A_310 : memref<10000x128xf32, #tpu.memory_space<hbm>>) target(%arg14 : memref<200x128xf32, #tpu.memory_space<vmem>>) offsets(%dma_start3A_307 : memref<200xi32, #tpu.memory_space<vmem>>) semaphore(%arg30 : memref<!tpu.dma_semaphore, #tpu.memory_space<semaphore_mem>>)
        %dma_start3A_311 = tpu.memref_slice %arg12[%mul3A_306] : memref<5000xi32, #tpu.memory_space<vmem>> -> memref<200xi32, #tpu.memory_space<vmem>>
        %dma_start3A_312 = arith.constant 0 : i32
        %dma_start3A_313 = arith.constant 0 : i32
        %dma_start3A_314 = tpu.memref_slice %arg2[%dma_start3A_312, %dma_start3A_313] : memref<10000x128xf32, #tpu.memory_space<hbm>> -> memref<10000x128xf32, #tpu.memory_space<hbm>>
        tpu.enqueue_indirect_dma source(%dma_start3A_314 : memref<10000x128xf32, #tpu.memory_space<hbm>>) target(%arg16 : memref<200x128xf32, #tpu.memory_space<vmem>>) offsets(%dma_start3A_311 : memref<200xi32, #tpu.memory_space<vmem>>) semaphore(%arg30 : memref<!tpu.dma_semaphore, #tpu.memory_space<semaphore_mem>>)
      } else {
      }
    }
    %scan3A_25 = arith.constant 12 : i32
    %dma_wait3A = arith.constant 4800 : i32
    %dma_wait3A_26 = tpu.memref_slice %arg11[%dma_wait3A] : memref<5000xi32, #tpu.memory_space<vmem>> -> memref<200xi32, #tpu.memory_space<vmem>>
    %dma_wait3A_27 = arith.constant 0 : i32
    %dma_wait3A_28 = arith.constant 0 : i32
    %dma_wait3A_29 = tpu.memref_slice %arg2[%dma_wait3A_27, %dma_wait3A_28] : memref<10000x128xf32, #tpu.memory_space<hbm>> -> memref<10000x128xf32, #tpu.memory_space<hbm>>
    tpu.wait_indirect_dma semaphore(%arg29 : memref<!tpu.dma_semaphore, #tpu.memory_space<semaphore_mem>>) src(%dma_wait3A_29 : memref<10000x128xf32, #tpu.memory_space<hbm>>) dst(%arg13 : memref<200x128xf32, #tpu.memory_space<vmem>>)
    %dma_wait3A_30 = arith.constant 4800 : i32
    %dma_wait3A_31 = tpu.memref_slice %arg12[%dma_wait3A_30] : memref<5000xi32, #tpu.memory_space<vmem>> -> memref<200xi32, #tpu.memory_space<vmem>>
    %dma_wait3A_32 = arith.constant 0 : i32
    %dma_wait3A_33 = arith.constant 0 : i32
    %dma_wait3A_34 = tpu.memref_slice %arg2[%dma_wait3A_32, %dma_wait3A_33] : memref<10000x128xf32, #tpu.memory_space<hbm>> -> memref<10000x128xf32, #tpu.memory_space<hbm>>
    tpu.wait_indirect_dma semaphore(%arg29 : memref<!tpu.dma_semaphore, #tpu.memory_space<semaphore_mem>>) src(%dma_wait3A_34 : memref<10000x128xf32, #tpu.memory_space<hbm>>) dst(%arg15 : memref<200x128xf32, #tpu.memory_space<vmem>>)
    %scan3A_35 = arith.constant 0 : i32
    %scan3A_36 = arith.constant 13 : i32
    %scan3A_37 = arith.addi %scan3A_35, %scan3A_36 : i32
    %scan3A_38 = arith.constant 1 : i32
    scf.for %scan3A_142 = %scan3A_35 to %scan3A_37 step %scan3A_38  : i32 {
      %mul3A_143 = arith.constant 1 : i32
      %mul3A_144 = arith.muli %scan3A_142, %mul3A_143 : i32
      %add3A_145 = arith.constant 0 : i32
      %add3A_146 = arith.addi %add3A_145, %mul3A_144 : i32
      %mul3A_147 = arith.constant 16 : i32
      %mul3A_148 = arith.muli %add3A_146, %mul3A_147 : i32
      %get3A = arith.index_cast %mul3A_148 : i32 to index
      %get3A_149 = tpu.vector_load %arg17[%get3A] {strides = array<i32>} : memref<208xf32, #tpu.memory_space<vmem>>, vector<16xf32>,
      %get3A_150 = vector.shape_cast %get3A_149 : vector<16xf32> to vector<16xf32>
      %get3A_151 = arith.index_cast %mul3A_148 : i32 to index
      %get3A_152 = tpu.vector_load %arg23[%get3A_151] {strides = array<i32>} : memref<208xf32, #tpu.memory_space<vmem>>, vector<16xf32>,
      %get3A_153 = vector.shape_cast %get3A_152 : vector<16xf32> to vector<16xf32>
      %sub3A = arith.subf %get3A_150, %get3A_153 : vector<16xf32>
      %swap3A = arith.index_cast %mul3A_148 : i32 to index
      %swap3A_154 = tpu.vector_load %arg23[%swap3A] {strides = array<i32>} : memref<208xf32, #tpu.memory_space<vmem>>, vector<16xf32>,
      %swap3A_155 = vector.shape_cast %swap3A_154 : vector<16xf32> to vector<16xf32>
      %swap3A_156 = vector.shape_cast %sub3A : vector<16xf32> to vector<16xf32>
      tpu.vector_store %arg23[%swap3A], %swap3A_156 {strides = array<i32>} : memref<208xf32, #tpu.memory_space<vmem>>, vector<16xf32>,
      %get3A_157 = arith.index_cast %mul3A_148 : i32 to index
      %get3A_158 = tpu.vector_load %arg18[%get3A_157] {strides = array<i32>} : memref<208xf32, #tpu.memory_space<vmem>>, vector<16xf32>,
      %get3A_159 = vector.shape_cast %get3A_158 : vector<16xf32> to vector<16xf32>
      %get3A_160 = arith.index_cast %mul3A_148 : i32 to index
      %get3A_161 = tpu.vector_load %arg24[%get3A_160] {strides = array<i32>} : memref<208xf32, #tpu.memory_space<vmem>>, vector<16xf32>,
      %get3A_162 = vector.shape_cast %get3A_161 : vector<16xf32> to vector<16xf32>
      %sub3A_163 = arith.subf %get3A_159, %get3A_162 : vector<16xf32>
      %swap3A_164 = arith.index_cast %mul3A_148 : i32 to index
      %swap3A_165 = tpu.vector_load %arg24[%swap3A_164] {strides = array<i32>} : memref<208xf32, #tpu.memory_space<vmem>>, vector<16xf32>,
      %swap3A_166 = vector.shape_cast %swap3A_165 : vector<16xf32> to vector<16xf32>
      %swap3A_167 = vector.shape_cast %sub3A_163 : vector<16xf32> to vector<16xf32>
      tpu.vector_store %arg24[%swap3A_164], %swap3A_167 {strides = array<i32>} : memref<208xf32, #tpu.memory_space<vmem>>, vector<16xf32>,
      %get3A_168 = arith.index_cast %mul3A_148 : i32 to index
      %get3A_169 = tpu.vector_load %arg19[%get3A_168] {strides = array<i32>} : memref<208xf32, #tpu.memory_space<vmem>>, vector<16xf32>,
      %get3A_170 = vector.shape_cast %get3A_169 : vector<16xf32> to vector<16xf32>
      %get3A_171 = arith.index_cast %mul3A_148 : i32 to index
      %get3A_172 = tpu.vector_load %arg25[%get3A_171] {strides = array<i32>} : memref<208xf32, #tpu.memory_space<vmem>>, vector<16xf32>,
      %get3A_173 = vector.shape_cast %get3A_172 : vector<16xf32> to vector<16xf32>
      %sub3A_174 = arith.subf %get3A_170, %get3A_173 : vector<16xf32>
      %swap3A_175 = arith.index_cast %mul3A_148 : i32 to index
      %swap3A_176 = tpu.vector_load %arg25[%swap3A_175] {strides = array<i32>} : memref<208xf32, #tpu.memory_space<vmem>>, vector<16xf32>,
      %swap3A_177 = vector.shape_cast %swap3A_176 : vector<16xf32> to vector<16xf32>
      %swap3A_178 = vector.shape_cast %sub3A_174 : vector<16xf32> to vector<16xf32>
      tpu.vector_store %arg25[%swap3A_175], %swap3A_178 {strides = array<i32>} : memref<208xf32, #tpu.memory_space<vmem>>, vector<16xf32>,
    }
    %scan3A_39 = arith.constant 13 : i32
    %add3A_40 = arith.constant 4800 : i32
    %add3A_41 = arith.addi %mul3A_2, %add3A_40 : i32
    %add3A_42 = arith.constant 0 : i32
    %add3A_43 = arith.addi %add3A_42, %add3A_41 : i32
    %add3A_44 = arith.constant 160000 : i32
    %add3A_45 = arith.addi %add3A_44, %add3A_41 : i32
    %add3A_46 = arith.constant 320000 : i32
    %add3A_47 = arith.addi %add3A_46, %add3A_41 : i32
    %dma_start3A_48 = arith.constant 0 : i32
    %dma_start3A_49 = tpu.memref_slice %arg8[%add3A_41, %dma_start3A_48] : memref<160000x128xf32, #tpu.memory_space<hbm>> -> memref<200x128xf32, #tpu.memory_space<hbm>>
    %dma_start3A_50 = arith.constant 0 : i32
    %dma_start3A_51 = tpu.memref_slice %arg8[%add3A_41, %dma_start3A_50] : memref<160000x128xf32, #tpu.memory_space<hbm>> -> memref<200x128xf32, #tpu.memory_space<hbm>>
    tpu.enqueue_dma source(%arg13 : memref<200x128xf32, #tpu.memory_space<vmem>>) target(%dma_start3A_51 : memref<200x128xf32, #tpu.memory_space<hbm>>) target_semaphore(%arg33 : memref<!tpu.dma_semaphore, #tpu.memory_space<semaphore_mem>>)
    %dma_start3A_52 = arith.constant 0 : i32
    %dma_start3A_53 = tpu.memref_slice %arg9[%add3A_41, %dma_start3A_52] : memref<160000x128xf32, #tpu.memory_space<hbm>> -> memref<200x128xf32, #tpu.memory_space<hbm>>
    %dma_start3A_54 = arith.constant 0 : i32
    %dma_start3A_55 = tpu.memref_slice %arg9[%add3A_41, %dma_start3A_54] : memref<160000x128xf32, #tpu.memory_space<hbm>> -> memref<200x128xf32, #tpu.memory_space<hbm>>
    tpu.enqueue_dma source(%arg15 : memref<200x128xf32, #tpu.memory_space<vmem>>) target(%dma_start3A_55 : memref<200x128xf32, #tpu.memory_space<hbm>>) target_semaphore(%arg33 : memref<!tpu.dma_semaphore, #tpu.memory_space<semaphore_mem>>)
    %dma_start3A_56 = arith.constant 0 : i32
    %dma_start3A_57 = tpu.memref_slice %arg23[%dma_start3A_56] : memref<208xf32, #tpu.memory_space<vmem>> -> memref<200xf32, #tpu.memory_space<vmem>>
    %dma_start3A_58 = tpu.memref_slice %arg10[%add3A_43] : memref<640000xf32, #tpu.memory_space<hbm>> -> memref<200xf32, #tpu.memory_space<hbm>>
    %dma_start3A_59 = tpu.memref_slice %arg10[%add3A_43] : memref<640000xf32, #tpu.memory_space<hbm>> -> memref<200xf32, #tpu.memory_space<hbm>>
    %dma_start3A_60 = arith.constant 0 : i32
    %dma_start3A_61 = tpu.memref_slice %arg23[%dma_start3A_60] : memref<208xf32, #tpu.memory_space<vmem>> -> memref<200xf32, #tpu.memory_space<vmem>>
    tpu.enqueue_dma source(%dma_start3A_61 : memref<200xf32, #tpu.memory_space<vmem>>) target(%dma_start3A_59 : memref<200xf32, #tpu.memory_space<hbm>>) target_semaphore(%arg33 : memref<!tpu.dma_semaphore, #tpu.memory_space<semaphore_mem>>)
    %dma_start3A_62 = arith.constant 0 : i32
    %dma_start3A_63 = tpu.memref_slice %arg24[%dma_start3A_62] : memref<208xf32, #tpu.memory_space<vmem>> -> memref<200xf32, #tpu.memory_space<vmem>>
    %dma_start3A_64 = tpu.memref_slice %arg10[%add3A_45] : memref<640000xf32, #tpu.memory_space<hbm>> -> memref<200xf32, #tpu.memory_space<hbm>>
    %dma_start3A_65 = tpu.memref_slice %arg10[%add3A_45] : memref<640000xf32, #tpu.memory_space<hbm>> -> memref<200xf32, #tpu.memory_space<hbm>>
    %dma_start3A_66 = arith.constant 0 : i32
    %dma_start3A_67 = tpu.memref_slice %arg24[%dma_start3A_66] : memref<208xf32, #tpu.memory_space<vmem>> -> memref<200xf32, #tpu.memory_space<vmem>>
    tpu.enqueue_dma source(%dma_start3A_67 : memref<200xf32, #tpu.memory_space<vmem>>) target(%dma_start3A_65 : memref<200xf32, #tpu.memory_space<hbm>>) target_semaphore(%arg33 : memref<!tpu.dma_semaphore, #tpu.memory_space<semaphore_mem>>)
    %dma_start3A_68 = arith.constant 0 : i32
    %dma_start3A_69 = tpu.memref_slice %arg25[%dma_start3A_68] : memref<208xf32, #tpu.memory_space<vmem>> -> memref<200xf32, #tpu.memory_space<vmem>>
    %dma_start3A_70 = tpu.memref_slice %arg10[%add3A_47] : memref<640000xf32, #tpu.memory_space<hbm>> -> memref<200xf32, #tpu.memory_space<hbm>>
    %dma_start3A_71 = tpu.memref_slice %arg10[%add3A_47] : memref<640000xf32, #tpu.memory_space<hbm>> -> memref<200xf32, #tpu.memory_space<hbm>>
    %dma_start3A_72 = arith.constant 0 : i32
    %dma_start3A_73 = tpu.memref_slice %arg25[%dma_start3A_72] : memref<208xf32, #tpu.memory_space<vmem>> -> memref<200xf32, #tpu.memory_space<vmem>>
    tpu.enqueue_dma source(%dma_start3A_73 : memref<200xf32, #tpu.memory_space<vmem>>) target(%dma_start3A_71 : memref<200xf32, #tpu.memory_space<hbm>>) target_semaphore(%arg33 : memref<!tpu.dma_semaphore, #tpu.memory_space<semaphore_mem>>)
    %add3A_74 = arith.constant 4800 : i32
    %add3A_75 = arith.addi %mul3A_2, %add3A_74 : i32
    %add3A_76 = arith.constant 0 : i32
    %add3A_77 = arith.addi %add3A_76, %add3A_75 : i32
    %add3A_78 = arith.constant 160000 : i32
    %add3A_79 = arith.addi %add3A_78, %add3A_75 : i32
    %add3A_80 = arith.constant 320000 : i32
    %add3A_81 = arith.addi %add3A_80, %add3A_75 : i32
    %dma_wait3A_82 = arith.constant 0 : i32
    %dma_wait3A_83 = tpu.memref_slice %arg8[%add3A_75, %dma_wait3A_82] : memref<160000x128xf32, #tpu.memory_space<hbm>> -> memref<200x128xf32, #tpu.memory_space<hbm>>
    %dma_wait3A_84 = arith.constant 0 : i32
    %dma_wait3A_85 = tpu.memref_slice %arg8[%add3A_75, %dma_wait3A_84] : memref<160000x128xf32, #tpu.memory_space<hbm>> -> memref<200x128xf32, #tpu.memory_space<hbm>>
    tpu.wait_dma2 semaphore(%arg33 : memref<!tpu.dma_semaphore, #tpu.memory_space<semaphore_mem>>) src(%arg13 : memref<200x128xf32, #tpu.memory_space<vmem>>) dst(%dma_wait3A_85 : memref<200x128xf32, #tpu.memory_space<hbm>>)
    %dma_wait3A_86 = arith.constant 0 : i32
    %dma_wait3A_87 = tpu.memref_slice %arg9[%add3A_75, %dma_wait3A_86] : memref<160000x128xf32, #tpu.memory_space<hbm>> -> memref<200x128xf32, #tpu.memory_space<hbm>>
    %dma_wait3A_88 = arith.constant 0 : i32
    %dma_wait3A_89 = tpu.memref_slice %arg9[%add3A_75, %dma_wait3A_88] : memref<160000x128xf32, #tpu.memory_space<hbm>> -> memref<200x128xf32, #tpu.memory_space<hbm>>
    tpu.wait_dma2 semaphore(%arg33 : memref<!tpu.dma_semaphore, #tpu.memory_space<semaphore_mem>>) src(%arg15 : memref<200x128xf32, #tpu.memory_space<vmem>>) dst(%dma_wait3A_89 : memref<200x128xf32, #tpu.memory_space<hbm>>)
    %dma_wait3A_90 = arith.constant 0 : i32
    %dma_wait3A_91 = tpu.memref_slice %arg23[%dma_wait3A_90] : memref<208xf32, #tpu.memory_space<vmem>> -> memref<200xf32, #tpu.memory_space<vmem>>
    %dma_wait3A_92 = tpu.memref_slice %arg10[%add3A_77] : memref<640000xf32, #tpu.memory_space<hbm>> -> memref<200xf32, #tpu.memory_space<hbm>>
    %dma_wait3A_93 = tpu.memref_slice %arg10[%add3A_77] : memref<640000xf32, #tpu.memory_space<hbm>> -> memref<200xf32, #tpu.memory_space<hbm>>
    %dma_wait3A_94 = arith.constant 0 : i32
    %dma_wait3A_95 = tpu.memref_slice %arg23[%dma_wait3A_94] : memref<208xf32, #tpu.memory_space<vmem>> -> memref<200xf32, #tpu.memory_space<vmem>>
    tpu.wait_dma2 semaphore(%arg33 : memref<!tpu.dma_semaphore, #tpu.memory_space<semaphore_mem>>) src(%dma_wait3A_95 : memref<200xf32, #tpu.memory_space<vmem>>) dst(%dma_wait3A_93 : memref<200xf32, #tpu.memory_space<hbm>>)
    %dma_wait3A_96 = arith.constant 0 : i32
    %dma_wait3A_97 = tpu.memref_slice %arg24[%dma_wait3A_96] : memref<208xf32, #tpu.memory_space<vmem>> -> memref<200xf32, #tpu.memory_space<vmem>>
    %dma_wait3A_98 = tpu.memref_slice %arg10[%add3A_79] : memref<640000xf32, #tpu.memory_space<hbm>> -> memref<200xf32, #tpu.memory_space<hbm>>
    %dma_wait3A_99 = tpu.memref_slice %arg10[%add3A_79] : memref<640000xf32, #tpu.memory_space<hbm>> -> memref<200xf32, #tpu.memory_space<hbm>>
    %dma_wait3A_100 = arith.constant 0 : i32
    %dma_wait3A_101 = tpu.memref_slice %arg24[%dma_wait3A_100] : memref<208xf32, #tpu.memory_space<vmem>> -> memref<200xf32, #tpu.memory_space<vmem>>
    tpu.wait_dma2 semaphore(%arg33 : memref<!tpu.dma_semaphore, #tpu.memory_space<semaphore_mem>>) src(%dma_wait3A_101 : memref<200xf32, #tpu.memory_space<vmem>>) dst(%dma_wait3A_99 : memref<200xf32, #tpu.memory_space<hbm>>)
    %dma_wait3A_102 = arith.constant 0 : i32
    %dma_wait3A_103 = tpu.memref_slice %arg25[%dma_wait3A_102] : memref<208xf32, #tpu.memory_space<vmem>> -> memref<200xf32, #tpu.memory_space<vmem>>
    %dma_wait3A_104 = tpu.memref_slice %arg10[%add3A_81] : memref<640000xf32, #tpu.memory_space<hbm>> -> memref<200xf32, #tpu.memory_space<hbm>>
    %dma_wait3A_105 = tpu.memref_slice %arg10[%add3A_81] : memref<640000xf32, #tpu.memory_space<hbm>> -> memref<200xf32, #tpu.memory_space<hbm>>
    %dma_wait3A_106 = arith.constant 0 : i32
    %dma_wait3A_107 = tpu.memref_slice %arg25[%dma_wait3A_106] : memref<208xf32, #tpu.memory_space<vmem>> -> memref<200xf32, #tpu.memory_space<vmem>>
    tpu.wait_dma2 semaphore(%arg33 : memref<!tpu.dma_semaphore, #tpu.memory_space<semaphore_mem>>) src(%dma_wait3A_107 : memref<200xf32, #tpu.memory_space<vmem>>) dst(%dma_wait3A_105 : memref<200xf32, #tpu.memory_space<hbm>>)
    %add3A_108 = arith.constant 4600 : i32
    %add3A_109 = arith.addi %mul3A_2, %add3A_108 : i32
    %add3A_110 = arith.constant 0 : i32
    %add3A_111 = arith.addi %add3A_110, %add3A_109 : i32
    %add3A_112 = arith.constant 160000 : i32
    %add3A_113 = arith.addi %add3A_112, %add3A_109 : i32
    %add3A_114 = arith.constant 320000 : i32
    %add3A_115 = arith.addi %add3A_114, %add3A_109 : i32
    %dma_wait3A_116 = arith.constant 0 : i32
    %dma_wait3A_117 = tpu.memref_slice %arg8[%add3A_109, %dma_wait3A_116] : memref<160000x128xf32, #tpu.memory_space<hbm>> -> memref<200x128xf32, #tpu.memory_space<hbm>>
    %dma_wait3A_118 = arith.constant 0 : i32
    %dma_wait3A_119 = tpu.memref_slice %arg8[%add3A_109, %dma_wait3A_118] : memref<160000x128xf32, #tpu.memory_space<hbm>> -> memref<200x128xf32, #tpu.memory_space<hbm>>
    tpu.wait_dma2 semaphore(%arg34 : memref<!tpu.dma_semaphore, #tpu.memory_space<semaphore_mem>>) src(%arg14 : memref<200x128xf32, #tpu.memory_space<vmem>>) dst(%dma_wait3A_119 : memref<200x128xf32, #tpu.memory_space<hbm>>)
    %dma_wait3A_120 = arith.constant 0 : i32
    %dma_wait3A_121 = tpu.memref_slice %arg9[%add3A_109, %dma_wait3A_120] : memref<160000x128xf32, #tpu.memory_space<hbm>> -> memref<200x128xf32, #tpu.memory_space<hbm>>
    %dma_wait3A_122 = arith.constant 0 : i32
    %dma_wait3A_123 = tpu.memref_slice %arg9[%add3A_109, %dma_wait3A_122] : memref<160000x128xf32, #tpu.memory_space<hbm>> -> memref<200x128xf32, #tpu.memory_space<hbm>>
    tpu.wait_dma2 semaphore(%arg34 : memref<!tpu.dma_semaphore, #tpu.memory_space<semaphore_mem>>) src(%arg16 : memref<200x128xf32, #tpu.memory_space<vmem>>) dst(%dma_wait3A_123 : memref<200x128xf32, #tpu.memory_space<hbm>>)
    %dma_wait3A_124 = arith.constant 0 : i32
    %dma_wait3A_125 = tpu.memref_slice %arg26[%dma_wait3A_124] : memref<208xf32, #tpu.memory_space<vmem>> -> memref<200xf32, #tpu.memory_space<vmem>>
    %dma_wait3A_126 = tpu.memref_slice %arg10[%add3A_111] : memref<640000xf32, #tpu.memory_space<hbm>> -> memref<200xf32, #tpu.memory_space<hbm>>
    %dma_wait3A_127 = tpu.memref_slice %arg10[%add3A_111] : memref<640000xf32, #tpu.memory_space<hbm>> -> memref<200xf32, #tpu.memory_space<hbm>>
    %dma_wait3A_128 = arith.constant 0 : i32
    %dma_wait3A_129 = tpu.memref_slice %arg26[%dma_wait3A_128] : memref<208xf32, #tpu.memory_space<vmem>> -> memref<200xf32, #tpu.memory_space<vmem>>
    tpu.wait_dma2 semaphore(%arg34 : memref<!tpu.dma_semaphore, #tpu.memory_space<semaphore_mem>>) src(%dma_wait3A_129 : memref<200xf32, #tpu.memory_space<vmem>>) dst(%dma_wait3A_127 : memref<200xf32, #tpu.memory_space<hbm>>)
    %dma_wait3A_130 = arith.constant 0 : i32
    %dma_wait3A_131 = tpu.memref_slice %arg27[%dma_wait3A_130] : memref<208xf32, #tpu.memory_space<vmem>> -> memref<200xf32, #tpu.memory_space<vmem>>
    %dma_wait3A_132 = tpu.memref_slice %arg10[%add3A_113] : memref<640000xf32, #tpu.memory_space<hbm>> -> memref<200xf32, #tpu.memory_space<hbm>>
    %dma_wait3A_133 = tpu.memref_slice %arg10[%add3A_113] : memref<640000xf32, #tpu.memory_space<hbm>> -> memref<200xf32, #tpu.memory_space<hbm>>
    %dma_wait3A_134 = arith.constant 0 : i32
    %dma_wait3A_135 = tpu.memref_slice %arg27[%dma_wait3A_134] : memref<208xf32, #tpu.memory_space<vmem>> -> memref<200xf32, #tpu.memory_space<vmem>>
    tpu.wait_dma2 semaphore(%arg34 : memref<!tpu.dma_semaphore, #tpu.memory_space<semaphore_mem>>) src(%dma_wait3A_135 : memref<200xf32, #tpu.memory_space<vmem>>) dst(%dma_wait3A_133 : memref<200xf32, #tpu.memory_space<hbm>>)
    %dma_wait3A_136 = arith.constant 0 : i32
    %dma_wait3A_137 = tpu.memref_slice %arg28[%dma_wait3A_136] : memref<208xf32, #tpu.memory_space<vmem>> -> memref<200xf32, #tpu.memory_space<vmem>>
    %dma_wait3A_138 = tpu.memref_slice %arg10[%add3A_115] : memref<640000xf32, #tpu.memory_space<hbm>> -> memref<200xf32, #tpu.memory_space<hbm>>
    %dma_wait3A_139 = tpu.memref_slice %arg10[%add3A_115] : memref<640000xf32, #tpu.memory_space<hbm>> -> memref<200xf32, #tpu.memory_space<hbm>>
    %dma_wait3A_140 = arith.constant 0 : i32
    %dma_wait3A_141 = tpu.memref_slice %arg28[%dma_wait3A_140] : memref<208xf32, #tpu.memory_space<vmem>> -> memref<200xf32, #tpu.memory_space<vmem>>
    tpu.wait_dma2 semaphore(%arg34 : memref<!tpu.dma_semaphore, #tpu.memory_space<semaphore_mem>>) src(%dma_wait3A_141 : memref<200xf32, #tpu.memory_space<vmem>>) dst(%dma_wait3A_139 : memref<200xf32, #tpu.memory_space<hbm>>)
    return
  }
}

#map = affine_map<(d0, d1) -> (0, 0, 0)>
#map1 = affine_map<(d0, d1) -> (0, 0)>
module attributes {stable_mosaic.version = 14 : i64} {
  func.func @_scatter_body(%arg0: i32, %arg1: i32, %arg2: memref<32x125x40xi32, #tpu.memory_space<hbm>>, %arg3: memref<160000x128xf32, #tpu.memory_space<hbm>>, %arg4: memref<160000x128xf32, #tpu.memory_space<hbm>>, %arg5: memref<10240x128xf32, #tpu.memory_space<hbm>>, %arg6: memref<2x10240x128xf32, #tpu.memory_space<hbm>>, %arg7: memref<2x10240x128xf32, #tpu.memory_space<hbm>>, %arg8: memref<125x40xi32, #tpu.memory_space<vmem>>, %arg9: memref<40x128xf32, #tpu.memory_space<vmem>>, %arg10: memref<40x128xf32, #tpu.memory_space<vmem>>, %arg11: memref<10240x128xf32, #tpu.memory_space<vmem_shared>>, %arg12: memref<!tpu.dma_semaphore, #tpu.memory_space<semaphore_mem>>, %arg13: memref<!tpu.dma_semaphore, #tpu.memory_space<semaphore_mem>>, %arg14: memref<!tpu.dma_semaphore, #tpu.memory_space<semaphore_mem>>, %arg15: memref<!tpu.dma_semaphore, #tpu.memory_space<semaphore_mem>>) attributes {dimension_semantics = [#tpu.dimension_semantics<core_parallel>, #tpu.dimension_semantics<subcore_parallel>], iteration_bounds = array<i64: 2, 16>, scalar_prefetch = 0 : i64, scratch_operands = 8 : i64, tpu.core_type = #tpu.core_type<sc_vector_subcore>, window_params = [{transform_indices = #map}, {transform_indices = #map1}, {transform_indices = #map1}, {transform_indices = #map1}, {transform_indices = #map}, {transform_indices = #map}]} {
    %mul3A = arith.constant 640 : i32
    %mul3A_0 = arith.muli %arg1, %mul3A : i32
    %mul3A_1 = arith.constant 2 : i32
    %mul3A_2 = arith.muli %arg1, %mul3A_1 : i32
    %add3A = arith.addi %mul3A_2, %arg0 : i32
    "tpu.region"() ({
      %run_scoped3A = tpu.sem_alloc : memref<!tpu.dma_semaphore, #tpu.memory_space<semaphore_mem>>
      %dma_start3A_96 = arith.constant 0 : i32
      %dma_start3A_97 = arith.constant 0 : i32
      %dma_start3A_98 = tpu.memref_slice %arg2[%add3A, %dma_start3A_96, %dma_start3A_97] : memref<32x125x40xi32, #tpu.memory_space<hbm>> -> memref<1x125x40xi32, #tpu.memory_space<hbm>>
      %dma_start3A_99 = tpu.memref_squeeze %dma_start3A_98 : memref<1x125x40xi32, #tpu.memory_space<hbm>> -> memref<125x40xi32, #tpu.memory_space<hbm>>
      %dma_start3A_100 = arith.constant 0 : i32
      %dma_start3A_101 = arith.constant 0 : i32
      %dma_start3A_102 = tpu.memref_slice %arg2[%add3A, %dma_start3A_100, %dma_start3A_101] : memref<32x125x40xi32, #tpu.memory_space<hbm>> -> memref<1x125x40xi32, #tpu.memory_space<hbm>>
      %dma_start3A_103 = tpu.memref_squeeze %dma_start3A_102 : memref<1x125x40xi32, #tpu.memory_space<hbm>> -> memref<125x40xi32, #tpu.memory_space<hbm>>
      tpu.enqueue_dma source(%dma_start3A_103 : memref<125x40xi32, #tpu.memory_space<hbm>>) target(%arg8 : memref<125x40xi32, #tpu.memory_space<vmem>>) target_semaphore(%run_scoped3A : memref<!tpu.dma_semaphore, #tpu.memory_space<semaphore_mem>>)
      %dma_wait3A_104 = arith.constant 0 : i32
      %dma_wait3A_105 = arith.constant 0 : i32
      %dma_wait3A_106 = tpu.memref_slice %arg2[%add3A, %dma_wait3A_104, %dma_wait3A_105] : memref<32x125x40xi32, #tpu.memory_space<hbm>> -> memref<1x125x40xi32, #tpu.memory_space<hbm>>
      %dma_wait3A_107 = tpu.memref_squeeze %dma_wait3A_106 : memref<1x125x40xi32, #tpu.memory_space<hbm>> -> memref<125x40xi32, #tpu.memory_space<hbm>>
      %dma_wait3A_108 = arith.constant 0 : i32
      %dma_wait3A_109 = arith.constant 0 : i32
      %dma_wait3A_110 = tpu.memref_slice %arg2[%add3A, %dma_wait3A_108, %dma_wait3A_109] : memref<32x125x40xi32, #tpu.memory_space<hbm>> -> memref<1x125x40xi32, #tpu.memory_space<hbm>>
      %dma_wait3A_111 = tpu.memref_squeeze %dma_wait3A_110 : memref<1x125x40xi32, #tpu.memory_space<hbm>> -> memref<125x40xi32, #tpu.memory_space<hbm>>
      tpu.wait_dma2 semaphore(%run_scoped3A : memref<!tpu.dma_semaphore, #tpu.memory_space<semaphore_mem>>) src(%dma_wait3A_111 : memref<125x40xi32, #tpu.memory_space<hbm>>) dst(%arg8 : memref<125x40xi32, #tpu.memory_space<vmem>>)
      tpu.yield
    }) : () -> ()
    %mul3A_3 = arith.constant 5000 : i32
    %mul3A_4 = arith.muli %add3A, %mul3A_3 : i32
    "tpu.region"() ({
      %run_scoped3A = tpu.sem_alloc : memref<!tpu.dma_semaphore, #tpu.memory_space<semaphore_mem>>
      %dma_start3A_96 = arith.constant 0 : i32
      %dma_start3A_97 = tpu.memref_slice %arg11[%mul3A_0, %dma_start3A_96] : memref<10240x128xf32, #tpu.memory_space<vmem_shared>> -> memref<640x128xf32, #tpu.memory_space<vmem_shared>>
      %dma_start3A_98 = arith.constant 0 : i32
      %dma_start3A_99 = tpu.memref_slice %arg5[%mul3A_0, %dma_start3A_98] : memref<10240x128xf32, #tpu.memory_space<hbm>> -> memref<640x128xf32, #tpu.memory_space<hbm>>
      tpu.enqueue_dma source(%dma_start3A_99 : memref<640x128xf32, #tpu.memory_space<hbm>>) target(%dma_start3A_97 : memref<640x128xf32, #tpu.memory_space<vmem_shared>>) target_semaphore(%run_scoped3A : memref<!tpu.dma_semaphore, #tpu.memory_space<semaphore_mem>>)
      %dma_wait3A_100 = arith.constant 0 : i32
      %dma_wait3A_101 = tpu.memref_slice %arg11[%mul3A_0, %dma_wait3A_100] : memref<10240x128xf32, #tpu.memory_space<vmem_shared>> -> memref<640x128xf32, #tpu.memory_space<vmem_shared>>
      %dma_wait3A_102 = arith.constant 0 : i32
      %dma_wait3A_103 = tpu.memref_slice %arg5[%mul3A_0, %dma_wait3A_102] : memref<10240x128xf32, #tpu.memory_space<hbm>> -> memref<640x128xf32, #tpu.memory_space<hbm>>
      tpu.wait_dma2 semaphore(%run_scoped3A : memref<!tpu.dma_semaphore, #tpu.memory_space<semaphore_mem>>) src(%dma_wait3A_103 : memref<640x128xf32, #tpu.memory_space<hbm>>) dst(%dma_wait3A_101 : memref<640x128xf32, #tpu.memory_space<vmem_shared>>)
      tpu.yield
    }) : () -> ()
    %barrier3A = arith.constant 0 : index
    tpu.barrier barrier_id(%barrier3A)
    %add3A_5 = arith.constant 0 : i32
    %add3A_6 = arith.addi %mul3A_4, %add3A_5 : i32
    %dma_start3A = arith.constant 0 : i32
    %dma_start3A_7 = tpu.memref_slice %arg3[%add3A_6, %dma_start3A] : memref<160000x128xf32, #tpu.memory_space<hbm>> -> memref<40x128xf32, #tpu.memory_space<hbm>>
    %dma_start3A_8 = arith.constant 0 : i32
    %dma_start3A_9 = tpu.memref_slice %arg3[%add3A_6, %dma_start3A_8] : memref<160000x128xf32, #tpu.memory_space<hbm>> -> memref<40x128xf32, #tpu.memory_space<hbm>>
    tpu.enqueue_dma source(%dma_start3A_9 : memref<40x128xf32, #tpu.memory_space<hbm>>) target(%arg9 : memref<40x128xf32, #tpu.memory_space<vmem>>) target_semaphore(%arg12 : memref<!tpu.dma_semaphore, #tpu.memory_space<semaphore_mem>>)
    %add3A_10 = arith.constant 40 : i32
    %add3A_11 = arith.addi %mul3A_4, %add3A_10 : i32
    %dma_start3A_12 = arith.constant 0 : i32
    %dma_start3A_13 = tpu.memref_slice %arg3[%add3A_11, %dma_start3A_12] : memref<160000x128xf32, #tpu.memory_space<hbm>> -> memref<40x128xf32, #tpu.memory_space<hbm>>
    %dma_start3A_14 = arith.constant 0 : i32
    %dma_start3A_15 = tpu.memref_slice %arg3[%add3A_11, %dma_start3A_14] : memref<160000x128xf32, #tpu.memory_space<hbm>> -> memref<40x128xf32, #tpu.memory_space<hbm>>
    tpu.enqueue_dma source(%dma_start3A_15 : memref<40x128xf32, #tpu.memory_space<hbm>>) target(%arg10 : memref<40x128xf32, #tpu.memory_space<vmem>>) target_semaphore(%arg13 : memref<!tpu.dma_semaphore, #tpu.memory_space<semaphore_mem>>)
    %scan3A = arith.constant 0 : i32
    %scan3A_16 = arith.constant 62 : i32
    %scan3A_17 = arith.addi %scan3A, %scan3A_16 : i32
    %scan3A_18 = arith.constant 1 : i32
    scf.for %scan3A_96 = %scan3A to %scan3A_17 step %scan3A_18  : i32 {
      %mul3A_97 = arith.constant 2 : i32
      %mul3A_98 = arith.muli %scan3A_96, %mul3A_97 : i32
      %add3A_99 = arith.constant 0 : i32
      %add3A_100 = arith.addi %add3A_99, %mul3A_98 : i32
      %mul3A_101 = arith.constant 40 : i32
      %mul3A_102 = arith.muli %add3A_100, %mul3A_101 : i32
      %add3A_103 = arith.addi %mul3A_4, %mul3A_102 : i32
      %dma_wait3A_104 = arith.constant 0 : i32
      %dma_wait3A_105 = tpu.memref_slice %arg3[%add3A_103, %dma_wait3A_104] : memref<160000x128xf32, #tpu.memory_space<hbm>> -> memref<40x128xf32, #tpu.memory_space<hbm>>
      %dma_wait3A_106 = arith.constant 0 : i32
      %dma_wait3A_107 = tpu.memref_slice %arg3[%add3A_103, %dma_wait3A_106] : memref<160000x128xf32, #tpu.memory_space<hbm>> -> memref<40x128xf32, #tpu.memory_space<hbm>>
      tpu.wait_dma2 semaphore(%arg12 : memref<!tpu.dma_semaphore, #tpu.memory_space<semaphore_mem>>) src(%dma_wait3A_107 : memref<40x128xf32, #tpu.memory_space<hbm>>) dst(%arg9 : memref<40x128xf32, #tpu.memory_space<vmem>>)
      %dma_start3A_108 = arith.constant 0 : i32
      %dma_start3A_109 = tpu.memref_slice %arg8[%add3A_100, %dma_start3A_108] : memref<125x40xi32, #tpu.memory_space<vmem>> -> memref<1x40xi32, #tpu.memory_space<vmem>>
      %dma_start3A_110 = tpu.memref_squeeze %dma_start3A_109 : memref<1x40xi32, #tpu.memory_space<vmem>> -> memref<40xi32, #tpu.memory_space<vmem>>
      %dma_start3A_111 = arith.constant 0 : i32
      %dma_start3A_112 = arith.constant 0 : i32
      %dma_start3A_113 = tpu.memref_slice %arg11[%dma_start3A_111, %dma_start3A_112] : memref<10240x128xf32, #tpu.memory_space<vmem_shared>> -> memref<10240x128xf32, #tpu.memory_space<vmem_shared>>
      tpu.enqueue_indirect_dma source(%arg9 : memref<40x128xf32, #tpu.memory_space<vmem>>) target(%dma_start3A_113 : memref<10240x128xf32, #tpu.memory_space<vmem_shared>>) offsets(%dma_start3A_110 : memref<40xi32, #tpu.memory_space<vmem>>) semaphore(%arg14 : memref<!tpu.dma_semaphore, #tpu.memory_space<semaphore_mem>>) {add = true}
      %add3A_114 = arith.constant 2 : i32
      %add3A_115 = arith.addi %add3A_100, %add3A_114 : i32
      %lt3A = arith.constant 125 : i32
      %lt3A_116 = arith.cmpi slt, %add3A_115, %lt3A : i32
      %convert_element_type3A = arith.extui %lt3A_116 : i1 to i32
      %cond3A = arith.constant 0 : i32
      %cond3A_117 = arith.cmpi ne, %convert_element_type3A, %cond3A : i32
      scf.if %cond3A_117 {
        %dma_wait3A_140 = arith.constant 0 : i32
        %dma_wait3A_141 = tpu.memref_slice %arg8[%add3A_100, %dma_wait3A_140] : memref<125x40xi32, #tpu.memory_space<vmem>> -> memref<1x40xi32, #tpu.memory_space<vmem>>
        %dma_wait3A_142 = tpu.memref_squeeze %dma_wait3A_141 : memref<1x40xi32, #tpu.memory_space<vmem>> -> memref<40xi32, #tpu.memory_space<vmem>>
        %dma_wait3A_143 = arith.constant 0 : i32
        %dma_wait3A_144 = arith.constant 0 : i32
        %dma_wait3A_145 = tpu.memref_slice %arg11[%dma_wait3A_143, %dma_wait3A_144] : memref<10240x128xf32, #tpu.memory_space<vmem_shared>> -> memref<10240x128xf32, #tpu.memory_space<vmem_shared>>
        tpu.wait_indirect_dma semaphore(%arg14 : memref<!tpu.dma_semaphore, #tpu.memory_space<semaphore_mem>>) src(%arg9 : memref<40x128xf32, #tpu.memory_space<vmem>>) dst(%dma_wait3A_145 : memref<10240x128xf32, #tpu.memory_space<vmem_shared>>)
        %add3A_146 = arith.constant 2 : i32
        %add3A_147 = arith.addi %add3A_100, %add3A_146 : i32
        %mul3A_148 = arith.constant 40 : i32
        %mul3A_149 = arith.muli %add3A_147, %mul3A_148 : i32
        %add3A_150 = arith.addi %mul3A_4, %mul3A_149 : i32
        %dma_start3A_151 = arith.constant 0 : i32
        %dma_start3A_152 = tpu.memref_slice %arg3[%add3A_150, %dma_start3A_151] : memref<160000x128xf32, #tpu.memory_space<hbm>> -> memref<40x128xf32, #tpu.memory_space<hbm>>
        %dma_start3A_153 = arith.constant 0 : i32
        %dma_start3A_154 = tpu.memref_slice %arg3[%add3A_150, %dma_start3A_153] : memref<160000x128xf32, #tpu.memory_space<hbm>> -> memref<40x128xf32, #tpu.memory_space<hbm>>
        tpu.enqueue_dma source(%dma_start3A_154 : memref<40x128xf32, #tpu.memory_space<hbm>>) target(%arg9 : memref<40x128xf32, #tpu.memory_space<vmem>>) target_semaphore(%arg12 : memref<!tpu.dma_semaphore, #tpu.memory_space<semaphore_mem>>)
      } else {
      }
      %add3A_118 = arith.constant 1 : i32
      %add3A_119 = arith.addi %add3A_100, %add3A_118 : i32
      %mul3A_120 = arith.constant 40 : i32
      %mul3A_121 = arith.muli %add3A_119, %mul3A_120 : i32
      %add3A_122 = arith.addi %mul3A_4, %mul3A_121 : i32
      %dma_wait3A_123 = arith.constant 0 : i32
      %dma_wait3A_124 = tpu.memref_slice %arg3[%add3A_122, %dma_wait3A_123] : memref<160000x128xf32, #tpu.memory_space<hbm>> -> memref<40x128xf32, #tpu.memory_space<hbm>>
      %dma_wait3A_125 = arith.constant 0 : i32
      %dma_wait3A_126 = tpu.memref_slice %arg3[%add3A_122, %dma_wait3A_125] : memref<160000x128xf32, #tpu.memory_space<hbm>> -> memref<40x128xf32, #tpu.memory_space<hbm>>
      tpu.wait_dma2 semaphore(%arg13 : memref<!tpu.dma_semaphore, #tpu.memory_space<semaphore_mem>>) src(%dma_wait3A_126 : memref<40x128xf32, #tpu.memory_space<hbm>>) dst(%arg10 : memref<40x128xf32, #tpu.memory_space<vmem>>)
      %dma_start3A_127 = arith.constant 0 : i32
      %dma_start3A_128 = tpu.memref_slice %arg8[%add3A_119, %dma_start3A_127] : memref<125x40xi32, #tpu.memory_space<vmem>> -> memref<1x40xi32, #tpu.memory_space<vmem>>
      %dma_start3A_129 = tpu.memref_squeeze %dma_start3A_128 : memref<1x40xi32, #tpu.memory_space<vmem>> -> memref<40xi32, #tpu.memory_space<vmem>>
      %dma_start3A_130 = arith.constant 0 : i32
      %dma_start3A_131 = arith.constant 0 : i32
      %dma_start3A_132 = tpu.memref_slice %arg11[%dma_start3A_130, %dma_start3A_131] : memref<10240x128xf32, #tpu.memory_space<vmem_shared>> -> memref<10240x128xf32, #tpu.memory_space<vmem_shared>>
      tpu.enqueue_indirect_dma source(%arg10 : memref<40x128xf32, #tpu.memory_space<vmem>>) target(%dma_start3A_132 : memref<10240x128xf32, #tpu.memory_space<vmem_shared>>) offsets(%dma_start3A_129 : memref<40xi32, #tpu.memory_space<vmem>>) semaphore(%arg15 : memref<!tpu.dma_semaphore, #tpu.memory_space<semaphore_mem>>) {add = true}
      %add3A_133 = arith.constant 3 : i32
      %add3A_134 = arith.addi %add3A_100, %add3A_133 : i32
      %lt3A_135 = arith.constant 125 : i32
      %lt3A_136 = arith.cmpi slt, %add3A_134, %lt3A_135 : i32
      %convert_element_type3A_137 = arith.extui %lt3A_136 : i1 to i32
      %cond3A_138 = arith.constant 0 : i32
      %cond3A_139 = arith.cmpi ne, %convert_element_type3A_137, %cond3A_138 : i32
      scf.if %cond3A_139 {
        %add3A_140 = arith.constant 1 : i32
        %add3A_141 = arith.addi %add3A_100, %add3A_140 : i32
        %dma_wait3A_142 = arith.constant 0 : i32
        %dma_wait3A_143 = tpu.memref_slice %arg8[%add3A_141, %dma_wait3A_142] : memref<125x40xi32, #tpu.memory_space<vmem>> -> memref<1x40xi32, #tpu.memory_space<vmem>>
        %dma_wait3A_144 = tpu.memref_squeeze %dma_wait3A_143 : memref<1x40xi32, #tpu.memory_space<vmem>> -> memref<40xi32, #tpu.memory_space<vmem>>
        %dma_wait3A_145 = arith.constant 0 : i32
        %dma_wait3A_146 = arith.constant 0 : i32
        %dma_wait3A_147 = tpu.memref_slice %arg11[%dma_wait3A_145, %dma_wait3A_146] : memref<10240x128xf32, #tpu.memory_space<vmem_shared>> -> memref<10240x128xf32, #tpu.memory_space<vmem_shared>>
        tpu.wait_indirect_dma semaphore(%arg15 : memref<!tpu.dma_semaphore, #tpu.memory_space<semaphore_mem>>) src(%arg10 : memref<40x128xf32, #tpu.memory_space<vmem>>) dst(%dma_wait3A_147 : memref<10240x128xf32, #tpu.memory_space<vmem_shared>>)
        %add3A_148 = arith.constant 3 : i32
        %add3A_149 = arith.addi %add3A_100, %add3A_148 : i32
        %mul3A_150 = arith.constant 40 : i32
        %mul3A_151 = arith.muli %add3A_149, %mul3A_150 : i32
        %add3A_152 = arith.addi %mul3A_4, %mul3A_151 : i32
        %dma_start3A_153 = arith.constant 0 : i32
        %dma_start3A_154 = tpu.memref_slice %arg3[%add3A_152, %dma_start3A_153] : memref<160000x128xf32, #tpu.memory_space<hbm>> -> memref<40x128xf32, #tpu.memory_space<hbm>>
        %dma_start3A_155 = arith.constant 0 : i32
        %dma_start3A_156 = tpu.memref_slice %arg3[%add3A_152, %dma_start3A_155] : memref<160000x128xf32, #tpu.memory_space<hbm>> -> memref<40x128xf32, #tpu.memory_space<hbm>>
        tpu.enqueue_dma source(%dma_start3A_156 : memref<40x128xf32, #tpu.memory_space<hbm>>) target(%arg10 : memref<40x128xf32, #tpu.memory_space<vmem>>) target_semaphore(%arg13 : memref<!tpu.dma_semaphore, #tpu.memory_space<semaphore_mem>>)
      } else {
      }
    }
    %scan3A_19 = arith.constant 62 : i32
    %add3A_20 = arith.constant 4960 : i32
    %add3A_21 = arith.addi %mul3A_4, %add3A_20 : i32
    %dma_wait3A = arith.constant 0 : i32
    %dma_wait3A_22 = tpu.memref_slice %arg3[%add3A_21, %dma_wait3A] : memref<160000x128xf32, #tpu.memory_space<hbm>> -> memref<40x128xf32, #tpu.memory_space<hbm>>
    %dma_wait3A_23 = arith.constant 0 : i32
    %dma_wait3A_24 = tpu.memref_slice %arg3[%add3A_21, %dma_wait3A_23] : memref<160000x128xf32, #tpu.memory_space<hbm>> -> memref<40x128xf32, #tpu.memory_space<hbm>>
    tpu.wait_dma2 semaphore(%arg12 : memref<!tpu.dma_semaphore, #tpu.memory_space<semaphore_mem>>) src(%dma_wait3A_24 : memref<40x128xf32, #tpu.memory_space<hbm>>) dst(%arg9 : memref<40x128xf32, #tpu.memory_space<vmem>>)
    %dma_start3A_25 = arith.constant 124 : i32
    %dma_start3A_26 = arith.constant 0 : i32
    %dma_start3A_27 = tpu.memref_slice %arg8[%dma_start3A_25, %dma_start3A_26] : memref<125x40xi32, #tpu.memory_space<vmem>> -> memref<1x40xi32, #tpu.memory_space<vmem>>
    %dma_start3A_28 = tpu.memref_squeeze %dma_start3A_27 : memref<1x40xi32, #tpu.memory_space<vmem>> -> memref<40xi32, #tpu.memory_space<vmem>>
    %dma_start3A_29 = arith.constant 0 : i32
    %dma_start3A_30 = arith.constant 0 : i32
    %dma_start3A_31 = tpu.memref_slice %arg11[%dma_start3A_29, %dma_start3A_30] : memref<10240x128xf32, #tpu.memory_space<vmem_shared>> -> memref<10240x128xf32, #tpu.memory_space<vmem_shared>>
    tpu.enqueue_indirect_dma source(%arg9 : memref<40x128xf32, #tpu.memory_space<vmem>>) target(%dma_start3A_31 : memref<10240x128xf32, #tpu.memory_space<vmem_shared>>) offsets(%dma_start3A_28 : memref<40xi32, #tpu.memory_space<vmem>>) semaphore(%arg14 : memref<!tpu.dma_semaphore, #tpu.memory_space<semaphore_mem>>) {add = true}
    %dma_wait3A_32 = arith.constant 124 : i32
    %dma_wait3A_33 = arith.constant 0 : i32
    %dma_wait3A_34 = tpu.memref_slice %arg8[%dma_wait3A_32, %dma_wait3A_33] : memref<125x40xi32, #tpu.memory_space<vmem>> -> memref<1x40xi32, #tpu.memory_space<vmem>>
    %dma_wait3A_35 = tpu.memref_squeeze %dma_wait3A_34 : memref<1x40xi32, #tpu.memory_space<vmem>> -> memref<40xi32, #tpu.memory_space<vmem>>
    %dma_wait3A_36 = arith.constant 0 : i32
    %dma_wait3A_37 = arith.constant 0 : i32
    %dma_wait3A_38 = tpu.memref_slice %arg11[%dma_wait3A_36, %dma_wait3A_37] : memref<10240x128xf32, #tpu.memory_space<vmem_shared>> -> memref<10240x128xf32, #tpu.memory_space<vmem_shared>>
    tpu.wait_indirect_dma semaphore(%arg14 : memref<!tpu.dma_semaphore, #tpu.memory_space<semaphore_mem>>) src(%arg9 : memref<40x128xf32, #tpu.memory_space<vmem>>) dst(%dma_wait3A_38 : memref<10240x128xf32, #tpu.memory_space<vmem_shared>>)
    %dma_wait3A_39 = arith.constant 123 : i32
    %dma_wait3A_40 = arith.constant 0 : i32
    %dma_wait3A_41 = tpu.memref_slice %arg8[%dma_wait3A_39, %dma_wait3A_40] : memref<125x40xi32, #tpu.memory_space<vmem>> -> memref<1x40xi32, #tpu.memory_space<vmem>>
    %dma_wait3A_42 = tpu.memref_squeeze %dma_wait3A_41 : memref<1x40xi32, #tpu.memory_space<vmem>> -> memref<40xi32, #tpu.memory_space<vmem>>
    %dma_wait3A_43 = arith.constant 0 : i32
    %dma_wait3A_44 = arith.constant 0 : i32
    %dma_wait3A_45 = tpu.memref_slice %arg11[%dma_wait3A_43, %dma_wait3A_44] : memref<10240x128xf32, #tpu.memory_space<vmem_shared>> -> memref<10240x128xf32, #tpu.memory_space<vmem_shared>>
    tpu.wait_indirect_dma semaphore(%arg15 : memref<!tpu.dma_semaphore, #tpu.memory_space<semaphore_mem>>) src(%arg10 : memref<40x128xf32, #tpu.memory_space<vmem>>) dst(%dma_wait3A_45 : memref<10240x128xf32, #tpu.memory_space<vmem_shared>>)
    %barrier3A_46 = arith.constant 0 : index
    tpu.barrier barrier_id(%barrier3A_46)
    "tpu.region"() ({
      %run_scoped3A = tpu.sem_alloc : memref<!tpu.dma_semaphore, #tpu.memory_space<semaphore_mem>>
      %dma_start3A_96 = arith.constant 0 : i32
      %dma_start3A_97 = tpu.memref_slice %arg6[%arg0, %mul3A_0, %dma_start3A_96] : memref<2x10240x128xf32, #tpu.memory_space<hbm>> -> memref<1x640x128xf32, #tpu.memory_space<hbm>>
      %dma_start3A_98 = tpu.memref_squeeze %dma_start3A_97 : memref<1x640x128xf32, #tpu.memory_space<hbm>> -> memref<640x128xf32, #tpu.memory_space<hbm>>
      %dma_start3A_99 = arith.constant 0 : i32
      %dma_start3A_100 = tpu.memref_slice %arg11[%mul3A_0, %dma_start3A_99] : memref<10240x128xf32, #tpu.memory_space<vmem_shared>> -> memref<640x128xf32, #tpu.memory_space<vmem_shared>>
      tpu.enqueue_dma source(%dma_start3A_100 : memref<640x128xf32, #tpu.memory_space<vmem_shared>>) target(%dma_start3A_98 : memref<640x128xf32, #tpu.memory_space<hbm>>) target_semaphore(%run_scoped3A : memref<!tpu.dma_semaphore, #tpu.memory_space<semaphore_mem>>)
      %dma_wait3A_101 = arith.constant 0 : i32
      %dma_wait3A_102 = tpu.memref_slice %arg6[%arg0, %mul3A_0, %dma_wait3A_101] : memref<2x10240x128xf32, #tpu.memory_space<hbm>> -> memref<1x640x128xf32, #tpu.memory_space<hbm>>
      %dma_wait3A_103 = tpu.memref_squeeze %dma_wait3A_102 : memref<1x640x128xf32, #tpu.memory_space<hbm>> -> memref<640x128xf32, #tpu.memory_space<hbm>>
      %dma_wait3A_104 = arith.constant 0 : i32
      %dma_wait3A_105 = tpu.memref_slice %arg11[%mul3A_0, %dma_wait3A_104] : memref<10240x128xf32, #tpu.memory_space<vmem_shared>> -> memref<640x128xf32, #tpu.memory_space<vmem_shared>>
      tpu.wait_dma2 semaphore(%run_scoped3A : memref<!tpu.dma_semaphore, #tpu.memory_space<semaphore_mem>>) src(%dma_wait3A_105 : memref<640x128xf32, #tpu.memory_space<vmem_shared>>) dst(%dma_wait3A_103 : memref<640x128xf32, #tpu.memory_space<hbm>>)
      tpu.yield
    }) : () -> ()
    %barrier3A_47 = arith.constant 0 : index
    tpu.barrier barrier_id(%barrier3A_47)
    %mul3A_48 = arith.constant 5000 : i32
    %mul3A_49 = arith.muli %add3A, %mul3A_48 : i32
    "tpu.region"() ({
      %run_scoped3A = tpu.sem_alloc : memref<!tpu.dma_semaphore, #tpu.memory_space<semaphore_mem>>
      %dma_start3A_96 = arith.constant 0 : i32
      %dma_start3A_97 = tpu.memref_slice %arg11[%mul3A_0, %dma_start3A_96] : memref<10240x128xf32, #tpu.memory_space<vmem_shared>> -> memref<640x128xf32, #tpu.memory_space<vmem_shared>>
      %dma_start3A_98 = arith.constant 0 : i32
      %dma_start3A_99 = tpu.memref_slice %arg5[%mul3A_0, %dma_start3A_98] : memref<10240x128xf32, #tpu.memory_space<hbm>> -> memref<640x128xf32, #tpu.memory_space<hbm>>
      tpu.enqueue_dma source(%dma_start3A_99 : memref<640x128xf32, #tpu.memory_space<hbm>>) target(%dma_start3A_97 : memref<640x128xf32, #tpu.memory_space<vmem_shared>>) target_semaphore(%run_scoped3A : memref<!tpu.dma_semaphore, #tpu.memory_space<semaphore_mem>>)
      %dma_wait3A_100 = arith.constant 0 : i32
      %dma_wait3A_101 = tpu.memref_slice %arg11[%mul3A_0, %dma_wait3A_100] : memref<10240x128xf32, #tpu.memory_space<vmem_shared>> -> memref<640x128xf32, #tpu.memory_space<vmem_shared>>
      %dma_wait3A_102 = arith.constant 0 : i32
      %dma_wait3A_103 = tpu.memref_slice %arg5[%mul3A_0, %dma_wait3A_102] : memref<10240x128xf32, #tpu.memory_space<hbm>> -> memref<640x128xf32, #tpu.memory_space<hbm>>
      tpu.wait_dma2 semaphore(%run_scoped3A : memref<!tpu.dma_semaphore, #tpu.memory_space<semaphore_mem>>) src(%dma_wait3A_103 : memref<640x128xf32, #tpu.memory_space<hbm>>) dst(%dma_wait3A_101 : memref<640x128xf32, #tpu.memory_space<vmem_shared>>)
      tpu.yield
    }) : () -> ()
    %barrier3A_50 = arith.constant 0 : index
    tpu.barrier barrier_id(%barrier3A_50)
    %add3A_51 = arith.constant 0 : i32
    %add3A_52 = arith.addi %mul3A_49, %add3A_51 : i32
    %dma_start3A_53 = arith.constant 0 : i32
    %dma_start3A_54 = tpu.memref_slice %arg4[%add3A_52, %dma_start3A_53] : memref<160000x128xf32, #tpu.memory_space<hbm>> -> memref<40x128xf32, #tpu.memory_space<hbm>>
    %dma_start3A_55 = arith.constant 0 : i32
    %dma_start3A_56 = tpu.memref_slice %arg4[%add3A_52, %dma_start3A_55] : memref<160000x128xf32, #tpu.memory_space<hbm>> -> memref<40x128xf32, #tpu.memory_space<hbm>>
    tpu.enqueue_dma source(%dma_start3A_56 : memref<40x128xf32, #tpu.memory_space<hbm>>) target(%arg9 : memref<40x128xf32, #tpu.memory_space<vmem>>) target_semaphore(%arg12 : memref<!tpu.dma_semaphore, #tpu.memory_space<semaphore_mem>>)
    %add3A_57 = arith.constant 40 : i32
    %add3A_58 = arith.addi %mul3A_49, %add3A_57 : i32
    %dma_start3A_59 = arith.constant 0 : i32
    %dma_start3A_60 = tpu.memref_slice %arg4[%add3A_58, %dma_start3A_59] : memref<160000x128xf32, #tpu.memory_space<hbm>> -> memref<40x128xf32, #tpu.memory_space<hbm>>
    %dma_start3A_61 = arith.constant 0 : i32
    %dma_start3A_62 = tpu.memref_slice %arg4[%add3A_58, %dma_start3A_61] : memref<160000x128xf32, #tpu.memory_space<hbm>> -> memref<40x128xf32, #tpu.memory_space<hbm>>
    tpu.enqueue_dma source(%dma_start3A_62 : memref<40x128xf32, #tpu.memory_space<hbm>>) target(%arg10 : memref<40x128xf32, #tpu.memory_space<vmem>>) target_semaphore(%arg13 : memref<!tpu.dma_semaphore, #tpu.memory_space<semaphore_mem>>)
    %scan3A_63 = arith.constant 0 : i32
    %scan3A_64 = arith.constant 62 : i32
    %scan3A_65 = arith.addi %scan3A_63, %scan3A_64 : i32
    %scan3A_66 = arith.constant 1 : i32
    scf.for %scan3A_96 = %scan3A_63 to %scan3A_65 step %scan3A_66  : i32 {
      %mul3A_97 = arith.constant 2 : i32
      %mul3A_98 = arith.muli %scan3A_96, %mul3A_97 : i32
      %add3A_99 = arith.constant 0 : i32
      %add3A_100 = arith.addi %add3A_99, %mul3A_98 : i32
      %mul3A_101 = arith.constant 40 : i32
      %mul3A_102 = arith.muli %add3A_100, %mul3A_101 : i32
      %add3A_103 = arith.addi %mul3A_49, %mul3A_102 : i32
      %dma_wait3A_104 = arith.constant 0 : i32
      %dma_wait3A_105 = tpu.memref_slice %arg4[%add3A_103, %dma_wait3A_104] : memref<160000x128xf32, #tpu.memory_space<hbm>> -> memref<40x128xf32, #tpu.memory_space<hbm>>
      %dma_wait3A_106 = arith.constant 0 : i32
      %dma_wait3A_107 = tpu.memref_slice %arg4[%add3A_103, %dma_wait3A_106] : memref<160000x128xf32, #tpu.memory_space<hbm>> -> memref<40x128xf32, #tpu.memory_space<hbm>>
      tpu.wait_dma2 semaphore(%arg12 : memref<!tpu.dma_semaphore, #tpu.memory_space<semaphore_mem>>) src(%dma_wait3A_107 : memref<40x128xf32, #tpu.memory_space<hbm>>) dst(%arg9 : memref<40x128xf32, #tpu.memory_space<vmem>>)
      %dma_start3A_108 = arith.constant 0 : i32
      %dma_start3A_109 = tpu.memref_slice %arg8[%add3A_100, %dma_start3A_108] : memref<125x40xi32, #tpu.memory_space<vmem>> -> memref<1x40xi32, #tpu.memory_space<vmem>>
      %dma_start3A_110 = tpu.memref_squeeze %dma_start3A_109 : memref<1x40xi32, #tpu.memory_space<vmem>> -> memref<40xi32, #tpu.memory_space<vmem>>
      %dma_start3A_111 = arith.constant 0 : i32
      %dma_start3A_112 = arith.constant 0 : i32
      %dma_start3A_113 = tpu.memref_slice %arg11[%dma_start3A_111, %dma_start3A_112] : memref<10240x128xf32, #tpu.memory_space<vmem_shared>> -> memref<10240x128xf32, #tpu.memory_space<vmem_shared>>
      tpu.enqueue_indirect_dma source(%arg9 : memref<40x128xf32, #tpu.memory_space<vmem>>) target(%dma_start3A_113 : memref<10240x128xf32, #tpu.memory_space<vmem_shared>>) offsets(%dma_start3A_110 : memref<40xi32, #tpu.memory_space<vmem>>) semaphore(%arg14 : memref<!tpu.dma_semaphore, #tpu.memory_space<semaphore_mem>>) {add = true}
      %add3A_114 = arith.constant 2 : i32
      %add3A_115 = arith.addi %add3A_100, %add3A_114 : i32
      %lt3A = arith.constant 125 : i32
      %lt3A_116 = arith.cmpi slt, %add3A_115, %lt3A : i32
      %convert_element_type3A = arith.extui %lt3A_116 : i1 to i32
      %cond3A = arith.constant 0 : i32
      %cond3A_117 = arith.cmpi ne, %convert_element_type3A, %cond3A : i32
      scf.if %cond3A_117 {
        %dma_wait3A_140 = arith.constant 0 : i32
        %dma_wait3A_141 = tpu.memref_slice %arg8[%add3A_100, %dma_wait3A_140] : memref<125x40xi32, #tpu.memory_space<vmem>> -> memref<1x40xi32, #tpu.memory_space<vmem>>
        %dma_wait3A_142 = tpu.memref_squeeze %dma_wait3A_141 : memref<1x40xi32, #tpu.memory_space<vmem>> -> memref<40xi32, #tpu.memory_space<vmem>>
        %dma_wait3A_143 = arith.constant 0 : i32
        %dma_wait3A_144 = arith.constant 0 : i32
        %dma_wait3A_145 = tpu.memref_slice %arg11[%dma_wait3A_143, %dma_wait3A_144] : memref<10240x128xf32, #tpu.memory_space<vmem_shared>> -> memref<10240x128xf32, #tpu.memory_space<vmem_shared>>
        tpu.wait_indirect_dma semaphore(%arg14 : memref<!tpu.dma_semaphore, #tpu.memory_space<semaphore_mem>>) src(%arg9 : memref<40x128xf32, #tpu.memory_space<vmem>>) dst(%dma_wait3A_145 : memref<10240x128xf32, #tpu.memory_space<vmem_shared>>)
        %add3A_146 = arith.constant 2 : i32
        %add3A_147 = arith.addi %add3A_100, %add3A_146 : i32
        %mul3A_148 = arith.constant 40 : i32
        %mul3A_149 = arith.muli %add3A_147, %mul3A_148 : i32
        %add3A_150 = arith.addi %mul3A_49, %mul3A_149 : i32
        %dma_start3A_151 = arith.constant 0 : i32
        %dma_start3A_152 = tpu.memref_slice %arg4[%add3A_150, %dma_start3A_151] : memref<160000x128xf32, #tpu.memory_space<hbm>> -> memref<40x128xf32, #tpu.memory_space<hbm>>
        %dma_start3A_153 = arith.constant 0 : i32
        %dma_start3A_154 = tpu.memref_slice %arg4[%add3A_150, %dma_start3A_153] : memref<160000x128xf32, #tpu.memory_space<hbm>> -> memref<40x128xf32, #tpu.memory_space<hbm>>
        tpu.enqueue_dma source(%dma_start3A_154 : memref<40x128xf32, #tpu.memory_space<hbm>>) target(%arg9 : memref<40x128xf32, #tpu.memory_space<vmem>>) target_semaphore(%arg12 : memref<!tpu.dma_semaphore, #tpu.memory_space<semaphore_mem>>)
      } else {
      }
      %add3A_118 = arith.constant 1 : i32
      %add3A_119 = arith.addi %add3A_100, %add3A_118 : i32
      %mul3A_120 = arith.constant 40 : i32
      %mul3A_121 = arith.muli %add3A_119, %mul3A_120 : i32
      %add3A_122 = arith.addi %mul3A_49, %mul3A_121 : i32
      %dma_wait3A_123 = arith.constant 0 : i32
      %dma_wait3A_124 = tpu.memref_slice %arg4[%add3A_122, %dma_wait3A_123] : memref<160000x128xf32, #tpu.memory_space<hbm>> -> memref<40x128xf32, #tpu.memory_space<hbm>>
      %dma_wait3A_125 = arith.constant 0 : i32
      %dma_wait3A_126 = tpu.memref_slice %arg4[%add3A_122, %dma_wait3A_125] : memref<160000x128xf32, #tpu.memory_space<hbm>> -> memref<40x128xf32, #tpu.memory_space<hbm>>
      tpu.wait_dma2 semaphore(%arg13 : memref<!tpu.dma_semaphore, #tpu.memory_space<semaphore_mem>>) src(%dma_wait3A_126 : memref<40x128xf32, #tpu.memory_space<hbm>>) dst(%arg10 : memref<40x128xf32, #tpu.memory_space<vmem>>)
      %dma_start3A_127 = arith.constant 0 : i32
      %dma_start3A_128 = tpu.memref_slice %arg8[%add3A_119, %dma_start3A_127] : memref<125x40xi32, #tpu.memory_space<vmem>> -> memref<1x40xi32, #tpu.memory_space<vmem>>
      %dma_start3A_129 = tpu.memref_squeeze %dma_start3A_128 : memref<1x40xi32, #tpu.memory_space<vmem>> -> memref<40xi32, #tpu.memory_space<vmem>>
      %dma_start3A_130 = arith.constant 0 : i32
      %dma_start3A_131 = arith.constant 0 : i32
      %dma_start3A_132 = tpu.memref_slice %arg11[%dma_start3A_130, %dma_start3A_131] : memref<10240x128xf32, #tpu.memory_space<vmem_shared>> -> memref<10240x128xf32, #tpu.memory_space<vmem_shared>>
      tpu.enqueue_indirect_dma source(%arg10 : memref<40x128xf32, #tpu.memory_space<vmem>>) target(%dma_start3A_132 : memref<10240x128xf32, #tpu.memory_space<vmem_shared>>) offsets(%dma_start3A_129 : memref<40xi32, #tpu.memory_space<vmem>>) semaphore(%arg15 : memref<!tpu.dma_semaphore, #tpu.memory_space<semaphore_mem>>) {add = true}
      %add3A_133 = arith.constant 3 : i32
      %add3A_134 = arith.addi %add3A_100, %add3A_133 : i32
      %lt3A_135 = arith.constant 125 : i32
      %lt3A_136 = arith.cmpi slt, %add3A_134, %lt3A_135 : i32
      %convert_element_type3A_137 = arith.extui %lt3A_136 : i1 to i32
      %cond3A_138 = arith.constant 0 : i32
      %cond3A_139 = arith.cmpi ne, %convert_element_type3A_137, %cond3A_138 : i32
      scf.if %cond3A_139 {
        %add3A_140 = arith.constant 1 : i32
        %add3A_141 = arith.addi %add3A_100, %add3A_140 : i32
        %dma_wait3A_142 = arith.constant 0 : i32
        %dma_wait3A_143 = tpu.memref_slice %arg8[%add3A_141, %dma_wait3A_142] : memref<125x40xi32, #tpu.memory_space<vmem>> -> memref<1x40xi32, #tpu.memory_space<vmem>>
        %dma_wait3A_144 = tpu.memref_squeeze %dma_wait3A_143 : memref<1x40xi32, #tpu.memory_space<vmem>> -> memref<40xi32, #tpu.memory_space<vmem>>
        %dma_wait3A_145 = arith.constant 0 : i32
        %dma_wait3A_146 = arith.constant 0 : i32
        %dma_wait3A_147 = tpu.memref_slice %arg11[%dma_wait3A_145, %dma_wait3A_146] : memref<10240x128xf32, #tpu.memory_space<vmem_shared>> -> memref<10240x128xf32, #tpu.memory_space<vmem_shared>>
        tpu.wait_indirect_dma semaphore(%arg15 : memref<!tpu.dma_semaphore, #tpu.memory_space<semaphore_mem>>) src(%arg10 : memref<40x128xf32, #tpu.memory_space<vmem>>) dst(%dma_wait3A_147 : memref<10240x128xf32, #tpu.memory_space<vmem_shared>>)
        %add3A_148 = arith.constant 3 : i32
        %add3A_149 = arith.addi %add3A_100, %add3A_148 : i32
        %mul3A_150 = arith.constant 40 : i32
        %mul3A_151 = arith.muli %add3A_149, %mul3A_150 : i32
        %add3A_152 = arith.addi %mul3A_49, %mul3A_151 : i32
        %dma_start3A_153 = arith.constant 0 : i32
        %dma_start3A_154 = tpu.memref_slice %arg4[%add3A_152, %dma_start3A_153] : memref<160000x128xf32, #tpu.memory_space<hbm>> -> memref<40x128xf32, #tpu.memory_space<hbm>>
        %dma_start3A_155 = arith.constant 0 : i32
        %dma_start3A_156 = tpu.memref_slice %arg4[%add3A_152, %dma_start3A_155] : memref<160000x128xf32, #tpu.memory_space<hbm>> -> memref<40x128xf32, #tpu.memory_space<hbm>>
        tpu.enqueue_dma source(%dma_start3A_156 : memref<40x128xf32, #tpu.memory_space<hbm>>) target(%arg10 : memref<40x128xf32, #tpu.memory_space<vmem>>) target_semaphore(%arg13 : memref<!tpu.dma_semaphore, #tpu.memory_space<semaphore_mem>>)
      } else {
      }
    }
    %scan3A_67 = arith.constant 62 : i32
    %add3A_68 = arith.constant 4960 : i32
    %add3A_69 = arith.addi %mul3A_49, %add3A_68 : i32
    %dma_wait3A_70 = arith.constant 0 : i32
    %dma_wait3A_71 = tpu.memref_slice %arg4[%add3A_69, %dma_wait3A_70] : memref<160000x128xf32, #tpu.memory_space<hbm>> -> memref<40x128xf32, #tpu.memory_space<hbm>>
    %dma_wait3A_72 = arith.constant 0 : i32
    %dma_wait3A_73 = tpu.memref_slice %arg4[%add3A_69, %dma_wait3A_72] : memref<160000x128xf32, #tpu.memory_space<hbm>> -> memref<40x128xf32, #tpu.memory_space<hbm>>
    tpu.wait_dma2 semaphore(%arg12 : memref<!tpu.dma_semaphore, #tpu.memory_space<semaphore_mem>>) src(%dma_wait3A_73 : memref<40x128xf32, #tpu.memory_space<hbm>>) dst(%arg9 : memref<40x128xf32, #tpu.memory_space<vmem>>)
    %dma_start3A_74 = arith.constant 124 : i32
    %dma_start3A_75 = arith.constant 0 : i32
    %dma_start3A_76 = tpu.memref_slice %arg8[%dma_start3A_74, %dma_start3A_75] : memref<125x40xi32, #tpu.memory_space<vmem>> -> memref<1x40xi32, #tpu.memory_space<vmem>>
    %dma_start3A_77 = tpu.memref_squeeze %dma_start3A_76 : memref<1x40xi32, #tpu.memory_space<vmem>> -> memref<40xi32, #tpu.memory_space<vmem>>
    %dma_start3A_78 = arith.constant 0 : i32
    %dma_start3A_79 = arith.constant 0 : i32
    %dma_start3A_80 = tpu.memref_slice %arg11[%dma_start3A_78, %dma_start3A_79] : memref<10240x128xf32, #tpu.memory_space<vmem_shared>> -> memref<10240x128xf32, #tpu.memory_space<vmem_shared>>
    tpu.enqueue_indirect_dma source(%arg9 : memref<40x128xf32, #tpu.memory_space<vmem>>) target(%dma_start3A_80 : memref<10240x128xf32, #tpu.memory_space<vmem_shared>>) offsets(%dma_start3A_77 : memref<40xi32, #tpu.memory_space<vmem>>) semaphore(%arg14 : memref<!tpu.dma_semaphore, #tpu.memory_space<semaphore_mem>>) {add = true}
    %dma_wait3A_81 = arith.constant 124 : i32
    %dma_wait3A_82 = arith.constant 0 : i32
    %dma_wait3A_83 = tpu.memref_slice %arg8[%dma_wait3A_81, %dma_wait3A_82] : memref<125x40xi32, #tpu.memory_space<vmem>> -> memref<1x40xi32, #tpu.memory_space<vmem>>
    %dma_wait3A_84 = tpu.memref_squeeze %dma_wait3A_83 : memref<1x40xi32, #tpu.memory_space<vmem>> -> memref<40xi32, #tpu.memory_space<vmem>>
    %dma_wait3A_85 = arith.constant 0 : i32
    %dma_wait3A_86 = arith.constant 0 : i32
    %dma_wait3A_87 = tpu.memref_slice %arg11[%dma_wait3A_85, %dma_wait3A_86] : memref<10240x128xf32, #tpu.memory_space<vmem_shared>> -> memref<10240x128xf32, #tpu.memory_space<vmem_shared>>
    tpu.wait_indirect_dma semaphore(%arg14 : memref<!tpu.dma_semaphore, #tpu.memory_space<semaphore_mem>>) src(%arg9 : memref<40x128xf32, #tpu.memory_space<vmem>>) dst(%dma_wait3A_87 : memref<10240x128xf32, #tpu.memory_space<vmem_shared>>)
    %dma_wait3A_88 = arith.constant 123 : i32
    %dma_wait3A_89 = arith.constant 0 : i32
    %dma_wait3A_90 = tpu.memref_slice %arg8[%dma_wait3A_88, %dma_wait3A_89] : memref<125x40xi32, #tpu.memory_space<vmem>> -> memref<1x40xi32, #tpu.memory_space<vmem>>
    %dma_wait3A_91 = tpu.memref_squeeze %dma_wait3A_90 : memref<1x40xi32, #tpu.memory_space<vmem>> -> memref<40xi32, #tpu.memory_space<vmem>>
    %dma_wait3A_92 = arith.constant 0 : i32
    %dma_wait3A_93 = arith.constant 0 : i32
    %dma_wait3A_94 = tpu.memref_slice %arg11[%dma_wait3A_92, %dma_wait3A_93] : memref<10240x128xf32, #tpu.memory_space<vmem_shared>> -> memref<10240x128xf32, #tpu.memory_space<vmem_shared>>
    tpu.wait_indirect_dma semaphore(%arg15 : memref<!tpu.dma_semaphore, #tpu.memory_space<semaphore_mem>>) src(%arg10 : memref<40x128xf32, #tpu.memory_space<vmem>>) dst(%dma_wait3A_94 : memref<10240x128xf32, #tpu.memory_space<vmem_shared>>)
    %barrier3A_95 = arith.constant 0 : index
    tpu.barrier barrier_id(%barrier3A_95)
    "tpu.region"() ({
      %run_scoped3A = tpu.sem_alloc : memref<!tpu.dma_semaphore, #tpu.memory_space<semaphore_mem>>
      %dma_start3A_96 = arith.constant 0 : i32
      %dma_start3A_97 = tpu.memref_slice %arg7[%arg0, %mul3A_0, %dma_start3A_96] : memref<2x10240x128xf32, #tpu.memory_space<hbm>> -> memref<1x640x128xf32, #tpu.memory_space<hbm>>
      %dma_start3A_98 = tpu.memref_squeeze %dma_start3A_97 : memref<1x640x128xf32, #tpu.memory_space<hbm>> -> memref<640x128xf32, #tpu.memory_space<hbm>>
      %dma_start3A_99 = arith.constant 0 : i32
      %dma_start3A_100 = tpu.memref_slice %arg11[%mul3A_0, %dma_start3A_99] : memref<10240x128xf32, #tpu.memory_space<vmem_shared>> -> memref<640x128xf32, #tpu.memory_space<vmem_shared>>
      tpu.enqueue_dma source(%dma_start3A_100 : memref<640x128xf32, #tpu.memory_space<vmem_shared>>) target(%dma_start3A_98 : memref<640x128xf32, #tpu.memory_space<hbm>>) target_semaphore(%run_scoped3A : memref<!tpu.dma_semaphore, #tpu.memory_space<semaphore_mem>>)
      %dma_wait3A_101 = arith.constant 0 : i32
      %dma_wait3A_102 = tpu.memref_slice %arg7[%arg0, %mul3A_0, %dma_wait3A_101] : memref<2x10240x128xf32, #tpu.memory_space<hbm>> -> memref<1x640x128xf32, #tpu.memory_space<hbm>>
      %dma_wait3A_103 = tpu.memref_squeeze %dma_wait3A_102 : memref<1x640x128xf32, #tpu.memory_space<hbm>> -> memref<640x128xf32, #tpu.memory_space<hbm>>
      %dma_wait3A_104 = arith.constant 0 : i32
      %dma_wait3A_105 = tpu.memref_slice %arg11[%mul3A_0, %dma_wait3A_104] : memref<10240x128xf32, #tpu.memory_space<vmem_shared>> -> memref<640x128xf32, #tpu.memory_space<vmem_shared>>
      tpu.wait_dma2 semaphore(%run_scoped3A : memref<!tpu.dma_semaphore, #tpu.memory_space<semaphore_mem>>) src(%dma_wait3A_105 : memref<640x128xf32, #tpu.memory_space<vmem_shared>>) dst(%dma_wait3A_103 : memref<640x128xf32, #tpu.memory_space<hbm>>)
      tpu.yield
    }) : () -> ()
    return
  }
}

#map = affine_map<(d0, d1) -> (0, 0, 0)>
#map1 = affine_map<(d0, d1) -> (0, 0)>
module attributes {stable_mosaic.version = 14 : i64} {
  func.func @_scatter_body(%arg0: i32, %arg1: i32, %arg2: memref<32x125x40xi32, #tpu.memory_space<hbm>>, %arg3: memref<160000x128xf32, #tpu.memory_space<hbm>>, %arg4: memref<160000x128xf32, #tpu.memory_space<hbm>>, %arg5: memref<10240x128xf32, #tpu.memory_space<hbm>>, %arg6: memref<2x10240x128xf32, #tpu.memory_space<hbm>>, %arg7: memref<2x10240x128xf32, #tpu.memory_space<hbm>>, %arg8: memref<125x40xi32, #tpu.memory_space<vmem>>, %arg9: memref<40x128xf32, #tpu.memory_space<vmem>>, %arg10: memref<40x128xf32, #tpu.memory_space<vmem>>, %arg11: memref<10240x128xf32, #tpu.memory_space<vmem_shared>>, %arg12: memref<!tpu.dma_semaphore, #tpu.memory_space<semaphore_mem>>, %arg13: memref<!tpu.dma_semaphore, #tpu.memory_space<semaphore_mem>>, %arg14: memref<!tpu.dma_semaphore, #tpu.memory_space<semaphore_mem>>, %arg15: memref<!tpu.dma_semaphore, #tpu.memory_space<semaphore_mem>>) attributes {dimension_semantics = [#tpu.dimension_semantics<core_parallel>, #tpu.dimension_semantics<subcore_parallel>], iteration_bounds = array<i64: 2, 16>, scalar_prefetch = 0 : i64, scratch_operands = 8 : i64, tpu.core_type = #tpu.core_type<sc_vector_subcore>, window_params = [{transform_indices = #map}, {transform_indices = #map1}, {transform_indices = #map1}, {transform_indices = #map1}, {transform_indices = #map}, {transform_indices = #map}]} {
    %mul3A = arith.constant 640 : i32
    %mul3A_0 = arith.muli %arg1, %mul3A : i32
    %mul3A_1 = arith.constant 2 : i32
    %mul3A_2 = arith.muli %arg1, %mul3A_1 : i32
    %add3A = arith.addi %mul3A_2, %arg0 : i32
    "tpu.region"() ({
      %run_scoped3A = tpu.sem_alloc : memref<!tpu.dma_semaphore, #tpu.memory_space<semaphore_mem>>
      %dma_start3A_96 = arith.constant 0 : i32
      %dma_start3A_97 = arith.constant 0 : i32
      %dma_start3A_98 = tpu.memref_slice %arg2[%add3A, %dma_start3A_96, %dma_start3A_97] : memref<32x125x40xi32, #tpu.memory_space<hbm>> -> memref<1x125x40xi32, #tpu.memory_space<hbm>>
      %dma_start3A_99 = tpu.memref_squeeze %dma_start3A_98 : memref<1x125x40xi32, #tpu.memory_space<hbm>> -> memref<125x40xi32, #tpu.memory_space<hbm>>
      %dma_start3A_100 = arith.constant 0 : i32
      %dma_start3A_101 = arith.constant 0 : i32
      %dma_start3A_102 = tpu.memref_slice %arg2[%add3A, %dma_start3A_100, %dma_start3A_101] : memref<32x125x40xi32, #tpu.memory_space<hbm>> -> memref<1x125x40xi32, #tpu.memory_space<hbm>>
      %dma_start3A_103 = tpu.memref_squeeze %dma_start3A_102 : memref<1x125x40xi32, #tpu.memory_space<hbm>> -> memref<125x40xi32, #tpu.memory_space<hbm>>
      tpu.enqueue_dma source(%dma_start3A_103 : memref<125x40xi32, #tpu.memory_space<hbm>>) target(%arg8 : memref<125x40xi32, #tpu.memory_space<vmem>>) target_semaphore(%run_scoped3A : memref<!tpu.dma_semaphore, #tpu.memory_space<semaphore_mem>>)
      %dma_wait3A_104 = arith.constant 0 : i32
      %dma_wait3A_105 = arith.constant 0 : i32
      %dma_wait3A_106 = tpu.memref_slice %arg2[%add3A, %dma_wait3A_104, %dma_wait3A_105] : memref<32x125x40xi32, #tpu.memory_space<hbm>> -> memref<1x125x40xi32, #tpu.memory_space<hbm>>
      %dma_wait3A_107 = tpu.memref_squeeze %dma_wait3A_106 : memref<1x125x40xi32, #tpu.memory_space<hbm>> -> memref<125x40xi32, #tpu.memory_space<hbm>>
      %dma_wait3A_108 = arith.constant 0 : i32
      %dma_wait3A_109 = arith.constant 0 : i32
      %dma_wait3A_110 = tpu.memref_slice %arg2[%add3A, %dma_wait3A_108, %dma_wait3A_109] : memref<32x125x40xi32, #tpu.memory_space<hbm>> -> memref<1x125x40xi32, #tpu.memory_space<hbm>>
      %dma_wait3A_111 = tpu.memref_squeeze %dma_wait3A_110 : memref<1x125x40xi32, #tpu.memory_space<hbm>> -> memref<125x40xi32, #tpu.memory_space<hbm>>
      tpu.wait_dma2 semaphore(%run_scoped3A : memref<!tpu.dma_semaphore, #tpu.memory_space<semaphore_mem>>) src(%dma_wait3A_111 : memref<125x40xi32, #tpu.memory_space<hbm>>) dst(%arg8 : memref<125x40xi32, #tpu.memory_space<vmem>>)
      tpu.yield
    }) : () -> ()
    %mul3A_3 = arith.constant 5000 : i32
    %mul3A_4 = arith.muli %add3A, %mul3A_3 : i32
    "tpu.region"() ({
      %run_scoped3A = tpu.sem_alloc : memref<!tpu.dma_semaphore, #tpu.memory_space<semaphore_mem>>
      %dma_start3A_96 = arith.constant 0 : i32
      %dma_start3A_97 = tpu.memref_slice %arg11[%mul3A_0, %dma_start3A_96] : memref<10240x128xf32, #tpu.memory_space<vmem_shared>> -> memref<640x128xf32, #tpu.memory_space<vmem_shared>>
      %dma_start3A_98 = arith.constant 0 : i32
      %dma_start3A_99 = tpu.memref_slice %arg5[%mul3A_0, %dma_start3A_98] : memref<10240x128xf32, #tpu.memory_space<hbm>> -> memref<640x128xf32, #tpu.memory_space<hbm>>
      tpu.enqueue_dma source(%dma_start3A_99 : memref<640x128xf32, #tpu.memory_space<hbm>>) target(%dma_start3A_97 : memref<640x128xf32, #tpu.memory_space<vmem_shared>>) target_semaphore(%run_scoped3A : memref<!tpu.dma_semaphore, #tpu.memory_space<semaphore_mem>>)
      %dma_wait3A_100 = arith.constant 0 : i32
      %dma_wait3A_101 = tpu.memref_slice %arg11[%mul3A_0, %dma_wait3A_100] : memref<10240x128xf32, #tpu.memory_space<vmem_shared>> -> memref<640x128xf32, #tpu.memory_space<vmem_shared>>
      %dma_wait3A_102 = arith.constant 0 : i32
      %dma_wait3A_103 = tpu.memref_slice %arg5[%mul3A_0, %dma_wait3A_102] : memref<10240x128xf32, #tpu.memory_space<hbm>> -> memref<640x128xf32, #tpu.memory_space<hbm>>
      tpu.wait_dma2 semaphore(%run_scoped3A : memref<!tpu.dma_semaphore, #tpu.memory_space<semaphore_mem>>) src(%dma_wait3A_103 : memref<640x128xf32, #tpu.memory_space<hbm>>) dst(%dma_wait3A_101 : memref<640x128xf32, #tpu.memory_space<vmem_shared>>)
      tpu.yield
    }) : () -> ()
    %barrier3A = arith.constant 0 : index
    tpu.barrier barrier_id(%barrier3A)
    %add3A_5 = arith.constant 0 : i32
    %add3A_6 = arith.addi %mul3A_4, %add3A_5 : i32
    %dma_start3A = arith.constant 0 : i32
    %dma_start3A_7 = tpu.memref_slice %arg3[%add3A_6, %dma_start3A] : memref<160000x128xf32, #tpu.memory_space<hbm>> -> memref<40x128xf32, #tpu.memory_space<hbm>>
    %dma_start3A_8 = arith.constant 0 : i32
    %dma_start3A_9 = tpu.memref_slice %arg3[%add3A_6, %dma_start3A_8] : memref<160000x128xf32, #tpu.memory_space<hbm>> -> memref<40x128xf32, #tpu.memory_space<hbm>>
    tpu.enqueue_dma source(%dma_start3A_9 : memref<40x128xf32, #tpu.memory_space<hbm>>) target(%arg9 : memref<40x128xf32, #tpu.memory_space<vmem>>) target_semaphore(%arg12 : memref<!tpu.dma_semaphore, #tpu.memory_space<semaphore_mem>>)
    %add3A_10 = arith.constant 40 : i32
    %add3A_11 = arith.addi %mul3A_4, %add3A_10 : i32
    %dma_start3A_12 = arith.constant 0 : i32
    %dma_start3A_13 = tpu.memref_slice %arg3[%add3A_11, %dma_start3A_12] : memref<160000x128xf32, #tpu.memory_space<hbm>> -> memref<40x128xf32, #tpu.memory_space<hbm>>
    %dma_start3A_14 = arith.constant 0 : i32
    %dma_start3A_15 = tpu.memref_slice %arg3[%add3A_11, %dma_start3A_14] : memref<160000x128xf32, #tpu.memory_space<hbm>> -> memref<40x128xf32, #tpu.memory_space<hbm>>
    tpu.enqueue_dma source(%dma_start3A_15 : memref<40x128xf32, #tpu.memory_space<hbm>>) target(%arg10 : memref<40x128xf32, #tpu.memory_space<vmem>>) target_semaphore(%arg13 : memref<!tpu.dma_semaphore, #tpu.memory_space<semaphore_mem>>)
    %scan3A = arith.constant 0 : i32
    %scan3A_16 = arith.constant 62 : i32
    %scan3A_17 = arith.addi %scan3A, %scan3A_16 : i32
    %scan3A_18 = arith.constant 1 : i32
    scf.for %scan3A_96 = %scan3A to %scan3A_17 step %scan3A_18  : i32 {
      %mul3A_97 = arith.constant 2 : i32
      %mul3A_98 = arith.muli %scan3A_96, %mul3A_97 : i32
      %add3A_99 = arith.constant 0 : i32
      %add3A_100 = arith.addi %add3A_99, %mul3A_98 : i32
      %mul3A_101 = arith.constant 40 : i32
      %mul3A_102 = arith.muli %add3A_100, %mul3A_101 : i32
      %add3A_103 = arith.addi %mul3A_4, %mul3A_102 : i32
      %dma_wait3A_104 = arith.constant 0 : i32
      %dma_wait3A_105 = tpu.memref_slice %arg3[%add3A_103, %dma_wait3A_104] : memref<160000x128xf32, #tpu.memory_space<hbm>> -> memref<40x128xf32, #tpu.memory_space<hbm>>
      %dma_wait3A_106 = arith.constant 0 : i32
      %dma_wait3A_107 = tpu.memref_slice %arg3[%add3A_103, %dma_wait3A_106] : memref<160000x128xf32, #tpu.memory_space<hbm>> -> memref<40x128xf32, #tpu.memory_space<hbm>>
      tpu.wait_dma2 semaphore(%arg12 : memref<!tpu.dma_semaphore, #tpu.memory_space<semaphore_mem>>) src(%dma_wait3A_107 : memref<40x128xf32, #tpu.memory_space<hbm>>) dst(%arg9 : memref<40x128xf32, #tpu.memory_space<vmem>>)
      %dma_start3A_108 = arith.constant 0 : i32
      %dma_start3A_109 = tpu.memref_slice %arg8[%add3A_100, %dma_start3A_108] : memref<125x40xi32, #tpu.memory_space<vmem>> -> memref<1x40xi32, #tpu.memory_space<vmem>>
      %dma_start3A_110 = tpu.memref_squeeze %dma_start3A_109 : memref<1x40xi32, #tpu.memory_space<vmem>> -> memref<40xi32, #tpu.memory_space<vmem>>
      %dma_start3A_111 = arith.constant 0 : i32
      %dma_start3A_112 = arith.constant 0 : i32
      %dma_start3A_113 = tpu.memref_slice %arg11[%dma_start3A_111, %dma_start3A_112] : memref<10240x128xf32, #tpu.memory_space<vmem_shared>> -> memref<10240x128xf32, #tpu.memory_space<vmem_shared>>
      tpu.enqueue_indirect_dma source(%arg9 : memref<40x128xf32, #tpu.memory_space<vmem>>) target(%dma_start3A_113 : memref<10240x128xf32, #tpu.memory_space<vmem_shared>>) offsets(%dma_start3A_110 : memref<40xi32, #tpu.memory_space<vmem>>) semaphore(%arg14 : memref<!tpu.dma_semaphore, #tpu.memory_space<semaphore_mem>>) {add = true}
      %add3A_114 = arith.constant 2 : i32
      %add3A_115 = arith.addi %add3A_100, %add3A_114 : i32
      %lt3A = arith.constant 125 : i32
      %lt3A_116 = arith.cmpi slt, %add3A_115, %lt3A : i32
      %convert_element_type3A = arith.extui %lt3A_116 : i1 to i32
      %cond3A = arith.constant 0 : i32
      %cond3A_117 = arith.cmpi ne, %convert_element_type3A, %cond3A : i32
      scf.if %cond3A_117 {
        %dma_wait3A_140 = arith.constant 0 : i32
        %dma_wait3A_141 = tpu.memref_slice %arg8[%add3A_100, %dma_wait3A_140] : memref<125x40xi32, #tpu.memory_space<vmem>> -> memref<1x40xi32, #tpu.memory_space<vmem>>
        %dma_wait3A_142 = tpu.memref_squeeze %dma_wait3A_141 : memref<1x40xi32, #tpu.memory_space<vmem>> -> memref<40xi32, #tpu.memory_space<vmem>>
        %dma_wait3A_143 = arith.constant 0 : i32
        %dma_wait3A_144 = arith.constant 0 : i32
        %dma_wait3A_145 = tpu.memref_slice %arg11[%dma_wait3A_143, %dma_wait3A_144] : memref<10240x128xf32, #tpu.memory_space<vmem_shared>> -> memref<10240x128xf32, #tpu.memory_space<vmem_shared>>
        tpu.wait_indirect_dma semaphore(%arg14 : memref<!tpu.dma_semaphore, #tpu.memory_space<semaphore_mem>>) src(%arg9 : memref<40x128xf32, #tpu.memory_space<vmem>>) dst(%dma_wait3A_145 : memref<10240x128xf32, #tpu.memory_space<vmem_shared>>)
        %add3A_146 = arith.constant 2 : i32
        %add3A_147 = arith.addi %add3A_100, %add3A_146 : i32
        %mul3A_148 = arith.constant 40 : i32
        %mul3A_149 = arith.muli %add3A_147, %mul3A_148 : i32
        %add3A_150 = arith.addi %mul3A_4, %mul3A_149 : i32
        %dma_start3A_151 = arith.constant 0 : i32
        %dma_start3A_152 = tpu.memref_slice %arg3[%add3A_150, %dma_start3A_151] : memref<160000x128xf32, #tpu.memory_space<hbm>> -> memref<40x128xf32, #tpu.memory_space<hbm>>
        %dma_start3A_153 = arith.constant 0 : i32
        %dma_start3A_154 = tpu.memref_slice %arg3[%add3A_150, %dma_start3A_153] : memref<160000x128xf32, #tpu.memory_space<hbm>> -> memref<40x128xf32, #tpu.memory_space<hbm>>
        tpu.enqueue_dma source(%dma_start3A_154 : memref<40x128xf32, #tpu.memory_space<hbm>>) target(%arg9 : memref<40x128xf32, #tpu.memory_space<vmem>>) target_semaphore(%arg12 : memref<!tpu.dma_semaphore, #tpu.memory_space<semaphore_mem>>)
      } else {
      }
      %add3A_118 = arith.constant 1 : i32
      %add3A_119 = arith.addi %add3A_100, %add3A_118 : i32
      %mul3A_120 = arith.constant 40 : i32
      %mul3A_121 = arith.muli %add3A_119, %mul3A_120 : i32
      %add3A_122 = arith.addi %mul3A_4, %mul3A_121 : i32
      %dma_wait3A_123 = arith.constant 0 : i32
      %dma_wait3A_124 = tpu.memref_slice %arg3[%add3A_122, %dma_wait3A_123] : memref<160000x128xf32, #tpu.memory_space<hbm>> -> memref<40x128xf32, #tpu.memory_space<hbm>>
      %dma_wait3A_125 = arith.constant 0 : i32
      %dma_wait3A_126 = tpu.memref_slice %arg3[%add3A_122, %dma_wait3A_125] : memref<160000x128xf32, #tpu.memory_space<hbm>> -> memref<40x128xf32, #tpu.memory_space<hbm>>
      tpu.wait_dma2 semaphore(%arg13 : memref<!tpu.dma_semaphore, #tpu.memory_space<semaphore_mem>>) src(%dma_wait3A_126 : memref<40x128xf32, #tpu.memory_space<hbm>>) dst(%arg10 : memref<40x128xf32, #tpu.memory_space<vmem>>)
      %dma_start3A_127 = arith.constant 0 : i32
      %dma_start3A_128 = tpu.memref_slice %arg8[%add3A_119, %dma_start3A_127] : memref<125x40xi32, #tpu.memory_space<vmem>> -> memref<1x40xi32, #tpu.memory_space<vmem>>
      %dma_start3A_129 = tpu.memref_squeeze %dma_start3A_128 : memref<1x40xi32, #tpu.memory_space<vmem>> -> memref<40xi32, #tpu.memory_space<vmem>>
      %dma_start3A_130 = arith.constant 0 : i32
      %dma_start3A_131 = arith.constant 0 : i32
      %dma_start3A_132 = tpu.memref_slice %arg11[%dma_start3A_130, %dma_start3A_131] : memref<10240x128xf32, #tpu.memory_space<vmem_shared>> -> memref<10240x128xf32, #tpu.memory_space<vmem_shared>>
      tpu.enqueue_indirect_dma source(%arg10 : memref<40x128xf32, #tpu.memory_space<vmem>>) target(%dma_start3A_132 : memref<10240x128xf32, #tpu.memory_space<vmem_shared>>) offsets(%dma_start3A_129 : memref<40xi32, #tpu.memory_space<vmem>>) semaphore(%arg15 : memref<!tpu.dma_semaphore, #tpu.memory_space<semaphore_mem>>) {add = true}
      %add3A_133 = arith.constant 3 : i32
      %add3A_134 = arith.addi %add3A_100, %add3A_133 : i32
      %lt3A_135 = arith.constant 125 : i32
      %lt3A_136 = arith.cmpi slt, %add3A_134, %lt3A_135 : i32
      %convert_element_type3A_137 = arith.extui %lt3A_136 : i1 to i32
      %cond3A_138 = arith.constant 0 : i32
      %cond3A_139 = arith.cmpi ne, %convert_element_type3A_137, %cond3A_138 : i32
      scf.if %cond3A_139 {
        %add3A_140 = arith.constant 1 : i32
        %add3A_141 = arith.addi %add3A_100, %add3A_140 : i32
        %dma_wait3A_142 = arith.constant 0 : i32
        %dma_wait3A_143 = tpu.memref_slice %arg8[%add3A_141, %dma_wait3A_142] : memref<125x40xi32, #tpu.memory_space<vmem>> -> memref<1x40xi32, #tpu.memory_space<vmem>>
        %dma_wait3A_144 = tpu.memref_squeeze %dma_wait3A_143 : memref<1x40xi32, #tpu.memory_space<vmem>> -> memref<40xi32, #tpu.memory_space<vmem>>
        %dma_wait3A_145 = arith.constant 0 : i32
        %dma_wait3A_146 = arith.constant 0 : i32
        %dma_wait3A_147 = tpu.memref_slice %arg11[%dma_wait3A_145, %dma_wait3A_146] : memref<10240x128xf32, #tpu.memory_space<vmem_shared>> -> memref<10240x128xf32, #tpu.memory_space<vmem_shared>>
        tpu.wait_indirect_dma semaphore(%arg15 : memref<!tpu.dma_semaphore, #tpu.memory_space<semaphore_mem>>) src(%arg10 : memref<40x128xf32, #tpu.memory_space<vmem>>) dst(%dma_wait3A_147 : memref<10240x128xf32, #tpu.memory_space<vmem_shared>>)
        %add3A_148 = arith.constant 3 : i32
        %add3A_149 = arith.addi %add3A_100, %add3A_148 : i32
        %mul3A_150 = arith.constant 40 : i32
        %mul3A_151 = arith.muli %add3A_149, %mul3A_150 : i32
        %add3A_152 = arith.addi %mul3A_4, %mul3A_151 : i32
        %dma_start3A_153 = arith.constant 0 : i32
        %dma_start3A_154 = tpu.memref_slice %arg3[%add3A_152, %dma_start3A_153] : memref<160000x128xf32, #tpu.memory_space<hbm>> -> memref<40x128xf32, #tpu.memory_space<hbm>>
        %dma_start3A_155 = arith.constant 0 : i32
        %dma_start3A_156 = tpu.memref_slice %arg3[%add3A_152, %dma_start3A_155] : memref<160000x128xf32, #tpu.memory_space<hbm>> -> memref<40x128xf32, #tpu.memory_space<hbm>>
        tpu.enqueue_dma source(%dma_start3A_156 : memref<40x128xf32, #tpu.memory_space<hbm>>) target(%arg10 : memref<40x128xf32, #tpu.memory_space<vmem>>) target_semaphore(%arg13 : memref<!tpu.dma_semaphore, #tpu.memory_space<semaphore_mem>>)
      } else {
      }
    }
    %scan3A_19 = arith.constant 62 : i32
    %add3A_20 = arith.constant 4960 : i32
    %add3A_21 = arith.addi %mul3A_4, %add3A_20 : i32
    %dma_wait3A = arith.constant 0 : i32
    %dma_wait3A_22 = tpu.memref_slice %arg3[%add3A_21, %dma_wait3A] : memref<160000x128xf32, #tpu.memory_space<hbm>> -> memref<40x128xf32, #tpu.memory_space<hbm>>
    %dma_wait3A_23 = arith.constant 0 : i32
    %dma_wait3A_24 = tpu.memref_slice %arg3[%add3A_21, %dma_wait3A_23] : memref<160000x128xf32, #tpu.memory_space<hbm>> -> memref<40x128xf32, #tpu.memory_space<hbm>>
    tpu.wait_dma2 semaphore(%arg12 : memref<!tpu.dma_semaphore, #tpu.memory_space<semaphore_mem>>) src(%dma_wait3A_24 : memref<40x128xf32, #tpu.memory_space<hbm>>) dst(%arg9 : memref<40x128xf32, #tpu.memory_space<vmem>>)
    %dma_start3A_25 = arith.constant 124 : i32
    %dma_start3A_26 = arith.constant 0 : i32
    %dma_start3A_27 = tpu.memref_slice %arg8[%dma_start3A_25, %dma_start3A_26] : memref<125x40xi32, #tpu.memory_space<vmem>> -> memref<1x40xi32, #tpu.memory_space<vmem>>
    %dma_start3A_28 = tpu.memref_squeeze %dma_start3A_27 : memref<1x40xi32, #tpu.memory_space<vmem>> -> memref<40xi32, #tpu.memory_space<vmem>>
    %dma_start3A_29 = arith.constant 0 : i32
    %dma_start3A_30 = arith.constant 0 : i32
    %dma_start3A_31 = tpu.memref_slice %arg11[%dma_start3A_29, %dma_start3A_30] : memref<10240x128xf32, #tpu.memory_space<vmem_shared>> -> memref<10240x128xf32, #tpu.memory_space<vmem_shared>>
    tpu.enqueue_indirect_dma source(%arg9 : memref<40x128xf32, #tpu.memory_space<vmem>>) target(%dma_start3A_31 : memref<10240x128xf32, #tpu.memory_space<vmem_shared>>) offsets(%dma_start3A_28 : memref<40xi32, #tpu.memory_space<vmem>>) semaphore(%arg14 : memref<!tpu.dma_semaphore, #tpu.memory_space<semaphore_mem>>) {add = true}
    %dma_wait3A_32 = arith.constant 124 : i32
    %dma_wait3A_33 = arith.constant 0 : i32
    %dma_wait3A_34 = tpu.memref_slice %arg8[%dma_wait3A_32, %dma_wait3A_33] : memref<125x40xi32, #tpu.memory_space<vmem>> -> memref<1x40xi32, #tpu.memory_space<vmem>>
    %dma_wait3A_35 = tpu.memref_squeeze %dma_wait3A_34 : memref<1x40xi32, #tpu.memory_space<vmem>> -> memref<40xi32, #tpu.memory_space<vmem>>
    %dma_wait3A_36 = arith.constant 0 : i32
    %dma_wait3A_37 = arith.constant 0 : i32
    %dma_wait3A_38 = tpu.memref_slice %arg11[%dma_wait3A_36, %dma_wait3A_37] : memref<10240x128xf32, #tpu.memory_space<vmem_shared>> -> memref<10240x128xf32, #tpu.memory_space<vmem_shared>>
    tpu.wait_indirect_dma semaphore(%arg14 : memref<!tpu.dma_semaphore, #tpu.memory_space<semaphore_mem>>) src(%arg9 : memref<40x128xf32, #tpu.memory_space<vmem>>) dst(%dma_wait3A_38 : memref<10240x128xf32, #tpu.memory_space<vmem_shared>>)
    %dma_wait3A_39 = arith.constant 123 : i32
    %dma_wait3A_40 = arith.constant 0 : i32
    %dma_wait3A_41 = tpu.memref_slice %arg8[%dma_wait3A_39, %dma_wait3A_40] : memref<125x40xi32, #tpu.memory_space<vmem>> -> memref<1x40xi32, #tpu.memory_space<vmem>>
    %dma_wait3A_42 = tpu.memref_squeeze %dma_wait3A_41 : memref<1x40xi32, #tpu.memory_space<vmem>> -> memref<40xi32, #tpu.memory_space<vmem>>
    %dma_wait3A_43 = arith.constant 0 : i32
    %dma_wait3A_44 = arith.constant 0 : i32
    %dma_wait3A_45 = tpu.memref_slice %arg11[%dma_wait3A_43, %dma_wait3A_44] : memref<10240x128xf32, #tpu.memory_space<vmem_shared>> -> memref<10240x128xf32, #tpu.memory_space<vmem_shared>>
    tpu.wait_indirect_dma semaphore(%arg15 : memref<!tpu.dma_semaphore, #tpu.memory_space<semaphore_mem>>) src(%arg10 : memref<40x128xf32, #tpu.memory_space<vmem>>) dst(%dma_wait3A_45 : memref<10240x128xf32, #tpu.memory_space<vmem_shared>>)
    %barrier3A_46 = arith.constant 0 : index
    tpu.barrier barrier_id(%barrier3A_46)
    "tpu.region"() ({
      %run_scoped3A = tpu.sem_alloc : memref<!tpu.dma_semaphore, #tpu.memory_space<semaphore_mem>>
      %dma_start3A_96 = arith.constant 0 : i32
      %dma_start3A_97 = tpu.memref_slice %arg6[%arg0, %mul3A_0, %dma_start3A_96] : memref<2x10240x128xf32, #tpu.memory_space<hbm>> -> memref<1x640x128xf32, #tpu.memory_space<hbm>>
      %dma_start3A_98 = tpu.memref_squeeze %dma_start3A_97 : memref<1x640x128xf32, #tpu.memory_space<hbm>> -> memref<640x128xf32, #tpu.memory_space<hbm>>
      %dma_start3A_99 = arith.constant 0 : i32
      %dma_start3A_100 = tpu.memref_slice %arg11[%mul3A_0, %dma_start3A_99] : memref<10240x128xf32, #tpu.memory_space<vmem_shared>> -> memref<640x128xf32, #tpu.memory_space<vmem_shared>>
      tpu.enqueue_dma source(%dma_start3A_100 : memref<640x128xf32, #tpu.memory_space<vmem_shared>>) target(%dma_start3A_98 : memref<640x128xf32, #tpu.memory_space<hbm>>) target_semaphore(%run_scoped3A : memref<!tpu.dma_semaphore, #tpu.memory_space<semaphore_mem>>)
      %dma_wait3A_101 = arith.constant 0 : i32
      %dma_wait3A_102 = tpu.memref_slice %arg6[%arg0, %mul3A_0, %dma_wait3A_101] : memref<2x10240x128xf32, #tpu.memory_space<hbm>> -> memref<1x640x128xf32, #tpu.memory_space<hbm>>
      %dma_wait3A_103 = tpu.memref_squeeze %dma_wait3A_102 : memref<1x640x128xf32, #tpu.memory_space<hbm>> -> memref<640x128xf32, #tpu.memory_space<hbm>>
      %dma_wait3A_104 = arith.constant 0 : i32
      %dma_wait3A_105 = tpu.memref_slice %arg11[%mul3A_0, %dma_wait3A_104] : memref<10240x128xf32, #tpu.memory_space<vmem_shared>> -> memref<640x128xf32, #tpu.memory_space<vmem_shared>>
      tpu.wait_dma2 semaphore(%run_scoped3A : memref<!tpu.dma_semaphore, #tpu.memory_space<semaphore_mem>>) src(%dma_wait3A_105 : memref<640x128xf32, #tpu.memory_space<vmem_shared>>) dst(%dma_wait3A_103 : memref<640x128xf32, #tpu.memory_space<hbm>>)
      tpu.yield
    }) : () -> ()
    %barrier3A_47 = arith.constant 0 : index
    tpu.barrier barrier_id(%barrier3A_47)
    %mul3A_48 = arith.constant 5000 : i32
    %mul3A_49 = arith.muli %add3A, %mul3A_48 : i32
    "tpu.region"() ({
      %run_scoped3A = tpu.sem_alloc : memref<!tpu.dma_semaphore, #tpu.memory_space<semaphore_mem>>
      %dma_start3A_96 = arith.constant 0 : i32
      %dma_start3A_97 = tpu.memref_slice %arg11[%mul3A_0, %dma_start3A_96] : memref<10240x128xf32, #tpu.memory_space<vmem_shared>> -> memref<640x128xf32, #tpu.memory_space<vmem_shared>>
      %dma_start3A_98 = arith.constant 0 : i32
      %dma_start3A_99 = tpu.memref_slice %arg5[%mul3A_0, %dma_start3A_98] : memref<10240x128xf32, #tpu.memory_space<hbm>> -> memref<640x128xf32, #tpu.memory_space<hbm>>
      tpu.enqueue_dma source(%dma_start3A_99 : memref<640x128xf32, #tpu.memory_space<hbm>>) target(%dma_start3A_97 : memref<640x128xf32, #tpu.memory_space<vmem_shared>>) target_semaphore(%run_scoped3A : memref<!tpu.dma_semaphore, #tpu.memory_space<semaphore_mem>>)
      %dma_wait3A_100 = arith.constant 0 : i32
      %dma_wait3A_101 = tpu.memref_slice %arg11[%mul3A_0, %dma_wait3A_100] : memref<10240x128xf32, #tpu.memory_space<vmem_shared>> -> memref<640x128xf32, #tpu.memory_space<vmem_shared>>
      %dma_wait3A_102 = arith.constant 0 : i32
      %dma_wait3A_103 = tpu.memref_slice %arg5[%mul3A_0, %dma_wait3A_102] : memref<10240x128xf32, #tpu.memory_space<hbm>> -> memref<640x128xf32, #tpu.memory_space<hbm>>
      tpu.wait_dma2 semaphore(%run_scoped3A : memref<!tpu.dma_semaphore, #tpu.memory_space<semaphore_mem>>) src(%dma_wait3A_103 : memref<640x128xf32, #tpu.memory_space<hbm>>) dst(%dma_wait3A_101 : memref<640x128xf32, #tpu.memory_space<vmem_shared>>)
      tpu.yield
    }) : () -> ()
    %barrier3A_50 = arith.constant 0 : index
    tpu.barrier barrier_id(%barrier3A_50)
    %add3A_51 = arith.constant 0 : i32
    %add3A_52 = arith.addi %mul3A_49, %add3A_51 : i32
    %dma_start3A_53 = arith.constant 0 : i32
    %dma_start3A_54 = tpu.memref_slice %arg4[%add3A_52, %dma_start3A_53] : memref<160000x128xf32, #tpu.memory_space<hbm>> -> memref<40x128xf32, #tpu.memory_space<hbm>>
    %dma_start3A_55 = arith.constant 0 : i32
    %dma_start3A_56 = tpu.memref_slice %arg4[%add3A_52, %dma_start3A_55] : memref<160000x128xf32, #tpu.memory_space<hbm>> -> memref<40x128xf32, #tpu.memory_space<hbm>>
    tpu.enqueue_dma source(%dma_start3A_56 : memref<40x128xf32, #tpu.memory_space<hbm>>) target(%arg9 : memref<40x128xf32, #tpu.memory_space<vmem>>) target_semaphore(%arg12 : memref<!tpu.dma_semaphore, #tpu.memory_space<semaphore_mem>>)
    %add3A_57 = arith.constant 40 : i32
    %add3A_58 = arith.addi %mul3A_49, %add3A_57 : i32
    %dma_start3A_59 = arith.constant 0 : i32
    %dma_start3A_60 = tpu.memref_slice %arg4[%add3A_58, %dma_start3A_59] : memref<160000x128xf32, #tpu.memory_space<hbm>> -> memref<40x128xf32, #tpu.memory_space<hbm>>
    %dma_start3A_61 = arith.constant 0 : i32
    %dma_start3A_62 = tpu.memref_slice %arg4[%add3A_58, %dma_start3A_61] : memref<160000x128xf32, #tpu.memory_space<hbm>> -> memref<40x128xf32, #tpu.memory_space<hbm>>
    tpu.enqueue_dma source(%dma_start3A_62 : memref<40x128xf32, #tpu.memory_space<hbm>>) target(%arg10 : memref<40x128xf32, #tpu.memory_space<vmem>>) target_semaphore(%arg13 : memref<!tpu.dma_semaphore, #tpu.memory_space<semaphore_mem>>)
    %scan3A_63 = arith.constant 0 : i32
    %scan3A_64 = arith.constant 62 : i32
    %scan3A_65 = arith.addi %scan3A_63, %scan3A_64 : i32
    %scan3A_66 = arith.constant 1 : i32
    scf.for %scan3A_96 = %scan3A_63 to %scan3A_65 step %scan3A_66  : i32 {
      %mul3A_97 = arith.constant 2 : i32
      %mul3A_98 = arith.muli %scan3A_96, %mul3A_97 : i32
      %add3A_99 = arith.constant 0 : i32
      %add3A_100 = arith.addi %add3A_99, %mul3A_98 : i32
      %mul3A_101 = arith.constant 40 : i32
      %mul3A_102 = arith.muli %add3A_100, %mul3A_101 : i32
      %add3A_103 = arith.addi %mul3A_49, %mul3A_102 : i32
      %dma_wait3A_104 = arith.constant 0 : i32
      %dma_wait3A_105 = tpu.memref_slice %arg4[%add3A_103, %dma_wait3A_104] : memref<160000x128xf32, #tpu.memory_space<hbm>> -> memref<40x128xf32, #tpu.memory_space<hbm>>
      %dma_wait3A_106 = arith.constant 0 : i32
      %dma_wait3A_107 = tpu.memref_slice %arg4[%add3A_103, %dma_wait3A_106] : memref<160000x128xf32, #tpu.memory_space<hbm>> -> memref<40x128xf32, #tpu.memory_space<hbm>>
      tpu.wait_dma2 semaphore(%arg12 : memref<!tpu.dma_semaphore, #tpu.memory_space<semaphore_mem>>) src(%dma_wait3A_107 : memref<40x128xf32, #tpu.memory_space<hbm>>) dst(%arg9 : memref<40x128xf32, #tpu.memory_space<vmem>>)
      %dma_start3A_108 = arith.constant 0 : i32
      %dma_start3A_109 = tpu.memref_slice %arg8[%add3A_100, %dma_start3A_108] : memref<125x40xi32, #tpu.memory_space<vmem>> -> memref<1x40xi32, #tpu.memory_space<vmem>>
      %dma_start3A_110 = tpu.memref_squeeze %dma_start3A_109 : memref<1x40xi32, #tpu.memory_space<vmem>> -> memref<40xi32, #tpu.memory_space<vmem>>
      %dma_start3A_111 = arith.constant 0 : i32
      %dma_start3A_112 = arith.constant 0 : i32
      %dma_start3A_113 = tpu.memref_slice %arg11[%dma_start3A_111, %dma_start3A_112] : memref<10240x128xf32, #tpu.memory_space<vmem_shared>> -> memref<10240x128xf32, #tpu.memory_space<vmem_shared>>
      tpu.enqueue_indirect_dma source(%arg9 : memref<40x128xf32, #tpu.memory_space<vmem>>) target(%dma_start3A_113 : memref<10240x128xf32, #tpu.memory_space<vmem_shared>>) offsets(%dma_start3A_110 : memref<40xi32, #tpu.memory_space<vmem>>) semaphore(%arg14 : memref<!tpu.dma_semaphore, #tpu.memory_space<semaphore_mem>>) {add = true}
      %add3A_114 = arith.constant 2 : i32
      %add3A_115 = arith.addi %add3A_100, %add3A_114 : i32
      %lt3A = arith.constant 125 : i32
      %lt3A_116 = arith.cmpi slt, %add3A_115, %lt3A : i32
      %convert_element_type3A = arith.extui %lt3A_116 : i1 to i32
      %cond3A = arith.constant 0 : i32
      %cond3A_117 = arith.cmpi ne, %convert_element_type3A, %cond3A : i32
      scf.if %cond3A_117 {
        %dma_wait3A_140 = arith.constant 0 : i32
        %dma_wait3A_141 = tpu.memref_slice %arg8[%add3A_100, %dma_wait3A_140] : memref<125x40xi32, #tpu.memory_space<vmem>> -> memref<1x40xi32, #tpu.memory_space<vmem>>
        %dma_wait3A_142 = tpu.memref_squeeze %dma_wait3A_141 : memref<1x40xi32, #tpu.memory_space<vmem>> -> memref<40xi32, #tpu.memory_space<vmem>>
        %dma_wait3A_143 = arith.constant 0 : i32
        %dma_wait3A_144 = arith.constant 0 : i32
        %dma_wait3A_145 = tpu.memref_slice %arg11[%dma_wait3A_143, %dma_wait3A_144] : memref<10240x128xf32, #tpu.memory_space<vmem_shared>> -> memref<10240x128xf32, #tpu.memory_space<vmem_shared>>
        tpu.wait_indirect_dma semaphore(%arg14 : memref<!tpu.dma_semaphore, #tpu.memory_space<semaphore_mem>>) src(%arg9 : memref<40x128xf32, #tpu.memory_space<vmem>>) dst(%dma_wait3A_145 : memref<10240x128xf32, #tpu.memory_space<vmem_shared>>)
        %add3A_146 = arith.constant 2 : i32
        %add3A_147 = arith.addi %add3A_100, %add3A_146 : i32
        %mul3A_148 = arith.constant 40 : i32
        %mul3A_149 = arith.muli %add3A_147, %mul3A_148 : i32
        %add3A_150 = arith.addi %mul3A_49, %mul3A_149 : i32
        %dma_start3A_151 = arith.constant 0 : i32
        %dma_start3A_152 = tpu.memref_slice %arg4[%add3A_150, %dma_start3A_151] : memref<160000x128xf32, #tpu.memory_space<hbm>> -> memref<40x128xf32, #tpu.memory_space<hbm>>
        %dma_start3A_153 = arith.constant 0 : i32
        %dma_start3A_154 = tpu.memref_slice %arg4[%add3A_150, %dma_start3A_153] : memref<160000x128xf32, #tpu.memory_space<hbm>> -> memref<40x128xf32, #tpu.memory_space<hbm>>
        tpu.enqueue_dma source(%dma_start3A_154 : memref<40x128xf32, #tpu.memory_space<hbm>>) target(%arg9 : memref<40x128xf32, #tpu.memory_space<vmem>>) target_semaphore(%arg12 : memref<!tpu.dma_semaphore, #tpu.memory_space<semaphore_mem>>)
      } else {
      }
      %add3A_118 = arith.constant 1 : i32
      %add3A_119 = arith.addi %add3A_100, %add3A_118 : i32
      %mul3A_120 = arith.constant 40 : i32
      %mul3A_121 = arith.muli %add3A_119, %mul3A_120 : i32
      %add3A_122 = arith.addi %mul3A_49, %mul3A_121 : i32
      %dma_wait3A_123 = arith.constant 0 : i32
      %dma_wait3A_124 = tpu.memref_slice %arg4[%add3A_122, %dma_wait3A_123] : memref<160000x128xf32, #tpu.memory_space<hbm>> -> memref<40x128xf32, #tpu.memory_space<hbm>>
      %dma_wait3A_125 = arith.constant 0 : i32
      %dma_wait3A_126 = tpu.memref_slice %arg4[%add3A_122, %dma_wait3A_125] : memref<160000x128xf32, #tpu.memory_space<hbm>> -> memref<40x128xf32, #tpu.memory_space<hbm>>
      tpu.wait_dma2 semaphore(%arg13 : memref<!tpu.dma_semaphore, #tpu.memory_space<semaphore_mem>>) src(%dma_wait3A_126 : memref<40x128xf32, #tpu.memory_space<hbm>>) dst(%arg10 : memref<40x128xf32, #tpu.memory_space<vmem>>)
      %dma_start3A_127 = arith.constant 0 : i32
      %dma_start3A_128 = tpu.memref_slice %arg8[%add3A_119, %dma_start3A_127] : memref<125x40xi32, #tpu.memory_space<vmem>> -> memref<1x40xi32, #tpu.memory_space<vmem>>
      %dma_start3A_129 = tpu.memref_squeeze %dma_start3A_128 : memref<1x40xi32, #tpu.memory_space<vmem>> -> memref<40xi32, #tpu.memory_space<vmem>>
      %dma_start3A_130 = arith.constant 0 : i32
      %dma_start3A_131 = arith.constant 0 : i32
      %dma_start3A_132 = tpu.memref_slice %arg11[%dma_start3A_130, %dma_start3A_131] : memref<10240x128xf32, #tpu.memory_space<vmem_shared>> -> memref<10240x128xf32, #tpu.memory_space<vmem_shared>>
      tpu.enqueue_indirect_dma source(%arg10 : memref<40x128xf32, #tpu.memory_space<vmem>>) target(%dma_start3A_132 : memref<10240x128xf32, #tpu.memory_space<vmem_shared>>) offsets(%dma_start3A_129 : memref<40xi32, #tpu.memory_space<vmem>>) semaphore(%arg15 : memref<!tpu.dma_semaphore, #tpu.memory_space<semaphore_mem>>) {add = true}
      %add3A_133 = arith.constant 3 : i32
      %add3A_134 = arith.addi %add3A_100, %add3A_133 : i32
      %lt3A_135 = arith.constant 125 : i32
      %lt3A_136 = arith.cmpi slt, %add3A_134, %lt3A_135 : i32
      %convert_element_type3A_137 = arith.extui %lt3A_136 : i1 to i32
      %cond3A_138 = arith.constant 0 : i32
      %cond3A_139 = arith.cmpi ne, %convert_element_type3A_137, %cond3A_138 : i32
      scf.if %cond3A_139 {
        %add3A_140 = arith.constant 1 : i32
        %add3A_141 = arith.addi %add3A_100, %add3A_140 : i32
        %dma_wait3A_142 = arith.constant 0 : i32
        %dma_wait3A_143 = tpu.memref_slice %arg8[%add3A_141, %dma_wait3A_142] : memref<125x40xi32, #tpu.memory_space<vmem>> -> memref<1x40xi32, #tpu.memory_space<vmem>>
        %dma_wait3A_144 = tpu.memref_squeeze %dma_wait3A_143 : memref<1x40xi32, #tpu.memory_space<vmem>> -> memref<40xi32, #tpu.memory_space<vmem>>
        %dma_wait3A_145 = arith.constant 0 : i32
        %dma_wait3A_146 = arith.constant 0 : i32
        %dma_wait3A_147 = tpu.memref_slice %arg11[%dma_wait3A_145, %dma_wait3A_146] : memref<10240x128xf32, #tpu.memory_space<vmem_shared>> -> memref<10240x128xf32, #tpu.memory_space<vmem_shared>>
        tpu.wait_indirect_dma semaphore(%arg15 : memref<!tpu.dma_semaphore, #tpu.memory_space<semaphore_mem>>) src(%arg10 : memref<40x128xf32, #tpu.memory_space<vmem>>) dst(%dma_wait3A_147 : memref<10240x128xf32, #tpu.memory_space<vmem_shared>>)
        %add3A_148 = arith.constant 3 : i32
        %add3A_149 = arith.addi %add3A_100, %add3A_148 : i32
        %mul3A_150 = arith.constant 40 : i32
        %mul3A_151 = arith.muli %add3A_149, %mul3A_150 : i32
        %add3A_152 = arith.addi %mul3A_49, %mul3A_151 : i32
        %dma_start3A_153 = arith.constant 0 : i32
        %dma_start3A_154 = tpu.memref_slice %arg4[%add3A_152, %dma_start3A_153] : memref<160000x128xf32, #tpu.memory_space<hbm>> -> memref<40x128xf32, #tpu.memory_space<hbm>>
        %dma_start3A_155 = arith.constant 0 : i32
        %dma_start3A_156 = tpu.memref_slice %arg4[%add3A_152, %dma_start3A_155] : memref<160000x128xf32, #tpu.memory_space<hbm>> -> memref<40x128xf32, #tpu.memory_space<hbm>>
        tpu.enqueue_dma source(%dma_start3A_156 : memref<40x128xf32, #tpu.memory_space<hbm>>) target(%arg10 : memref<40x128xf32, #tpu.memory_space<vmem>>) target_semaphore(%arg13 : memref<!tpu.dma_semaphore, #tpu.memory_space<semaphore_mem>>)
      } else {
      }
    }
    %scan3A_67 = arith.constant 62 : i32
    %add3A_68 = arith.constant 4960 : i32
    %add3A_69 = arith.addi %mul3A_49, %add3A_68 : i32
    %dma_wait3A_70 = arith.constant 0 : i32
    %dma_wait3A_71 = tpu.memref_slice %arg4[%add3A_69, %dma_wait3A_70] : memref<160000x128xf32, #tpu.memory_space<hbm>> -> memref<40x128xf32, #tpu.memory_space<hbm>>
    %dma_wait3A_72 = arith.constant 0 : i32
    %dma_wait3A_73 = tpu.memref_slice %arg4[%add3A_69, %dma_wait3A_72] : memref<160000x128xf32, #tpu.memory_space<hbm>> -> memref<40x128xf32, #tpu.memory_space<hbm>>
    tpu.wait_dma2 semaphore(%arg12 : memref<!tpu.dma_semaphore, #tpu.memory_space<semaphore_mem>>) src(%dma_wait3A_73 : memref<40x128xf32, #tpu.memory_space<hbm>>) dst(%arg9 : memref<40x128xf32, #tpu.memory_space<vmem>>)
    %dma_start3A_74 = arith.constant 124 : i32
    %dma_start3A_75 = arith.constant 0 : i32
    %dma_start3A_76 = tpu.memref_slice %arg8[%dma_start3A_74, %dma_start3A_75] : memref<125x40xi32, #tpu.memory_space<vmem>> -> memref<1x40xi32, #tpu.memory_space<vmem>>
    %dma_start3A_77 = tpu.memref_squeeze %dma_start3A_76 : memref<1x40xi32, #tpu.memory_space<vmem>> -> memref<40xi32, #tpu.memory_space<vmem>>
    %dma_start3A_78 = arith.constant 0 : i32
    %dma_start3A_79 = arith.constant 0 : i32
    %dma_start3A_80 = tpu.memref_slice %arg11[%dma_start3A_78, %dma_start3A_79] : memref<10240x128xf32, #tpu.memory_space<vmem_shared>> -> memref<10240x128xf32, #tpu.memory_space<vmem_shared>>
    tpu.enqueue_indirect_dma source(%arg9 : memref<40x128xf32, #tpu.memory_space<vmem>>) target(%dma_start3A_80 : memref<10240x128xf32, #tpu.memory_space<vmem_shared>>) offsets(%dma_start3A_77 : memref<40xi32, #tpu.memory_space<vmem>>) semaphore(%arg14 : memref<!tpu.dma_semaphore, #tpu.memory_space<semaphore_mem>>) {add = true}
    %dma_wait3A_81 = arith.constant 124 : i32
    %dma_wait3A_82 = arith.constant 0 : i32
    %dma_wait3A_83 = tpu.memref_slice %arg8[%dma_wait3A_81, %dma_wait3A_82] : memref<125x40xi32, #tpu.memory_space<vmem>> -> memref<1x40xi32, #tpu.memory_space<vmem>>
    %dma_wait3A_84 = tpu.memref_squeeze %dma_wait3A_83 : memref<1x40xi32, #tpu.memory_space<vmem>> -> memref<40xi32, #tpu.memory_space<vmem>>
    %dma_wait3A_85 = arith.constant 0 : i32
    %dma_wait3A_86 = arith.constant 0 : i32
    %dma_wait3A_87 = tpu.memref_slice %arg11[%dma_wait3A_85, %dma_wait3A_86] : memref<10240x128xf32, #tpu.memory_space<vmem_shared>> -> memref<10240x128xf32, #tpu.memory_space<vmem_shared>>
    tpu.wait_indirect_dma semaphore(%arg14 : memref<!tpu.dma_semaphore, #tpu.memory_space<semaphore_mem>>) src(%arg9 : memref<40x128xf32, #tpu.memory_space<vmem>>) dst(%dma_wait3A_87 : memref<10240x128xf32, #tpu.memory_space<vmem_shared>>)
    %dma_wait3A_88 = arith.constant 123 : i32
    %dma_wait3A_89 = arith.constant 0 : i32
    %dma_wait3A_90 = tpu.memref_slice %arg8[%dma_wait3A_88, %dma_wait3A_89] : memref<125x40xi32, #tpu.memory_space<vmem>> -> memref<1x40xi32, #tpu.memory_space<vmem>>
    %dma_wait3A_91 = tpu.memref_squeeze %dma_wait3A_90 : memref<1x40xi32, #tpu.memory_space<vmem>> -> memref<40xi32, #tpu.memory_space<vmem>>
    %dma_wait3A_92 = arith.constant 0 : i32
    %dma_wait3A_93 = arith.constant 0 : i32
    %dma_wait3A_94 = tpu.memref_slice %arg11[%dma_wait3A_92, %dma_wait3A_93] : memref<10240x128xf32, #tpu.memory_space<vmem_shared>> -> memref<10240x128xf32, #tpu.memory_space<vmem_shared>>
    tpu.wait_indirect_dma semaphore(%arg15 : memref<!tpu.dma_semaphore, #tpu.memory_space<semaphore_mem>>) src(%arg10 : memref<40x128xf32, #tpu.memory_space<vmem>>) dst(%dma_wait3A_94 : memref<10240x128xf32, #tpu.memory_space<vmem_shared>>)
    %barrier3A_95 = arith.constant 0 : index
    tpu.barrier barrier_id(%barrier3A_95)
    "tpu.region"() ({
      %run_scoped3A = tpu.sem_alloc : memref<!tpu.dma_semaphore, #tpu.memory_space<semaphore_mem>>
      %dma_start3A_96 = arith.constant 0 : i32
      %dma_start3A_97 = tpu.memref_slice %arg7[%arg0, %mul3A_0, %dma_start3A_96] : memref<2x10240x128xf32, #tpu.memory_space<hbm>> -> memref<1x640x128xf32, #tpu.memory_space<hbm>>
      %dma_start3A_98 = tpu.memref_squeeze %dma_start3A_97 : memref<1x640x128xf32, #tpu.memory_space<hbm>> -> memref<640x128xf32, #tpu.memory_space<hbm>>
      %dma_start3A_99 = arith.constant 0 : i32
      %dma_start3A_100 = tpu.memref_slice %arg11[%mul3A_0, %dma_start3A_99] : memref<10240x128xf32, #tpu.memory_space<vmem_shared>> -> memref<640x128xf32, #tpu.memory_space<vmem_shared>>
      tpu.enqueue_dma source(%dma_start3A_100 : memref<640x128xf32, #tpu.memory_space<vmem_shared>>) target(%dma_start3A_98 : memref<640x128xf32, #tpu.memory_space<hbm>>) target_semaphore(%run_scoped3A : memref<!tpu.dma_semaphore, #tpu.memory_space<semaphore_mem>>)
      %dma_wait3A_101 = arith.constant 0 : i32
      %dma_wait3A_102 = tpu.memref_slice %arg7[%arg0, %mul3A_0, %dma_wait3A_101] : memref<2x10240x128xf32, #tpu.memory_space<hbm>> -> memref<1x640x128xf32, #tpu.memory_space<hbm>>
      %dma_wait3A_103 = tpu.memref_squeeze %dma_wait3A_102 : memref<1x640x128xf32, #tpu.memory_space<hbm>> -> memref<640x128xf32, #tpu.memory_space<hbm>>
      %dma_wait3A_104 = arith.constant 0 : i32
      %dma_wait3A_105 = tpu.memref_slice %arg11[%mul3A_0, %dma_wait3A_104] : memref<10240x128xf32, #tpu.memory_space<vmem_shared>> -> memref<640x128xf32, #tpu.memory_space<vmem_shared>>
      tpu.wait_dma2 semaphore(%run_scoped3A : memref<!tpu.dma_semaphore, #tpu.memory_space<semaphore_mem>>) src(%dma_wait3A_105 : memref<640x128xf32, #tpu.memory_space<vmem_shared>>) dst(%dma_wait3A_103 : memref<640x128xf32, #tpu.memory_space<hbm>>)
      tpu.yield
    }) : () -> ()
    return
  }
}

#map = affine_map<(d0, d1) -> (0, 0)>
#map1 = affine_map<(d0, d1) -> (0)>
module attributes {stable_mosaic.version = 14 : i64} {
  func.func @_gather_body(%arg0: i32, %arg1: i32, %arg2: memref<10000x128xf32, #tpu.memory_space<hbm>>, %arg3: memref<10000xf32, #tpu.memory_space<hbm>>, %arg4: memref<10000xf32, #tpu.memory_space<hbm>>, %arg5: memref<10000xf32, #tpu.memory_space<hbm>>, %arg6: memref<160000xi32, #tpu.memory_space<hbm>>, %arg7: memref<160000xi32, #tpu.memory_space<hbm>>, %arg8: memref<160000x128xf32, #tpu.memory_space<hbm>>, %arg9: memref<160000x128xf32, #tpu.memory_space<hbm>>, %arg10: memref<640000xf32, #tpu.memory_space<hbm>>, %arg11: memref<5000xi32, #tpu.memory_space<vmem>>, %arg12: memref<5000xi32, #tpu.memory_space<vmem>>, %arg13: memref<200x128xf32, #tpu.memory_space<vmem>>, %arg14: memref<200x128xf32, #tpu.memory_space<vmem>>, %arg15: memref<200x128xf32, #tpu.memory_space<vmem>>, %arg16: memref<200x128xf32, #tpu.memory_space<vmem>>, %arg17: memref<208xf32, #tpu.memory_space<vmem>>, %arg18: memref<208xf32, #tpu.memory_space<vmem>>, %arg19: memref<208xf32, #tpu.memory_space<vmem>>, %arg20: memref<208xf32, #tpu.memory_space<vmem>>, %arg21: memref<208xf32, #tpu.memory_space<vmem>>, %arg22: memref<208xf32, #tpu.memory_space<vmem>>, %arg23: memref<208xf32, #tpu.memory_space<vmem>>, %arg24: memref<208xf32, #tpu.memory_space<vmem>>, %arg25: memref<208xf32, #tpu.memory_space<vmem>>, %arg26: memref<208xf32, #tpu.memory_space<vmem>>, %arg27: memref<208xf32, #tpu.memory_space<vmem>>, %arg28: memref<208xf32, #tpu.memory_space<vmem>>, %arg29: memref<!tpu.dma_semaphore, #tpu.memory_space<semaphore_mem>>, %arg30: memref<!tpu.dma_semaphore, #tpu.memory_space<semaphore_mem>>, %arg31: memref<!tpu.dma_semaphore, #tpu.memory_space<semaphore_mem>>, %arg32: memref<!tpu.dma_semaphore, #tpu.memory_space<semaphore_mem>>, %arg33: memref<!tpu.dma_semaphore, #tpu.memory_space<semaphore_mem>>, %arg34: memref<!tpu.dma_semaphore, #tpu.memory_space<semaphore_mem>>) attributes {dimension_semantics = [#tpu.dimension_semantics<core_parallel>, #tpu.dimension_semantics<subcore_parallel>], iteration_bounds = array<i64: 2, 16>, scalar_prefetch = 0 : i64, scratch_operands = 24 : i64, tpu.core_type = #tpu.core_type<sc_vector_subcore>, window_params = [{transform_indices = #map}, {transform_indices = #map1}, {transform_indices = #map1}, {transform_indices = #map1}, {transform_indices = #map1}, {transform_indices = #map1}, {transform_indices = #map}, {transform_indices = #map}, {transform_indices = #map1}]} {
    %mul3A = arith.constant 2 : i32
    %mul3A_0 = arith.muli %arg1, %mul3A : i32
    %add3A = arith.addi %mul3A_0, %arg0 : i32
    %mul3A_1 = arith.constant 5000 : i32
    %mul3A_2 = arith.muli %add3A, %mul3A_1 : i32
    "tpu.region"() ({
      %run_scoped3A = tpu.sem_alloc : memref<!tpu.dma_semaphore, #tpu.memory_space<semaphore_mem>>
      %dma_start3A_142 = tpu.memref_slice %arg6[%mul3A_2] : memref<160000xi32, #tpu.memory_space<hbm>> -> memref<5000xi32, #tpu.memory_space<hbm>>
      %dma_start3A_143 = tpu.memref_slice %arg6[%mul3A_2] : memref<160000xi32, #tpu.memory_space<hbm>> -> memref<5000xi32, #tpu.memory_space<hbm>>
      tpu.enqueue_dma source(%dma_start3A_143 : memref<5000xi32, #tpu.memory_space<hbm>>) target(%arg11 : memref<5000xi32, #tpu.memory_space<vmem>>) target_semaphore(%run_scoped3A : memref<!tpu.dma_semaphore, #tpu.memory_space<semaphore_mem>>)
      %dma_wait3A_144 = tpu.memref_slice %arg6[%mul3A_2] : memref<160000xi32, #tpu.memory_space<hbm>> -> memref<5000xi32, #tpu.memory_space<hbm>>
      %dma_wait3A_145 = tpu.memref_slice %arg6[%mul3A_2] : memref<160000xi32, #tpu.memory_space<hbm>> -> memref<5000xi32, #tpu.memory_space<hbm>>
      tpu.wait_dma2 semaphore(%run_scoped3A : memref<!tpu.dma_semaphore, #tpu.memory_space<semaphore_mem>>) src(%dma_wait3A_145 : memref<5000xi32, #tpu.memory_space<hbm>>) dst(%arg11 : memref<5000xi32, #tpu.memory_space<vmem>>)
      tpu.yield
    }) : () -> ()
    "tpu.region"() ({
      %run_scoped3A = tpu.sem_alloc : memref<!tpu.dma_semaphore, #tpu.memory_space<semaphore_mem>>
      %dma_start3A_142 = tpu.memref_slice %arg7[%mul3A_2] : memref<160000xi32, #tpu.memory_space<hbm>> -> memref<5000xi32, #tpu.memory_space<hbm>>
      %dma_start3A_143 = tpu.memref_slice %arg7[%mul3A_2] : memref<160000xi32, #tpu.memory_space<hbm>> -> memref<5000xi32, #tpu.memory_space<hbm>>
      tpu.enqueue_dma source(%dma_start3A_143 : memref<5000xi32, #tpu.memory_space<hbm>>) target(%arg12 : memref<5000xi32, #tpu.memory_space<vmem>>) target_semaphore(%run_scoped3A : memref<!tpu.dma_semaphore, #tpu.memory_space<semaphore_mem>>)
      %dma_wait3A_144 = tpu.memref_slice %arg7[%mul3A_2] : memref<160000xi32, #tpu.memory_space<hbm>> -> memref<5000xi32, #tpu.memory_space<hbm>>
      %dma_wait3A_145 = tpu.memref_slice %arg7[%mul3A_2] : memref<160000xi32, #tpu.memory_space<hbm>> -> memref<5000xi32, #tpu.memory_space<hbm>>
      tpu.wait_dma2 semaphore(%run_scoped3A : memref<!tpu.dma_semaphore, #tpu.memory_space<semaphore_mem>>) src(%dma_wait3A_145 : memref<5000xi32, #tpu.memory_space<hbm>>) dst(%arg12 : memref<5000xi32, #tpu.memory_space<vmem>>)
      tpu.yield
    }) : () -> ()
    %dma_start3A = arith.constant 0 : i32
    %dma_start3A_3 = tpu.memref_slice %arg11[%dma_start3A] : memref<5000xi32, #tpu.memory_space<vmem>> -> memref<200xi32, #tpu.memory_space<vmem>>
    %dma_start3A_4 = arith.constant 0 : i32
    %dma_start3A_5 = arith.constant 0 : i32
    %dma_start3A_6 = tpu.memref_slice %arg2[%dma_start3A_4, %dma_start3A_5] : memref<10000x128xf32, #tpu.memory_space<hbm>> -> memref<10000x128xf32, #tpu.memory_space<hbm>>
    tpu.enqueue_indirect_dma source(%dma_start3A_6 : memref<10000x128xf32, #tpu.memory_space<hbm>>) target(%arg13 : memref<200x128xf32, #tpu.memory_space<vmem>>) offsets(%dma_start3A_3 : memref<200xi32, #tpu.memory_space<vmem>>) semaphore(%arg29 : memref<!tpu.dma_semaphore, #tpu.memory_space<semaphore_mem>>)
    %dma_start3A_7 = arith.constant 0 : i32
    %dma_start3A_8 = tpu.memref_slice %arg12[%dma_start3A_7] : memref<5000xi32, #tpu.memory_space<vmem>> -> memref<200xi32, #tpu.memory_space<vmem>>
    %dma_start3A_9 = arith.constant 0 : i32
    %dma_start3A_10 = arith.constant 0 : i32
    %dma_start3A_11 = tpu.memref_slice %arg2[%dma_start3A_9, %dma_start3A_10] : memref<10000x128xf32, #tpu.memory_space<hbm>> -> memref<10000x128xf32, #tpu.memory_space<hbm>>
    tpu.enqueue_indirect_dma source(%dma_start3A_11 : memref<10000x128xf32, #tpu.memory_space<hbm>>) target(%arg15 : memref<200x128xf32, #tpu.memory_space<vmem>>) offsets(%dma_start3A_8 : memref<200xi32, #tpu.memory_space<vmem>>) semaphore(%arg29 : memref<!tpu.dma_semaphore, #tpu.memory_space<semaphore_mem>>)
    %dma_start3A_12 = arith.constant 200 : i32
    %dma_start3A_13 = tpu.memref_slice %arg11[%dma_start3A_12] : memref<5000xi32, #tpu.memory_space<vmem>> -> memref<200xi32, #tpu.memory_space<vmem>>
    %dma_start3A_14 = arith.constant 0 : i32
    %dma_start3A_15 = arith.constant 0 : i32
    %dma_start3A_16 = tpu.memref_slice %arg2[%dma_start3A_14, %dma_start3A_15] : memref<10000x128xf32, #tpu.memory_space<hbm>> -> memref<10000x128xf32, #tpu.memory_space<hbm>>
    tpu.enqueue_indirect_dma source(%dma_start3A_16 : memref<10000x128xf32, #tpu.memory_space<hbm>>) target(%arg14 : memref<200x128xf32, #tpu.memory_space<vmem>>) offsets(%dma_start3A_13 : memref<200xi32, #tpu.memory_space<vmem>>) semaphore(%arg30 : memref<!tpu.dma_semaphore, #tpu.memory_space<semaphore_mem>>)
    %dma_start3A_17 = arith.constant 200 : i32
    %dma_start3A_18 = tpu.memref_slice %arg12[%dma_start3A_17] : memref<5000xi32, #tpu.memory_space<vmem>> -> memref<200xi32, #tpu.memory_space<vmem>>
    %dma_start3A_19 = arith.constant 0 : i32
    %dma_start3A_20 = arith.constant 0 : i32
    %dma_start3A_21 = tpu.memref_slice %arg2[%dma_start3A_19, %dma_start3A_20] : memref<10000x128xf32, #tpu.memory_space<hbm>> -> memref<10000x128xf32, #tpu.memory_space<hbm>>
    tpu.enqueue_indirect_dma source(%dma_start3A_21 : memref<10000x128xf32, #tpu.memory_space<hbm>>) target(%arg16 : memref<200x128xf32, #tpu.memory_space<vmem>>) offsets(%dma_start3A_18 : memref<200xi32, #tpu.memory_space<vmem>>) semaphore(%arg30 : memref<!tpu.dma_semaphore, #tpu.memory_space<semaphore_mem>>)
    %scan3A = arith.constant 0 : i32
    %scan3A_22 = arith.constant 12 : i32
    %scan3A_23 = arith.addi %scan3A, %scan3A_22 : i32
    %scan3A_24 = arith.constant 1 : i32
    scf.for %scan3A_142 = %scan3A to %scan3A_23 step %scan3A_24  : i32 {
      %mul3A_143 = arith.constant 2 : i32
      %mul3A_144 = arith.muli %scan3A_142, %mul3A_143 : i32
      %add3A_145 = arith.constant 0 : i32
      %add3A_146 = arith.addi %add3A_145, %mul3A_144 : i32
      %mul3A_147 = arith.constant 200 : i32
      %mul3A_148 = arith.muli %add3A_146, %mul3A_147 : i32
      %mul3A_149 = arith.constant 200 : i32
      %mul3A_150 = arith.muli %add3A_146, %mul3A_149 : i32
      %dma_wait3A_151 = tpu.memref_slice %arg11[%mul3A_148] : memref<5000xi32, #tpu.memory_space<vmem>> -> memref<200xi32, #tpu.memory_space<vmem>>
      %dma_wait3A_152 = arith.constant 0 : i32
      %dma_wait3A_153 = arith.constant 0 : i32
      %dma_wait3A_154 = tpu.memref_slice %arg2[%dma_wait3A_152, %dma_wait3A_153] : memref<10000x128xf32, #tpu.memory_space<hbm>> -> memref<10000x128xf32, #tpu.memory_space<hbm>>
      tpu.wait_indirect_dma semaphore(%arg29 : memref<!tpu.dma_semaphore, #tpu.memory_space<semaphore_mem>>) src(%dma_wait3A_154 : memref<10000x128xf32, #tpu.memory_space<hbm>>) dst(%arg13 : memref<200x128xf32, #tpu.memory_space<vmem>>)
      %dma_wait3A_155 = tpu.memref_slice %arg12[%mul3A_150] : memref<5000xi32, #tpu.memory_space<vmem>> -> memref<200xi32, #tpu.memory_space<vmem>>
      %dma_wait3A_156 = arith.constant 0 : i32
      %dma_wait3A_157 = arith.constant 0 : i32
      %dma_wait3A_158 = tpu.memref_slice %arg2[%dma_wait3A_156, %dma_wait3A_157] : memref<10000x128xf32, #tpu.memory_space<hbm>> -> memref<10000x128xf32, #tpu.memory_space<hbm>>
      tpu.wait_indirect_dma semaphore(%arg29 : memref<!tpu.dma_semaphore, #tpu.memory_space<semaphore_mem>>) src(%dma_wait3A_158 : memref<10000x128xf32, #tpu.memory_space<hbm>>) dst(%arg15 : memref<200x128xf32, #tpu.memory_space<vmem>>)
      %scan3A_159 = arith.constant 0 : i32
      %scan3A_160 = arith.constant 13 : i32
      %scan3A_161 = arith.addi %scan3A_159, %scan3A_160 : i32
      %scan3A_162 = arith.constant 1 : i32
      scf.for %scan3A_264 = %scan3A_159 to %scan3A_161 step %scan3A_162  : i32 {
        %mul3A_265 = arith.constant 1 : i32
        %mul3A_266 = arith.muli %scan3A_264, %mul3A_265 : i32
        %add3A_267 = arith.constant 0 : i32
        %add3A_268 = arith.addi %add3A_267, %mul3A_266 : i32
        %mul3A_269 = arith.constant 16 : i32
        %mul3A_270 = arith.muli %add3A_268, %mul3A_269 : i32
        %get3A = arith.index_cast %mul3A_270 : i32 to index
        %get3A_271 = tpu.vector_load %arg17[%get3A] {strides = array<i32>} : memref<208xf32, #tpu.memory_space<vmem>>, vector<16xf32>,
        %get3A_272 = vector.shape_cast %get3A_271 : vector<16xf32> to vector<16xf32>
        %get3A_273 = arith.index_cast %mul3A_270 : i32 to index
        %get3A_274 = tpu.vector_load %arg23[%get3A_273] {strides = array<i32>} : memref<208xf32, #tpu.memory_space<vmem>>, vector<16xf32>,
        %get3A_275 = vector.shape_cast %get3A_274 : vector<16xf32> to vector<16xf32>
        %sub3A = arith.subf %get3A_272, %get3A_275 : vector<16xf32>
        %swap3A = arith.index_cast %mul3A_270 : i32 to index
        %swap3A_276 = tpu.vector_load %arg23[%swap3A] {strides = array<i32>} : memref<208xf32, #tpu.memory_space<vmem>>, vector<16xf32>,
        %swap3A_277 = vector.shape_cast %swap3A_276 : vector<16xf32> to vector<16xf32>
        %swap3A_278 = vector.shape_cast %sub3A : vector<16xf32> to vector<16xf32>
        tpu.vector_store %arg23[%swap3A], %swap3A_278 {strides = array<i32>} : memref<208xf32, #tpu.memory_space<vmem>>, vector<16xf32>,
        %get3A_279 = arith.index_cast %mul3A_270 : i32 to index
        %get3A_280 = tpu.vector_load %arg18[%get3A_279] {strides = array<i32>} : memref<208xf32, #tpu.memory_space<vmem>>, vector<16xf32>,
        %get3A_281 = vector.shape_cast %get3A_280 : vector<16xf32> to vector<16xf32>
        %get3A_282 = arith.index_cast %mul3A_270 : i32 to index
        %get3A_283 = tpu.vector_load %arg24[%get3A_282] {strides = array<i32>} : memref<208xf32, #tpu.memory_space<vmem>>, vector<16xf32>,
        %get3A_284 = vector.shape_cast %get3A_283 : vector<16xf32> to vector<16xf32>
        %sub3A_285 = arith.subf %get3A_281, %get3A_284 : vector<16xf32>
        %swap3A_286 = arith.index_cast %mul3A_270 : i32 to index
        %swap3A_287 = tpu.vector_load %arg24[%swap3A_286] {strides = array<i32>} : memref<208xf32, #tpu.memory_space<vmem>>, vector<16xf32>,
        %swap3A_288 = vector.shape_cast %swap3A_287 : vector<16xf32> to vector<16xf32>
        %swap3A_289 = vector.shape_cast %sub3A_285 : vector<16xf32> to vector<16xf32>
        tpu.vector_store %arg24[%swap3A_286], %swap3A_289 {strides = array<i32>} : memref<208xf32, #tpu.memory_space<vmem>>, vector<16xf32>,
        %get3A_290 = arith.index_cast %mul3A_270 : i32 to index
        %get3A_291 = tpu.vector_load %arg19[%get3A_290] {strides = array<i32>} : memref<208xf32, #tpu.memory_space<vmem>>, vector<16xf32>,
        %get3A_292 = vector.shape_cast %get3A_291 : vector<16xf32> to vector<16xf32>
        %get3A_293 = arith.index_cast %mul3A_270 : i32 to index
        %get3A_294 = tpu.vector_load %arg25[%get3A_293] {strides = array<i32>} : memref<208xf32, #tpu.memory_space<vmem>>, vector<16xf32>,
        %get3A_295 = vector.shape_cast %get3A_294 : vector<16xf32> to vector<16xf32>
        %sub3A_296 = arith.subf %get3A_292, %get3A_295 : vector<16xf32>
        %swap3A_297 = arith.index_cast %mul3A_270 : i32 to index
        %swap3A_298 = tpu.vector_load %arg25[%swap3A_297] {strides = array<i32>} : memref<208xf32, #tpu.memory_space<vmem>>, vector<16xf32>,
        %swap3A_299 = vector.shape_cast %swap3A_298 : vector<16xf32> to vector<16xf32>
        %swap3A_300 = vector.shape_cast %sub3A_296 : vector<16xf32> to vector<16xf32>
        tpu.vector_store %arg25[%swap3A_297], %swap3A_300 {strides = array<i32>} : memref<208xf32, #tpu.memory_space<vmem>>, vector<16xf32>,
      }
      %scan3A_163 = arith.constant 13 : i32
      %mul3A_164 = arith.constant 200 : i32
      %mul3A_165 = arith.muli %add3A_146, %mul3A_164 : i32
      %add3A_166 = arith.addi %mul3A_2, %mul3A_165 : i32
      %add3A_167 = arith.constant 0 : i32
      %add3A_168 = arith.addi %add3A_167, %add3A_166 : i32
      %add3A_169 = arith.constant 160000 : i32
      %add3A_170 = arith.addi %add3A_169, %add3A_166 : i32
      %add3A_171 = arith.constant 320000 : i32
      %add3A_172 = arith.addi %add3A_171, %add3A_166 : i32
      %dma_start3A_173 = arith.constant 0 : i32
      %dma_start3A_174 = tpu.memref_slice %arg8[%add3A_166, %dma_start3A_173] : memref<160000x128xf32, #tpu.memory_space<hbm>> -> memref<200x128xf32, #tpu.memory_space<hbm>>
      %dma_start3A_175 = arith.constant 0 : i32
      %dma_start3A_176 = tpu.memref_slice %arg8[%add3A_166, %dma_start3A_175] : memref<160000x128xf32, #tpu.memory_space<hbm>> -> memref<200x128xf32, #tpu.memory_space<hbm>>
      tpu.enqueue_dma source(%arg13 : memref<200x128xf32, #tpu.memory_space<vmem>>) target(%dma_start3A_176 : memref<200x128xf32, #tpu.memory_space<hbm>>) target_semaphore(%arg33 : memref<!tpu.dma_semaphore, #tpu.memory_space<semaphore_mem>>)
      %dma_start3A_177 = arith.constant 0 : i32
      %dma_start3A_178 = tpu.memref_slice %arg9[%add3A_166, %dma_start3A_177] : memref<160000x128xf32, #tpu.memory_space<hbm>> -> memref<200x128xf32, #tpu.memory_space<hbm>>
      %dma_start3A_179 = arith.constant 0 : i32
      %dma_start3A_180 = tpu.memref_slice %arg9[%add3A_166, %dma_start3A_179] : memref<160000x128xf32, #tpu.memory_space<hbm>> -> memref<200x128xf32, #tpu.memory_space<hbm>>
      tpu.enqueue_dma source(%arg15 : memref<200x128xf32, #tpu.memory_space<vmem>>) target(%dma_start3A_180 : memref<200x128xf32, #tpu.memory_space<hbm>>) target_semaphore(%arg33 : memref<!tpu.dma_semaphore, #tpu.memory_space<semaphore_mem>>)
      %dma_start3A_181 = arith.constant 0 : i32
      %dma_start3A_182 = tpu.memref_slice %arg23[%dma_start3A_181] : memref<208xf32, #tpu.memory_space<vmem>> -> memref<200xf32, #tpu.memory_space<vmem>>
      %dma_start3A_183 = tpu.memref_slice %arg10[%add3A_168] : memref<640000xf32, #tpu.memory_space<hbm>> -> memref<200xf32, #tpu.memory_space<hbm>>
      %dma_start3A_184 = tpu.memref_slice %arg10[%add3A_168] : memref<640000xf32, #tpu.memory_space<hbm>> -> memref<200xf32, #tpu.memory_space<hbm>>
      %dma_start3A_185 = arith.constant 0 : i32
      %dma_start3A_186 = tpu.memref_slice %arg23[%dma_start3A_185] : memref<208xf32, #tpu.memory_space<vmem>> -> memref<200xf32, #tpu.memory_space<vmem>>
      tpu.enqueue_dma source(%dma_start3A_186 : memref<200xf32, #tpu.memory_space<vmem>>) target(%dma_start3A_184 : memref<200xf32, #tpu.memory_space<hbm>>) target_semaphore(%arg33 : memref<!tpu.dma_semaphore, #tpu.memory_space<semaphore_mem>>)
      %dma_start3A_187 = arith.constant 0 : i32
      %dma_start3A_188 = tpu.memref_slice %arg24[%dma_start3A_187] : memref<208xf32, #tpu.memory_space<vmem>> -> memref<200xf32, #tpu.memory_space<vmem>>
      %dma_start3A_189 = tpu.memref_slice %arg10[%add3A_170] : memref<640000xf32, #tpu.memory_space<hbm>> -> memref<200xf32, #tpu.memory_space<hbm>>
      %dma_start3A_190 = tpu.memref_slice %arg10[%add3A_170] : memref<640000xf32, #tpu.memory_space<hbm>> -> memref<200xf32, #tpu.memory_space<hbm>>
      %dma_start3A_191 = arith.constant 0 : i32
      %dma_start3A_192 = tpu.memref_slice %arg24[%dma_start3A_191] : memref<208xf32, #tpu.memory_space<vmem>> -> memref<200xf32, #tpu.memory_space<vmem>>
      tpu.enqueue_dma source(%dma_start3A_192 : memref<200xf32, #tpu.memory_space<vmem>>) target(%dma_start3A_190 : memref<200xf32, #tpu.memory_space<hbm>>) target_semaphore(%arg33 : memref<!tpu.dma_semaphore, #tpu.memory_space<semaphore_mem>>)
      %dma_start3A_193 = arith.constant 0 : i32
      %dma_start3A_194 = tpu.memref_slice %arg25[%dma_start3A_193] : memref<208xf32, #tpu.memory_space<vmem>> -> memref<200xf32, #tpu.memory_space<vmem>>
      %dma_start3A_195 = tpu.memref_slice %arg10[%add3A_172] : memref<640000xf32, #tpu.memory_space<hbm>> -> memref<200xf32, #tpu.memory_space<hbm>>
      %dma_start3A_196 = tpu.memref_slice %arg10[%add3A_172] : memref<640000xf32, #tpu.memory_space<hbm>> -> memref<200xf32, #tpu.memory_space<hbm>>
      %dma_start3A_197 = arith.constant 0 : i32
      %dma_start3A_198 = tpu.memref_slice %arg25[%dma_start3A_197] : memref<208xf32, #tpu.memory_space<vmem>> -> memref<200xf32, #tpu.memory_space<vmem>>
      tpu.enqueue_dma source(%dma_start3A_198 : memref<200xf32, #tpu.memory_space<vmem>>) target(%dma_start3A_196 : memref<200xf32, #tpu.memory_space<hbm>>) target_semaphore(%arg33 : memref<!tpu.dma_semaphore, #tpu.memory_space<semaphore_mem>>)
      %add3A_199 = arith.constant 2 : i32
      %add3A_200 = arith.addi %add3A_146, %add3A_199 : i32
      %lt3A = arith.constant 25 : i32
      %lt3A_201 = arith.cmpi slt, %add3A_200, %lt3A : i32
      %convert_element_type3A = arith.extui %lt3A_201 : i1 to i32
      %cond3A = arith.constant 0 : i32
      %cond3A_202 = arith.cmpi ne, %convert_element_type3A, %cond3A : i32
      scf.if %cond3A_202 {
        %mul3A_264 = arith.constant 200 : i32
        %mul3A_265 = arith.muli %add3A_146, %mul3A_264 : i32
        %add3A_266 = arith.addi %mul3A_2, %mul3A_265 : i32
        %add3A_267 = arith.constant 0 : i32
        %add3A_268 = arith.addi %add3A_267, %add3A_266 : i32
        %add3A_269 = arith.constant 160000 : i32
        %add3A_270 = arith.addi %add3A_269, %add3A_266 : i32
        %add3A_271 = arith.constant 320000 : i32
        %add3A_272 = arith.addi %add3A_271, %add3A_266 : i32
        %dma_wait3A_273 = arith.constant 0 : i32
        %dma_wait3A_274 = tpu.memref_slice %arg8[%add3A_266, %dma_wait3A_273] : memref<160000x128xf32, #tpu.memory_space<hbm>> -> memref<200x128xf32, #tpu.memory_space<hbm>>
        %dma_wait3A_275 = arith.constant 0 : i32
        %dma_wait3A_276 = tpu.memref_slice %arg8[%add3A_266, %dma_wait3A_275] : memref<160000x128xf32, #tpu.memory_space<hbm>> -> memref<200x128xf32, #tpu.memory_space<hbm>>
        tpu.wait_dma2 semaphore(%arg33 : memref<!tpu.dma_semaphore, #tpu.memory_space<semaphore_mem>>) src(%arg13 : memref<200x128xf32, #tpu.memory_space<vmem>>) dst(%dma_wait3A_276 : memref<200x128xf32, #tpu.memory_space<hbm>>)
        %dma_wait3A_277 = arith.constant 0 : i32
        %dma_wait3A_278 = tpu.memref_slice %arg9[%add3A_266, %dma_wait3A_277] : memref<160000x128xf32, #tpu.memory_space<hbm>> -> memref<200x128xf32, #tpu.memory_space<hbm>>
        %dma_wait3A_279 = arith.constant 0 : i32
        %dma_wait3A_280 = tpu.memref_slice %arg9[%add3A_266, %dma_wait3A_279] : memref<160000x128xf32, #tpu.memory_space<hbm>> -> memref<200x128xf32, #tpu.memory_space<hbm>>
        tpu.wait_dma2 semaphore(%arg33 : memref<!tpu.dma_semaphore, #tpu.memory_space<semaphore_mem>>) src(%arg15 : memref<200x128xf32, #tpu.memory_space<vmem>>) dst(%dma_wait3A_280 : memref<200x128xf32, #tpu.memory_space<hbm>>)
        %dma_wait3A_281 = arith.constant 0 : i32
        %dma_wait3A_282 = tpu.memref_slice %arg23[%dma_wait3A_281] : memref<208xf32, #tpu.memory_space<vmem>> -> memref<200xf32, #tpu.memory_space<vmem>>
        %dma_wait3A_283 = tpu.memref_slice %arg10[%add3A_268] : memref<640000xf32, #tpu.memory_space<hbm>> -> memref<200xf32, #tpu.memory_space<hbm>>
        %dma_wait3A_284 = tpu.memref_slice %arg10[%add3A_268] : memref<640000xf32, #tpu.memory_space<hbm>> -> memref<200xf32, #tpu.memory_space<hbm>>
        %dma_wait3A_285 = arith.constant 0 : i32
        %dma_wait3A_286 = tpu.memref_slice %arg23[%dma_wait3A_285] : memref<208xf32, #tpu.memory_space<vmem>> -> memref<200xf32, #tpu.memory_space<vmem>>
        tpu.wait_dma2 semaphore(%arg33 : memref<!tpu.dma_semaphore, #tpu.memory_space<semaphore_mem>>) src(%dma_wait3A_286 : memref<200xf32, #tpu.memory_space<vmem>>) dst(%dma_wait3A_284 : memref<200xf32, #tpu.memory_space<hbm>>)
        %dma_wait3A_287 = arith.constant 0 : i32
        %dma_wait3A_288 = tpu.memref_slice %arg24[%dma_wait3A_287] : memref<208xf32, #tpu.memory_space<vmem>> -> memref<200xf32, #tpu.memory_space<vmem>>
        %dma_wait3A_289 = tpu.memref_slice %arg10[%add3A_270] : memref<640000xf32, #tpu.memory_space<hbm>> -> memref<200xf32, #tpu.memory_space<hbm>>
        %dma_wait3A_290 = tpu.memref_slice %arg10[%add3A_270] : memref<640000xf32, #tpu.memory_space<hbm>> -> memref<200xf32, #tpu.memory_space<hbm>>
        %dma_wait3A_291 = arith.constant 0 : i32
        %dma_wait3A_292 = tpu.memref_slice %arg24[%dma_wait3A_291] : memref<208xf32, #tpu.memory_space<vmem>> -> memref<200xf32, #tpu.memory_space<vmem>>
        tpu.wait_dma2 semaphore(%arg33 : memref<!tpu.dma_semaphore, #tpu.memory_space<semaphore_mem>>) src(%dma_wait3A_292 : memref<200xf32, #tpu.memory_space<vmem>>) dst(%dma_wait3A_290 : memref<200xf32, #tpu.memory_space<hbm>>)
        %dma_wait3A_293 = arith.constant 0 : i32
        %dma_wait3A_294 = tpu.memref_slice %arg25[%dma_wait3A_293] : memref<208xf32, #tpu.memory_space<vmem>> -> memref<200xf32, #tpu.memory_space<vmem>>
        %dma_wait3A_295 = tpu.memref_slice %arg10[%add3A_272] : memref<640000xf32, #tpu.memory_space<hbm>> -> memref<200xf32, #tpu.memory_space<hbm>>
        %dma_wait3A_296 = tpu.memref_slice %arg10[%add3A_272] : memref<640000xf32, #tpu.memory_space<hbm>> -> memref<200xf32, #tpu.memory_space<hbm>>
        %dma_wait3A_297 = arith.constant 0 : i32
        %dma_wait3A_298 = tpu.memref_slice %arg25[%dma_wait3A_297] : memref<208xf32, #tpu.memory_space<vmem>> -> memref<200xf32, #tpu.memory_space<vmem>>
        tpu.wait_dma2 semaphore(%arg33 : memref<!tpu.dma_semaphore, #tpu.memory_space<semaphore_mem>>) src(%dma_wait3A_298 : memref<200xf32, #tpu.memory_space<vmem>>) dst(%dma_wait3A_296 : memref<200xf32, #tpu.memory_space<hbm>>)
        %add3A_299 = arith.constant 2 : i32
        %add3A_300 = arith.addi %add3A_146, %add3A_299 : i32
        %mul3A_301 = arith.constant 200 : i32
        %mul3A_302 = arith.muli %add3A_300, %mul3A_301 : i32
        %mul3A_303 = arith.constant 200 : i32
        %mul3A_304 = arith.muli %add3A_300, %mul3A_303 : i32
        %dma_start3A_305 = tpu.memref_slice %arg11[%mul3A_302] : memref<5000xi32, #tpu.memory_space<vmem>> -> memref<200xi32, #tpu.memory_space<vmem>>
        %dma_start3A_306 = arith.constant 0 : i32
        %dma_start3A_307 = arith.constant 0 : i32
        %dma_start3A_308 = tpu.memref_slice %arg2[%dma_start3A_306, %dma_start3A_307] : memref<10000x128xf32, #tpu.memory_space<hbm>> -> memref<10000x128xf32, #tpu.memory_space<hbm>>
        tpu.enqueue_indirect_dma source(%dma_start3A_308 : memref<10000x128xf32, #tpu.memory_space<hbm>>) target(%arg13 : memref<200x128xf32, #tpu.memory_space<vmem>>) offsets(%dma_start3A_305 : memref<200xi32, #tpu.memory_space<vmem>>) semaphore(%arg29 : memref<!tpu.dma_semaphore, #tpu.memory_space<semaphore_mem>>)
        %dma_start3A_309 = tpu.memref_slice %arg12[%mul3A_304] : memref<5000xi32, #tpu.memory_space<vmem>> -> memref<200xi32, #tpu.memory_space<vmem>>
        %dma_start3A_310 = arith.constant 0 : i32
        %dma_start3A_311 = arith.constant 0 : i32
        %dma_start3A_312 = tpu.memref_slice %arg2[%dma_start3A_310, %dma_start3A_311] : memref<10000x128xf32, #tpu.memory_space<hbm>> -> memref<10000x128xf32, #tpu.memory_space<hbm>>
        tpu.enqueue_indirect_dma source(%dma_start3A_312 : memref<10000x128xf32, #tpu.memory_space<hbm>>) target(%arg15 : memref<200x128xf32, #tpu.memory_space<vmem>>) offsets(%dma_start3A_309 : memref<200xi32, #tpu.memory_space<vmem>>) semaphore(%arg29 : memref<!tpu.dma_semaphore, #tpu.memory_space<semaphore_mem>>)
      } else {
      }
      %add3A_203 = arith.constant 1 : i32
      %add3A_204 = arith.addi %add3A_146, %add3A_203 : i32
      %mul3A_205 = arith.constant 200 : i32
      %mul3A_206 = arith.muli %add3A_204, %mul3A_205 : i32
      %mul3A_207 = arith.constant 200 : i32
      %mul3A_208 = arith.muli %add3A_204, %mul3A_207 : i32
      %dma_wait3A_209 = tpu.memref_slice %arg11[%mul3A_206] : memref<5000xi32, #tpu.memory_space<vmem>> -> memref<200xi32, #tpu.memory_space<vmem>>
      %dma_wait3A_210 = arith.constant 0 : i32
      %dma_wait3A_211 = arith.constant 0 : i32
      %dma_wait3A_212 = tpu.memref_slice %arg2[%dma_wait3A_210, %dma_wait3A_211] : memref<10000x128xf32, #tpu.memory_space<hbm>> -> memref<10000x128xf32, #tpu.memory_space<hbm>>
      tpu.wait_indirect_dma semaphore(%arg30 : memref<!tpu.dma_semaphore, #tpu.memory_space<semaphore_mem>>) src(%dma_wait3A_212 : memref<10000x128xf32, #tpu.memory_space<hbm>>) dst(%arg14 : memref<200x128xf32, #tpu.memory_space<vmem>>)
      %dma_wait3A_213 = tpu.memref_slice %arg12[%mul3A_208] : memref<5000xi32, #tpu.memory_space<vmem>> -> memref<200xi32, #tpu.memory_space<vmem>>
      %dma_wait3A_214 = arith.constant 0 : i32
      %dma_wait3A_215 = arith.constant 0 : i32
      %dma_wait3A_216 = tpu.memref_slice %arg2[%dma_wait3A_214, %dma_wait3A_215] : memref<10000x128xf32, #tpu.memory_space<hbm>> -> memref<10000x128xf32, #tpu.memory_space<hbm>>
      tpu.wait_indirect_dma semaphore(%arg30 : memref<!tpu.dma_semaphore, #tpu.memory_space<semaphore_mem>>) src(%dma_wait3A_216 : memref<10000x128xf32, #tpu.memory_space<hbm>>) dst(%arg16 : memref<200x128xf32, #tpu.memory_space<vmem>>)
      %scan3A_217 = arith.constant 0 : i32
      %scan3A_218 = arith.constant 13 : i32
      %scan3A_219 = arith.addi %scan3A_217, %scan3A_218 : i32
      %scan3A_220 = arith.constant 1 : i32
      scf.for %scan3A_264 = %scan3A_217 to %scan3A_219 step %scan3A_220  : i32 {
        %mul3A_265 = arith.constant 1 : i32
        %mul3A_266 = arith.muli %scan3A_264, %mul3A_265 : i32
        %add3A_267 = arith.constant 0 : i32
        %add3A_268 = arith.addi %add3A_267, %mul3A_266 : i32
        %mul3A_269 = arith.constant 16 : i32
        %mul3A_270 = arith.muli %add3A_268, %mul3A_269 : i32
        %get3A = arith.index_cast %mul3A_270 : i32 to index
        %get3A_271 = tpu.vector_load %arg20[%get3A] {strides = array<i32>} : memref<208xf32, #tpu.memory_space<vmem>>, vector<16xf32>,
        %get3A_272 = vector.shape_cast %get3A_271 : vector<16xf32> to vector<16xf32>
        %get3A_273 = arith.index_cast %mul3A_270 : i32 to index
        %get3A_274 = tpu.vector_load %arg26[%get3A_273] {strides = array<i32>} : memref<208xf32, #tpu.memory_space<vmem>>, vector<16xf32>,
        %get3A_275 = vector.shape_cast %get3A_274 : vector<16xf32> to vector<16xf32>
        %sub3A = arith.subf %get3A_272, %get3A_275 : vector<16xf32>
        %swap3A = arith.index_cast %mul3A_270 : i32 to index
        %swap3A_276 = tpu.vector_load %arg26[%swap3A] {strides = array<i32>} : memref<208xf32, #tpu.memory_space<vmem>>, vector<16xf32>,
        %swap3A_277 = vector.shape_cast %swap3A_276 : vector<16xf32> to vector<16xf32>
        %swap3A_278 = vector.shape_cast %sub3A : vector<16xf32> to vector<16xf32>
        tpu.vector_store %arg26[%swap3A], %swap3A_278 {strides = array<i32>} : memref<208xf32, #tpu.memory_space<vmem>>, vector<16xf32>,
        %get3A_279 = arith.index_cast %mul3A_270 : i32 to index
        %get3A_280 = tpu.vector_load %arg21[%get3A_279] {strides = array<i32>} : memref<208xf32, #tpu.memory_space<vmem>>, vector<16xf32>,
        %get3A_281 = vector.shape_cast %get3A_280 : vector<16xf32> to vector<16xf32>
        %get3A_282 = arith.index_cast %mul3A_270 : i32 to index
        %get3A_283 = tpu.vector_load %arg27[%get3A_282] {strides = array<i32>} : memref<208xf32, #tpu.memory_space<vmem>>, vector<16xf32>,
        %get3A_284 = vector.shape_cast %get3A_283 : vector<16xf32> to vector<16xf32>
        %sub3A_285 = arith.subf %get3A_281, %get3A_284 : vector<16xf32>
        %swap3A_286 = arith.index_cast %mul3A_270 : i32 to index
        %swap3A_287 = tpu.vector_load %arg27[%swap3A_286] {strides = array<i32>} : memref<208xf32, #tpu.memory_space<vmem>>, vector<16xf32>,
        %swap3A_288 = vector.shape_cast %swap3A_287 : vector<16xf32> to vector<16xf32>
        %swap3A_289 = vector.shape_cast %sub3A_285 : vector<16xf32> to vector<16xf32>
        tpu.vector_store %arg27[%swap3A_286], %swap3A_289 {strides = array<i32>} : memref<208xf32, #tpu.memory_space<vmem>>, vector<16xf32>,
        %get3A_290 = arith.index_cast %mul3A_270 : i32 to index
        %get3A_291 = tpu.vector_load %arg22[%get3A_290] {strides = array<i32>} : memref<208xf32, #tpu.memory_space<vmem>>, vector<16xf32>,
        %get3A_292 = vector.shape_cast %get3A_291 : vector<16xf32> to vector<16xf32>
        %get3A_293 = arith.index_cast %mul3A_270 : i32 to index
        %get3A_294 = tpu.vector_load %arg28[%get3A_293] {strides = array<i32>} : memref<208xf32, #tpu.memory_space<vmem>>, vector<16xf32>,
        %get3A_295 = vector.shape_cast %get3A_294 : vector<16xf32> to vector<16xf32>
        %sub3A_296 = arith.subf %get3A_292, %get3A_295 : vector<16xf32>
        %swap3A_297 = arith.index_cast %mul3A_270 : i32 to index
        %swap3A_298 = tpu.vector_load %arg28[%swap3A_297] {strides = array<i32>} : memref<208xf32, #tpu.memory_space<vmem>>, vector<16xf32>,
        %swap3A_299 = vector.shape_cast %swap3A_298 : vector<16xf32> to vector<16xf32>
        %swap3A_300 = vector.shape_cast %sub3A_296 : vector<16xf32> to vector<16xf32>
        tpu.vector_store %arg28[%swap3A_297], %swap3A_300 {strides = array<i32>} : memref<208xf32, #tpu.memory_space<vmem>>, vector<16xf32>,
      }
      %scan3A_221 = arith.constant 13 : i32
      %mul3A_222 = arith.constant 200 : i32
      %mul3A_223 = arith.muli %add3A_204, %mul3A_222 : i32
      %add3A_224 = arith.addi %mul3A_2, %mul3A_223 : i32
      %add3A_225 = arith.constant 0 : i32
      %add3A_226 = arith.addi %add3A_225, %add3A_224 : i32
      %add3A_227 = arith.constant 160000 : i32
      %add3A_228 = arith.addi %add3A_227, %add3A_224 : i32
      %add3A_229 = arith.constant 320000 : i32
      %add3A_230 = arith.addi %add3A_229, %add3A_224 : i32
      %dma_start3A_231 = arith.constant 0 : i32
      %dma_start3A_232 = tpu.memref_slice %arg8[%add3A_224, %dma_start3A_231] : memref<160000x128xf32, #tpu.memory_space<hbm>> -> memref<200x128xf32, #tpu.memory_space<hbm>>
      %dma_start3A_233 = arith.constant 0 : i32
      %dma_start3A_234 = tpu.memref_slice %arg8[%add3A_224, %dma_start3A_233] : memref<160000x128xf32, #tpu.memory_space<hbm>> -> memref<200x128xf32, #tpu.memory_space<hbm>>
      tpu.enqueue_dma source(%arg14 : memref<200x128xf32, #tpu.memory_space<vmem>>) target(%dma_start3A_234 : memref<200x128xf32, #tpu.memory_space<hbm>>) target_semaphore(%arg34 : memref<!tpu.dma_semaphore, #tpu.memory_space<semaphore_mem>>)
      %dma_start3A_235 = arith.constant 0 : i32
      %dma_start3A_236 = tpu.memref_slice %arg9[%add3A_224, %dma_start3A_235] : memref<160000x128xf32, #tpu.memory_space<hbm>> -> memref<200x128xf32, #tpu.memory_space<hbm>>
      %dma_start3A_237 = arith.constant 0 : i32
      %dma_start3A_238 = tpu.memref_slice %arg9[%add3A_224, %dma_start3A_237] : memref<160000x128xf32, #tpu.memory_space<hbm>> -> memref<200x128xf32, #tpu.memory_space<hbm>>
      tpu.enqueue_dma source(%arg16 : memref<200x128xf32, #tpu.memory_space<vmem>>) target(%dma_start3A_238 : memref<200x128xf32, #tpu.memory_space<hbm>>) target_semaphore(%arg34 : memref<!tpu.dma_semaphore, #tpu.memory_space<semaphore_mem>>)
      %dma_start3A_239 = arith.constant 0 : i32
      %dma_start3A_240 = tpu.memref_slice %arg26[%dma_start3A_239] : memref<208xf32, #tpu.memory_space<vmem>> -> memref<200xf32, #tpu.memory_space<vmem>>
      %dma_start3A_241 = tpu.memref_slice %arg10[%add3A_226] : memref<640000xf32, #tpu.memory_space<hbm>> -> memref<200xf32, #tpu.memory_space<hbm>>
      %dma_start3A_242 = tpu.memref_slice %arg10[%add3A_226] : memref<640000xf32, #tpu.memory_space<hbm>> -> memref<200xf32, #tpu.memory_space<hbm>>
      %dma_start3A_243 = arith.constant 0 : i32
      %dma_start3A_244 = tpu.memref_slice %arg26[%dma_start3A_243] : memref<208xf32, #tpu.memory_space<vmem>> -> memref<200xf32, #tpu.memory_space<vmem>>
      tpu.enqueue_dma source(%dma_start3A_244 : memref<200xf32, #tpu.memory_space<vmem>>) target(%dma_start3A_242 : memref<200xf32, #tpu.memory_space<hbm>>) target_semaphore(%arg34 : memref<!tpu.dma_semaphore, #tpu.memory_space<semaphore_mem>>)
      %dma_start3A_245 = arith.constant 0 : i32
      %dma_start3A_246 = tpu.memref_slice %arg27[%dma_start3A_245] : memref<208xf32, #tpu.memory_space<vmem>> -> memref<200xf32, #tpu.memory_space<vmem>>
      %dma_start3A_247 = tpu.memref_slice %arg10[%add3A_228] : memref<640000xf32, #tpu.memory_space<hbm>> -> memref<200xf32, #tpu.memory_space<hbm>>
      %dma_start3A_248 = tpu.memref_slice %arg10[%add3A_228] : memref<640000xf32, #tpu.memory_space<hbm>> -> memref<200xf32, #tpu.memory_space<hbm>>
      %dma_start3A_249 = arith.constant 0 : i32
      %dma_start3A_250 = tpu.memref_slice %arg27[%dma_start3A_249] : memref<208xf32, #tpu.memory_space<vmem>> -> memref<200xf32, #tpu.memory_space<vmem>>
      tpu.enqueue_dma source(%dma_start3A_250 : memref<200xf32, #tpu.memory_space<vmem>>) target(%dma_start3A_248 : memref<200xf32, #tpu.memory_space<hbm>>) target_semaphore(%arg34 : memref<!tpu.dma_semaphore, #tpu.memory_space<semaphore_mem>>)
      %dma_start3A_251 = arith.constant 0 : i32
      %dma_start3A_252 = tpu.memref_slice %arg28[%dma_start3A_251] : memref<208xf32, #tpu.memory_space<vmem>> -> memref<200xf32, #tpu.memory_space<vmem>>
      %dma_start3A_253 = tpu.memref_slice %arg10[%add3A_230] : memref<640000xf32, #tpu.memory_space<hbm>> -> memref<200xf32, #tpu.memory_space<hbm>>
      %dma_start3A_254 = tpu.memref_slice %arg10[%add3A_230] : memref<640000xf32, #tpu.memory_space<hbm>> -> memref<200xf32, #tpu.memory_space<hbm>>
      %dma_start3A_255 = arith.constant 0 : i32
      %dma_start3A_256 = tpu.memref_slice %arg28[%dma_start3A_255] : memref<208xf32, #tpu.memory_space<vmem>> -> memref<200xf32, #tpu.memory_space<vmem>>
      tpu.enqueue_dma source(%dma_start3A_256 : memref<200xf32, #tpu.memory_space<vmem>>) target(%dma_start3A_254 : memref<200xf32, #tpu.memory_space<hbm>>) target_semaphore(%arg34 : memref<!tpu.dma_semaphore, #tpu.memory_space<semaphore_mem>>)
      %add3A_257 = arith.constant 3 : i32
      %add3A_258 = arith.addi %add3A_146, %add3A_257 : i32
      %lt3A_259 = arith.constant 25 : i32
      %lt3A_260 = arith.cmpi slt, %add3A_258, %lt3A_259 : i32
      %convert_element_type3A_261 = arith.extui %lt3A_260 : i1 to i32
      %cond3A_262 = arith.constant 0 : i32
      %cond3A_263 = arith.cmpi ne, %convert_element_type3A_261, %cond3A_262 : i32
      scf.if %cond3A_263 {
        %add3A_264 = arith.constant 1 : i32
        %add3A_265 = arith.addi %add3A_146, %add3A_264 : i32
        %mul3A_266 = arith.constant 200 : i32
        %mul3A_267 = arith.muli %add3A_265, %mul3A_266 : i32
        %add3A_268 = arith.addi %mul3A_2, %mul3A_267 : i32
        %add3A_269 = arith.constant 0 : i32
        %add3A_270 = arith.addi %add3A_269, %add3A_268 : i32
        %add3A_271 = arith.constant 160000 : i32
        %add3A_272 = arith.addi %add3A_271, %add3A_268 : i32
        %add3A_273 = arith.constant 320000 : i32
        %add3A_274 = arith.addi %add3A_273, %add3A_268 : i32
        %dma_wait3A_275 = arith.constant 0 : i32
        %dma_wait3A_276 = tpu.memref_slice %arg8[%add3A_268, %dma_wait3A_275] : memref<160000x128xf32, #tpu.memory_space<hbm>> -> memref<200x128xf32, #tpu.memory_space<hbm>>
        %dma_wait3A_277 = arith.constant 0 : i32
        %dma_wait3A_278 = tpu.memref_slice %arg8[%add3A_268, %dma_wait3A_277] : memref<160000x128xf32, #tpu.memory_space<hbm>> -> memref<200x128xf32, #tpu.memory_space<hbm>>
        tpu.wait_dma2 semaphore(%arg34 : memref<!tpu.dma_semaphore, #tpu.memory_space<semaphore_mem>>) src(%arg14 : memref<200x128xf32, #tpu.memory_space<vmem>>) dst(%dma_wait3A_278 : memref<200x128xf32, #tpu.memory_space<hbm>>)
        %dma_wait3A_279 = arith.constant 0 : i32
        %dma_wait3A_280 = tpu.memref_slice %arg9[%add3A_268, %dma_wait3A_279] : memref<160000x128xf32, #tpu.memory_space<hbm>> -> memref<200x128xf32, #tpu.memory_space<hbm>>
        %dma_wait3A_281 = arith.constant 0 : i32
        %dma_wait3A_282 = tpu.memref_slice %arg9[%add3A_268, %dma_wait3A_281] : memref<160000x128xf32, #tpu.memory_space<hbm>> -> memref<200x128xf32, #tpu.memory_space<hbm>>
        tpu.wait_dma2 semaphore(%arg34 : memref<!tpu.dma_semaphore, #tpu.memory_space<semaphore_mem>>) src(%arg16 : memref<200x128xf32, #tpu.memory_space<vmem>>) dst(%dma_wait3A_282 : memref<200x128xf32, #tpu.memory_space<hbm>>)
        %dma_wait3A_283 = arith.constant 0 : i32
        %dma_wait3A_284 = tpu.memref_slice %arg26[%dma_wait3A_283] : memref<208xf32, #tpu.memory_space<vmem>> -> memref<200xf32, #tpu.memory_space<vmem>>
        %dma_wait3A_285 = tpu.memref_slice %arg10[%add3A_270] : memref<640000xf32, #tpu.memory_space<hbm>> -> memref<200xf32, #tpu.memory_space<hbm>>
        %dma_wait3A_286 = tpu.memref_slice %arg10[%add3A_270] : memref<640000xf32, #tpu.memory_space<hbm>> -> memref<200xf32, #tpu.memory_space<hbm>>
        %dma_wait3A_287 = arith.constant 0 : i32
        %dma_wait3A_288 = tpu.memref_slice %arg26[%dma_wait3A_287] : memref<208xf32, #tpu.memory_space<vmem>> -> memref<200xf32, #tpu.memory_space<vmem>>
        tpu.wait_dma2 semaphore(%arg34 : memref<!tpu.dma_semaphore, #tpu.memory_space<semaphore_mem>>) src(%dma_wait3A_288 : memref<200xf32, #tpu.memory_space<vmem>>) dst(%dma_wait3A_286 : memref<200xf32, #tpu.memory_space<hbm>>)
        %dma_wait3A_289 = arith.constant 0 : i32
        %dma_wait3A_290 = tpu.memref_slice %arg27[%dma_wait3A_289] : memref<208xf32, #tpu.memory_space<vmem>> -> memref<200xf32, #tpu.memory_space<vmem>>
        %dma_wait3A_291 = tpu.memref_slice %arg10[%add3A_272] : memref<640000xf32, #tpu.memory_space<hbm>> -> memref<200xf32, #tpu.memory_space<hbm>>
        %dma_wait3A_292 = tpu.memref_slice %arg10[%add3A_272] : memref<640000xf32, #tpu.memory_space<hbm>> -> memref<200xf32, #tpu.memory_space<hbm>>
        %dma_wait3A_293 = arith.constant 0 : i32
        %dma_wait3A_294 = tpu.memref_slice %arg27[%dma_wait3A_293] : memref<208xf32, #tpu.memory_space<vmem>> -> memref<200xf32, #tpu.memory_space<vmem>>
        tpu.wait_dma2 semaphore(%arg34 : memref<!tpu.dma_semaphore, #tpu.memory_space<semaphore_mem>>) src(%dma_wait3A_294 : memref<200xf32, #tpu.memory_space<vmem>>) dst(%dma_wait3A_292 : memref<200xf32, #tpu.memory_space<hbm>>)
        %dma_wait3A_295 = arith.constant 0 : i32
        %dma_wait3A_296 = tpu.memref_slice %arg28[%dma_wait3A_295] : memref<208xf32, #tpu.memory_space<vmem>> -> memref<200xf32, #tpu.memory_space<vmem>>
        %dma_wait3A_297 = tpu.memref_slice %arg10[%add3A_274] : memref<640000xf32, #tpu.memory_space<hbm>> -> memref<200xf32, #tpu.memory_space<hbm>>
        %dma_wait3A_298 = tpu.memref_slice %arg10[%add3A_274] : memref<640000xf32, #tpu.memory_space<hbm>> -> memref<200xf32, #tpu.memory_space<hbm>>
        %dma_wait3A_299 = arith.constant 0 : i32
        %dma_wait3A_300 = tpu.memref_slice %arg28[%dma_wait3A_299] : memref<208xf32, #tpu.memory_space<vmem>> -> memref<200xf32, #tpu.memory_space<vmem>>
        tpu.wait_dma2 semaphore(%arg34 : memref<!tpu.dma_semaphore, #tpu.memory_space<semaphore_mem>>) src(%dma_wait3A_300 : memref<200xf32, #tpu.memory_space<vmem>>) dst(%dma_wait3A_298 : memref<200xf32, #tpu.memory_space<hbm>>)
        %add3A_301 = arith.constant 3 : i32
        %add3A_302 = arith.addi %add3A_146, %add3A_301 : i32
        %mul3A_303 = arith.constant 200 : i32
        %mul3A_304 = arith.muli %add3A_302, %mul3A_303 : i32
        %mul3A_305 = arith.constant 200 : i32
        %mul3A_306 = arith.muli %add3A_302, %mul3A_305 : i32
        %dma_start3A_307 = tpu.memref_slice %arg11[%mul3A_304] : memref<5000xi32, #tpu.memory_space<vmem>> -> memref<200xi32, #tpu.memory_space<vmem>>
        %dma_start3A_308 = arith.constant 0 : i32
        %dma_start3A_309 = arith.constant 0 : i32
        %dma_start3A_310 = tpu.memref_slice %arg2[%dma_start3A_308, %dma_start3A_309] : memref<10000x128xf32, #tpu.memory_space<hbm>> -> memref<10000x128xf32, #tpu.memory_space<hbm>>
        tpu.enqueue_indirect_dma source(%dma_start3A_310 : memref<10000x128xf32, #tpu.memory_space<hbm>>) target(%arg14 : memref<200x128xf32, #tpu.memory_space<vmem>>) offsets(%dma_start3A_307 : memref<200xi32, #tpu.memory_space<vmem>>) semaphore(%arg30 : memref<!tpu.dma_semaphore, #tpu.memory_space<semaphore_mem>>)
        %dma_start3A_311 = tpu.memref_slice %arg12[%mul3A_306] : memref<5000xi32, #tpu.memory_space<vmem>> -> memref<200xi32, #tpu.memory_space<vmem>>
        %dma_start3A_312 = arith.constant 0 : i32
        %dma_start3A_313 = arith.constant 0 : i32
        %dma_start3A_314 = tpu.memref_slice %arg2[%dma_start3A_312, %dma_start3A_313] : memref<10000x128xf32, #tpu.memory_space<hbm>> -> memref<10000x128xf32, #tpu.memory_space<hbm>>
        tpu.enqueue_indirect_dma source(%dma_start3A_314 : memref<10000x128xf32, #tpu.memory_space<hbm>>) target(%arg16 : memref<200x128xf32, #tpu.memory_space<vmem>>) offsets(%dma_start3A_311 : memref<200xi32, #tpu.memory_space<vmem>>) semaphore(%arg30 : memref<!tpu.dma_semaphore, #tpu.memory_space<semaphore_mem>>)
      } else {
      }
    }
    %scan3A_25 = arith.constant 12 : i32
    %dma_wait3A = arith.constant 4800 : i32
    %dma_wait3A_26 = tpu.memref_slice %arg11[%dma_wait3A] : memref<5000xi32, #tpu.memory_space<vmem>> -> memref<200xi32, #tpu.memory_space<vmem>>
    %dma_wait3A_27 = arith.constant 0 : i32
    %dma_wait3A_28 = arith.constant 0 : i32
    %dma_wait3A_29 = tpu.memref_slice %arg2[%dma_wait3A_27, %dma_wait3A_28] : memref<10000x128xf32, #tpu.memory_space<hbm>> -> memref<10000x128xf32, #tpu.memory_space<hbm>>
    tpu.wait_indirect_dma semaphore(%arg29 : memref<!tpu.dma_semaphore, #tpu.memory_space<semaphore_mem>>) src(%dma_wait3A_29 : memref<10000x128xf32, #tpu.memory_space<hbm>>) dst(%arg13 : memref<200x128xf32, #tpu.memory_space<vmem>>)
    %dma_wait3A_30 = arith.constant 4800 : i32
    %dma_wait3A_31 = tpu.memref_slice %arg12[%dma_wait3A_30] : memref<5000xi32, #tpu.memory_space<vmem>> -> memref<200xi32, #tpu.memory_space<vmem>>
    %dma_wait3A_32 = arith.constant 0 : i32
    %dma_wait3A_33 = arith.constant 0 : i32
    %dma_wait3A_34 = tpu.memref_slice %arg2[%dma_wait3A_32, %dma_wait3A_33] : memref<10000x128xf32, #tpu.memory_space<hbm>> -> memref<10000x128xf32, #tpu.memory_space<hbm>>
    tpu.wait_indirect_dma semaphore(%arg29 : memref<!tpu.dma_semaphore, #tpu.memory_space<semaphore_mem>>) src(%dma_wait3A_34 : memref<10000x128xf32, #tpu.memory_space<hbm>>) dst(%arg15 : memref<200x128xf32, #tpu.memory_space<vmem>>)
    %scan3A_35 = arith.constant 0 : i32
    %scan3A_36 = arith.constant 13 : i32
    %scan3A_37 = arith.addi %scan3A_35, %scan3A_36 : i32
    %scan3A_38 = arith.constant 1 : i32
    scf.for %scan3A_142 = %scan3A_35 to %scan3A_37 step %scan3A_38  : i32 {
      %mul3A_143 = arith.constant 1 : i32
      %mul3A_144 = arith.muli %scan3A_142, %mul3A_143 : i32
      %add3A_145 = arith.constant 0 : i32
      %add3A_146 = arith.addi %add3A_145, %mul3A_144 : i32
      %mul3A_147 = arith.constant 16 : i32
      %mul3A_148 = arith.muli %add3A_146, %mul3A_147 : i32
      %get3A = arith.index_cast %mul3A_148 : i32 to index
      %get3A_149 = tpu.vector_load %arg17[%get3A] {strides = array<i32>} : memref<208xf32, #tpu.memory_space<vmem>>, vector<16xf32>,
      %get3A_150 = vector.shape_cast %get3A_149 : vector<16xf32> to vector<16xf32>
      %get3A_151 = arith.index_cast %mul3A_148 : i32 to index
      %get3A_152 = tpu.vector_load %arg23[%get3A_151] {strides = array<i32>} : memref<208xf32, #tpu.memory_space<vmem>>, vector<16xf32>,
      %get3A_153 = vector.shape_cast %get3A_152 : vector<16xf32> to vector<16xf32>
      %sub3A = arith.subf %get3A_150, %get3A_153 : vector<16xf32>
      %swap3A = arith.index_cast %mul3A_148 : i32 to index
      %swap3A_154 = tpu.vector_load %arg23[%swap3A] {strides = array<i32>} : memref<208xf32, #tpu.memory_space<vmem>>, vector<16xf32>,
      %swap3A_155 = vector.shape_cast %swap3A_154 : vector<16xf32> to vector<16xf32>
      %swap3A_156 = vector.shape_cast %sub3A : vector<16xf32> to vector<16xf32>
      tpu.vector_store %arg23[%swap3A], %swap3A_156 {strides = array<i32>} : memref<208xf32, #tpu.memory_space<vmem>>, vector<16xf32>,
      %get3A_157 = arith.index_cast %mul3A_148 : i32 to index
      %get3A_158 = tpu.vector_load %arg18[%get3A_157] {strides = array<i32>} : memref<208xf32, #tpu.memory_space<vmem>>, vector<16xf32>,
      %get3A_159 = vector.shape_cast %get3A_158 : vector<16xf32> to vector<16xf32>
      %get3A_160 = arith.index_cast %mul3A_148 : i32 to index
      %get3A_161 = tpu.vector_load %arg24[%get3A_160] {strides = array<i32>} : memref<208xf32, #tpu.memory_space<vmem>>, vector<16xf32>,
      %get3A_162 = vector.shape_cast %get3A_161 : vector<16xf32> to vector<16xf32>
      %sub3A_163 = arith.subf %get3A_159, %get3A_162 : vector<16xf32>
      %swap3A_164 = arith.index_cast %mul3A_148 : i32 to index
      %swap3A_165 = tpu.vector_load %arg24[%swap3A_164] {strides = array<i32>} : memref<208xf32, #tpu.memory_space<vmem>>, vector<16xf32>,
      %swap3A_166 = vector.shape_cast %swap3A_165 : vector<16xf32> to vector<16xf32>
      %swap3A_167 = vector.shape_cast %sub3A_163 : vector<16xf32> to vector<16xf32>
      tpu.vector_store %arg24[%swap3A_164], %swap3A_167 {strides = array<i32>} : memref<208xf32, #tpu.memory_space<vmem>>, vector<16xf32>,
      %get3A_168 = arith.index_cast %mul3A_148 : i32 to index
      %get3A_169 = tpu.vector_load %arg19[%get3A_168] {strides = array<i32>} : memref<208xf32, #tpu.memory_space<vmem>>, vector<16xf32>,
      %get3A_170 = vector.shape_cast %get3A_169 : vector<16xf32> to vector<16xf32>
      %get3A_171 = arith.index_cast %mul3A_148 : i32 to index
      %get3A_172 = tpu.vector_load %arg25[%get3A_171] {strides = array<i32>} : memref<208xf32, #tpu.memory_space<vmem>>, vector<16xf32>,
      %get3A_173 = vector.shape_cast %get3A_172 : vector<16xf32> to vector<16xf32>
      %sub3A_174 = arith.subf %get3A_170, %get3A_173 : vector<16xf32>
      %swap3A_175 = arith.index_cast %mul3A_148 : i32 to index
      %swap3A_176 = tpu.vector_load %arg25[%swap3A_175] {strides = array<i32>} : memref<208xf32, #tpu.memory_space<vmem>>, vector<16xf32>,
      %swap3A_177 = vector.shape_cast %swap3A_176 : vector<16xf32> to vector<16xf32>
      %swap3A_178 = vector.shape_cast %sub3A_174 : vector<16xf32> to vector<16xf32>
      tpu.vector_store %arg25[%swap3A_175], %swap3A_178 {strides = array<i32>} : memref<208xf32, #tpu.memory_space<vmem>>, vector<16xf32>,
    }
    %scan3A_39 = arith.constant 13 : i32
    %add3A_40 = arith.constant 4800 : i32
    %add3A_41 = arith.addi %mul3A_2, %add3A_40 : i32
    %add3A_42 = arith.constant 0 : i32
    %add3A_43 = arith.addi %add3A_42, %add3A_41 : i32
    %add3A_44 = arith.constant 160000 : i32
    %add3A_45 = arith.addi %add3A_44, %add3A_41 : i32
    %add3A_46 = arith.constant 320000 : i32
    %add3A_47 = arith.addi %add3A_46, %add3A_41 : i32
    %dma_start3A_48 = arith.constant 0 : i32
    %dma_start3A_49 = tpu.memref_slice %arg8[%add3A_41, %dma_start3A_48] : memref<160000x128xf32, #tpu.memory_space<hbm>> -> memref<200x128xf32, #tpu.memory_space<hbm>>
    %dma_start3A_50 = arith.constant 0 : i32
    %dma_start3A_51 = tpu.memref_slice %arg8[%add3A_41, %dma_start3A_50] : memref<160000x128xf32, #tpu.memory_space<hbm>> -> memref<200x128xf32, #tpu.memory_space<hbm>>
    tpu.enqueue_dma source(%arg13 : memref<200x128xf32, #tpu.memory_space<vmem>>) target(%dma_start3A_51 : memref<200x128xf32, #tpu.memory_space<hbm>>) target_semaphore(%arg33 : memref<!tpu.dma_semaphore, #tpu.memory_space<semaphore_mem>>)
    %dma_start3A_52 = arith.constant 0 : i32
    %dma_start3A_53 = tpu.memref_slice %arg9[%add3A_41, %dma_start3A_52] : memref<160000x128xf32, #tpu.memory_space<hbm>> -> memref<200x128xf32, #tpu.memory_space<hbm>>
    %dma_start3A_54 = arith.constant 0 : i32
    %dma_start3A_55 = tpu.memref_slice %arg9[%add3A_41, %dma_start3A_54] : memref<160000x128xf32, #tpu.memory_space<hbm>> -> memref<200x128xf32, #tpu.memory_space<hbm>>
    tpu.enqueue_dma source(%arg15 : memref<200x128xf32, #tpu.memory_space<vmem>>) target(%dma_start3A_55 : memref<200x128xf32, #tpu.memory_space<hbm>>) target_semaphore(%arg33 : memref<!tpu.dma_semaphore, #tpu.memory_space<semaphore_mem>>)
    %dma_start3A_56 = arith.constant 0 : i32
    %dma_start3A_57 = tpu.memref_slice %arg23[%dma_start3A_56] : memref<208xf32, #tpu.memory_space<vmem>> -> memref<200xf32, #tpu.memory_space<vmem>>
    %dma_start3A_58 = tpu.memref_slice %arg10[%add3A_43] : memref<640000xf32, #tpu.memory_space<hbm>> -> memref<200xf32, #tpu.memory_space<hbm>>
    %dma_start3A_59 = tpu.memref_slice %arg10[%add3A_43] : memref<640000xf32, #tpu.memory_space<hbm>> -> memref<200xf32, #tpu.memory_space<hbm>>
    %dma_start3A_60 = arith.constant 0 : i32
    %dma_start3A_61 = tpu.memref_slice %arg23[%dma_start3A_60] : memref<208xf32, #tpu.memory_space<vmem>> -> memref<200xf32, #tpu.memory_space<vmem>>
    tpu.enqueue_dma source(%dma_start3A_61 : memref<200xf32, #tpu.memory_space<vmem>>) target(%dma_start3A_59 : memref<200xf32, #tpu.memory_space<hbm>>) target_semaphore(%arg33 : memref<!tpu.dma_semaphore, #tpu.memory_space<semaphore_mem>>)
    %dma_start3A_62 = arith.constant 0 : i32
    %dma_start3A_63 = tpu.memref_slice %arg24[%dma_start3A_62] : memref<208xf32, #tpu.memory_space<vmem>> -> memref<200xf32, #tpu.memory_space<vmem>>
    %dma_start3A_64 = tpu.memref_slice %arg10[%add3A_45] : memref<640000xf32, #tpu.memory_space<hbm>> -> memref<200xf32, #tpu.memory_space<hbm>>
    %dma_start3A_65 = tpu.memref_slice %arg10[%add3A_45] : memref<640000xf32, #tpu.memory_space<hbm>> -> memref<200xf32, #tpu.memory_space<hbm>>
    %dma_start3A_66 = arith.constant 0 : i32
    %dma_start3A_67 = tpu.memref_slice %arg24[%dma_start3A_66] : memref<208xf32, #tpu.memory_space<vmem>> -> memref<200xf32, #tpu.memory_space<vmem>>
    tpu.enqueue_dma source(%dma_start3A_67 : memref<200xf32, #tpu.memory_space<vmem>>) target(%dma_start3A_65 : memref<200xf32, #tpu.memory_space<hbm>>) target_semaphore(%arg33 : memref<!tpu.dma_semaphore, #tpu.memory_space<semaphore_mem>>)
    %dma_start3A_68 = arith.constant 0 : i32
    %dma_start3A_69 = tpu.memref_slice %arg25[%dma_start3A_68] : memref<208xf32, #tpu.memory_space<vmem>> -> memref<200xf32, #tpu.memory_space<vmem>>
    %dma_start3A_70 = tpu.memref_slice %arg10[%add3A_47] : memref<640000xf32, #tpu.memory_space<hbm>> -> memref<200xf32, #tpu.memory_space<hbm>>
    %dma_start3A_71 = tpu.memref_slice %arg10[%add3A_47] : memref<640000xf32, #tpu.memory_space<hbm>> -> memref<200xf32, #tpu.memory_space<hbm>>
    %dma_start3A_72 = arith.constant 0 : i32
    %dma_start3A_73 = tpu.memref_slice %arg25[%dma_start3A_72] : memref<208xf32, #tpu.memory_space<vmem>> -> memref<200xf32, #tpu.memory_space<vmem>>
    tpu.enqueue_dma source(%dma_start3A_73 : memref<200xf32, #tpu.memory_space<vmem>>) target(%dma_start3A_71 : memref<200xf32, #tpu.memory_space<hbm>>) target_semaphore(%arg33 : memref<!tpu.dma_semaphore, #tpu.memory_space<semaphore_mem>>)
    %add3A_74 = arith.constant 4800 : i32
    %add3A_75 = arith.addi %mul3A_2, %add3A_74 : i32
    %add3A_76 = arith.constant 0 : i32
    %add3A_77 = arith.addi %add3A_76, %add3A_75 : i32
    %add3A_78 = arith.constant 160000 : i32
    %add3A_79 = arith.addi %add3A_78, %add3A_75 : i32
    %add3A_80 = arith.constant 320000 : i32
    %add3A_81 = arith.addi %add3A_80, %add3A_75 : i32
    %dma_wait3A_82 = arith.constant 0 : i32
    %dma_wait3A_83 = tpu.memref_slice %arg8[%add3A_75, %dma_wait3A_82] : memref<160000x128xf32, #tpu.memory_space<hbm>> -> memref<200x128xf32, #tpu.memory_space<hbm>>
    %dma_wait3A_84 = arith.constant 0 : i32
    %dma_wait3A_85 = tpu.memref_slice %arg8[%add3A_75, %dma_wait3A_84] : memref<160000x128xf32, #tpu.memory_space<hbm>> -> memref<200x128xf32, #tpu.memory_space<hbm>>
    tpu.wait_dma2 semaphore(%arg33 : memref<!tpu.dma_semaphore, #tpu.memory_space<semaphore_mem>>) src(%arg13 : memref<200x128xf32, #tpu.memory_space<vmem>>) dst(%dma_wait3A_85 : memref<200x128xf32, #tpu.memory_space<hbm>>)
    %dma_wait3A_86 = arith.constant 0 : i32
    %dma_wait3A_87 = tpu.memref_slice %arg9[%add3A_75, %dma_wait3A_86] : memref<160000x128xf32, #tpu.memory_space<hbm>> -> memref<200x128xf32, #tpu.memory_space<hbm>>
    %dma_wait3A_88 = arith.constant 0 : i32
    %dma_wait3A_89 = tpu.memref_slice %arg9[%add3A_75, %dma_wait3A_88] : memref<160000x128xf32, #tpu.memory_space<hbm>> -> memref<200x128xf32, #tpu.memory_space<hbm>>
    tpu.wait_dma2 semaphore(%arg33 : memref<!tpu.dma_semaphore, #tpu.memory_space<semaphore_mem>>) src(%arg15 : memref<200x128xf32, #tpu.memory_space<vmem>>) dst(%dma_wait3A_89 : memref<200x128xf32, #tpu.memory_space<hbm>>)
    %dma_wait3A_90 = arith.constant 0 : i32
    %dma_wait3A_91 = tpu.memref_slice %arg23[%dma_wait3A_90] : memref<208xf32, #tpu.memory_space<vmem>> -> memref<200xf32, #tpu.memory_space<vmem>>
    %dma_wait3A_92 = tpu.memref_slice %arg10[%add3A_77] : memref<640000xf32, #tpu.memory_space<hbm>> -> memref<200xf32, #tpu.memory_space<hbm>>
    %dma_wait3A_93 = tpu.memref_slice %arg10[%add3A_77] : memref<640000xf32, #tpu.memory_space<hbm>> -> memref<200xf32, #tpu.memory_space<hbm>>
    %dma_wait3A_94 = arith.constant 0 : i32
    %dma_wait3A_95 = tpu.memref_slice %arg23[%dma_wait3A_94] : memref<208xf32, #tpu.memory_space<vmem>> -> memref<200xf32, #tpu.memory_space<vmem>>
    tpu.wait_dma2 semaphore(%arg33 : memref<!tpu.dma_semaphore, #tpu.memory_space<semaphore_mem>>) src(%dma_wait3A_95 : memref<200xf32, #tpu.memory_space<vmem>>) dst(%dma_wait3A_93 : memref<200xf32, #tpu.memory_space<hbm>>)
    %dma_wait3A_96 = arith.constant 0 : i32
    %dma_wait3A_97 = tpu.memref_slice %arg24[%dma_wait3A_96] : memref<208xf32, #tpu.memory_space<vmem>> -> memref<200xf32, #tpu.memory_space<vmem>>
    %dma_wait3A_98 = tpu.memref_slice %arg10[%add3A_79] : memref<640000xf32, #tpu.memory_space<hbm>> -> memref<200xf32, #tpu.memory_space<hbm>>
    %dma_wait3A_99 = tpu.memref_slice %arg10[%add3A_79] : memref<640000xf32, #tpu.memory_space<hbm>> -> memref<200xf32, #tpu.memory_space<hbm>>
    %dma_wait3A_100 = arith.constant 0 : i32
    %dma_wait3A_101 = tpu.memref_slice %arg24[%dma_wait3A_100] : memref<208xf32, #tpu.memory_space<vmem>> -> memref<200xf32, #tpu.memory_space<vmem>>
    tpu.wait_dma2 semaphore(%arg33 : memref<!tpu.dma_semaphore, #tpu.memory_space<semaphore_mem>>) src(%dma_wait3A_101 : memref<200xf32, #tpu.memory_space<vmem>>) dst(%dma_wait3A_99 : memref<200xf32, #tpu.memory_space<hbm>>)
    %dma_wait3A_102 = arith.constant 0 : i32
    %dma_wait3A_103 = tpu.memref_slice %arg25[%dma_wait3A_102] : memref<208xf32, #tpu.memory_space<vmem>> -> memref<200xf32, #tpu.memory_space<vmem>>
    %dma_wait3A_104 = tpu.memref_slice %arg10[%add3A_81] : memref<640000xf32, #tpu.memory_space<hbm>> -> memref<200xf32, #tpu.memory_space<hbm>>
    %dma_wait3A_105 = tpu.memref_slice %arg10[%add3A_81] : memref<640000xf32, #tpu.memory_space<hbm>> -> memref<200xf32, #tpu.memory_space<hbm>>
    %dma_wait3A_106 = arith.constant 0 : i32
    %dma_wait3A_107 = tpu.memref_slice %arg25[%dma_wait3A_106] : memref<208xf32, #tpu.memory_space<vmem>> -> memref<200xf32, #tpu.memory_space<vmem>>
    tpu.wait_dma2 semaphore(%arg33 : memref<!tpu.dma_semaphore, #tpu.memory_space<semaphore_mem>>) src(%dma_wait3A_107 : memref<200xf32, #tpu.memory_space<vmem>>) dst(%dma_wait3A_105 : memref<200xf32, #tpu.memory_space<hbm>>)
    %add3A_108 = arith.constant 4600 : i32
    %add3A_109 = arith.addi %mul3A_2, %add3A_108 : i32
    %add3A_110 = arith.constant 0 : i32
    %add3A_111 = arith.addi %add3A_110, %add3A_109 : i32
    %add3A_112 = arith.constant 160000 : i32
    %add3A_113 = arith.addi %add3A_112, %add3A_109 : i32
    %add3A_114 = arith.constant 320000 : i32
    %add3A_115 = arith.addi %add3A_114, %add3A_109 : i32
    %dma_wait3A_116 = arith.constant 0 : i32
    %dma_wait3A_117 = tpu.memref_slice %arg8[%add3A_109, %dma_wait3A_116] : memref<160000x128xf32, #tpu.memory_space<hbm>> -> memref<200x128xf32, #tpu.memory_space<hbm>>
    %dma_wait3A_118 = arith.constant 0 : i32
    %dma_wait3A_119 = tpu.memref_slice %arg8[%add3A_109, %dma_wait3A_118] : memref<160000x128xf32, #tpu.memory_space<hbm>> -> memref<200x128xf32, #tpu.memory_space<hbm>>
    tpu.wait_dma2 semaphore(%arg34 : memref<!tpu.dma_semaphore, #tpu.memory_space<semaphore_mem>>) src(%arg14 : memref<200x128xf32, #tpu.memory_space<vmem>>) dst(%dma_wait3A_119 : memref<200x128xf32, #tpu.memory_space<hbm>>)
    %dma_wait3A_120 = arith.constant 0 : i32
    %dma_wait3A_121 = tpu.memref_slice %arg9[%add3A_109, %dma_wait3A_120] : memref<160000x128xf32, #tpu.memory_space<hbm>> -> memref<200x128xf32, #tpu.memory_space<hbm>>
    %dma_wait3A_122 = arith.constant 0 : i32
    %dma_wait3A_123 = tpu.memref_slice %arg9[%add3A_109, %dma_wait3A_122] : memref<160000x128xf32, #tpu.memory_space<hbm>> -> memref<200x128xf32, #tpu.memory_space<hbm>>
    tpu.wait_dma2 semaphore(%arg34 : memref<!tpu.dma_semaphore, #tpu.memory_space<semaphore_mem>>) src(%arg16 : memref<200x128xf32, #tpu.memory_space<vmem>>) dst(%dma_wait3A_123 : memref<200x128xf32, #tpu.memory_space<hbm>>)
    %dma_wait3A_124 = arith.constant 0 : i32
    %dma_wait3A_125 = tpu.memref_slice %arg26[%dma_wait3A_124] : memref<208xf32, #tpu.memory_space<vmem>> -> memref<200xf32, #tpu.memory_space<vmem>>
    %dma_wait3A_126 = tpu.memref_slice %arg10[%add3A_111] : memref<640000xf32, #tpu.memory_space<hbm>> -> memref<200xf32, #tpu.memory_space<hbm>>
    %dma_wait3A_127 = tpu.memref_slice %arg10[%add3A_111] : memref<640000xf32, #tpu.memory_space<hbm>> -> memref<200xf32, #tpu.memory_space<hbm>>
    %dma_wait3A_128 = arith.constant 0 : i32
    %dma_wait3A_129 = tpu.memref_slice %arg26[%dma_wait3A_128] : memref<208xf32, #tpu.memory_space<vmem>> -> memref<200xf32, #tpu.memory_space<vmem>>
    tpu.wait_dma2 semaphore(%arg34 : memref<!tpu.dma_semaphore, #tpu.memory_space<semaphore_mem>>) src(%dma_wait3A_129 : memref<200xf32, #tpu.memory_space<vmem>>) dst(%dma_wait3A_127 : memref<200xf32, #tpu.memory_space<hbm>>)
    %dma_wait3A_130 = arith.constant 0 : i32
    %dma_wait3A_131 = tpu.memref_slice %arg27[%dma_wait3A_130] : memref<208xf32, #tpu.memory_space<vmem>> -> memref<200xf32, #tpu.memory_space<vmem>>
    %dma_wait3A_132 = tpu.memref_slice %arg10[%add3A_113] : memref<640000xf32, #tpu.memory_space<hbm>> -> memref<200xf32, #tpu.memory_space<hbm>>
    %dma_wait3A_133 = tpu.memref_slice %arg10[%add3A_113] : memref<640000xf32, #tpu.memory_space<hbm>> -> memref<200xf32, #tpu.memory_space<hbm>>
    %dma_wait3A_134 = arith.constant 0 : i32
    %dma_wait3A_135 = tpu.memref_slice %arg27[%dma_wait3A_134] : memref<208xf32, #tpu.memory_space<vmem>> -> memref<200xf32, #tpu.memory_space<vmem>>
    tpu.wait_dma2 semaphore(%arg34 : memref<!tpu.dma_semaphore, #tpu.memory_space<semaphore_mem>>) src(%dma_wait3A_135 : memref<200xf32, #tpu.memory_space<vmem>>) dst(%dma_wait3A_133 : memref<200xf32, #tpu.memory_space<hbm>>)
    %dma_wait3A_136 = arith.constant 0 : i32
    %dma_wait3A_137 = tpu.memref_slice %arg28[%dma_wait3A_136] : memref<208xf32, #tpu.memory_space<vmem>> -> memref<200xf32, #tpu.memory_space<vmem>>
    %dma_wait3A_138 = tpu.memref_slice %arg10[%add3A_115] : memref<640000xf32, #tpu.memory_space<hbm>> -> memref<200xf32, #tpu.memory_space<hbm>>
    %dma_wait3A_139 = tpu.memref_slice %arg10[%add3A_115] : memref<640000xf32, #tpu.memory_space<hbm>> -> memref<200xf32, #tpu.memory_space<hbm>>
    %dma_wait3A_140 = arith.constant 0 : i32
    %dma_wait3A_141 = tpu.memref_slice %arg28[%dma_wait3A_140] : memref<208xf32, #tpu.memory_space<vmem>> -> memref<200xf32, #tpu.memory_space<vmem>>
    tpu.wait_dma2 semaphore(%arg34 : memref<!tpu.dma_semaphore, #tpu.memory_space<semaphore_mem>>) src(%dma_wait3A_141 : memref<200xf32, #tpu.memory_space<vmem>>) dst(%dma_wait3A_139 : memref<200xf32, #tpu.memory_space<hbm>>)
    return
  }
}

module attributes {stable_mosaic.version = 14 : i64} {
  func.func @_edge_mlp_body(%arg0: i32, %arg1: memref<1280x128xf32, #tpu.memory_space<vmem>>, %arg2: memref<1280x128xf32, #tpu.memory_space<vmem>>, %arg3: memref<4x1280xf32, #tpu.memory_space<vmem>>, %arg4: memref<128x128xf32, #tpu.memory_space<vmem>>, %arg5: memref<4x128xf32, #tpu.memory_space<vmem>>, %arg6: memref<1x128xf32, #tpu.memory_space<vmem>>, %arg7: memref<1x128xf32, #tpu.memory_space<vmem>>, %arg8: memref<1x128xf32, #tpu.memory_space<vmem>>, %arg9: memref<128x128xf32, #tpu.memory_space<vmem>>, %arg10: memref<4x128xf32, #tpu.memory_space<vmem>>, %arg11: memref<1x128xf32, #tpu.memory_space<vmem>>, %arg12: memref<1x128xf32, #tpu.memory_space<vmem>>, %arg13: memref<1x128xf32, #tpu.memory_space<vmem>>, %arg14: memref<128x128xf32, #tpu.memory_space<vmem>>, %arg15: memref<4x128xf32, #tpu.memory_space<vmem>>, %arg16: memref<1x128xf32, #tpu.memory_space<vmem>>, %arg17: memref<1x128xf32, #tpu.memory_space<vmem>>, %arg18: memref<1x128xf32, #tpu.memory_space<vmem>>, %arg19: memref<1280x128xf32, #tpu.memory_space<vmem>>, %arg20: memref<1280x128xf32, #tpu.memory_space<vmem>>) attributes {dimension_semantics = [#tpu.dimension_semantics<arbitrary>], iteration_bounds = array<i64: 125>, scalar_prefetch = 0 : i64, scratch_operands = 0 : i64, tpu.core_type = #tpu.core_type<tc>, window_params = [{transform_indices = @transform_0, window_bounds = array<i64: 1280, 128>}, {transform_indices = @transform_1, window_bounds = array<i64: 1280, 128>}, {transform_indices = @transform_2, window_bounds = array<i64: 4, 1280>}, {pipeline_mode = #tpu.pipeline_mode<synchronous>, transform_indices = @transform_3, window_bounds = array<i64: 128, 128>}, {pipeline_mode = #tpu.pipeline_mode<synchronous>, transform_indices = @transform_4, window_bounds = array<i64: 4, 128>}, {pipeline_mode = #tpu.pipeline_mode<synchronous>, transform_indices = @transform_5, window_bounds = array<i64: 1, 128>}, {pipeline_mode = #tpu.pipeline_mode<synchronous>, transform_indices = @transform_6, window_bounds = array<i64: 1, 128>}, {pipeline_mode = #tpu.pipeline_mode<synchronous>, transform_indices = @transform_7, window_bounds = array<i64: 1, 128>}, {pipeline_mode = #tpu.pipeline_mode<synchronous>, transform_indices = @transform_8, window_bounds = array<i64: 128, 128>}, {pipeline_mode = #tpu.pipeline_mode<synchronous>, transform_indices = @transform_9, window_bounds = array<i64: 4, 128>}, {pipeline_mode = #tpu.pipeline_mode<synchronous>, transform_indices = @transform_10, window_bounds = array<i64: 1, 128>}, {pipeline_mode = #tpu.pipeline_mode<synchronous>, transform_indices = @transform_11, window_bounds = array<i64: 1, 128>}, {pipeline_mode = #tpu.pipeline_mode<synchronous>, transform_indices = @transform_12, window_bounds = array<i64: 1, 128>}, {pipeline_mode = #tpu.pipeline_mode<synchronous>, transform_indices = @transform_13, window_bounds = array<i64: 128, 128>}, {pipeline_mode = #tpu.pipeline_mode<synchronous>, transform_indices = @transform_14, window_bounds = array<i64: 4, 128>}, {pipeline_mode = #tpu.pipeline_mode<synchronous>, transform_indices = @transform_15, window_bounds = array<i64: 1, 128>}, {pipeline_mode = #tpu.pipeline_mode<synchronous>, transform_indices = @transform_16, window_bounds = array<i64: 1, 128>}, {pipeline_mode = #tpu.pipeline_mode<synchronous>, transform_indices = @transform_17, window_bounds = array<i64: 1, 128>}, {transform_indices = @transform_18, window_bounds = array<i64: 1280, 128>}, {transform_indices = @transform_19, window_bounds = array<i64: 1280, 128>}]} {
    %get3A = arith.constant 0 : index
    %get3A_0 = arith.constant 0 : index
    %get3A_1 = vector.load %arg1[%get3A, %get3A_0] : memref<1280x128xf32, #tpu.memory_space<vmem>>, vector<1280x128xf32>
    %get3A_2 = arith.constant 0 : index
    %get3A_3 = arith.constant 0 : index
    %get3A_4 = vector.load %arg2[%get3A_2, %get3A_3] : memref<1280x128xf32, #tpu.memory_space<vmem>>, vector<1280x128xf32>
    %iota3A = tpu.iota {dimensions = array<i32: 0>} : vector<4x1280xi32>
    %lt3A = arith.constant 3 : i32
    %lt3A_5 = vector.broadcast %lt3A : i32 to vector<4x1280xi32>
    %lt3A_6 = arith.cmpi slt, %iota3A, %lt3A_5 : vector<4x1280xi32>
    %get3A_7 = arith.constant 0 : index
    %get3A_8 = arith.constant 0 : index
    %get3A_9 = vector.load %arg3[%get3A_7, %get3A_8] : memref<4x1280xf32, #tpu.memory_space<vmem>>, vector<4x1280xf32>
    %jit3A = arith.constant 0.000000e+00 : f32
    %broadcast_in_dim3A = vector.broadcast %jit3A : f32 to vector<4x1280xf32>
    %select_n3A = arith.select %lt3A_6, %get3A_9, %broadcast_in_dim3A : vector<4x1280xi1>, vector<4x1280xf32>
    %get3A_10 = arith.constant 0 : index
    %get3A_11 = arith.constant 0 : index
    %get3A_12 = vector.load %arg4[%get3A_10, %get3A_11] : memref<128x128xf32, #tpu.memory_space<vmem>>, vector<128x128xf32>
    %dot_general3A = arith.constant dense<0.000000e+00> : vector<1280x128xf32>
    %dot_general3A_13 = tpu.matmul %get3A_1, %get3A_12, %dot_general3A {dimension_numbers = #tpu.dot_dimension_numbers<[1], [0], [0], [1], [0, 0, 1, 1], [], []>, transpose_lhs_hint = false} : vector<1280x128xf32>, vector<128x128xf32>, vector<1280x128xf32> -> vector<1280x128xf32>
    %get3A_14 = arith.constant 0 : index
    %get3A_15 = arith.constant 0 : index
    %get3A_16 = vector.load %arg5[%get3A_14, %get3A_15] : memref<4x128xf32, #tpu.memory_space<vmem>>, vector<4x128xf32>
    %dot_general3A_17 = arith.constant dense<0.000000e+00> : vector<1280x128xf32>
    %dot_general3A_18 = tpu.matmul %select_n3A, %get3A_16, %dot_general3A_17 {dimension_numbers = #tpu.dot_dimension_numbers<[0], [0], [1], [1], [0, 1, 1, 1], [], []>, transpose_lhs_hint = false} : vector<4x1280xf32>, vector<4x128xf32>, vector<1280x128xf32> -> vector<1280x128xf32>
    %add3A = arith.addf %dot_general3A_13, %dot_general3A_18 : vector<1280x128xf32>
    %get3A_19 = arith.constant 0 : index
    %get3A_20 = arith.constant 0 : index
    %get3A_21 = vector.load %arg6[%get3A_19, %get3A_20] : memref<1x128xf32, #tpu.memory_space<vmem>>, vector<1x128xf32>
    %add3A_22 = vector.broadcast %get3A_21 : vector<1x128xf32> to vector<1280x128xf32>
    %add3A_23 = arith.addf %add3A, %add3A_22 : vector<1280x128xf32>
    %max3A = arith.constant 0.000000e+00 : f32
    %max3A_24 = vector.broadcast %max3A : f32 to vector<1280x128xf32>
    %max3A_25 = arith.maximumf %add3A_23, %max3A_24 : vector<1280x128xf32>
    %reduce_sum3A = arith.constant dense<0.000000e+00> : vector<1280xf32>
    %reduce_sum3A_26 = vector.multi_reduction <add>, %max3A_25, %reduce_sum3A [1] : vector<1280x128xf32> to vector<1280xf32>
    %broadcast_in_dim3A_27 = vector.shape_cast %reduce_sum3A_26 : vector<1280xf32> to vector<1280x1xf32>
    %div3A = arith.constant 1.280000e+02 : f32
    %div3A_28 = vector.broadcast %div3A : f32 to vector<1280x1xf32>
    %div3A_29 = arith.divf %broadcast_in_dim3A_27, %div3A_28 : vector<1280x1xf32>
    %sub3A = vector.broadcast %div3A_29 : vector<1280x1xf32> to vector<1280x128xf32>
    %sub3A_30 = arith.subf %max3A_25, %sub3A : vector<1280x128xf32>
    %mul3A = arith.mulf %sub3A_30, %sub3A_30 : vector<1280x128xf32>
    %reduce_sum3A_31 = arith.constant dense<0.000000e+00> : vector<1280xf32>
    %reduce_sum3A_32 = vector.multi_reduction <add>, %mul3A, %reduce_sum3A_31 [1] : vector<1280x128xf32> to vector<1280xf32>
    %broadcast_in_dim3A_33 = vector.shape_cast %reduce_sum3A_32 : vector<1280xf32> to vector<1280x1xf32>
    %div3A_34 = arith.constant 1.280000e+02 : f32
    %div3A_35 = vector.broadcast %div3A_34 : f32 to vector<1280x1xf32>
    %div3A_36 = arith.divf %broadcast_in_dim3A_33, %div3A_35 : vector<1280x1xf32>
    %add3A_37 = arith.constant 9.99999974E-6 : f32
    %add3A_38 = vector.broadcast %add3A_37 : f32 to vector<1280x1xf32>
    %add3A_39 = arith.addf %div3A_36, %add3A_38 : vector<1280x1xf32>
    %rsqrt3A = math.rsqrt %add3A_39 : vector<1280x1xf32>
    %mul3A_40 = vector.broadcast %rsqrt3A : vector<1280x1xf32> to vector<1280x128xf32>
    %mul3A_41 = arith.mulf %sub3A_30, %mul3A_40 : vector<1280x128xf32>
    %get3A_42 = arith.constant 0 : index
    %get3A_43 = arith.constant 0 : index
    %get3A_44 = vector.load %arg7[%get3A_42, %get3A_43] : memref<1x128xf32, #tpu.memory_space<vmem>>, vector<1x128xf32>
    %mul3A_45 = vector.broadcast %get3A_44 : vector<1x128xf32> to vector<1280x128xf32>
    %mul3A_46 = arith.mulf %mul3A_41, %mul3A_45 : vector<1280x128xf32>
    %get3A_47 = arith.constant 0 : index
    %get3A_48 = arith.constant 0 : index
    %get3A_49 = vector.load %arg8[%get3A_47, %get3A_48] : memref<1x128xf32, #tpu.memory_space<vmem>>, vector<1x128xf32>
    %add3A_50 = vector.broadcast %get3A_49 : vector<1x128xf32> to vector<1280x128xf32>
    %add3A_51 = arith.addf %mul3A_46, %add3A_50 : vector<1280x128xf32>
    %get3A_52 = arith.constant 0 : index
    %get3A_53 = arith.constant 0 : index
    %get3A_54 = vector.load %arg9[%get3A_52, %get3A_53] : memref<128x128xf32, #tpu.memory_space<vmem>>, vector<128x128xf32>
    %dot_general3A_55 = arith.constant dense<0.000000e+00> : vector<1280x128xf32>
    %dot_general3A_56 = tpu.matmul %get3A_1, %get3A_54, %dot_general3A_55 {dimension_numbers = #tpu.dot_dimension_numbers<[1], [0], [0], [1], [0, 0, 1, 1], [], []>, transpose_lhs_hint = false} : vector<1280x128xf32>, vector<128x128xf32>, vector<1280x128xf32> -> vector<1280x128xf32>
    %get3A_57 = arith.constant 0 : index
    %get3A_58 = arith.constant 0 : index
    %get3A_59 = vector.load %arg10[%get3A_57, %get3A_58] : memref<4x128xf32, #tpu.memory_space<vmem>>, vector<4x128xf32>
    %dot_general3A_60 = arith.constant dense<0.000000e+00> : vector<1280x128xf32>
    %dot_general3A_61 = tpu.matmul %select_n3A, %get3A_59, %dot_general3A_60 {dimension_numbers = #tpu.dot_dimension_numbers<[0], [0], [1], [1], [0, 1, 1, 1], [], []>, transpose_lhs_hint = false} : vector<4x1280xf32>, vector<4x128xf32>, vector<1280x128xf32> -> vector<1280x128xf32>
    %add3A_62 = arith.addf %dot_general3A_56, %dot_general3A_61 : vector<1280x128xf32>
    %get3A_63 = arith.constant 0 : index
    %get3A_64 = arith.constant 0 : index
    %get3A_65 = vector.load %arg11[%get3A_63, %get3A_64] : memref<1x128xf32, #tpu.memory_space<vmem>>, vector<1x128xf32>
    %add3A_66 = vector.broadcast %get3A_65 : vector<1x128xf32> to vector<1280x128xf32>
    %add3A_67 = arith.addf %add3A_62, %add3A_66 : vector<1280x128xf32>
    %max3A_68 = arith.constant 0.000000e+00 : f32
    %max3A_69 = vector.broadcast %max3A_68 : f32 to vector<1280x128xf32>
    %max3A_70 = arith.maximumf %add3A_67, %max3A_69 : vector<1280x128xf32>
    %reduce_sum3A_71 = arith.constant dense<0.000000e+00> : vector<1280xf32>
    %reduce_sum3A_72 = vector.multi_reduction <add>, %max3A_70, %reduce_sum3A_71 [1] : vector<1280x128xf32> to vector<1280xf32>
    %broadcast_in_dim3A_73 = vector.shape_cast %reduce_sum3A_72 : vector<1280xf32> to vector<1280x1xf32>
    %div3A_74 = arith.constant 1.280000e+02 : f32
    %div3A_75 = vector.broadcast %div3A_74 : f32 to vector<1280x1xf32>
    %div3A_76 = arith.divf %broadcast_in_dim3A_73, %div3A_75 : vector<1280x1xf32>
    %sub3A_77 = vector.broadcast %div3A_76 : vector<1280x1xf32> to vector<1280x128xf32>
    %sub3A_78 = arith.subf %max3A_70, %sub3A_77 : vector<1280x128xf32>
    %mul3A_79 = arith.mulf %sub3A_78, %sub3A_78 : vector<1280x128xf32>
    %reduce_sum3A_80 = arith.constant dense<0.000000e+00> : vector<1280xf32>
    %reduce_sum3A_81 = vector.multi_reduction <add>, %mul3A_79, %reduce_sum3A_80 [1] : vector<1280x128xf32> to vector<1280xf32>
    %broadcast_in_dim3A_82 = vector.shape_cast %reduce_sum3A_81 : vector<1280xf32> to vector<1280x1xf32>
    %div3A_83 = arith.constant 1.280000e+02 : f32
    %div3A_84 = vector.broadcast %div3A_83 : f32 to vector<1280x1xf32>
    %div3A_85 = arith.divf %broadcast_in_dim3A_82, %div3A_84 : vector<1280x1xf32>
    %add3A_86 = arith.constant 9.99999974E-6 : f32
    %add3A_87 = vector.broadcast %add3A_86 : f32 to vector<1280x1xf32>
    %add3A_88 = arith.addf %div3A_85, %add3A_87 : vector<1280x1xf32>
    %rsqrt3A_89 = math.rsqrt %add3A_88 : vector<1280x1xf32>
    %mul3A_90 = vector.broadcast %rsqrt3A_89 : vector<1280x1xf32> to vector<1280x128xf32>
    %mul3A_91 = arith.mulf %sub3A_78, %mul3A_90 : vector<1280x128xf32>
    %get3A_92 = arith.constant 0 : index
    %get3A_93 = arith.constant 0 : index
    %get3A_94 = vector.load %arg12[%get3A_92, %get3A_93] : memref<1x128xf32, #tpu.memory_space<vmem>>, vector<1x128xf32>
    %mul3A_95 = vector.broadcast %get3A_94 : vector<1x128xf32> to vector<1280x128xf32>
    %mul3A_96 = arith.mulf %mul3A_91, %mul3A_95 : vector<1280x128xf32>
    %get3A_97 = arith.constant 0 : index
    %get3A_98 = arith.constant 0 : index
    %get3A_99 = vector.load %arg13[%get3A_97, %get3A_98] : memref<1x128xf32, #tpu.memory_space<vmem>>, vector<1x128xf32>
    %add3A_100 = vector.broadcast %get3A_99 : vector<1x128xf32> to vector<1280x128xf32>
    %add3A_101 = arith.addf %mul3A_96, %add3A_100 : vector<1280x128xf32>
    %get3A_102 = arith.constant 0 : index
    %get3A_103 = arith.constant 0 : index
    %get3A_104 = vector.load %arg14[%get3A_102, %get3A_103] : memref<128x128xf32, #tpu.memory_space<vmem>>, vector<128x128xf32>
    %dot_general3A_105 = arith.constant dense<0.000000e+00> : vector<1280x128xf32>
    %dot_general3A_106 = tpu.matmul %get3A_4, %get3A_104, %dot_general3A_105 {dimension_numbers = #tpu.dot_dimension_numbers<[1], [0], [0], [1], [0, 0, 1, 1], [], []>, transpose_lhs_hint = false} : vector<1280x128xf32>, vector<128x128xf32>, vector<1280x128xf32> -> vector<1280x128xf32>
    %get3A_107 = arith.constant 0 : index
    %get3A_108 = arith.constant 0 : index
    %get3A_109 = vector.load %arg15[%get3A_107, %get3A_108] : memref<4x128xf32, #tpu.memory_space<vmem>>, vector<4x128xf32>
    %dot_general3A_110 = arith.constant dense<0.000000e+00> : vector<1280x128xf32>
    %dot_general3A_111 = tpu.matmul %select_n3A, %get3A_109, %dot_general3A_110 {dimension_numbers = #tpu.dot_dimension_numbers<[0], [0], [1], [1], [0, 1, 1, 1], [], []>, transpose_lhs_hint = false} : vector<4x1280xf32>, vector<4x128xf32>, vector<1280x128xf32> -> vector<1280x128xf32>
    %add3A_112 = arith.addf %dot_general3A_106, %dot_general3A_111 : vector<1280x128xf32>
    %get3A_113 = arith.constant 0 : index
    %get3A_114 = arith.constant 0 : index
    %get3A_115 = vector.load %arg16[%get3A_113, %get3A_114] : memref<1x128xf32, #tpu.memory_space<vmem>>, vector<1x128xf32>
    %add3A_116 = vector.broadcast %get3A_115 : vector<1x128xf32> to vector<1280x128xf32>
    %add3A_117 = arith.addf %add3A_112, %add3A_116 : vector<1280x128xf32>
    %max3A_118 = arith.constant 0.000000e+00 : f32
    %max3A_119 = vector.broadcast %max3A_118 : f32 to vector<1280x128xf32>
    %max3A_120 = arith.maximumf %add3A_117, %max3A_119 : vector<1280x128xf32>
    %reduce_sum3A_121 = arith.constant dense<0.000000e+00> : vector<1280xf32>
    %reduce_sum3A_122 = vector.multi_reduction <add>, %max3A_120, %reduce_sum3A_121 [1] : vector<1280x128xf32> to vector<1280xf32>
    %broadcast_in_dim3A_123 = vector.shape_cast %reduce_sum3A_122 : vector<1280xf32> to vector<1280x1xf32>
    %div3A_124 = arith.constant 1.280000e+02 : f32
    %div3A_125 = vector.broadcast %div3A_124 : f32 to vector<1280x1xf32>
    %div3A_126 = arith.divf %broadcast_in_dim3A_123, %div3A_125 : vector<1280x1xf32>
    %sub3A_127 = vector.broadcast %div3A_126 : vector<1280x1xf32> to vector<1280x128xf32>
    %sub3A_128 = arith.subf %max3A_120, %sub3A_127 : vector<1280x128xf32>
    %mul3A_129 = arith.mulf %sub3A_128, %sub3A_128 : vector<1280x128xf32>
    %reduce_sum3A_130 = arith.constant dense<0.000000e+00> : vector<1280xf32>
    %reduce_sum3A_131 = vector.multi_reduction <add>, %mul3A_129, %reduce_sum3A_130 [1] : vector<1280x128xf32> to vector<1280xf32>
    %broadcast_in_dim3A_132 = vector.shape_cast %reduce_sum3A_131 : vector<1280xf32> to vector<1280x1xf32>
    %div3A_133 = arith.constant 1.280000e+02 : f32
    %div3A_134 = vector.broadcast %div3A_133 : f32 to vector<1280x1xf32>
    %div3A_135 = arith.divf %broadcast_in_dim3A_132, %div3A_134 : vector<1280x1xf32>
    %add3A_136 = arith.constant 9.99999974E-6 : f32
    %add3A_137 = vector.broadcast %add3A_136 : f32 to vector<1280x1xf32>
    %add3A_138 = arith.addf %div3A_135, %add3A_137 : vector<1280x1xf32>
    %rsqrt3A_139 = math.rsqrt %add3A_138 : vector<1280x1xf32>
    %mul3A_140 = vector.broadcast %rsqrt3A_139 : vector<1280x1xf32> to vector<1280x128xf32>
    %mul3A_141 = arith.mulf %sub3A_128, %mul3A_140 : vector<1280x128xf32>
    %get3A_142 = arith.constant 0 : index
    %get3A_143 = arith.constant 0 : index
    %get3A_144 = vector.load %arg17[%get3A_142, %get3A_143] : memref<1x128xf32, #tpu.memory_space<vmem>>, vector<1x128xf32>
    %mul3A_145 = vector.broadcast %get3A_144 : vector<1x128xf32> to vector<1280x128xf32>
    %mul3A_146 = arith.mulf %mul3A_141, %mul3A_145 : vector<1280x128xf32>
    %get3A_147 = arith.constant 0 : index
    %get3A_148 = arith.constant 0 : index
    %get3A_149 = vector.load %arg18[%get3A_147, %get3A_148] : memref<1x128xf32, #tpu.memory_space<vmem>>, vector<1x128xf32>
    %add3A_150 = vector.broadcast %get3A_149 : vector<1x128xf32> to vector<1280x128xf32>
    %add3A_151 = arith.addf %mul3A_146, %add3A_150 : vector<1280x128xf32>
    %iota3A_152 = tpu.iota {dimensions = array<i32: 0>} : vector<128x128xi32>
    %jit3A_153 = arith.constant 16 : i32
    %div3A_154 = vector.broadcast %jit3A_153 : i32 to vector<128x128xi32>
    %div3A_155 = arith.divsi %iota3A_152, %div3A_154 : vector<128x128xi32>
    %sign3A = arith.constant 0 : i32
    %sign3A_156 = vector.broadcast %sign3A : i32 to vector<128x128xi32>
    %sign3A_157 = arith.cmpi sgt, %iota3A_152, %sign3A_156 : vector<128x128xi32>
    %sign3A_158 = arith.extui %sign3A_157 : vector<128x128xi1> to vector<128x128xi32>
    %sign3A_159 = arith.constant 0 : i32
    %sign3A_160 = vector.broadcast %sign3A_159 : i32 to vector<128x128xi32>
    %sign3A_161 = arith.cmpi slt, %iota3A_152, %sign3A_160 : vector<128x128xi32>
    %sign3A_162 = arith.extui %sign3A_161 : vector<128x128xi1> to vector<128x128xi32>
    %sign3A_163 = arith.subi %sign3A_158, %sign3A_162 : vector<128x128xi32>
    %sign3A_164 = arith.constant 0 : i32
    %sign3A_165 = arith.cmpi sgt, %jit3A_153, %sign3A_164 : i32
    %sign3A_166 = arith.extui %sign3A_165 : i1 to i32
    %sign3A_167 = arith.constant 0 : i32
    %sign3A_168 = arith.cmpi slt, %jit3A_153, %sign3A_167 : i32
    %sign3A_169 = arith.extui %sign3A_168 : i1 to i32
    %sign3A_170 = arith.subi %sign3A_166, %sign3A_169 : i32
    %ne3A = vector.broadcast %sign3A_170 : i32 to vector<128x128xi32>
    %ne3A_171 = arith.cmpi ne, %sign3A_163, %ne3A : vector<128x128xi32>
    %rem3A = vector.broadcast %jit3A_153 : i32 to vector<128x128xi32>
    %rem3A_172 = arith.remsi %iota3A_152, %rem3A : vector<128x128xi32>
    %ne3A_173 = arith.constant 0 : i32
    %ne3A_174 = vector.broadcast %ne3A_173 : i32 to vector<128x128xi32>
    %ne3A_175 = arith.cmpi ne, %rem3A_172, %ne3A_174 : vector<128x128xi32>
    %and3A = arith.andi %ne3A_171, %ne3A_175 : vector<128x128xi1>
    %sub3A_176 = arith.constant 1 : i32
    %sub3A_177 = vector.broadcast %sub3A_176 : i32 to vector<128x128xi32>
    %sub3A_178 = arith.subi %div3A_155, %sub3A_177 : vector<128x128xi32>
    %select_n3A_179 = arith.select %and3A, %sub3A_178, %div3A_155 : vector<128x128xi1>, vector<128x128xi32>
    %iota3A_180 = tpu.iota {dimensions = array<i32: 1>} : vector<128x128xi32>
    %jit3A_181 = arith.constant 16 : i32
    %div3A_182 = vector.broadcast %jit3A_181 : i32 to vector<128x128xi32>
    %div3A_183 = arith.divsi %iota3A_180, %div3A_182 : vector<128x128xi32>
    %sign3A_184 = arith.constant 0 : i32
    %sign3A_185 = vector.broadcast %sign3A_184 : i32 to vector<128x128xi32>
    %sign3A_186 = arith.cmpi sgt, %iota3A_180, %sign3A_185 : vector<128x128xi32>
    %sign3A_187 = arith.extui %sign3A_186 : vector<128x128xi1> to vector<128x128xi32>
    %sign3A_188 = arith.constant 0 : i32
    %sign3A_189 = vector.broadcast %sign3A_188 : i32 to vector<128x128xi32>
    %sign3A_190 = arith.cmpi slt, %iota3A_180, %sign3A_189 : vector<128x128xi32>
    %sign3A_191 = arith.extui %sign3A_190 : vector<128x128xi1> to vector<128x128xi32>
    %sign3A_192 = arith.subi %sign3A_187, %sign3A_191 : vector<128x128xi32>
    %sign3A_193 = arith.constant 0 : i32
    %sign3A_194 = arith.cmpi sgt, %jit3A_181, %sign3A_193 : i32
    %sign3A_195 = arith.extui %sign3A_194 : i1 to i32
    %sign3A_196 = arith.constant 0 : i32
    %sign3A_197 = arith.cmpi slt, %jit3A_181, %sign3A_196 : i32
    %sign3A_198 = arith.extui %sign3A_197 : i1 to i32
    %sign3A_199 = arith.subi %sign3A_195, %sign3A_198 : i32
    %ne3A_200 = vector.broadcast %sign3A_199 : i32 to vector<128x128xi32>
    %ne3A_201 = arith.cmpi ne, %sign3A_192, %ne3A_200 : vector<128x128xi32>
    %rem3A_202 = vector.broadcast %jit3A_181 : i32 to vector<128x128xi32>
    %rem3A_203 = arith.remsi %iota3A_180, %rem3A_202 : vector<128x128xi32>
    %ne3A_204 = arith.constant 0 : i32
    %ne3A_205 = vector.broadcast %ne3A_204 : i32 to vector<128x128xi32>
    %ne3A_206 = arith.cmpi ne, %rem3A_203, %ne3A_205 : vector<128x128xi32>
    %and3A_207 = arith.andi %ne3A_201, %ne3A_206 : vector<128x128xi1>
    %sub3A_208 = arith.constant 1 : i32
    %sub3A_209 = vector.broadcast %sub3A_208 : i32 to vector<128x128xi32>
    %sub3A_210 = arith.subi %div3A_183, %sub3A_209 : vector<128x128xi32>
    %select_n3A_211 = arith.select %and3A_207, %sub3A_210, %div3A_183 : vector<128x128xi1>, vector<128x128xi32>
    %eq3A = arith.cmpi eq, %select_n3A_179, %select_n3A_211 : vector<128x128xi32>
    %jit3A_212 = arith.constant 2.500000e-01 : f32
    %jit3A_213 = arith.constant 0.000000e+00 : f32
    %broadcast_in_dim3A_214 = vector.broadcast %jit3A_212 : f32 to vector<128x128xf32>
    %broadcast_in_dim3A_215 = vector.broadcast %jit3A_213 : f32 to vector<128x128xf32>
    %select_n3A_216 = arith.select %eq3A, %broadcast_in_dim3A_214, %broadcast_in_dim3A_215 : vector<128x128xi1>, vector<128x128xf32>
    %mul3A_217 = arith.mulf %add3A_51, %add3A_151 : vector<1280x128xf32>
    %dot_general3A_218 = arith.constant dense<0.000000e+00> : vector<1280x128xf32>
    %dot_general3A_219 = tpu.matmul %mul3A_217, %select_n3A_216, %dot_general3A_218 {dimension_numbers = #tpu.dot_dimension_numbers<[1], [0], [0], [1], [0, 0, 1, 1], [], []>, transpose_lhs_hint = false} : vector<1280x128xf32>, vector<128x128xf32>, vector<1280x128xf32> -> vector<1280x128xf32>
    %exp3A = math.exp %dot_general3A_219 : vector<1280x128xf32>
    %mul3A_220 = arith.mulf %add3A_101, %exp3A : vector<1280x128xf32>
    %swap3A = arith.constant 0 : index
    %swap3A_221 = arith.constant 0 : index
    %swap3A_222 = vector.load %arg19[%swap3A, %swap3A_221] : memref<1280x128xf32, #tpu.memory_space<vmem>>, vector<1280x128xf32>
    tpu.vector_store %arg19[%swap3A, %swap3A_221], %mul3A_220 {strides = array<i32>} : memref<1280x128xf32, #tpu.memory_space<vmem>>, vector<1280x128xf32>,
    %iota3A_223 = tpu.iota {dimensions = array<i32: 1>} : vector<1280x128xi32>
    %eq3A_224 = arith.constant 127 : i32
    %eq3A_225 = vector.broadcast %eq3A_224 : i32 to vector<1280x128xi32>
    %eq3A_226 = arith.cmpi eq, %iota3A_223, %eq3A_225 : vector<1280x128xi32>
    %jit3A_227 = arith.constant 1.000000e+00 : f32
    %broadcast_in_dim3A_228 = vector.broadcast %jit3A_227 : f32 to vector<1280x128xf32>
    %select_n3A_229 = arith.select %eq3A_226, %broadcast_in_dim3A_228, %exp3A : vector<1280x128xi1>, vector<1280x128xf32>
    %swap3A_230 = arith.constant 0 : index
    %swap3A_231 = arith.constant 0 : index
    %swap3A_232 = vector.load %arg20[%swap3A_230, %swap3A_231] : memref<1280x128xf32, #tpu.memory_space<vmem>>, vector<1280x128xf32>
    tpu.vector_store %arg20[%swap3A_230, %swap3A_231], %select_n3A_229 {strides = array<i32>} : memref<1280x128xf32, #tpu.memory_space<vmem>>, vector<1280x128xf32>,
    return
  }
  func.func @transform_0(%arg0: i32) -> (i32, i32) {
    %c0_i32 = arith.constant 0 : i32
    %c0_i32_0 = arith.constant 0 : i32
    return %arg0, %c0_i32 : i32, i32
  }
  func.func @transform_1(%arg0: i32) -> (i32, i32) {
    %c0_i32 = arith.constant 0 : i32
    %c0_i32_0 = arith.constant 0 : i32
    return %arg0, %c0_i32 : i32, i32
  }
  func.func @transform_2(%arg0: i32) -> (i32, i32) {
    %c0_i32 = arith.constant 0 : i32
    %c0_i32_0 = arith.constant 0 : i32
    return %c0_i32, %arg0 : i32, i32
  }
  func.func @transform_3(%arg0: i32) -> (i32, i32) {
    %c0_i32 = arith.constant 0 : i32
    %c0_i32_0 = arith.constant 0 : i32
    %c0_i32_1 = arith.constant 0 : i32
    return %c0_i32, %c0_i32_0 : i32, i32
  }
  func.func @transform_4(%arg0: i32) -> (i32, i32) {
    %c0_i32 = arith.constant 0 : i32
    %c0_i32_0 = arith.constant 0 : i32
    %c0_i32_1 = arith.constant 0 : i32
    return %c0_i32, %c0_i32_0 : i32, i32
  }
  func.func @transform_5(%arg0: i32) -> (i32, i32) {
    %c0_i32 = arith.constant 0 : i32
    %c0_i32_0 = arith.constant 0 : i32
    %c0_i32_1 = arith.constant 0 : i32
    return %c0_i32, %c0_i32_0 : i32, i32
  }
  func.func @transform_6(%arg0: i32) -> (i32, i32) {
    %c0_i32 = arith.constant 0 : i32
    %c0_i32_0 = arith.constant 0 : i32
    %c0_i32_1 = arith.constant 0 : i32
    return %c0_i32, %c0_i32_0 : i32, i32
  }
  func.func @transform_7(%arg0: i32) -> (i32, i32) {
    %c0_i32 = arith.constant 0 : i32
    %c0_i32_0 = arith.constant 0 : i32
    %c0_i32_1 = arith.constant 0 : i32
    return %c0_i32, %c0_i32_0 : i32, i32
  }
  func.func @transform_8(%arg0: i32) -> (i32, i32) {
    %c0_i32 = arith.constant 0 : i32
    %c0_i32_0 = arith.constant 0 : i32
    %c0_i32_1 = arith.constant 0 : i32
    return %c0_i32, %c0_i32_0 : i32, i32
  }
  func.func @transform_9(%arg0: i32) -> (i32, i32) {
    %c0_i32 = arith.constant 0 : i32
    %c0_i32_0 = arith.constant 0 : i32
    %c0_i32_1 = arith.constant 0 : i32
    return %c0_i32, %c0_i32_0 : i32, i32
  }
  func.func @transform_10(%arg0: i32) -> (i32, i32) {
    %c0_i32 = arith.constant 0 : i32
    %c0_i32_0 = arith.constant 0 : i32
    %c0_i32_1 = arith.constant 0 : i32
    return %c0_i32, %c0_i32_0 : i32, i32
  }
  func.func @transform_11(%arg0: i32) -> (i32, i32) {
    %c0_i32 = arith.constant 0 : i32
    %c0_i32_0 = arith.constant 0 : i32
    %c0_i32_1 = arith.constant 0 : i32
    return %c0_i32, %c0_i32_0 : i32, i32
  }
  func.func @transform_12(%arg0: i32) -> (i32, i32) {
    %c0_i32 = arith.constant 0 : i32
    %c0_i32_0 = arith.constant 0 : i32
    %c0_i32_1 = arith.constant 0 : i32
    return %c0_i32, %c0_i32_0 : i32, i32
  }
  func.func @transform_13(%arg0: i32) -> (i32, i32) {
    %c0_i32 = arith.constant 0 : i32
    %c0_i32_0 = arith.constant 0 : i32
    %c0_i32_1 = arith.constant 0 : i32
    return %c0_i32, %c0_i32_0 : i32, i32
  }
  func.func @transform_14(%arg0: i32) -> (i32, i32) {
    %c0_i32 = arith.constant 0 : i32
    %c0_i32_0 = arith.constant 0 : i32
    %c0_i32_1 = arith.constant 0 : i32
    return %c0_i32, %c0_i32_0 : i32, i32
  }
  func.func @transform_15(%arg0: i32) -> (i32, i32) {
    %c0_i32 = arith.constant 0 : i32
    %c0_i32_0 = arith.constant 0 : i32
    %c0_i32_1 = arith.constant 0 : i32
    return %c0_i32, %c0_i32_0 : i32, i32
  }
  func.func @transform_16(%arg0: i32) -> (i32, i32) {
    %c0_i32 = arith.constant 0 : i32
    %c0_i32_0 = arith.constant 0 : i32
    %c0_i32_1 = arith.constant 0 : i32
    return %c0_i32, %c0_i32_0 : i32, i32
  }
  func.func @transform_17(%arg0: i32) -> (i32, i32) {
    %c0_i32 = arith.constant 0 : i32
    %c0_i32_0 = arith.constant 0 : i32
    %c0_i32_1 = arith.constant 0 : i32
    return %c0_i32, %c0_i32_0 : i32, i32
  }
  func.func @transform_18(%arg0: i32) -> (i32, i32) {
    %c0_i32 = arith.constant 0 : i32
    %c0_i32_0 = arith.constant 0 : i32
    return %arg0, %c0_i32 : i32, i32
  }
  func.func @transform_19(%arg0: i32) -> (i32, i32) {
    %c0_i32 = arith.constant 0 : i32
    %c0_i32_0 = arith.constant 0 : i32
    return %arg0, %c0_i32 : i32, i32
  }
}

module attributes {stable_mosaic.version = 14 : i64} {
  func.func @_update_body(%arg0: i32, %arg1: memref<2x2048x128xf32, #tpu.memory_space<vmem>>, %arg2: memref<2x2048x128xf32, #tpu.memory_space<vmem>>, %arg3: memref<2x2048x128xf32, #tpu.memory_space<vmem>>, %arg4: memref<2x2048x128xf32, #tpu.memory_space<vmem>>, %arg5: memref<1x128x2048xf32, #tpu.memory_space<vmem>>, %arg6: memref<128x128xf32, #tpu.memory_space<vmem>>, %arg7: memref<128x1xf32, #tpu.memory_space<vmem>>, %arg8: memref<128x1xf32, #tpu.memory_space<vmem>>, %arg9: memref<128x1xf32, #tpu.memory_space<vmem>>, %arg10: memref<1x128x2048xf32, #tpu.memory_space<vmem>>) attributes {dimension_semantics = [#tpu.dimension_semantics<arbitrary>], iteration_bounds = array<i64: 5>, scalar_prefetch = 0 : i64, scratch_operands = 0 : i64, tpu.core_type = #tpu.core_type<tc>, window_params = [{transform_indices = @transform_0, window_bounds = array<i64: 2, 2048, 128>}, {transform_indices = @transform_1, window_bounds = array<i64: 2, 2048, 128>}, {transform_indices = @transform_2, window_bounds = array<i64: 2, 2048, 128>}, {transform_indices = @transform_3, window_bounds = array<i64: 2, 2048, 128>}, {transform_indices = @transform_4, window_bounds = array<i64: 1, 128, 2048>}, {pipeline_mode = #tpu.pipeline_mode<synchronous>, transform_indices = @transform_5, window_bounds = array<i64: 128, 128>}, {pipeline_mode = #tpu.pipeline_mode<synchronous>, transform_indices = @transform_6, window_bounds = array<i64: 128, 1>}, {pipeline_mode = #tpu.pipeline_mode<synchronous>, transform_indices = @transform_7, window_bounds = array<i64: 128, 1>}, {pipeline_mode = #tpu.pipeline_mode<synchronous>, transform_indices = @transform_8, window_bounds = array<i64: 128, 1>}, {transform_indices = @transform_9, window_bounds = array<i64: 1, 128, 2048>}]} {
    %get3A = arith.constant 0 : index
    %get3A_0 = arith.constant 0 : index
    %get3A_1 = arith.constant 0 : index
    %get3A_2 = vector.load %arg1[%get3A, %get3A_0, %get3A_1] : memref<2x2048x128xf32, #tpu.memory_space<vmem>>, vector<1x2048x128xf32>
    %get3A_3 = vector.shape_cast %get3A_2 : vector<1x2048x128xf32> to vector<2048x128xf32>
    %get3A_4 = arith.constant 1 : index
    %get3A_5 = arith.constant 0 : index
    %get3A_6 = arith.constant 0 : index
    %get3A_7 = vector.load %arg1[%get3A_4, %get3A_5, %get3A_6] : memref<2x2048x128xf32, #tpu.memory_space<vmem>>, vector<1x2048x128xf32>
    %get3A_8 = vector.shape_cast %get3A_7 : vector<1x2048x128xf32> to vector<2048x128xf32>
    %add3A = arith.addf %get3A_3, %get3A_8 : vector<2048x128xf32>
    %get3A_9 = arith.constant 0 : index
    %get3A_10 = arith.constant 0 : index
    %get3A_11 = arith.constant 0 : index
    %get3A_12 = vector.load %arg3[%get3A_9, %get3A_10, %get3A_11] : memref<2x2048x128xf32, #tpu.memory_space<vmem>>, vector<1x2048x128xf32>
    %get3A_13 = vector.shape_cast %get3A_12 : vector<1x2048x128xf32> to vector<2048x128xf32>
    %get3A_14 = arith.constant 1 : index
    %get3A_15 = arith.constant 0 : index
    %get3A_16 = arith.constant 0 : index
    %get3A_17 = vector.load %arg3[%get3A_14, %get3A_15, %get3A_16] : memref<2x2048x128xf32, #tpu.memory_space<vmem>>, vector<1x2048x128xf32>
    %get3A_18 = vector.shape_cast %get3A_17 : vector<1x2048x128xf32> to vector<2048x128xf32>
    %add3A_19 = arith.addf %get3A_13, %get3A_18 : vector<2048x128xf32>
    %add3A_20 = arith.addf %add3A, %add3A_19 : vector<2048x128xf32>
    %get3A_21 = arith.constant 0 : index
    %get3A_22 = arith.constant 0 : index
    %get3A_23 = arith.constant 0 : index
    %get3A_24 = vector.load %arg2[%get3A_21, %get3A_22, %get3A_23] : memref<2x2048x128xf32, #tpu.memory_space<vmem>>, vector<1x2048x128xf32>
    %get3A_25 = vector.shape_cast %get3A_24 : vector<1x2048x128xf32> to vector<2048x128xf32>
    %get3A_26 = arith.constant 1 : index
    %get3A_27 = arith.constant 0 : index
    %get3A_28 = arith.constant 0 : index
    %get3A_29 = vector.load %arg2[%get3A_26, %get3A_27, %get3A_28] : memref<2x2048x128xf32, #tpu.memory_space<vmem>>, vector<1x2048x128xf32>
    %get3A_30 = vector.shape_cast %get3A_29 : vector<1x2048x128xf32> to vector<2048x128xf32>
    %add3A_31 = arith.addf %get3A_25, %get3A_30 : vector<2048x128xf32>
    %get3A_32 = arith.constant 0 : index
    %get3A_33 = arith.constant 0 : index
    %get3A_34 = arith.constant 0 : index
    %get3A_35 = vector.load %arg4[%get3A_32, %get3A_33, %get3A_34] : memref<2x2048x128xf32, #tpu.memory_space<vmem>>, vector<1x2048x128xf32>
    %get3A_36 = vector.shape_cast %get3A_35 : vector<1x2048x128xf32> to vector<2048x128xf32>
    %get3A_37 = arith.constant 1 : index
    %get3A_38 = arith.constant 0 : index
    %get3A_39 = arith.constant 0 : index
    %get3A_40 = vector.load %arg4[%get3A_37, %get3A_38, %get3A_39] : memref<2x2048x128xf32, #tpu.memory_space<vmem>>, vector<1x2048x128xf32>
    %get3A_41 = vector.shape_cast %get3A_40 : vector<1x2048x128xf32> to vector<2048x128xf32>
    %add3A_42 = arith.addf %get3A_36, %get3A_41 : vector<2048x128xf32>
    %add3A_43 = arith.addf %add3A_31, %add3A_42 : vector<2048x128xf32>
    %iota3A = tpu.iota {dimensions = array<i32: 0>} : vector<128x8xi32>
    %iota3A_44 = tpu.iota {dimensions = array<i32: 1>} : vector<128x8xi32>
    %mul3A = arith.constant 16 : i32
    %mul3A_45 = vector.broadcast %mul3A : i32 to vector<128x8xi32>
    %mul3A_46 = arith.muli %iota3A_44, %mul3A_45 : vector<128x8xi32>
    %eq3A = arith.cmpi eq, %iota3A, %mul3A_46 : vector<128x8xi32>
    %jit3A = arith.constant 1.000000e+00 : f32
    %jit3A_47 = arith.constant 0.000000e+00 : f32
    %broadcast_in_dim3A = vector.broadcast %jit3A : f32 to vector<128x8xf32>
    %broadcast_in_dim3A_48 = vector.broadcast %jit3A_47 : f32 to vector<128x8xf32>
    %select_n3A = arith.select %eq3A, %broadcast_in_dim3A, %broadcast_in_dim3A_48 : vector<128x8xi1>, vector<128x8xf32>
    %dot_general3A = arith.constant dense<0.000000e+00> : vector<2048x8xf32>
    %dot_general3A_49 = tpu.matmul %add3A_43, %select_n3A, %dot_general3A {dimension_numbers = #tpu.dot_dimension_numbers<[1], [0], [0], [1], [0, 0, 1, 1], [], []>, transpose_lhs_hint = false} : vector<2048x128xf32>, vector<128x8xf32>, vector<2048x8xf32> -> vector<2048x8xf32>
    %iota3A_50 = tpu.iota {dimensions = array<i32: 0>} : vector<128x1xi32>
    %eq3A_51 = arith.constant 127 : i32
    %eq3A_52 = vector.broadcast %eq3A_51 : i32 to vector<128x1xi32>
    %eq3A_53 = arith.cmpi eq, %iota3A_50, %eq3A_52 : vector<128x1xi32>
    %convert_element_type3A = arith.extui %eq3A_53 : vector<128x1xi1> to vector<128x1xi32>
    %convert_element_type3A_54 = arith.sitofp %convert_element_type3A : vector<128x1xi32> to vector<128x1xf32>
    %dot_general3A_55 = arith.constant dense<0.000000e+00> : vector<2048x1xf32>
    %dot_general3A_56 = tpu.matmul %add3A_43, %convert_element_type3A_54, %dot_general3A_55 {dimension_numbers = #tpu.dot_dimension_numbers<[1], [0], [0], [1], [0, 0, 1, 1], [], []>, transpose_lhs_hint = false} : vector<2048x128xf32>, vector<128x1xf32>, vector<2048x1xf32> -> vector<2048x1xf32>
    %iota3A_57 = tpu.iota {dimensions = array<i32: 0>} : vector<8x128xi32>
    %iota3A_58 = tpu.iota {dimensions = array<i32: 1>} : vector<8x128xi32>
    %jit3A_59 = arith.constant 16 : i32
    %div3A = vector.broadcast %jit3A_59 : i32 to vector<8x128xi32>
    %div3A_60 = arith.divsi %iota3A_58, %div3A : vector<8x128xi32>
    %sign3A = arith.constant 0 : i32
    %sign3A_61 = vector.broadcast %sign3A : i32 to vector<8x128xi32>
    %sign3A_62 = arith.cmpi sgt, %iota3A_58, %sign3A_61 : vector<8x128xi32>
    %sign3A_63 = arith.extui %sign3A_62 : vector<8x128xi1> to vector<8x128xi32>
    %sign3A_64 = arith.constant 0 : i32
    %sign3A_65 = vector.broadcast %sign3A_64 : i32 to vector<8x128xi32>
    %sign3A_66 = arith.cmpi slt, %iota3A_58, %sign3A_65 : vector<8x128xi32>
    %sign3A_67 = arith.extui %sign3A_66 : vector<8x128xi1> to vector<8x128xi32>
    %sign3A_68 = arith.subi %sign3A_63, %sign3A_67 : vector<8x128xi32>
    %sign3A_69 = arith.constant 0 : i32
    %sign3A_70 = arith.cmpi sgt, %jit3A_59, %sign3A_69 : i32
    %sign3A_71 = arith.extui %sign3A_70 : i1 to i32
    %sign3A_72 = arith.constant 0 : i32
    %sign3A_73 = arith.cmpi slt, %jit3A_59, %sign3A_72 : i32
    %sign3A_74 = arith.extui %sign3A_73 : i1 to i32
    %sign3A_75 = arith.subi %sign3A_71, %sign3A_74 : i32
    %ne3A = vector.broadcast %sign3A_75 : i32 to vector<8x128xi32>
    %ne3A_76 = arith.cmpi ne, %sign3A_68, %ne3A : vector<8x128xi32>
    %rem3A = vector.broadcast %jit3A_59 : i32 to vector<8x128xi32>
    %rem3A_77 = arith.remsi %iota3A_58, %rem3A : vector<8x128xi32>
    %ne3A_78 = arith.constant 0 : i32
    %ne3A_79 = vector.broadcast %ne3A_78 : i32 to vector<8x128xi32>
    %ne3A_80 = arith.cmpi ne, %rem3A_77, %ne3A_79 : vector<8x128xi32>
    %and3A = arith.andi %ne3A_76, %ne3A_80 : vector<8x128xi1>
    %sub3A = arith.constant 1 : i32
    %sub3A_81 = vector.broadcast %sub3A : i32 to vector<8x128xi32>
    %sub3A_82 = arith.subi %div3A_60, %sub3A_81 : vector<8x128xi32>
    %select_n3A_83 = arith.select %and3A, %sub3A_82, %div3A_60 : vector<8x128xi1>, vector<8x128xi32>
    %eq3A_84 = arith.cmpi eq, %iota3A_57, %select_n3A_83 : vector<8x128xi32>
    %jit3A_85 = arith.constant 1.000000e+00 : f32
    %jit3A_86 = arith.constant 0.000000e+00 : f32
    %broadcast_in_dim3A_87 = vector.broadcast %jit3A_85 : f32 to vector<8x128xf32>
    %broadcast_in_dim3A_88 = vector.broadcast %jit3A_86 : f32 to vector<8x128xf32>
    %select_n3A_89 = arith.select %eq3A_84, %broadcast_in_dim3A_87, %broadcast_in_dim3A_88 : vector<8x128xi1>, vector<8x128xf32>
    %dot_general3A_90 = arith.constant dense<0.000000e+00> : vector<2048x128xf32>
    %dot_general3A_91 = tpu.matmul %dot_general3A_49, %select_n3A_89, %dot_general3A_90 {dimension_numbers = #tpu.dot_dimension_numbers<[1], [0], [0], [1], [0, 0, 1, 1], [], []>, transpose_lhs_hint = false} : vector<2048x8xf32>, vector<8x128xf32>, vector<2048x128xf32> -> vector<2048x128xf32>
    %max3A = arith.constant 1.000000e-30 : f32
    %max3A_92 = vector.broadcast %max3A : f32 to vector<2048x128xf32>
    %max3A_93 = arith.maximumf %dot_general3A_91, %max3A_92 : vector<2048x128xf32>
    %div3A_94 = arith.divf %add3A_20, %max3A_93 : vector<2048x128xf32>
    %max3A_95 = arith.constant 1.000000e+00 : f32
    %max3A_96 = vector.broadcast %max3A_95 : f32 to vector<2048x1xf32>
    %max3A_97 = arith.maximumf %dot_general3A_56, %max3A_96 : vector<2048x1xf32>
    %div3A_98 = vector.broadcast %max3A_97 : vector<2048x1xf32> to vector<2048x128xf32>
    %div3A_99 = arith.divf %div3A_94, %div3A_98 : vector<2048x128xf32>
    %get3A_100 = arith.constant 0 : index
    %get3A_101 = arith.constant 0 : index
    %get3A_102 = vector.load %arg6[%get3A_100, %get3A_101] : memref<128x128xf32, #tpu.memory_space<vmem>>, vector<128x128xf32>
    %dot_general3A_103 = arith.constant dense<0.000000e+00> : vector<128x2048xf32>
    %dot_general3A_104 = tpu.matmul %get3A_102, %div3A_99, %dot_general3A_103 {dimension_numbers = #tpu.dot_dimension_numbers<[1], [1], [0], [0], [0, 0, 1, 0], [], []>, transpose_lhs_hint = false} : vector<128x128xf32>, vector<2048x128xf32>, vector<128x2048xf32> -> vector<128x2048xf32>
    %get3A_105 = arith.constant 0 : index
    %get3A_106 = arith.constant 0 : index
    %get3A_107 = vector.load %arg7[%get3A_105, %get3A_106] : memref<128x1xf32, #tpu.memory_space<vmem>>, vector<128x1xf32>
    %add3A_108 = vector.broadcast %get3A_107 : vector<128x1xf32> to vector<128x2048xf32>
    %add3A_109 = arith.addf %dot_general3A_104, %add3A_108 : vector<128x2048xf32>
    %max3A_110 = arith.constant 0.000000e+00 : f32
    %max3A_111 = vector.broadcast %max3A_110 : f32 to vector<128x2048xf32>
    %max3A_112 = arith.maximumf %add3A_109, %max3A_111 : vector<128x2048xf32>
    %reduce_sum3A = arith.constant dense<0.000000e+00> : vector<2048xf32>
    %reduce_sum3A_113 = vector.multi_reduction <add>, %max3A_112, %reduce_sum3A [0] : vector<128x2048xf32> to vector<2048xf32>
    %broadcast_in_dim3A_114 = vector.shape_cast %reduce_sum3A_113 : vector<2048xf32> to vector<1x2048xf32>
    %div3A_115 = arith.constant 1.280000e+02 : f32
    %div3A_116 = vector.broadcast %div3A_115 : f32 to vector<1x2048xf32>
    %div3A_117 = arith.divf %broadcast_in_dim3A_114, %div3A_116 : vector<1x2048xf32>
    %sub3A_118 = vector.broadcast %div3A_117 : vector<1x2048xf32> to vector<128x2048xf32>
    %sub3A_119 = arith.subf %max3A_112, %sub3A_118 : vector<128x2048xf32>
    %mul3A_120 = arith.mulf %sub3A_119, %sub3A_119 : vector<128x2048xf32>
    %reduce_sum3A_121 = arith.constant dense<0.000000e+00> : vector<2048xf32>
    %reduce_sum3A_122 = vector.multi_reduction <add>, %mul3A_120, %reduce_sum3A_121 [0] : vector<128x2048xf32> to vector<2048xf32>
    %broadcast_in_dim3A_123 = vector.shape_cast %reduce_sum3A_122 : vector<2048xf32> to vector<1x2048xf32>
    %div3A_124 = arith.constant 1.280000e+02 : f32
    %div3A_125 = vector.broadcast %div3A_124 : f32 to vector<1x2048xf32>
    %div3A_126 = arith.divf %broadcast_in_dim3A_123, %div3A_125 : vector<1x2048xf32>
    %add3A_127 = arith.constant 9.99999974E-6 : f32
    %add3A_128 = vector.broadcast %add3A_127 : f32 to vector<1x2048xf32>
    %add3A_129 = arith.addf %div3A_126, %add3A_128 : vector<1x2048xf32>
    %rsqrt3A = math.rsqrt %add3A_129 : vector<1x2048xf32>
    %mul3A_130 = vector.broadcast %rsqrt3A : vector<1x2048xf32> to vector<128x2048xf32>
    %mul3A_131 = arith.mulf %sub3A_119, %mul3A_130 : vector<128x2048xf32>
    %get3A_132 = arith.constant 0 : index
    %get3A_133 = arith.constant 0 : index
    %get3A_134 = vector.load %arg8[%get3A_132, %get3A_133] : memref<128x1xf32, #tpu.memory_space<vmem>>, vector<128x1xf32>
    %mul3A_135 = vector.broadcast %get3A_134 : vector<128x1xf32> to vector<128x2048xf32>
    %mul3A_136 = arith.mulf %mul3A_131, %mul3A_135 : vector<128x2048xf32>
    %get3A_137 = arith.constant 0 : index
    %get3A_138 = arith.constant 0 : index
    %get3A_139 = vector.load %arg9[%get3A_137, %get3A_138] : memref<128x1xf32, #tpu.memory_space<vmem>>, vector<128x1xf32>
    %add3A_140 = vector.broadcast %get3A_139 : vector<128x1xf32> to vector<128x2048xf32>
    %add3A_141 = arith.addf %mul3A_136, %add3A_140 : vector<128x2048xf32>
    %get3A_142 = arith.constant 0 : index
    %get3A_143 = arith.constant 0 : index
    %get3A_144 = arith.constant 0 : index
    %get3A_145 = vector.load %arg5[%get3A_142, %get3A_143, %get3A_144] : memref<1x128x2048xf32, #tpu.memory_space<vmem>>, vector<1x128x2048xf32>
    %get3A_146 = vector.shape_cast %get3A_145 : vector<1x128x2048xf32> to vector<128x2048xf32>
    %add3A_147 = arith.addf %add3A_141, %get3A_146 : vector<128x2048xf32>
    %swap3A = arith.constant 0 : index
    %swap3A_148 = arith.constant 0 : index
    %swap3A_149 = arith.constant 0 : index
    %swap3A_150 = vector.load %arg10[%swap3A, %swap3A_148, %swap3A_149] : memref<1x128x2048xf32, #tpu.memory_space<vmem>>, vector<1x128x2048xf32>
    %swap3A_151 = vector.shape_cast %swap3A_150 : vector<1x128x2048xf32> to vector<128x2048xf32>
    %swap3A_152 = vector.shape_cast %add3A_147 : vector<128x2048xf32> to vector<1x128x2048xf32>
    tpu.vector_store %arg10[%swap3A, %swap3A_148, %swap3A_149], %swap3A_152 {strides = array<i32>} : memref<1x128x2048xf32, #tpu.memory_space<vmem>>, vector<1x128x2048xf32>,
    return
  }
  func.func @transform_0(%arg0: i32) -> (i32, i32, i32) {
    %c0_i32 = arith.constant 0 : i32
    %c0_i32_0 = arith.constant 0 : i32
    %c0_i32_1 = arith.constant 0 : i32
    return %c0_i32, %arg0, %c0_i32_0 : i32, i32, i32
  }
  func.func @transform_1(%arg0: i32) -> (i32, i32, i32) {
    %c0_i32 = arith.constant 0 : i32
    %c0_i32_0 = arith.constant 0 : i32
    %c0_i32_1 = arith.constant 0 : i32
    return %c0_i32, %arg0, %c0_i32_0 : i32, i32, i32
  }
  func.func @transform_2(%arg0: i32) -> (i32, i32, i32) {
    %c0_i32 = arith.constant 0 : i32
    %c0_i32_0 = arith.constant 0 : i32
    %c0_i32_1 = arith.constant 0 : i32
    return %c0_i32, %arg0, %c0_i32_0 : i32, i32, i32
  }
  func.func @transform_3(%arg0: i32) -> (i32, i32, i32) {
    %c0_i32 = arith.constant 0 : i32
    %c0_i32_0 = arith.constant 0 : i32
    %c0_i32_1 = arith.constant 0 : i32
    return %c0_i32, %arg0, %c0_i32_0 : i32, i32, i32
  }
  func.func @transform_4(%arg0: i32) -> (i32, i32, i32) {
    %c0_i32 = arith.constant 0 : i32
    %c0_i32_0 = arith.constant 0 : i32
    %c0_i32_1 = arith.constant 0 : i32
    return %c0_i32, %c0_i32_0, %arg0 : i32, i32, i32
  }
  func.func @transform_5(%arg0: i32) -> (i32, i32) {
    %c0_i32 = arith.constant 0 : i32
    %c0_i32_0 = arith.constant 0 : i32
    %c0_i32_1 = arith.constant 0 : i32
    return %c0_i32, %c0_i32_0 : i32, i32
  }
  func.func @transform_6(%arg0: i32) -> (i32, i32) {
    %c0_i32 = arith.constant 0 : i32
    %c0_i32_0 = arith.constant 0 : i32
    %c0_i32_1 = arith.constant 0 : i32
    return %c0_i32, %c0_i32_0 : i32, i32
  }
  func.func @transform_7(%arg0: i32) -> (i32, i32) {
    %c0_i32 = arith.constant 0 : i32
    %c0_i32_0 = arith.constant 0 : i32
    %c0_i32_1 = arith.constant 0 : i32
    return %c0_i32, %c0_i32_0 : i32, i32
  }
  func.func @transform_8(%arg0: i32) -> (i32, i32) {
    %c0_i32 = arith.constant 0 : i32
    %c0_i32_0 = arith.constant 0 : i32
    %c0_i32_1 = arith.constant 0 : i32
    return %c0_i32, %c0_i32_0 : i32, i32
  }
  func.func @transform_9(%arg0: i32) -> (i32, i32, i32) {
    %c0_i32 = arith.constant 0 : i32
    %c0_i32_0 = arith.constant 0 : i32
    %c0_i32_1 = arith.constant 0 : i32
    return %c0_i32, %c0_i32_0, %arg0 : i32, i32, i32
  }
}

</mosaic_0001>

<sc_bundles>
// kernel: kernel.12.cloned.1.call-start
scs
__scs_entry_jumppad:
0x0: {  	(pc) =	sbr.rel $0x88, $3  }
0x1: {  	(tag) =	ssettag $0x0;
	lr =	simm.s32 $0x1  }
0x2: {  	[smem:$0x3F8E] =	sst lr;
	_ =	strace $0xD0000000  }
0x3: {  	_ = 	snop  }
0x4: {  	_ = 	snop  }
0x5: {  	_ = 	snop  }
0x6: {  	_ = 	snop  }
0x7: {  	_ = 	snop  }
__scs_overlays_trampoline_lowered:
0x8: {  	[smem:$0x3F9D] =	sst s0  }
0x9: {  	[smem:$0x3F9E] =	sst s1  }
0xa: {  	[smem:$0x3F9F] =	sst s2  }
0xb: {  	[smem:$0x3FA0] =	sst s3  }
0xc: {  	[smem:$0x3FA1] =	sst s4  }
0xd: {  	[smem:$0x3FA2] =	sst s5  }
0xe: {  	[smem:$0x3FA3] =	sst s6  }
0xf: {  	[smem:$0x3FA4] =	sst s7  }
0x10: {  	[smem:$0x3FA5] =	sst s8  }
0x11: {  	[smem:$0x3FA6] =	sst s9;
	s0 =	simm.s32 @!p0 $0x0  }
0x12: {  	s1 =	sld [smem:$0x3F8C];
	s0 =	simm.s32 @p0 $0x1  }
0x13: {  	[smem:$0x3FA7] =	sst s0;
	s0 =	simm.s32 @!p1 $0x0  }
0x14: {  	s2 =	sld [smem:$0x3F8B];
	s0 =	simm.s32 @p1 $0x1  }
0x15: {  	[smem:$0x3FA8] =	sst s0;
	s0 =	simm.s32 @!p2 $0x0  }
0x16: {  	s3 =	sld [smem:$0x3FDB];
	s0 =	simm.s32 @p2 $0x1  }
0x17: {  	s4 =	simm.s32 $0x1BF5;
	[smem:$0x3FAA] =	sst s0  }
0x18: {  	s0 =	sld [smem:$0x3F8D];
	_ =	swait.ge [sflag:s4], $0x0  }
0x19: {  	s7 =	sld [smem:$0x3F8E]  }
0x1a: {  	s8 =	sadd.s32 $0xFFFFE003, lr  }
0x1b: {  	s9 =	sadd.s32 $0xFFFFFEF7, lr;
	s5 =	simm.s32 $0xFFFFFFFF;
	p2 =	slt.u32 s8, $0xFFFFF086  }
0x1c: {  	p1 =	slt.u32 s9, $0xF7A;
	s5 =	simm.s32 @!p2 $0x0  }
0x1d: {  	s5 =	simm.s32 @p1 $0x1;
	p0 =	seq.s32 s7, s2  }
0x1e: {  	s7 =	smul.u32 @!p0 $0xF7A, s2;
	p2 =	seq.s32 @!p0 s5, $0x0  }
0x1f: {  	s9 =	smul.u32 $0xF7A, s1;
	s8 =	simm.s32 @!p0 $0x1BF5;
	p2 =	por !p2, p0  }
0x20: {  	[sflag:s8] =	ssyncset.s32 @!p0 $0xFFFFF086;
	s6 =	sadd.s32 @!p0 s3, s7;
	s7 =	simm.s32 @!p0 $0x108  }
0x21: {  	s3 =	sadd.s32 s3, s9;
	s6 =	sadd.s32 @!p0 $0x88, s6;
	s7 =	simm.s32 @p2 $0x1082  }
0x22: {  	[simem:s7], [sflag:s8] =	dma.local @!p0 [hbm:s6], $0xF7A  }
0x23: {  	s9 =	sor.u32 $0xD0000000, s2;
	s6 =	simm.s32 $0x108;
	_ =	swait.ge @!p0 [sflag:s8], $0x0  }
0x24: {  	s3 =	sadd.s32 $0x88, s3;
	s6 =	simm.s32 @!p1 $0x1082;
	[sflag:s4] =	ssyncset.s32 $0xFFFFF086  }
0x25: {  	[simem:s6], [sflag:s4] =	dma.local [hbm:s3], $0xF7A  }
0x26: {  	[smem:$0x3F8E] =	sst s1;
	(tag) =	ssettag s2;
	_ =	strace s9  }
0x27: {  	s1 =	sld [smem:$0x3F9E]  }
0x28: {  	s2 =	sld [smem:$0x3F9F]  }
0x29: {  	s4 =	sld [smem:$0x3FA1]  }
0x2a: {  	p0 =	seq.s32 s5, $0x0;
	s5 =	sld [smem:$0x3FA2]  }
0x2b: {  	s6 =	sld [smem:$0x3FA3]  }
0x2c: {  	s7 =	sld [smem:$0x3FA4]  }
0x2d: {  	s3 =	simm.s32 $0x108;
	s8 =	sld [smem:$0x3FA5]  }
0x2e: {  	s3 =	simm.s32 @!p0 $0x1082;
	s9 =	sld [smem:$0x3FA6]  }
0x2f: {  	lr =	sadd.s32 s0, s3;
	s0 =	sld [smem:$0x3F9D]  }
0x30: {  	s3 =	sld [smem:$0x3FA0]  }
0x31: {  	[smem:$0x3FA9] =	sst s10  }
0x32: {  	s10 =	sld [smem:$0x3FA7];
	_ =	sdelay $0x3  }
0x33: {  	p0 =	seq.s32 s10, $0x1;
	s10 =	sld [smem:$0x3FA9];
	_ =	sdelay $0x3  }
0x34: {  	[smem:$0x3FA9] =	sst s10  }
0x35: {  	s10 =	sld [smem:$0x3FA8];
	_ =	sdelay $0x3  }
0x36: {  	p1 =	seq.s32 s10, $0x1;
	s10 =	sld [smem:$0x3FA9];
	_ =	sdelay $0x3  }
0x37: {  	[smem:$0x3FA9] =	sst s10  }
0x38: {  	s10 =	sld [smem:$0x3FAA]  }
0x39: {  	_ = 	snop;
	(pc) =	sbr.ind lr, $3  }
0x3a: {  	_ = 	snop  }
0x3b: {  	_ = 	snop  }
0x3c: {  	p2 =	seq.s32 s10, $0x1;
	s10 =	sld [smem:$0x3FA9]  }
0x3d: {  	_ =	shalt  }
0x3e: {  	_ =	shalt  }
0x3f: {  	_ =	shalt  }
0x40: {  	_ =	shalt  }
0x41: {  	_ =	shalt  }
0x42: {  	_ =	shalt  }
0x43: {  	_ =	shalt  }
0x44: {  	_ =	shalt  }
0x45: {  	_ =	shalt  }
0x46: {  	_ =	shalt  }
0x47: {  	_ =	shalt  }
0x48: {  	_ =	shalt  }
0x49: {  	_ =	shalt  }
0x4a: {  	_ =	shalt  }
0x4b: {  	_ =	shalt  }
0x4c: {  	_ =	shalt  }
0x4d: {  	_ =	shalt  }
0x4e: {  	_ =	shalt  }
0x4f: {  	_ =	shalt  }
0x50: {  	_ =	shalt  }
0x51: {  	_ =	shalt  }
0x52: {  	_ =	shalt  }
0x53: {  	_ =	shalt  }
0x54: {  	_ =	shalt  }
0x55: {  	_ =	shalt  }
0x56: {  	_ =	shalt  }
0x57: {  	_ =	shalt  }
0x58: {  	_ =	shalt  }
0x59: {  	_ =	shalt  }
0x5a: {  	_ =	shalt  }
0x5b: {  	_ =	shalt  }
0x5c: {  	_ =	shalt  }
0x5d: {  	_ =	shalt  }
0x5e: {  	_ =	shalt  }
0x5f: {  	_ =	shalt  }
0x60: {  	_ =	shalt  }
0x61: {  	_ =	shalt  }
0x62: {  	_ =	shalt  }
0x63: {  	_ =	shalt  }
0x64: {  	_ =	shalt  }
0x65: {  	_ =	shalt  }
0x66: {  	_ =	shalt  }
0x67: {  	_ =	shalt  }
0x68: {  	_ =	shalt  }
0x69: {  	_ =	shalt  }
0x6a: {  	_ =	shalt  }
0x6b: {  	_ =	shalt  }
0x6c: {  	_ =	shalt  }
0x6d: {  	_ =	shalt  }
0x6e: {  	_ =	shalt  }
0x6f: {  	_ =	shalt  }
0x70: {  	_ =	shalt  }
0x71: {  	_ =	shalt  }
0x72: {  	_ =	shalt  }
0x73: {  	_ =	shalt  }
0x74: {  	_ =	shalt  }
0x75: {  	_ =	shalt  }
0x76: {  	_ =	shalt  }
0x77: {  	_ =	shalt  }
0x78: {  	_ =	shalt  }
0x79: {  	_ =	shalt  }
0x7a: {  	_ =	shalt  }
0x7b: {  	_ =	shalt  }
0x7c: {  	_ =	shalt  }
0x7d: {  	_ =	shalt  }
0x7e: {  	_ =	shalt  }
0x7f: {  	_ =	shalt  }
0x80: {  	_ =	shalt  }
0x81: {  	_ =	shalt  }
0x82: {  	_ =	shalt  }
0x83: {  	_ =	shalt  }
0x84: {  	_ =	shalt  }
0x85: {  	_ =	shalt  }
0x86: {  	_ =	shalt  }
0x87: {  	_ =	shalt  }
.Lfunc_end0:
.L_simem_size_0:
called_computation.1_lowered:
.L_overlay_start_0:
0x88: {  	s2 =	sld [smem:$0x3FD9]  }
0x89: {  	s3 =	sld [smem:$0x3FFE];
	_ =	sdelay $0x1  }
0x8a: {  	s1 =	srdreg.scid  }
0x8b: {  	s0 =	sand.u32 $0x1, s1  }
0x8c: {  	s17 =	sshll.u32 s0, $0xA;
	s2 =	sadd.s32 s3, s2  }
0x8d: {  	s2 =	sadd.s32 s2, s17  }
0x8e: {  	[smem:$0x3FB5] =	sst s2  }
0x8f: {  	_ = 	snop  }
0x90: {  	(tm) =	ssettm $0x1  }
0x91: {  	s18 =	sld [smem:$0x3FFB];
	_ =	sdelay $0x3  }
0x92: {  	_ =	strace s18  }
0x93: {  	s2 =	sld [smem:$0x3FFC];
	_ =	sdelay $0x3  }
0x94: {  	_ =	strace s2  }
0x95: {  	s2 =	sld [smem:$0x3FFD];
	_ =	sdelay $0x3  }
0x96: {  	_ =	strace s2  }
0x97: {  	_ =	strace $0x8FFFFFFF  }
0x98: {  	s19 =	sld [smem:$0x3FDB];
	_ =	sdelay $0x1  }
0x99: {  	s20 =	simm.s32 $_scs_section_size  }
0x9a: {  	s4 =	simm.s32 $_size__tile_overlayer_lowered;
	s5 =	simm.s32 $_tile_overlayer_lowered  }
0x9b: {  	s6 =	simm.s32 $0x1BFF;
	s21 =	sshll.u32 s5, $0x1;
	s3 =	sadd.s32 s20, s19  }
0x9c: {  	s22 =	simm.s32 $0x0;
	s4 =	sshll.u32 s4, $0x1;
	s5 =	sadd.s32 s21, s3  }
0x9d: {  	[timem:s22], [sflag:s6] =	dma.local [hbm:s5], s4  }
0x9e: {  	_ =	swait.ge [sflag:s6], s4  }
0x9f: {  	s4 =	ssub.s32 $0x0, s4;
	[sflag:s6] =	ssyncset.done $0x0  }
0xa0: {  	[sflag:s6] =	ssyncadd.s32 s4;
	_ =	sdelay $0x1  }
0xa1: {  	s23 =	simm.s32 $0x1B8B  }
0xa2: {  	_ =	swait.ge [sflag:s23], $0x1  }
0xa3: {  	[sflag:s23] =	ssyncset.done $0x0  }
0xa4: {  	[sflag:s23] =	ssyncadd.s32 $0xFFFFFFFF  }
0xa5: {  	s4 =	sld [smem:$0x0]  }
0xa6: {  	s5 =	sand.u32 $0xFFFFFFFE, s1  }
0xa7: {  	p0 =	sne.s32 s1, s5  }
0xa8: {  	s5 =	sshll.u32 @p0 s5, $0xE  }
0xa9: {  	s5 =	sadd.s32 @p0 $0x11B8D, s5;
	s6 =	sshll.u32 @p0 s4, $0x11  }
0xaa: {  	s5 =	sor.u32 @p0 s6, s5  }
0xab: {  	[sflag:s5] =	ssyncadd.remote.s32 @p0 $0x1;
	_ =	sdelay $0x1  }
0xac: {  	s5 =	simm.s32 @p0 $0x1B8D  }
0xad: {  	_ =	swait.eq @p0 [sflag:s5], $0x1  }
0xae: {  	[sflag:s5] =	ssyncadd.s32 @p0 $0xFFFFFFFF  }
0xaf: {  	s6 =	sshll.u32 @!p0 s1, $0xE  }
0xb0: {  	s6 =	sor.u32 @!p0 $0x4000, s6;
	s5 =	simm.s32 @!p0 $0x1B8D  }
0xb1: {  	s4 =	sshll.u32 @!p0 s4, $0x11;
	s6 =	sadd.s32 @!p0 $0x11B8D, s6;
	_ =	swait.eq @!p0 [sflag:s5], $0x1  }
0xb2: {  	s4 =	sor.u32 @!p0 s4, s6;
	[sflag:s5] =	ssyncadd.s32 @!p0 $0xFFFFFFFF  }
0xb3: {  	s25 =	simm.s32 $0x1B8E;
	s24 =	sld [smem:$0x3FFE];
	[sflag:s4] =	ssyncadd.remote.s32 @!p0 $0x1  }
0xb4: {  	s26 =	simm.s32 $execute0_lowered;
	[smem:$0x3FD2] =	sst s25  }
0xb5: {  	s5 =	sshll.u32 s26, $0x1;
	_ =	strace $0x8000004F;
	[dreg:$0x1] =	wrdreg $0xFFFFFFFF  }
0xb6: {  	s28 =	simm.s32 $_size_execute0_lowered;
	s3 =	sadd.s32 s3, s5;
	[dreg:$0x0] =	wrdreg $0x0  }
0xb7: {  	s5 =	sshll.u32 s28, $0x1;
	[dreg:$0x2] =	wrdreg s3  }
0xb8: {  	[dreg:$0x3] =	wrdreg s5  }
0xb9: {  	[dreg:$0x4] =	wrdreg $0xC0  }
0xba: {  	_ =	task [dreg:s22], $0x5FFFF  }
0xbb: {  	[dreg:$0x1] =	wrdreg $0xFFFFFFFF  }
0xbc: {  	[dreg:$0x0] =	wrdreg $0x60  }
0xbd: {  	[dreg:$0x2] =	wrdreg s24  }
0xbe: {  	[dreg:$0x3] =	wrdreg $0x68000  }
0xbf: {  	[dreg:$0x4] =	wrdreg $0x9  }
0xc0: {  	_ =	task.clear_ibuf [dreg:s22], $0x5FFFF;
	_ =	strace $0x9000004F  }
0xc1: {  	s29 =	simm.s32 $0x9;
	_ =	strace $0x80000051  }
0xc2: {  	_ =	swait.ge [sflag:s29], $0x1  }
0xc3: {  	[sflag:s29] =	ssyncadd.s32 $0xFFFFFFFF  }
0xc4: {  	_ =	strace $0x90000051  }
0xc5: {  	_ =	sfence  }
0xc6: {  	s30 =	sld [smem:$0x0];
	_ =	sdelay $0x2  }
0xc7: {  	s31 =	sshll.u32 s1, $0xD;
	s1 =	sshrl.u32 s1, $0x2  }
0xc8: {  	s4 =	sand.u32 $0x4000, s31;
	s1 =	sadd.s32 s1, s30  }
0xc9: {  	s0 =	sor.u32 s4, s0;
	s1 =	sshll.u32 s1, $0x11  }
0xca: {  	s0 =	sor.u32 s1, s0  }
0xcb: {  	s0 =	sadd.s32 $0x8F2B, s0  }
0xcc: {  	[sflag:s0] =	ssyncadd.remote.s32 $0x1  }
0xcd: {  	_ =	sfence.sel $0xFFFF  }
0xce: {  	[dreg:$0x0] =	wrdreg $0xFFFFFFFF;
	(pc) =	sbr.abs _section_cstart, $3  }
0xcf: {  	[dreg:$0x1] =	wrdreg $0xFFFFFFFF  }
0xd0: {  	_ =	task.clear_ibuf [dreg:s22], $0x2FFFF;
	_ =	strace $0x9FFFFFFF  }
0xd1: {  	(tm) =	ssettm $0x7FFFFFFF  }
tec
execute0_lowered:
.L_overlay_start_1:
0x0: {  	(tag) =	ssettag $0x1  }
0x1: {  	s0 =	rddreg [dreg:$0x0]  }
0x2: {  	s2 =	rddreg [dreg:$0x1]  }
0x3: {  	s1 =	srdreg.scid;
	s12 =	stileid.u32  }
0x4: {  	s3 =	simm.s32 $0x0;
	s28 =	simm.s32 $0x3D80;
	s29 =	simm.s32 $0x3E00  }
0x5: {  	s30 =	simm.s32 $0x0;
	s1 =	sand.u32 $0x1, s1;
	s5 =	smul.u32 $0x14000, s12  }
0x6: {  	s4 =	sshll.u32 s12, $0x1;
	[smem:$0x7FF] =	sst s3;
	s9 =	smul.u32 $0x50000, s12  }
0x7: {  	s14 =	sadd.s32 $0xDBE00, s0;
	s15 =	sadd.s32 $0xEE1800, s0;
	s16 =	smul.u32 $0x27100, s12  }
0x8: {  	s4 =	sor.u32 s1, s4;
	_ =	strace $0x80000050;
	s8 =	smul.u32 $0x140000, s1  }
0x9: {  	s18 =	ssub.s32 $0x2, s1;
	s24 =	smul.u32 $0x13880, s1;
	s6 =	sshll.u32 s4, $0xB  }
0xa: {  	s7 =	sshrl.u32 s5, $0x3;
	s10 =	sshrl.u32 s18, $0x1;
	s11 =	smul.u32 $0x9C400, s4  }
0xb: {  	s20 =	sshrl.u32 s9, $0x2;
	s4 =	smul.u32 $0x13880, s4;
	s26 =	sadd.s32 s16, s14  }
0xc: {  	s31 =	sadd.s32 s16, s15;
	s6 =	sadd.s32 s6, s0;
	s7 =	sadd.s32 s7, s0  }
0xd: {  	s5 =	sadd.s32 s5, s8;
	s19 =	ssub.s32 s18, s10;
	s18 =	simm.s32 $0x5  }
0xe: {  	s5 =	sshrl.u32 s5, $0x3;
	s6 =	sadd.s32 $0xCBE00, s6;
	s21 =	sshrl.u32 s11, $0x3  }
0xf: {  	s22 =	sadd.s32 s14, s4;
	s10 =	sadd.s32 s15, s4;
	s13 =	smax.u32 s19, $0x1  }
0x10: {  	s25 =	sadd.s32 $0x13600, s4;
	s4 =	sadd.s32 s24, s26;
	s19 =	simm.s32 $0x4000  }
0x11: {  	s26 =	simm.s32 $0x3D00;
	s0 =	sadd.s32 s5, s0;
	[dreg:$0x3] =	wrdreg s6  }
0x12: {  	s6 =	sadd.s32 s20, s2;
	s11 =	sadd.s32 $0x280, s21;
	[dreg:$0x5] =	wrdreg s22  }
0x13: {  	s5 =	sadd.s32 $0x780, s4;
	s20 =	simm.s32 $0x5400;
	s21 =	simm.s32 $0x1  }
0x14: {  	s22 =	simm.s32 $0x28;
	[dreg:$0x4] =	wrdreg s6;
	s6 =	sadd.s32 $0x3E00, s7  }
0x15: {  	s23 =	sadd.s32 s14, s11;
	s9 =	sadd.s32 $0x34CE00, s0;
	s11 =	sadd.s32 s15, s11  }
0x16: {  	s12 =	sadd.s32 $0x39CE00, s0;
	s14 =	sadd.s32 s14, s25;
	s0 =	sadd.s32 s24, s31  }
0x17: {  	s15 =	sadd.s32 s15, s25;
	s24 =	simm.s32 $0x2;
	s25 =	simm.s32 $0x4  }
0x18: {  	[dreg:$0x6] =	wrdreg s23;
	s17 =	sadd.s32 $0x780, s0;
	s23 =	simm.s32 $0x3  }
.LBB2_1:
0x19: {  	s0 =	rddreg [dreg:$0x3]  }
0x1a: {  	[tilespmem:s3], [sflag:$0x5] =	stream.linear.gather [hbm4b:s0+s3], $0x3E80, $0x38;
	[tilespmem:$0x1A800] =	vst v63  }
0x1b: {  	s16 =	stileid.u32;
	_ =	swait.ge [sflag:s18], $0x3E80  }
0x1c: {  	s0 =	sshll.u32 s16, $0x6;
	[sflag:s18] =	ssyncset.done $0x0;
	s1 =	rddreg [dreg:$0x4]  }
0x1d: {  	s31 =	sor.u32 $0x1C05, s0;
	[sflag:s18] =	ssyncadd.s32 $0xFFFFC180;
	s0 =	sshrl.u32 s1, $0x3  }
0x1e: {  	[spmem:s0], [sflag:s31] =	dma.local [hbm:s6], $0x2800  }
0x1f: {  	_ =	swait.ge [sflag:s18], $0x2800  }
0x20: {  	[sflag:s18] =	ssyncset.done $0x0  }
0x21: {  	[sflag:s18] =	ssyncadd.s32 $0xFFFFD800  }
0x22: {  	[bflag:$0x0] =	sbarrier.arrive $0xFFFF  }
0x23: {  	s1 =	rddreg [dreg:$0x5]  }
0x24: {  	[tilespmem:s19], [sflag:$0x1] =	stream.linear.gather [hbm4b:s1+s3], $0x1400, $0x38;
	[tilespmem:$0x1A800] =	vst v63  }
0x25: {  	s4 =	rddreg [dreg:$0x6]  }
0x26: {  	[tilespmem:s20], [sflag:$0x2] =	stream.linear.gather [hbm4b:s4+s3], $0x1400, $0x38;
	[tilespmem:$0x1A800] =	vst v63  }
0x27: {  	_ =	swait.ge [sflag:s21], $0x1400  }
0x28: {  	[sflag:s21] =	ssyncset.done $0x0  }
0x29: {  	s7 =	simm.s32 $0x0;
	[sflag:s21] =	ssyncadd.s32 $0xFFFFEC00  }
0x2a: {  	[spmem:s2] =	stream.indirect.scatter.add.f32 [tilespmem:s19], [sflag:$0x3], $0x80, s7, s22, $0xb8;
	[tilespmem:$0x1A800] =	vst v63  }
0x2b: {  	_ =	swait.ge [sflag:s23], $0x1400  }
0x2c: {  	[sflag:s23] =	ssyncset.done $0x0  }
0x2d: {  	s8 =	sadd.s32 $0xFFFFFD80, s5;
	[sflag:s23] =	ssyncadd.s32 $0xFFFFEC00  }
0x2e: {  	[tilespmem:s19], [sflag:$0x1] =	stream.linear.gather [hbm4b:s8+s3], $0x1400, $0x38;
	[tilespmem:$0x1A800] =	vst v63  }
0x2f: {  	_ =	swait.ge [sflag:s24], $0x1400  }
0x30: {  	[sflag:s24] =	ssyncset.done $0x0  }
0x31: {  	s16 =	simm.s32 $0x80;
	[sflag:s24] =	ssyncadd.s32 $0xFFFFEC00  }
0x32: {  	[spmem:s2] =	stream.indirect.scatter.add.f32 [tilespmem:s20], [sflag:$0x4], $0x80, s16, s22, $0xb8;
	[tilespmem:$0x1A800] =	vst v63  }
0x33: {  	_ =	swait.ge [sflag:s25], $0x1400  }
0x34: {  	s1 =	simm.s32 $0x400;
	[sflag:s25] =	ssyncset.done $0x0  }
0x35: {  	s4 =	sadd.s32 $0x500, s5;
	s16 =	smov.u32 s5;
	[sflag:s25] =	ssyncadd.s32 $0xFFFFEC00  }
.LBB2_2:
0x36: {  	[tilespmem:s20], [sflag:$0x2] =	stream.linear.gather [hbm4b:s16+s3], $0x1400, $0x38;
	[tilespmem:$0x1A800] =	vst v63  }
0x37: {  	s7 =	smov.u32 s1;
	s16 =	smov.u32 s4  }
0x38: {  	p0 =	sne.s32 s1, $0xF000;
	s1 =	sadd.s32 $0x400, s1;
	_ =	swait.ge [sflag:s21], $0x1400  }
0x39: {  	[sflag:s21] =	ssyncset.done $0x0  }
0x3a: {  	s7 =	sshra.s32 s7, $0x2;
	[sflag:s21] =	ssyncadd.s32 $0xFFFFEC00  }
0x3b: {  	[spmem:s2] =	stream.indirect.scatter.add.f32 [tilespmem:s19], [sflag:$0x3], $0x80, s7, s22, $0xb8;
	[tilespmem:$0x1A800] =	vst v63  }
0x3c: {  	_ =	swait.ge [sflag:s23], $0x1400  }
0x3d: {  	[sflag:s23] =	ssyncset.done $0x0  }
0x3e: {  	s8 =	sadd.s32 $0xFFFFFD80, s4;
	[sflag:s23] =	ssyncadd.s32 $0xFFFFEC00  }
0x3f: {  	[tilespmem:s19], [sflag:$0x1] =	stream.linear.gather [hbm4b:s8+s3], $0x1400, $0x38;
	[tilespmem:$0x1A800] =	vst v63  }
0x40: {  	_ =	swait.ge [sflag:s24], $0x1400  }
0x41: {  	[sflag:s24] =	ssyncset.done $0x0  }
.Ltmp0:
0x42: {  	s7 =	sadd.s32 $0x80, s7;
	[sflag:s24] =	ssyncadd.s32 $0xFFFFEC00;
	(pc) =	sbr.rel @p0 .LBB2_2-.Ltmp0, $4  }
0x43: {  	[spmem:s2] =	stream.indirect.scatter.add.f32 [tilespmem:s20], [sflag:$0x4], $0x80, s7, s22, $0xb8;
	[tilespmem:$0x1A800] =	vst v63  }
0x44: {  	_ =	swait.ge [sflag:s25], $0x1400  }
0x45: {  	[sflag:s25] =	ssyncset.done $0x0  }
0x46: {  	s4 =	sadd.s32 $0x500, s4;
	[sflag:s25] =	ssyncadd.s32 $0xFFFFEC00  }
0x47: {  	[tilespmem:s20], [sflag:$0x2] =	stream.linear.gather [hbm4b:s16+s3], $0x1400, $0x38;
	[tilespmem:$0x1A800] =	vst v63  }
0x48: {  	_ =	swait.ge [sflag:s21], $0x1400  }
0x49: {  	[sflag:s21] =	ssyncset.done $0x0  }
0x4a: {  	[sflag:s21] =	ssyncadd.s32 $0xFFFFEC00  }
0x4b: {  	[spmem:s2] =	stream.indirect.scatter.add.f32 [tilespmem:s19], [sflag:$0x3], $0x80, s26, s22, $0xb8;
	[tilespmem:$0x1A800] =	vst v63  }
0x4c: {  	_ =	swait.ge [sflag:s23], $0x1400  }
0x4d: {  	[sflag:s23] =	ssyncset.done $0x0  }
0x4e: {  	s1 =	simm.s32 $0x0;
	[sflag:s23] =	ssyncadd.s32 $0xFFFFEC00  }
0x4f: {  	[tilespmem:s19], [sflag:$0x1] =	stream.linear.gather [hbm4b:s14+s1], $0x1400, $0x38;
	[tilespmem:$0x1A800] =	vst v63  }
0x50: {  	_ =	swait.ge [sflag:s24], $0x1400  }
0x51: {  	[sflag:s24] =	ssyncset.done $0x0  }
0x52: {  	[sflag:s24] =	ssyncadd.s32 $0xFFFFEC00  }
0x53: {  	[spmem:s2] =	stream.indirect.scatter.add.f32 [tilespmem:s20], [sflag:$0x4], $0x80, s28, s22, $0xb8;
	[tilespmem:$0x1A800] =	vst v63  }
0x54: {  	_ =	swait.ge [sflag:s21], $0x1400  }
0x55: {  	[sflag:s21] =	ssyncset.done $0x0  }
0x56: {  	[sflag:s21] =	ssyncadd.s32 $0xFFFFEC00  }
0x57: {  	[spmem:s2] =	stream.indirect.scatter.add.f32 [tilespmem:s19], [sflag:$0x3], $0x80, s29, s22, $0xb8;
	[tilespmem:$0x1A800] =	vst v63  }
0x58: {  	_ =	swait.ge [sflag:s23], $0x1400  }
0x59: {  	[sflag:s23] =	ssyncset.done $0x0  }
0x5a: {  	[sflag:s23] =	ssyncadd.s32 $0xFFFFEC00  }
0x5b: {  	_ =	swait.ge [sflag:s25], $0x1400  }
0x5c: {  	[sflag:s25] =	ssyncset.done $0x0  }
0x5d: {  	[sflag:s25] =	ssyncadd.s32 $0xFFFFEC00  }
0x5e: {  	[bflag:$0x0] =	sbarrier.arrive $0xFFFF  }
0x5f: {  	[hbm:s9], [sflag:s31] =	dma.local [spmem:s0], $0x2800  }
0x60: {  	_ =	swait.ge [sflag:s18], $0x2800  }
0x61: {  	[sflag:s18] =	ssyncset.done $0x0  }
0x62: {  	[sflag:s18] =	ssyncadd.s32 $0xFFFFD800  }
0x63: {  	[bflag:$0x0] =	sbarrier.arrive $0xFFFF  }
0x64: {  	[spmem:s0], [sflag:s31] =	dma.local [hbm:s6], $0x2800  }
0x65: {  	_ =	swait.ge [sflag:s18], $0x2800  }
0x66: {  	[sflag:s18] =	ssyncset.done $0x0  }
0x67: {  	[sflag:s18] =	ssyncadd.s32 $0xFFFFD800  }
0x68: {  	[bflag:$0x0] =	sbarrier.arrive $0xFFFF  }
0x69: {  	[tilespmem:s19], [sflag:$0x1] =	stream.linear.gather [hbm4b:s10+s1], $0x1400, $0x38;
	[tilespmem:$0x1A800] =	vst v63  }
0x6a: {  	_ = 	snop  }
0x6b: {  	[tilespmem:s20], [sflag:$0x2] =	stream.linear.gather [hbm4b:s11+s1], $0x1400, $0x38;
	[tilespmem:$0x1A800] =	vst v63  }
0x6c: {  	_ =	swait.ge [sflag:s21], $0x1400  }
0x6d: {  	[sflag:s21] =	ssyncset.done $0x0  }
0x6e: {  	s7 =	simm.s32 $0x0;
	[sflag:s21] =	ssyncadd.s32 $0xFFFFEC00  }
0x6f: {  	[spmem:s2] =	stream.indirect.scatter.add.f32 [tilespmem:s19], [sflag:$0x3], $0x80, s7, s22, $0xb8;
	[tilespmem:$0x1A800] =	vst v63  }
0x70: {  	_ =	swait.ge [sflag:s23], $0x1400  }
0x71: {  	[sflag:s23] =	ssyncset.done $0x0  }
0x72: {  	s8 =	sadd.s32 $0xFFFFFD80, s17;
	[sflag:s23] =	ssyncadd.s32 $0xFFFFEC00  }
0x73: {  	[tilespmem:s19], [sflag:$0x1] =	stream.linear.gather [hbm4b:s8+s3], $0x1400, $0x38;
	[tilespmem:$0x1A800] =	vst v63  }
0x74: {  	_ =	swait.ge [sflag:s24], $0x1400  }
0x75: {  	[sflag:s24] =	ssyncset.done $0x0  }
0x76: {  	s16 =	simm.s32 $0x80;
	[sflag:s24] =	ssyncadd.s32 $0xFFFFEC00  }
0x77: {  	[spmem:s2] =	stream.indirect.scatter.add.f32 [tilespmem:s20], [sflag:$0x4], $0x80, s16, s22, $0xb8;
	[tilespmem:$0x1A800] =	vst v63  }
0x78: {  	_ =	swait.ge [sflag:s25], $0x1400  }
0x79: {  	s4 =	sadd.s32 $0x500, s17;
	[sflag:s25] =	ssyncset.done $0x0  }
0x7a: {  	s1 =	simm.s32 $0x400;
	s16 =	smov.u32 s17;
	[sflag:s25] =	ssyncadd.s32 $0xFFFFEC00  }
.LBB2_4:
0x7b: {  	[tilespmem:s20], [sflag:$0x2] =	stream.linear.gather [hbm4b:s16+s3], $0x1400, $0x38;
	[tilespmem:$0x1A800] =	vst v63  }
0x7c: {  	s7 =	smov.u32 s1;
	s16 =	smov.u32 s4  }
0x7d: {  	p0 =	sne.s32 s1, $0xF000;
	s1 =	sadd.s32 $0x400, s1;
	_ =	swait.ge [sflag:s21], $0x1400  }
0x7e: {  	[sflag:s21] =	ssyncset.done $0x0  }
0x7f: {  	s7 =	sshra.s32 s7, $0x2;
	[sflag:s21] =	ssyncadd.s32 $0xFFFFEC00  }
0x80: {  	[spmem:s2] =	stream.indirect.scatter.add.f32 [tilespmem:s19], [sflag:$0x3], $0x80, s7, s22, $0xb8;
	[tilespmem:$0x1A800] =	vst v63  }
0x81: {  	_ =	swait.ge [sflag:s23], $0x1400  }
0x82: {  	[sflag:s23] =	ssyncset.done $0x0  }
0x83: {  	s8 =	sadd.s32 $0xFFFFFD80, s4;
	[sflag:s23] =	ssyncadd.s32 $0xFFFFEC00  }
0x84: {  	[tilespmem:s19], [sflag:$0x1] =	stream.linear.gather [hbm4b:s8+s3], $0x1400, $0x38;
	[tilespmem:$0x1A800] =	vst v63  }
0x85: {  	_ =	swait.ge [sflag:s24], $0x1400  }
0x86: {  	[sflag:s24] =	ssyncset.done $0x0  }
.Ltmp1:
0x87: {  	s7 =	sadd.s32 $0x80, s7;
	[sflag:s24] =	ssyncadd.s32 $0xFFFFEC00;
	(pc) =	sbr.rel @p0 .LBB2_4-.Ltmp1, $4  }
0x88: {  	[spmem:s2] =	stream.indirect.scatter.add.f32 [tilespmem:s20], [sflag:$0x4], $0x80, s7, s22, $0xb8;
	[tilespmem:$0x1A800] =	vst v63  }
0x89: {  	_ =	swait.ge [sflag:s25], $0x1400  }
0x8a: {  	[sflag:s25] =	ssyncset.done $0x0  }
0x8b: {  	s4 =	sadd.s32 $0x500, s4;
	[sflag:s25] =	ssyncadd.s32 $0xFFFFEC00  }
0x8c: {  	[tilespmem:s20], [sflag:$0x2] =	stream.linear.gather [hbm4b:s16+s3], $0x1400, $0x38;
	[tilespmem:$0x1A800] =	vst v63  }
0x8d: {  	_ =	swait.ge [sflag:s21], $0x1400  }
0x8e: {  	[sflag:s21] =	ssyncset.done $0x0  }
0x8f: {  	[sflag:s21] =	ssyncadd.s32 $0xFFFFEC00  }
0x90: {  	[spmem:s2] =	stream.indirect.scatter.add.f32 [tilespmem:s19], [sflag:$0x3], $0x80, s26, s22, $0xb8;
	[tilespmem:$0x1A800] =	vst v63  }
0x91: {  	_ =	swait.ge [sflag:s23], $0x1400  }
0x92: {  	[sflag:s23] =	ssyncset.done $0x0  }
0x93: {  	[sflag:s23] =	ssyncadd.s32 $0xFFFFEC00  }
0x94: {  	[tilespmem:s19], [sflag:$0x1] =	stream.linear.gather [hbm4b:s15+s3], $0x1400, $0x38;
	[tilespmem:$0x1A800] =	vst v63  }
0x95: {  	_ =	swait.ge [sflag:s24], $0x1400  }
0x96: {  	[sflag:s24] =	ssyncset.done $0x0  }
0x97: {  	[sflag:s24] =	ssyncadd.s32 $0xFFFFEC00  }
0x98: {  	[spmem:s2] =	stream.indirect.scatter.add.f32 [tilespmem:s20], [sflag:$0x4], $0x80, s28, s22, $0xb8;
	[tilespmem:$0x1A800] =	vst v63  }
0x99: {  	_ =	swait.ge [sflag:s21], $0x1400  }
0x9a: {  	[sflag:s21] =	ssyncset.done $0x0  }
0x9b: {  	[sflag:s21] =	ssyncadd.s32 $0xFFFFEC00  }
0x9c: {  	[spmem:s2] =	stream.indirect.scatter.add.f32 [tilespmem:s19], [sflag:$0x3], $0x80, s29, s22, $0xb8;
	[tilespmem:$0x1A800] =	vst v63  }
0x9d: {  	_ =	swait.ge [sflag:s23], $0x1400  }
0x9e: {  	[sflag:s23] =	ssyncset.done $0x0  }
0x9f: {  	[sflag:s23] =	ssyncadd.s32 $0xFFFFEC00  }
0xa0: {  	_ =	swait.ge [sflag:s25], $0x1400  }
0xa1: {  	s30 =	sadd.s32 $0x1, s30;
	[sflag:s25] =	ssyncset.done $0x0  }
0xa2: {  	p0 =	sne.s32 s30, s13;
	[sflag:s25] =	ssyncadd.s32 $0xFFFFEC00  }
.Ltmp2:
0xa3: {  	[bflag:$0x0] =	sbarrier.arrive $0xFFFF;
	(pc) =	sbr.rel @p0 .LBB2_1-.Ltmp2, $4  }
0xa4: {  	[hbm:s12], [sflag:s31] =	dma.local [spmem:s0], $0x2800  }
0xa5: {  	_ =	swait.ge [sflag:s18], $0x2800  }
0xa6: {  	[sflag:s18] =	ssyncset.done $0x0  }
0xa7: {  	[sflag:s18] =	ssyncadd.s32 $0xFFFFD800  }
0xa8: {  	_ =	sfence.sel $0x180000  }
0xa9: {  	[bflag:$0x0] =	sbarrier.arrive $0xFFFF  }
0xaa: {  	_ =	strace $0x90000050  }
0xab: {  	s0 =	stileid.u32;
	[bflag:$0x2] =	sbarrier.arrive $0xFFFF  }
0xac: {  	p0 =	sne.s32 s0, $0x0;
	s0 =	rddreg [dreg:$0x2]  }
0xad: {  	s0 =	sadd.s32 @!p0 $0x100000, s0  }
0xae: {  	[sflag:s0] =	ssyncadd.tile.s32 @!p0 $0x1;
	_ =	shalt  }
.Lfunc_end2:
_tile_overlayer_lowered:
.L_overlay_start_2:
0xaf: {  	(tag) =	ssettag $0x2  }
0xb0: {  	s0 =	rddreg [dreg:$0x0];
	s2 =	stileid.u32  }
0xb1: {  	s1 =	rddreg [dreg:$0x1];
	p0 =	sne.s32 s2, $0x0  }
0xb2: {  	s3 =	rddreg [dreg:$0x2];
	[bflag:$0x3] =	sbarrier.arrive $0xFFFF;
	s2 =	simm.s32 @!p0 $0x1C05  }
0xb3: {  	[timem:s3], [sflag:s2] =	dma.local @!p0 [hbm:s0], s1  }
0xb4: {  	s0 =	simm.s32 @!p0 $0x5  }
0xb5: {  	_ =	swait.ge @!p0 [sflag:s0], s1  }
0xb6: {  	s1 =	ssub.s32 @!p0 $0x0, s1;
	[sflag:s0] =	ssyncset.done @!p0 $0x0  }
0xb7: {  	[sflag:s0] =	ssyncadd.s32 @!p0 s1  }
0xb8: {  	[bflag:$0x3] =	sbarrier.arrive $0xFFFF  }
0xb9: {  	_ =	shalt  }

// kernel: kernel.15.cloned.1.call-start
scs
__scs_entry_jumppad:
0x0: {  	(pc) =	sbr.rel $0x88, $3  }
0x1: {  	(tag) =	ssettag $0x0;
	lr =	simm.s32 $0x1  }
0x2: {  	[smem:$0x3F8E] =	sst lr;
	_ =	strace $0xD0000000  }
0x3: {  	_ = 	snop  }
0x4: {  	_ = 	snop  }
0x5: {  	_ = 	snop  }
0x6: {  	_ = 	snop  }
0x7: {  	_ = 	snop  }
__scs_overlays_trampoline_lowered:
0x8: {  	[smem:$0x3F9D] =	sst s0  }
0x9: {  	[smem:$0x3F9E] =	sst s1  }
0xa: {  	[smem:$0x3F9F] =	sst s2  }
0xb: {  	[smem:$0x3FA0] =	sst s3  }
0xc: {  	[smem:$0x3FA1] =	sst s4  }
0xd: {  	[smem:$0x3FA2] =	sst s5  }
0xe: {  	[smem:$0x3FA3] =	sst s6  }
0xf: {  	[smem:$0x3FA4] =	sst s7  }
0x10: {  	[smem:$0x3FA5] =	sst s8  }
0x11: {  	[smem:$0x3FA6] =	sst s9;
	s0 =	simm.s32 @!p0 $0x0  }
0x12: {  	s1 =	sld [smem:$0x3F8C];
	s0 =	simm.s32 @p0 $0x1  }
0x13: {  	[smem:$0x3FA7] =	sst s0;
	s0 =	simm.s32 @!p1 $0x0  }
0x14: {  	s2 =	sld [smem:$0x3F8B];
	s0 =	simm.s32 @p1 $0x1  }
0x15: {  	[smem:$0x3FA8] =	sst s0;
	s0 =	simm.s32 @!p2 $0x0  }
0x16: {  	s3 =	sld [smem:$0x3FDB];
	s0 =	simm.s32 @p2 $0x1  }
0x17: {  	s4 =	simm.s32 $0x1BF5;
	[smem:$0x3FAA] =	sst s0  }
0x18: {  	s0 =	sld [smem:$0x3F8D];
	_ =	swait.ge [sflag:s4], $0x0  }
0x19: {  	s7 =	sld [smem:$0x3F8E]  }
0x1a: {  	s8 =	sadd.s32 $0xFFFFE003, lr  }
0x1b: {  	s9 =	sadd.s32 $0xFFFFFEF7, lr;
	s5 =	simm.s32 $0xFFFFFFFF;
	p2 =	slt.u32 s8, $0xFFFFF086  }
0x1c: {  	p1 =	slt.u32 s9, $0xF7A;
	s5 =	simm.s32 @!p2 $0x0  }
0x1d: {  	s5 =	simm.s32 @p1 $0x1;
	p0 =	seq.s32 s7, s2  }
0x1e: {  	s7 =	smul.u32 @!p0 $0xF7A, s2;
	p2 =	seq.s32 @!p0 s5, $0x0  }
0x1f: {  	s9 =	smul.u32 $0xF7A, s1;
	s8 =	simm.s32 @!p0 $0x1BF5;
	p2 =	por !p2, p0  }
0x20: {  	[sflag:s8] =	ssyncset.s32 @!p0 $0xFFFFF086;
	s6 =	sadd.s32 @!p0 s3, s7;
	s7 =	simm.s32 @!p0 $0x108  }
0x21: {  	s3 =	sadd.s32 s3, s9;
	s6 =	sadd.s32 @!p0 $0x88, s6;
	s7 =	simm.s32 @p2 $0x1082  }
0x22: {  	[simem:s7], [sflag:s8] =	dma.local @!p0 [hbm:s6], $0xF7A  }
0x23: {  	s9 =	sor.u32 $0xD0000000, s2;
	s6 =	simm.s32 $0x108;
	_ =	swait.ge @!p0 [sflag:s8], $0x0  }
0x24: {  	s3 =	sadd.s32 $0x88, s3;
	s6 =	simm.s32 @!p1 $0x1082;
	[sflag:s4] =	ssyncset.s32 $0xFFFFF086  }
0x25: {  	[simem:s6], [sflag:s4] =	dma.local [hbm:s3], $0xF7A  }
0x26: {  	[smem:$0x3F8E] =	sst s1;
	(tag) =	ssettag s2;
	_ =	strace s9  }
0x27: {  	s1 =	sld [smem:$0x3F9E]  }
0x28: {  	s2 =	sld [smem:$0x3F9F]  }
0x29: {  	s4 =	sld [smem:$0x3FA1]  }
0x2a: {  	p0 =	seq.s32 s5, $0x0;
	s5 =	sld [smem:$0x3FA2]  }
0x2b: {  	s6 =	sld [smem:$0x3FA3]  }
0x2c: {  	s7 =	sld [smem:$0x3FA4]  }
0x2d: {  	s3 =	simm.s32 $0x108;
	s8 =	sld [smem:$0x3FA5]  }
0x2e: {  	s3 =	simm.s32 @!p0 $0x1082;
	s9 =	sld [smem:$0x3FA6]  }
0x2f: {  	lr =	sadd.s32 s0, s3;
	s0 =	sld [smem:$0x3F9D]  }
0x30: {  	s3 =	sld [smem:$0x3FA0]  }
0x31: {  	[smem:$0x3FA9] =	sst s10  }
0x32: {  	s10 =	sld [smem:$0x3FA7];
	_ =	sdelay $0x3  }
0x33: {  	p0 =	seq.s32 s10, $0x1;
	s10 =	sld [smem:$0x3FA9];
	_ =	sdelay $0x3  }
0x34: {  	[smem:$0x3FA9] =	sst s10  }
0x35: {  	s10 =	sld [smem:$0x3FA8];
	_ =	sdelay $0x3  }
0x36: {  	p1 =	seq.s32 s10, $0x1;
	s10 =	sld [smem:$0x3FA9];
	_ =	sdelay $0x3  }
0x37: {  	[smem:$0x3FA9] =	sst s10  }
0x38: {  	s10 =	sld [smem:$0x3FAA]  }
0x39: {  	_ = 	snop;
	(pc) =	sbr.ind lr, $3  }
0x3a: {  	_ = 	snop  }
0x3b: {  	_ = 	snop  }
0x3c: {  	p2 =	seq.s32 s10, $0x1;
	s10 =	sld [smem:$0x3FA9]  }
0x3d: {  	_ =	shalt  }
0x3e: {  	_ =	shalt  }
0x3f: {  	_ =	shalt  }
0x40: {  	_ =	shalt  }
0x41: {  	_ =	shalt  }
0x42: {  	_ =	shalt  }
0x43: {  	_ =	shalt  }
0x44: {  	_ =	shalt  }
0x45: {  	_ =	shalt  }
0x46: {  	_ =	shalt  }
0x47: {  	_ =	shalt  }
0x48: {  	_ =	shalt  }
0x49: {  	_ =	shalt  }
0x4a: {  	_ =	shalt  }
0x4b: {  	_ =	shalt  }
0x4c: {  	_ =	shalt  }
0x4d: {  	_ =	shalt  }
0x4e: {  	_ =	shalt  }
0x4f: {  	_ =	shalt  }
0x50: {  	_ =	shalt  }
0x51: {  	_ =	shalt  }
0x52: {  	_ =	shalt  }
0x53: {  	_ =	shalt  }
0x54: {  	_ =	shalt  }
0x55: {  	_ =	shalt  }
0x56: {  	_ =	shalt  }
0x57: {  	_ =	shalt  }
0x58: {  	_ =	shalt  }
0x59: {  	_ =	shalt  }
0x5a: {  	_ =	shalt  }
0x5b: {  	_ =	shalt  }
0x5c: {  	_ =	shalt  }
0x5d: {  	_ =	shalt  }
0x5e: {  	_ =	shalt  }
0x5f: {  	_ =	shalt  }
0x60: {  	_ =	shalt  }
0x61: {  	_ =	shalt  }
0x62: {  	_ =	shalt  }
0x63: {  	_ =	shalt  }
0x64: {  	_ =	shalt  }
0x65: {  	_ =	shalt  }
0x66: {  	_ =	shalt  }
0x67: {  	_ =	shalt  }
0x68: {  	_ =	shalt  }
0x69: {  	_ =	shalt  }
0x6a: {  	_ =	shalt  }
0x6b: {  	_ =	shalt  }
0x6c: {  	_ =	shalt  }
0x6d: {  	_ =	shalt  }
0x6e: {  	_ =	shalt  }
0x6f: {  	_ =	shalt  }
0x70: {  	_ =	shalt  }
0x71: {  	_ =	shalt  }
0x72: {  	_ =	shalt  }
0x73: {  	_ =	shalt  }
0x74: {  	_ =	shalt  }
0x75: {  	_ =	shalt  }
0x76: {  	_ =	shalt  }
0x77: {  	_ =	shalt  }
0x78: {  	_ =	shalt  }
0x79: {  	_ =	shalt  }
0x7a: {  	_ =	shalt  }
0x7b: {  	_ =	shalt  }
0x7c: {  	_ =	shalt  }
0x7d: {  	_ =	shalt  }
0x7e: {  	_ =	shalt  }
0x7f: {  	_ =	shalt  }
0x80: {  	_ =	shalt  }
0x81: {  	_ =	shalt  }
0x82: {  	_ =	shalt  }
0x83: {  	_ =	shalt  }
0x84: {  	_ =	shalt  }
0x85: {  	_ =	shalt  }
0x86: {  	_ =	shalt  }
0x87: {  	_ =	shalt  }
.Lfunc_end0:
.L_simem_size_0:
called_computation.2_lowered:
.L_overlay_start_0:
0x88: {  	s2 =	sld [smem:$0x3FD9]  }
0x89: {  	s3 =	sld [smem:$0x3FFE];
	_ =	sdelay $0x1  }
0x8a: {  	s1 =	srdreg.scid  }
0x8b: {  	s0 =	sand.u32 $0x1, s1  }
0x8c: {  	s17 =	sshll.u32 s0, $0xA;
	s2 =	sadd.s32 s3, s2  }
0x8d: {  	s2 =	sadd.s32 s2, s17  }
0x8e: {  	[smem:$0x3FB5] =	sst s2  }
0x8f: {  	_ = 	snop  }
0x90: {  	s2 =	sld [smem:$0x3FC8];
	(tm) =	ssettm $0x1  }
0x91: {  	s18 =	sld [smem:$0x3FFB];
	_ =	sdelay $0x3  }
0x92: {  	_ =	strace s18  }
0x93: {  	s3 =	sld [smem:$0x3FFC];
	_ =	sdelay $0x3  }
0x94: {  	_ =	strace s3  }
0x95: {  	s3 =	sld [smem:$0x3FFD];
	_ =	sdelay $0x3  }
0x96: {  	_ =	strace s3  }
0x97: {  	_ =	strace $0x8FFFFFFF  }
0x98: {  	s19 =	sld [smem:$0x3FDB];
	_ =	sdelay $0x1  }
0x99: {  	s4 =	simm.s32 $_scs_section_size  }
0x9a: {  	s5 =	simm.s32 $_size__tile_overlayer_lowered;
	s6 =	simm.s32 $_tile_overlayer_lowered  }
0x9b: {  	s22 =	simm.s32 $0x1BFF;
	s21 =	sshll.u32 s6, $0x1;
	s3 =	sadd.s32 s4, s19  }
0x9c: {  	s7 =	simm.s32 $0x0;
	s20 =	sshll.u32 s5, $0x1;
	s5 =	sadd.s32 s21, s3  }
0x9d: {  	[timem:s7], [sflag:s22] =	dma.local [hbm:s5], s20  }
0x9e: {  	_ =	swait.ge [sflag:s22], s20  }
0x9f: {  	s4 =	ssub.s32 $0x0, s20;
	[sflag:s22] =	ssyncset.done $0x0  }
0xa0: {  	[sflag:s22] =	ssyncadd.s32 s4;
	_ =	sdelay $0x1  }
0xa1: {  	s23 =	simm.s32 $0x1B8B  }
0xa2: {  	_ =	swait.ge [sflag:s23], $0x1  }
0xa3: {  	[sflag:s23] =	ssyncset.done $0x0  }
0xa4: {  	s25 =	simm.s32 $0x1B8E;
	s24 =	sld [smem:$0x3FFE];
	[sflag:s23] =	ssyncadd.s32 $0xFFFFFFFF  }
0xa5: {  	s26 =	simm.s32 $execute0_lowered;
	[smem:$0x3FD2] =	sst s25  }
0xa6: {  	s5 =	sshll.u32 s26, $0x1;
	_ =	strace $0x80000046;
	[dreg:$0x1] =	wrdreg $0xFFFFFFFF  }
0xa7: {  	s28 =	simm.s32 $_size_execute0_lowered;
	s3 =	sadd.s32 s3, s5;
	[dreg:$0x0] =	wrdreg $0x0  }
0xa8: {  	s5 =	sshll.u32 s28, $0x1;
	[dreg:$0x2] =	wrdreg s3  }
0xa9: {  	[dreg:$0x3] =	wrdreg s5  }
0xaa: {  	[dreg:$0x4] =	wrdreg $0xC0  }
0xab: {  	_ =	task [dreg:s7], $0x5FFFF  }
0xac: {  	[dreg:$0x1] =	wrdreg $0xFFFFFFFF  }
0xad: {  	[dreg:$0x0] =	wrdreg $0x60  }
0xae: {  	[dreg:$0x2] =	wrdreg s2  }
0xaf: {  	[dreg:$0x3] =	wrdreg s24  }
0xb0: {  	[dreg:$0x4] =	wrdreg $0xA  }
0xb1: {  	_ =	task.clear_ibuf [dreg:s7], $0x5FFFF;
	_ =	strace $0x90000046  }
0xb2: {  	s29 =	simm.s32 $0xA;
	_ =	strace $0x80000048  }
0xb3: {  	_ =	swait.ge [sflag:s29], $0x1  }
0xb4: {  	[sflag:s29] =	ssyncadd.s32 $0xFFFFFFFF  }
0xb5: {  	_ =	strace $0x90000048  }
0xb6: {  	_ =	sfence  }
0xb7: {  	s30 =	sld [smem:$0x0];
	_ =	sdelay $0x2  }
0xb8: {  	s31 =	sshll.u32 s1, $0xD;
	s1 =	sshrl.u32 s1, $0x2  }
0xb9: {  	s3 =	sand.u32 $0x4000, s31;
	s1 =	sadd.s32 s1, s30  }
0xba: {  	s0 =	sor.u32 s3, s0;
	s1 =	sshll.u32 s1, $0x11  }
0xbb: {  	s0 =	sor.u32 s1, s0  }
0xbc: {  	s0 =	sadd.s32 $0x8F2B, s0  }
0xbd: {  	[sflag:s0] =	ssyncadd.remote.s32 $0x1  }
0xbe: {  	_ =	sfence.sel $0xFFFF  }
0xbf: {  	[dreg:$0x0] =	wrdreg $0xFFFFFFFF;
	(pc) =	sbr.abs _section_cstart, $3  }
0xc0: {  	[dreg:$0x1] =	wrdreg $0xFFFFFFFF  }
0xc1: {  	_ =	task.clear_ibuf [dreg:s7], $0x2FFFF;
	_ =	strace $0x9FFFFFFF  }
0xc2: {  	(tm) =	ssettm $0x7FFFFFFF  }
0xc3: {  	_ =	shalt  }
tec
execute0_lowered:
.L_overlay_start_1:
0x0: {  	(tag) =	ssettag $0x1  }
0x1: {  	s0 =	srdreg.scid;
	s2 =	rddreg [dreg:$0x0]  }
0x2: {  	s1 =	stileid.u32;
	s7 =	rddreg [dreg:$0x1];
	s3 =	simm.s32 $0x0  }
0x3: {  	s17 =	simm.s32 $0x5;
	s19 =	simm.s32 $0xC8;
	s20 =	simm.s32 $0x2800  }
0x4: {  	s21 =	simm.s32 $0xF000;
	s28 =	simm.s32 $0x1BF00;
	s29 =	simm.s32 $0x1C000  }
0x5: {  	s30 =	simm.s32 $0x3;
	s0 =	sand.u32 $0x1, s0;
	s1 =	sshll.u32 s1, $0x1  }
0x6: {  	s31 =	simm.s32 $0x2;
	[smem:$0x7FF] =	sst s3;
	s1 =	sor.u32 s0, s1  }
0x7: {  	s5 =	sadd.s32 $0x21800, s7;
	s0 =	ssub.s32 $0x2, s0;
	s4 =	smul.u32 $0x1388, s1  }
0x8: {  	s6 =	sadd.s32 $0x292800, s7;
	_ =	strace $0x80000047;
	s9 =	sshrl.u32 s0, $0x1  }
0x9: {  	s0 =	ssub.s32 s0, s9;
	s1 =	sshrl.u32 s4, $0x3;
	s23 =	sadd.s32 $0x12C0, s4  }
0xa: {  	s10 =	sadd.s32 $0xC8, s4;
	s16 =	smax.u32 s0, $0x1;
	s8 =	sadd.s32 s1, s7  }
0xb: {  	s0 =	simm.s32 $0x1C200;
	s7 =	sadd.s32 $0xDE00, s7;
	s22 =	sadd.s32 $0x8E00, s8  }
0xc: {  	s24 =	sshll.u32 s23, $0x4;
	s8 =	sadd.s32 $0x3E00, s8;
	[dreg:$0x3] =	wrdreg s22  }
0xd: {  	s9 =	sshrl.u32 s23, $0x3;
	s11 =	sadd.s32 s5, s24;
	[dreg:$0x4] =	wrdreg s8  }
0xe: {  	s23 =	simm.s32 $0x1C300;
	s25 =	sadd.s32 s7, s9;
	[dreg:$0x5] =	wrdreg s11  }
0xf: {  	s1 =	sadd.s32 s7, s1;
	s8 =	sadd.s32 s6, s24;
	[dreg:$0x7] =	wrdreg s25  }
0x10: {  	s9 =	simm.s32 $0x0;
	s26 =	sadd.s32 $0x5078, s1;
	[dreg:$0x6] =	wrdreg s8  }
0x11: {  	s1 =	sadd.s32 $0x9E98, s1;
	s22 =	simm.s32 $0x8C00;
	[dreg:$0x8] =	wrdreg s26  }
0x12: {  	s24 =	simm.s32 $0x15400;
	s25 =	simm.s32 $0x1;
	[dreg:$0x9] =	wrdreg s1  }
0x13: {  	s26 =	simm.s32 $0x1BE00;
	s1 =	simm.s32 $0x1C100;
	s8 =	simm.s32 $0x4  }
.LBB2_1:
0x14: {  	s11 =	rddreg [dreg:$0x3]  }
0x15: {  	[tilespmem:s3], [sflag:$0x5] =	stream.linear.gather [hbm4b:s11+s3], $0x1388, $0x38;
	[tilespmem:$0x1C400] =	vst v63  }
0x16: {  	_ =	swait.ge [sflag:s17], $0x1388  }
0x17: {  	[sflag:s17] =	ssyncset.done $0x0  }
0x18: {  	s12 =	simm.s32 $0x1400;
	s15 =	rddreg [dreg:$0x4];
	[sflag:s17] =	ssyncadd.s32 $0xFFFFEC78  }
0x19: {  	[tilespmem:s12], [sflag:$0x5] =	stream.linear.gather [hbm4b:s15+s3], $0x1388, $0x38;
	[tilespmem:$0x1C400] =	vst v63  }
0x1a: {  	_ =	swait.ge [sflag:s17], $0x1388  }
0x1b: {  	[sflag:s17] =	ssyncset.done $0x0  }
0x1c: {  	[sflag:s17] =	ssyncadd.s32 $0xFFFFEC78  }
0x1d: {  	[tilespmem:s20], [sflag:$0x1] =	stream.indirect.gather [hbm4b:s2+s19], $0x80, s3, s19, $0xb8;
	[tilespmem:$0x1C400] =	vst v63  }
0x1e: {  	_ = 	snop  }
0x1f: {  	[tilespmem:s21], [sflag:$0x1] =	stream.indirect.gather [hbm4b:s2+s19], $0x80, s12, s19, $0xb8;
	[tilespmem:$0x1C400] =	vst v63  }
0x20: {  	_ = 	snop  }
0x21: {  	[tilespmem:s22], [sflag:$0x2] =	stream.indirect.gather [hbm4b:s2+s19], $0x80, s19, s19, $0xb8;
	[tilespmem:$0x1C400] =	vst v63  }
0x22: {  	s18 =	simm.s32 $0x14C8;
	s11 =	simm.s32 $0x0  }
0x23: {  	[tilespmem:s24], [sflag:$0x2] =	stream.indirect.gather [hbm4b:s2+s19], $0x80, s18, s19, $0xb8;
	[tilespmem:$0x1C400] =	vst v63  }
.LBB2_2:
0x24: {  	_ =	swait.ge [sflag:s25], $0x6400  }
0x25: {  	[sflag:s25] =	ssyncset.done $0x0  }
0x26: {  	[sflag:s25] =	ssyncadd.s32 $0xFFFF9C00  }
0x27: {  	_ =	swait.ge [sflag:s25], $0x6400  }
0x28: {  	[sflag:s25] =	ssyncset.done $0x0  }
0x29: {  	s13 =	simm.s32 $0x0;
	[sflag:s25] =	ssyncadd.s32 $0xFFFF9C00  }
0x2a: {  	v2 =	vld [tilespmem:s13+$0x1B800]  }
0x2b: {  	v1 =	vld [tilespmem:s13+$0x1B900]  }
0x2c: {  	v0 =	vld [tilespmem:s13+$0x1BA00]  }
0x2d: {  	v4 =	vld [tilespmem:s13+$0x1BE00]  }
0x2e: {  	s12 =	simm.s32 $0x40;
	v3 =	vld [tilespmem:s13+$0x1BF00]  }
.LBB2_3:
0x2f: {  	p0 =	sne.s32 s12, $0x300;
	v5 =	vld [tilespmem:s13+$0x1C000];
	_ =	sdelay $0x1  }
0x30: {  	s18 =	sshra.s32 s12, $0x2  }
.Ltmp0:
0x31: {  	v4 =	vsub.f32 v2, v4;
	v2 =	vld [tilespmem:s18+$0x1B800];
	(pc) =	sbr.rel @p0 .LBB2_3-.Ltmp0, $4  }
0x32: {  	v3 =	vsub.f32 v1, v3;
	v1 =	vld [tilespmem:s18+$0x1B900]  }
0x33: {  	[tilespmem:s13+$0x1BE00] =	vst v4;
	v5 =	vsub.f32 v0, v5;
	v0 =	vld [tilespmem:s18+$0x1BA00]  }
0x34: {  	v4 =	vld [tilespmem:s18+$0x1BE00];
	[tilespmem:s13+$0x1BF00] =	vst v3  }
0x35: {  	s12 =	sadd.s32 $0x40, s12;
	v3 =	vld [tilespmem:s18+$0x1BF00];
	[tilespmem:s13+$0x1C000] =	vst v5;
	s13 =	smov.u32 s18  }
0x36: {  	v5 =	vld [tilespmem:s13+$0x1C000];
	_ =	sdelay $0x2  }
0x37: {  	s12 =	smul.u32 $0x190, s11;
	v2 =	vsub.f32 v2, v4  }
0x38: {  	v1 =	vsub.f32 v1, v3  }
0x39: {  	s18 =	sadd.s32 s4, s12;
	[tilespmem:s13+$0x1BE00] =	vst v2;
	v0 =	vsub.f32 v0, v5  }
0x3a: {  	s14 =	sshll.u32 s18, $0x4;
	[tilespmem:s13+$0x1BF00] =	vst v1  }
0x3b: {  	s15 =	simm.s32 $0x0;
	[tilespmem:s13+$0x1C000] =	vst v0;
	s13 =	sadd.s32 s5, s14  }
0x3c: {  	[hbm4b:s13+s15] =	stream.linear.scatter [tilespmem:s20], [sflag:$0x3], $0x6400, $0x38;
	[tilespmem:$0x1C400] =	vst v63  }
0x3d: {  	s14 =	sadd.s32 s6, s14  }
0x3e: {  	[hbm4b:s14+s15] =	stream.linear.scatter [tilespmem:s21], [sflag:$0x3], $0x6400, $0x38;
	[tilespmem:$0x1C400] =	vst v63  }
0x3f: {  	s14 =	sshrl.u32 s18, $0x3  }
0x40: {  	s13 =	sadd.s32 s7, s14  }
0x41: {  	[hbm4b:s13+s15] =	stream.linear.scatter [tilespmem:s26], [sflag:$0x3], $0xC8, $0x38;
	[tilespmem:$0x1C400] =	vst v63  }
0x42: {  	s18 =	sadd.s32 $0x4E20, s13  }
0x43: {  	[hbm4b:s18+s15] =	stream.linear.scatter [tilespmem:s28], [sflag:$0x3], $0xC8, $0x38;
	[tilespmem:$0x1C400] =	vst v63  }
0x44: {  	s13 =	sadd.s32 $0x9C40, s13  }
0x45: {  	[hbm4b:s13+s15] =	stream.linear.scatter [tilespmem:s29], [sflag:$0x3], $0xC8, $0x38;
	[tilespmem:$0x1C400] =	vst v63  }
0x46: {  	_ =	swait.ge [sflag:s30], $0x6400  }
0x47: {  	[sflag:s30] =	ssyncset.done $0x0  }
0x48: {  	[sflag:s30] =	ssyncadd.s32 $0xFFFF9C00  }
0x49: {  	_ =	swait.ge [sflag:s30], $0x6400  }
0x4a: {  	[sflag:s30] =	ssyncset.done $0x0  }
0x4b: {  	[sflag:s30] =	ssyncadd.s32 $0xFFFF9C00  }
0x4c: {  	_ =	swait.ge [sflag:s30], $0xC8  }
0x4d: {  	[sflag:s30] =	ssyncset.done $0x0  }
0x4e: {  	[sflag:s30] =	ssyncadd.s32 $0xFFFFFF38  }
0x4f: {  	_ =	swait.ge [sflag:s30], $0xC8  }
0x50: {  	[sflag:s30] =	ssyncset.done $0x0  }
0x51: {  	[sflag:s30] =	ssyncadd.s32 $0xFFFFFF38  }
0x52: {  	_ =	swait.ge [sflag:s30], $0xC8  }
0x53: {  	[sflag:s30] =	ssyncset.done $0x0  }
0x54: {  	s15 =	sadd.s32 $0x190, s12;
	[sflag:s30] =	ssyncadd.s32 $0xFFFFFF38  }
0x55: {  	[tilespmem:s20], [sflag:$0x1] =	stream.indirect.gather [hbm4b:s2+s19], $0x80, s15, s19, $0xb8;
	[tilespmem:$0x1C400] =	vst v63  }
0x56: {  	s18 =	sadd.s32 $0x1590, s12  }
0x57: {  	[tilespmem:s21], [sflag:$0x1] =	stream.indirect.gather [hbm4b:s2+s19], $0x80, s18, s19, $0xb8;
	[tilespmem:$0x1C400] =	vst v63  }
0x58: {  	_ =	swait.ge [sflag:s31], $0x6400  }
0x59: {  	[sflag:s31] =	ssyncset.done $0x0  }
0x5a: {  	[sflag:s31] =	ssyncadd.s32 $0xFFFF9C00  }
0x5b: {  	_ =	swait.ge [sflag:s31], $0x6400  }
0x5c: {  	[sflag:s31] =	ssyncset.done $0x0  }
0x5d: {  	s13 =	simm.s32 $0x0;
	[sflag:s31] =	ssyncadd.s32 $0xFFFF9C00  }
0x5e: {  	v1 =	vld [tilespmem:s13+$0x1BB00]  }
0x5f: {  	v2 =	vld [tilespmem:s13+$0x1BC00]  }
0x60: {  	v0 =	vld [tilespmem:s13+$0x1BD00]  }
0x61: {  	v3 =	vld [tilespmem:s13+$0x1C100]  }
0x62: {  	s18 =	simm.s32 $0x40;
	v4 =	vld [tilespmem:s13+$0x1C200]  }
.LBB2_5:
0x63: {  	p0 =	sne.s32 s18, $0x300;
	v5 =	vld [tilespmem:s13+$0x1C300];
	_ =	sdelay $0x1  }
0x64: {  	s14 =	sshra.s32 s18, $0x2  }
.Ltmp1:
0x65: {  	v3 =	vsub.f32 v1, v3;
	v1 =	vld [tilespmem:s14+$0x1BB00];
	(pc) =	sbr.rel @p0 .LBB2_5-.Ltmp1, $4  }
0x66: {  	v4 =	vsub.f32 v2, v4;
	v2 =	vld [tilespmem:s14+$0x1BC00]  }
0x67: {  	[tilespmem:s13+$0x1C100] =	vst v3;
	v5 =	vsub.f32 v0, v5;
	v0 =	vld [tilespmem:s14+$0x1BD00]  }
0x68: {  	v3 =	vld [tilespmem:s14+$0x1C100];
	[tilespmem:s13+$0x1C200] =	vst v4  }
0x69: {  	s18 =	sadd.s32 $0x40, s18;
	v4 =	vld [tilespmem:s14+$0x1C200];
	[tilespmem:s13+$0x1C300] =	vst v5;
	s13 =	smov.u32 s14  }
0x6a: {  	v5 =	vld [tilespmem:s13+$0x1C300];
	_ =	sdelay $0x2  }
0x6b: {  	v1 =	vsub.f32 v1, v3  }
0x6c: {  	v2 =	vsub.f32 v2, v4  }
0x6d: {  	s14 =	sadd.s32 s12, s10;
	[tilespmem:s13+$0x1C100] =	vst v1;
	v0 =	vsub.f32 v0, v5  }
0x6e: {  	s15 =	sshll.u32 s14, $0x4;
	[tilespmem:s13+$0x1C200] =	vst v2  }
0x6f: {  	s18 =	sadd.s32 s5, s15;
	[tilespmem:s13+$0x1C300] =	vst v0  }
0x70: {  	[hbm4b:s18+s3] =	stream.linear.scatter [tilespmem:s22], [sflag:$0x4], $0x6400, $0x38;
	[tilespmem:$0x1C400] =	vst v63  }
0x71: {  	s18 =	sadd.s32 s6, s15;
	s15 =	sshrl.u32 s14, $0x3  }
0x72: {  	[hbm4b:s18+s3] =	stream.linear.scatter [tilespmem:s24], [sflag:$0x4], $0x6400, $0x38;
	[tilespmem:$0x1C400] =	vst v63  }
0x73: {  	p0 =	seq.s32 s11, $0xB;
	s13 =	sadd.s32 s7, s15  }
0x74: {  	[hbm4b:s13+s3] =	stream.linear.scatter [tilespmem:s1], [sflag:$0x4], $0xC8, $0x38;
	[tilespmem:$0x1C400] =	vst v63  }
.Ltmp2:
0x75: {  	_ = 	snop;
	(pc) =	sbr.rel @p0 .LBB2_8-.Ltmp2, $4  }
0x76: {  	s18 =	sadd.s32 $0x4E20, s13  }
0x77: {  	[hbm4b:s18+s3] =	stream.linear.scatter [tilespmem:s0], [sflag:$0x4], $0xC8, $0x38;
	[tilespmem:$0x1C400] =	vst v63  }
0x78: {  	s13 =	sadd.s32 $0x9C40, s13  }
0x79: {  	[hbm4b:s13+s3] =	stream.linear.scatter [tilespmem:s23], [sflag:$0x4], $0xC8, $0x38;
	[tilespmem:$0x1C400] =	vst v63  }
0x7a: {  	_ =	swait.ge [sflag:s8], $0x6400  }
0x7b: {  	[sflag:s8] =	ssyncset.done $0x0  }
0x7c: {  	[sflag:s8] =	ssyncadd.s32 $0xFFFF9C00  }
0x7d: {  	_ =	swait.ge [sflag:s8], $0x6400  }
0x7e: {  	[sflag:s8] =	ssyncset.done $0x0  }
0x7f: {  	[sflag:s8] =	ssyncadd.s32 $0xFFFF9C00  }
0x80: {  	_ =	swait.ge [sflag:s8], $0xC8  }
0x81: {  	[sflag:s8] =	ssyncset.done $0x0  }
0x82: {  	[sflag:s8] =	ssyncadd.s32 $0xFFFFFF38  }
0x83: {  	_ =	swait.ge [sflag:s8], $0xC8  }
0x84: {  	[sflag:s8] =	ssyncset.done $0x0  }
0x85: {  	[sflag:s8] =	ssyncadd.s32 $0xFFFFFF38  }
0x86: {  	_ =	swait.ge [sflag:s8], $0xC8  }
.Ltmp3:
0x87: {  	[sflag:s8] =	ssyncset.done $0x0;
	(pc) =	sbr.rel .LBB2_2-.Ltmp3, $4  }
0x88: {  	s13 =	sadd.s32 $0x258, s12;
	[sflag:s8] =	ssyncadd.s32 $0xFFFFFF38  }
0x89: {  	[tilespmem:s22], [sflag:$0x2] =	stream.indirect.gather [hbm4b:s2+s19], $0x80, s13, s19, $0xb8;
	[tilespmem:$0x1C400] =	vst v63  }
0x8a: {  	s18 =	sadd.s32 $0x1658, s12;
	s11 =	sadd.s32 $0x1, s11  }
0x8b: {  	[tilespmem:s24], [sflag:$0x2] =	stream.indirect.gather [hbm4b:s2+s19], $0x80, s18, s19, $0xb8;
	[tilespmem:$0x1C400] =	vst v63  }
.LBB2_8:
0x8c: {  	_ =	swait.ge [sflag:s25], $0x6400  }
0x8d: {  	[sflag:s25] =	ssyncset.done $0x0  }
0x8e: {  	[sflag:s25] =	ssyncadd.s32 $0xFFFF9C00  }
0x8f: {  	_ =	swait.ge [sflag:s25], $0x6400  }
0x90: {  	[sflag:s25] =	ssyncset.done $0x0  }
0x91: {  	s11 =	simm.s32 $0x0;
	[sflag:s25] =	ssyncadd.s32 $0xFFFF9C00  }
0x92: {  	v1 =	vld [tilespmem:s11+$0x1B800]  }
0x93: {  	v2 =	vld [tilespmem:s11+$0x1B900]  }
0x94: {  	v0 =	vld [tilespmem:s11+$0x1BA00]  }
0x95: {  	v3 =	vld [tilespmem:s11+$0x1BE00]  }
0x96: {  	s12 =	simm.s32 $0x40;
	v4 =	vld [tilespmem:s11+$0x1BF00]  }
.LBB2_9:
0x97: {  	p0 =	sne.s32 s12, $0x300;
	v5 =	vld [tilespmem:s11+$0x1C000];
	_ =	sdelay $0x1  }
0x98: {  	s13 =	sshra.s32 s12, $0x2  }
.Ltmp4:
0x99: {  	v3 =	vsub.f32 v1, v3;
	v1 =	vld [tilespmem:s13+$0x1B800];
	(pc) =	sbr.rel @p0 .LBB2_9-.Ltmp4, $4  }
0x9a: {  	v4 =	vsub.f32 v2, v4;
	v2 =	vld [tilespmem:s13+$0x1B900]  }
0x9b: {  	[tilespmem:s11+$0x1BE00] =	vst v3;
	v5 =	vsub.f32 v0, v5;
	v0 =	vld [tilespmem:s13+$0x1BA00]  }
0x9c: {  	v3 =	vld [tilespmem:s13+$0x1BE00];
	[tilespmem:s11+$0x1BF00] =	vst v4  }
0x9d: {  	s12 =	sadd.s32 $0x40, s12;
	v4 =	vld [tilespmem:s13+$0x1BF00];
	[tilespmem:s11+$0x1C000] =	vst v5;
	s11 =	smov.u32 s13  }
0x9e: {  	v5 =	vld [tilespmem:s11+$0x1C000];
	_ =	sdelay $0x2  }
0x9f: {  	v1 =	vsub.f32 v1, v3  }
0xa0: {  	v2 =	vsub.f32 v2, v4  }
0xa1: {  	[tilespmem:s11+$0x1BE00] =	vst v1;
	v0 =	vsub.f32 v0, v5  }
0xa2: {  	[tilespmem:s11+$0x1BF00] =	vst v2  }
0xa3: {  	s12 =	rddreg [dreg:$0x5];
	[tilespmem:s11+$0x1C000] =	vst v0  }
0xa4: {  	[hbm4b:s12+s3] =	stream.linear.scatter [tilespmem:s20], [sflag:$0x3], $0x6400, $0x38;
	[tilespmem:$0x1C400] =	vst v63  }
0xa5: {  	s13 =	rddreg [dreg:$0x6]  }
0xa6: {  	[hbm4b:s13+s3] =	stream.linear.scatter [tilespmem:s21], [sflag:$0x3], $0x6400, $0x38;
	[tilespmem:$0x1C400] =	vst v63  }
0xa7: {  	s14 =	rddreg [dreg:$0x7]  }
0xa8: {  	[hbm4b:s14+s3] =	stream.linear.scatter [tilespmem:s26], [sflag:$0x3], $0xC8, $0x38;
	[tilespmem:$0x1C400] =	vst v63  }
0xa9: {  	s15 =	rddreg [dreg:$0x8]  }
0xaa: {  	[hbm4b:s15+s3] =	stream.linear.scatter [tilespmem:s28], [sflag:$0x3], $0xC8, $0x38;
	[tilespmem:$0x1C400] =	vst v63  }
0xab: {  	s18 =	rddreg [dreg:$0x9]  }
0xac: {  	[hbm4b:s18+s3] =	stream.linear.scatter [tilespmem:s29], [sflag:$0x3], $0xC8, $0x38;
	[tilespmem:$0x1C400] =	vst v63  }
0xad: {  	_ =	swait.ge [sflag:s30], $0x6400  }
0xae: {  	[sflag:s30] =	ssyncset.done $0x0  }
0xaf: {  	[sflag:s30] =	ssyncadd.s32 $0xFFFF9C00  }
0xb0: {  	_ =	swait.ge [sflag:s30], $0x6400  }
0xb1: {  	[sflag:s30] =	ssyncset.done $0x0  }
0xb2: {  	[sflag:s30] =	ssyncadd.s32 $0xFFFF9C00  }
0xb3: {  	_ =	swait.ge [sflag:s30], $0xC8  }
0xb4: {  	[sflag:s30] =	ssyncset.done $0x0  }
0xb5: {  	[sflag:s30] =	ssyncadd.s32 $0xFFFFFF38  }
0xb6: {  	_ =	swait.ge [sflag:s30], $0xC8  }
0xb7: {  	[sflag:s30] =	ssyncset.done $0x0  }
0xb8: {  	[sflag:s30] =	ssyncadd.s32 $0xFFFFFF38  }
0xb9: {  	_ =	swait.ge [sflag:s30], $0xC8  }
0xba: {  	[sflag:s30] =	ssyncset.done $0x0  }
0xbb: {  	[sflag:s30] =	ssyncadd.s32 $0xFFFFFF38  }
0xbc: {  	_ =	swait.ge [sflag:s8], $0x6400  }
0xbd: {  	[sflag:s8] =	ssyncset.done $0x0  }
0xbe: {  	[sflag:s8] =	ssyncadd.s32 $0xFFFF9C00  }
0xbf: {  	_ =	swait.ge [sflag:s8], $0x6400  }
0xc0: {  	[sflag:s8] =	ssyncset.done $0x0  }
0xc1: {  	[sflag:s8] =	ssyncadd.s32 $0xFFFF9C00  }
0xc2: {  	_ =	swait.ge [sflag:s8], $0xC8  }
0xc3: {  	[sflag:s8] =	ssyncset.done $0x0  }
0xc4: {  	s9 =	sadd.s32 $0x1, s9;
	[sflag:s8] =	ssyncadd.s32 $0xFFFFFF38  }
0xc5: {  	p0 =	sne.s32 s9, s16;
	_ =	swait.ge [sflag:s8], $0xC8  }
.Ltmp5:
0xc6: {  	[sflag:s8] =	ssyncset.done $0x0;
	(pc) =	sbr.rel @p0 .LBB2_1-.Ltmp5, $4  }
0xc7: {  	[sflag:s8] =	ssyncadd.s32 $0xFFFFFF38  }
0xc8: {  	_ =	swait.ge [sflag:s8], $0xC8  }
0xc9: {  	[sflag:s8] =	ssyncset.done $0x0  }
0xca: {  	[sflag:s8] =	ssyncadd.s32 $0xFFFFFF38  }
0xcb: {  	_ =	sfence.sel $0x180000  }
0xcc: {  	[bflag:$0x0] =	sbarrier.arrive $0xFFFF  }
0xcd: {  	_ =	strace $0x90000047  }
0xce: {  	s0 =	stileid.u32;
	[bflag:$0x2] =	sbarrier.arrive $0xFFFF  }
0xcf: {  	p0 =	sne.s32 s0, $0x0;
	s0 =	rddreg [dreg:$0x2]  }
0xd0: {  	s0 =	sadd.s32 @!p0 $0x100000, s0  }
0xd1: {  	[sflag:s0] =	ssyncadd.tile.s32 @!p0 $0x1;
	_ =	shalt  }
.Lfunc_end2:
_tile_overlayer_lowered:
.L_overlay_start_2:
0xd2: {  	(tag) =	ssettag $0x2  }
0xd3: {  	s0 =	rddreg [dreg:$0x0];
	s2 =	stileid.u32  }
0xd4: {  	s1 =	rddreg [dreg:$0x1];
	p0 =	sne.s32 s2, $0x0  }
0xd5: {  	s3 =	rddreg [dreg:$0x2];
	[bflag:$0x3] =	sbarrier.arrive $0xFFFF;
	s2 =	simm.s32 @!p0 $0x1C05  }
0xd6: {  	[timem:s3], [sflag:s2] =	dma.local @!p0 [hbm:s0], s1  }
0xd7: {  	s0 =	simm.s32 @!p0 $0x5  }
0xd8: {  	_ =	swait.ge @!p0 [sflag:s0], s1  }
0xd9: {  	s1 =	ssub.s32 @!p0 $0x0, s1;
	[sflag:s0] =	ssyncset.done @!p0 $0x0  }
0xda: {  	[sflag:s0] =	ssyncadd.s32 @!p0 s1  }
0xdb: {  	[bflag:$0x3] =	sbarrier.arrive $0xFFFF  }
0xdc: {  	_ =	shalt  }

// kernel: kernel.18.cloned.1.call-start
scs
__scs_entry_jumppad:
0x0: {  	(pc) =	sbr.rel $0x88, $3  }
0x1: {  	(tag) =	ssettag $0x0;
	lr =	simm.s32 $0x1  }
0x2: {  	[smem:$0x3F8E] =	sst lr;
	_ =	strace $0xD0000000  }
0x3: {  	_ = 	snop  }
0x4: {  	_ = 	snop  }
0x5: {  	_ = 	snop  }
0x6: {  	_ = 	snop  }
0x7: {  	_ = 	snop  }
__scs_overlays_trampoline_lowered:
0x8: {  	[smem:$0x3F9D] =	sst s0  }
0x9: {  	[smem:$0x3F9E] =	sst s1  }
0xa: {  	[smem:$0x3F9F] =	sst s2  }
0xb: {  	[smem:$0x3FA0] =	sst s3  }
0xc: {  	[smem:$0x3FA1] =	sst s4  }
0xd: {  	[smem:$0x3FA2] =	sst s5  }
0xe: {  	[smem:$0x3FA3] =	sst s6  }
0xf: {  	[smem:$0x3FA4] =	sst s7  }
0x10: {  	[smem:$0x3FA5] =	sst s8  }
0x11: {  	[smem:$0x3FA6] =	sst s9;
	s0 =	simm.s32 @!p0 $0x0  }
0x12: {  	s1 =	sld [smem:$0x3F8C];
	s0 =	simm.s32 @p0 $0x1  }
0x13: {  	[smem:$0x3FA7] =	sst s0;
	s0 =	simm.s32 @!p1 $0x0  }
0x14: {  	s2 =	sld [smem:$0x3F8B];
	s0 =	simm.s32 @p1 $0x1  }
0x15: {  	[smem:$0x3FA8] =	sst s0;
	s0 =	simm.s32 @!p2 $0x0  }
0x16: {  	s3 =	sld [smem:$0x3FDB];
	s0 =	simm.s32 @p2 $0x1  }
0x17: {  	s4 =	simm.s32 $0x1BF5;
	[smem:$0x3FAA] =	sst s0  }
0x18: {  	s0 =	sld [smem:$0x3F8D];
	_ =	swait.ge [sflag:s4], $0x0  }
0x19: {  	s7 =	sld [smem:$0x3F8E]  }
0x1a: {  	s8 =	sadd.s32 $0xFFFFE003, lr  }
0x1b: {  	s9 =	sadd.s32 $0xFFFFFEF7, lr;
	s5 =	simm.s32 $0xFFFFFFFF;
	p2 =	slt.u32 s8, $0xFFFFF086  }
0x1c: {  	p1 =	slt.u32 s9, $0xF7A;
	s5 =	simm.s32 @!p2 $0x0  }
0x1d: {  	s5 =	simm.s32 @p1 $0x1;
	p0 =	seq.s32 s7, s2  }
0x1e: {  	s7 =	smul.u32 @!p0 $0xF7A, s2;
	p2 =	seq.s32 @!p0 s5, $0x0  }
0x1f: {  	s9 =	smul.u32 $0xF7A, s1;
	s8 =	simm.s32 @!p0 $0x1BF5;
	p2 =	por !p2, p0  }
0x20: {  	[sflag:s8] =	ssyncset.s32 @!p0 $0xFFFFF086;
	s6 =	sadd.s32 @!p0 s3, s7;
	s7 =	simm.s32 @!p0 $0x108  }
0x21: {  	s3 =	sadd.s32 s3, s9;
	s6 =	sadd.s32 @!p0 $0x88, s6;
	s7 =	simm.s32 @p2 $0x1082  }
0x22: {  	[simem:s7], [sflag:s8] =	dma.local @!p0 [hbm:s6], $0xF7A  }
0x23: {  	s9 =	sor.u32 $0xD0000000, s2;
	s6 =	simm.s32 $0x108;
	_ =	swait.ge @!p0 [sflag:s8], $0x0  }
0x24: {  	s3 =	sadd.s32 $0x88, s3;
	s6 =	simm.s32 @!p1 $0x1082;
	[sflag:s4] =	ssyncset.s32 $0xFFFFF086  }
0x25: {  	[simem:s6], [sflag:s4] =	dma.local [hbm:s3], $0xF7A  }
0x26: {  	[smem:$0x3F8E] =	sst s1;
	(tag) =	ssettag s2;
	_ =	strace s9  }
0x27: {  	s1 =	sld [smem:$0x3F9E]  }
0x28: {  	s2 =	sld [smem:$0x3F9F]  }
0x29: {  	s4 =	sld [smem:$0x3FA1]  }
0x2a: {  	p0 =	seq.s32 s5, $0x0;
	s5 =	sld [smem:$0x3FA2]  }
0x2b: {  	s6 =	sld [smem:$0x3FA3]  }
0x2c: {  	s7 =	sld [smem:$0x3FA4]  }
0x2d: {  	s3 =	simm.s32 $0x108;
	s8 =	sld [smem:$0x3FA5]  }
0x2e: {  	s3 =	simm.s32 @!p0 $0x1082;
	s9 =	sld [smem:$0x3FA6]  }
0x2f: {  	lr =	sadd.s32 s0, s3;
	s0 =	sld [smem:$0x3F9D]  }
0x30: {  	s3 =	sld [smem:$0x3FA0]  }
0x31: {  	[smem:$0x3FA9] =	sst s10  }
0x32: {  	s10 =	sld [smem:$0x3FA7];
	_ =	sdelay $0x3  }
0x33: {  	p0 =	seq.s32 s10, $0x1;
	s10 =	sld [smem:$0x3FA9];
	_ =	sdelay $0x3  }
0x34: {  	[smem:$0x3FA9] =	sst s10  }
0x35: {  	s10 =	sld [smem:$0x3FA8];
	_ =	sdelay $0x3  }
0x36: {  	p1 =	seq.s32 s10, $0x1;
	s10 =	sld [smem:$0x3FA9];
	_ =	sdelay $0x3  }
0x37: {  	[smem:$0x3FA9] =	sst s10  }
0x38: {  	s10 =	sld [smem:$0x3FAA]  }
0x39: {  	_ = 	snop;
	(pc) =	sbr.ind lr, $3  }
0x3a: {  	_ = 	snop  }
0x3b: {  	_ = 	snop  }
0x3c: {  	p2 =	seq.s32 s10, $0x1;
	s10 =	sld [smem:$0x3FA9]  }
0x3d: {  	_ =	shalt  }
0x3e: {  	_ =	shalt  }
0x3f: {  	_ =	shalt  }
0x40: {  	_ =	shalt  }
0x41: {  	_ =	shalt  }
0x42: {  	_ =	shalt  }
0x43: {  	_ =	shalt  }
0x44: {  	_ =	shalt  }
0x45: {  	_ =	shalt  }
0x46: {  	_ =	shalt  }
0x47: {  	_ =	shalt  }
0x48: {  	_ =	shalt  }
0x49: {  	_ =	shalt  }
0x4a: {  	_ =	shalt  }
0x4b: {  	_ =	shalt  }
0x4c: {  	_ =	shalt  }
0x4d: {  	_ =	shalt  }
0x4e: {  	_ =	shalt  }
0x4f: {  	_ =	shalt  }
0x50: {  	_ =	shalt  }
0x51: {  	_ =	shalt  }
0x52: {  	_ =	shalt  }
0x53: {  	_ =	shalt  }
0x54: {  	_ =	shalt  }
0x55: {  	_ =	shalt  }
0x56: {  	_ =	shalt  }
0x57: {  	_ =	shalt  }
0x58: {  	_ =	shalt  }
0x59: {  	_ =	shalt  }
0x5a: {  	_ =	shalt  }
0x5b: {  	_ =	shalt  }
0x5c: {  	_ =	shalt  }
0x5d: {  	_ =	shalt  }
0x5e: {  	_ =	shalt  }
0x5f: {  	_ =	shalt  }
0x60: {  	_ =	shalt  }
0x61: {  	_ =	shalt  }
0x62: {  	_ =	shalt  }
0x63: {  	_ =	shalt  }
0x64: {  	_ =	shalt  }
0x65: {  	_ =	shalt  }
0x66: {  	_ =	shalt  }
0x67: {  	_ =	shalt  }
0x68: {  	_ =	shalt  }
0x69: {  	_ =	shalt  }
0x6a: {  	_ =	shalt  }
0x6b: {  	_ =	shalt  }
0x6c: {  	_ =	shalt  }
0x6d: {  	_ =	shalt  }
0x6e: {  	_ =	shalt  }
0x6f: {  	_ =	shalt  }
0x70: {  	_ =	shalt  }
0x71: {  	_ =	shalt  }
0x72: {  	_ =	shalt  }
0x73: {  	_ =	shalt  }
0x74: {  	_ =	shalt  }
0x75: {  	_ =	shalt  }
0x76: {  	_ =	shalt  }
0x77: {  	_ =	shalt  }
0x78: {  	_ =	shalt  }
0x79: {  	_ =	shalt  }
0x7a: {  	_ =	shalt  }
0x7b: {  	_ =	shalt  }
0x7c: {  	_ =	shalt  }
0x7d: {  	_ =	shalt  }
0x7e: {  	_ =	shalt  }
0x7f: {  	_ =	shalt  }
0x80: {  	_ =	shalt  }
0x81: {  	_ =	shalt  }
0x82: {  	_ =	shalt  }
0x83: {  	_ =	shalt  }
0x84: {  	_ =	shalt  }
0x85: {  	_ =	shalt  }
0x86: {  	_ =	shalt  }
0x87: {  	_ =	shalt  }
.Lfunc_end0:
.L_simem_size_0:
called_computation.3_lowered:
.L_overlay_start_0:
0x88: {  	s2 =	sld [smem:$0x3FD9]  }
0x89: {  	s3 =	sld [smem:$0x3FFE];
	_ =	sdelay $0x1  }
0x8a: {  	s1 =	srdreg.scid  }
0x8b: {  	s0 =	sand.u32 $0x1, s1  }
0x8c: {  	s17 =	sshll.u32 s0, $0xA;
	s2 =	sadd.s32 s3, s2  }
0x8d: {  	s2 =	sadd.s32 s2, s17  }
0x8e: {  	[smem:$0x3FB5] =	sst s2  }
0x8f: {  	_ = 	snop  }
0x90: {  	(tm) =	ssettm $0x1  }
0x91: {  	s18 =	sld [smem:$0x3FFB];
	_ =	sdelay $0x3  }
0x92: {  	_ =	strace s18  }
0x93: {  	s2 =	sld [smem:$0x3FFC];
	_ =	sdelay $0x3  }
0x94: {  	_ =	strace s2  }
0x95: {  	s2 =	sld [smem:$0x3FFD];
	_ =	sdelay $0x3  }
0x96: {  	_ =	strace s2  }
0x97: {  	_ =	strace $0x8FFFFFFF  }
0x98: {  	s19 =	sld [smem:$0x3FDB];
	_ =	sdelay $0x1  }
0x99: {  	s20 =	simm.s32 $_scs_section_size  }
0x9a: {  	s4 =	simm.s32 $_size__tile_overlayer_lowered;
	s5 =	simm.s32 $_tile_overlayer_lowered  }
0x9b: {  	s6 =	simm.s32 $0x1BFF;
	s21 =	sshll.u32 s5, $0x1;
	s3 =	sadd.s32 s20, s19  }
0x9c: {  	s22 =	simm.s32 $0x0;
	s4 =	sshll.u32 s4, $0x1;
	s5 =	sadd.s32 s21, s3  }
0x9d: {  	[timem:s22], [sflag:s6] =	dma.local [hbm:s5], s4  }
0x9e: {  	_ =	swait.ge [sflag:s6], s4  }
0x9f: {  	s4 =	ssub.s32 $0x0, s4;
	[sflag:s6] =	ssyncset.done $0x0  }
0xa0: {  	[sflag:s6] =	ssyncadd.s32 s4;
	_ =	sdelay $0x1  }
0xa1: {  	s23 =	simm.s32 $0x1B8B  }
0xa2: {  	_ =	swait.ge [sflag:s23], $0x1  }
0xa3: {  	[sflag:s23] =	ssyncset.done $0x0  }
0xa4: {  	[sflag:s23] =	ssyncadd.s32 $0xFFFFFFFF  }
0xa5: {  	s4 =	sld [smem:$0x0]  }
0xa6: {  	s5 =	sand.u32 $0xFFFFFFFE, s1  }
0xa7: {  	p0 =	sne.s32 s1, s5  }
0xa8: {  	s5 =	sshll.u32 @p0 s5, $0xE  }
0xa9: {  	s5 =	sadd.s32 @p0 $0x11B8D, s5;
	s6 =	sshll.u32 @p0 s4, $0x11  }
0xaa: {  	s5 =	sor.u32 @p0 s6, s5  }
0xab: {  	[sflag:s5] =	ssyncadd.remote.s32 @p0 $0x1;
	_ =	sdelay $0x1  }
0xac: {  	s5 =	simm.s32 @p0 $0x1B8D  }
0xad: {  	_ =	swait.eq @p0 [sflag:s5], $0x1  }
0xae: {  	[sflag:s5] =	ssyncadd.s32 @p0 $0xFFFFFFFF  }
0xaf: {  	s6 =	sshll.u32 @!p0 s1, $0xE  }
0xb0: {  	s6 =	sor.u32 @!p0 $0x4000, s6;
	s5 =	simm.s32 @!p0 $0x1B8D  }
0xb1: {  	s4 =	sshll.u32 @!p0 s4, $0x11;
	s6 =	sadd.s32 @!p0 $0x11B8D, s6;
	_ =	swait.eq @!p0 [sflag:s5], $0x1  }
0xb2: {  	s4 =	sor.u32 @!p0 s4, s6;
	[sflag:s5] =	ssyncadd.s32 @!p0 $0xFFFFFFFF  }
0xb3: {  	s25 =	simm.s32 $0x1B8E;
	s24 =	sld [smem:$0x3FFE];
	[sflag:s4] =	ssyncadd.remote.s32 @!p0 $0x1  }
0xb4: {  	s26 =	simm.s32 $execute0_lowered;
	[smem:$0x3FD2] =	sst s25  }
0xb5: {  	s5 =	sshll.u32 s26, $0x1;
	_ =	strace $0x8000004C;
	[dreg:$0x1] =	wrdreg $0xFFFFFFFF  }
0xb6: {  	s28 =	simm.s32 $_size_execute0_lowered;
	s3 =	sadd.s32 s3, s5;
	[dreg:$0x0] =	wrdreg $0x0  }
0xb7: {  	s5 =	sshll.u32 s28, $0x1;
	[dreg:$0x2] =	wrdreg s3  }
0xb8: {  	[dreg:$0x3] =	wrdreg s5  }
0xb9: {  	[dreg:$0x4] =	wrdreg $0xC0  }
0xba: {  	_ =	task [dreg:s22], $0x5FFFF  }
0xbb: {  	[dreg:$0x1] =	wrdreg $0xFFFFFFFF  }
0xbc: {  	[dreg:$0x0] =	wrdreg $0x60  }
0xbd: {  	[dreg:$0x2] =	wrdreg s24  }
0xbe: {  	[dreg:$0x3] =	wrdreg $0x68000  }
0xbf: {  	[dreg:$0x4] =	wrdreg $0xA  }
0xc0: {  	_ =	task.clear_ibuf [dreg:s22], $0x5FFFF;
	_ =	strace $0x9000004C  }
0xc1: {  	s29 =	simm.s32 $0xA;
	_ =	strace $0x8000004E  }
0xc2: {  	_ =	swait.ge [sflag:s29], $0x1  }
0xc3: {  	[sflag:s29] =	ssyncadd.s32 $0xFFFFFFFF  }
0xc4: {  	_ =	strace $0x9000004E  }
0xc5: {  	_ =	sfence  }
0xc6: {  	s30 =	sld [smem:$0x0];
	_ =	sdelay $0x2  }
0xc7: {  	s31 =	sshll.u32 s1, $0xD;
	s1 =	sshrl.u32 s1, $0x2  }
0xc8: {  	s4 =	sand.u32 $0x4000, s31;
	s1 =	sadd.s32 s1, s30  }
0xc9: {  	s0 =	sor.u32 s4, s0;
	s1 =	sshll.u32 s1, $0x11  }
0xca: {  	s0 =	sor.u32 s1, s0  }
0xcb: {  	s0 =	sadd.s32 $0x8F2B, s0  }
0xcc: {  	[sflag:s0] =	ssyncadd.remote.s32 $0x1  }
0xcd: {  	_ =	sfence.sel $0xFFFF  }
0xce: {  	[dreg:$0x0] =	wrdreg $0xFFFFFFFF;
	(pc) =	sbr.abs _section_cstart, $3  }
0xcf: {  	[dreg:$0x1] =	wrdreg $0xFFFFFFFF  }
0xd0: {  	_ =	task.clear_ibuf [dreg:s22], $0x2FFFF;
	_ =	strace $0x9FFFFFFF  }
0xd1: {  	(tm) =	ssettm $0x7FFFFFFF  }
tec
execute0_lowered:
.L_overlay_start_1:
0x0: {  	(tag) =	ssettag $0x1  }
0x1: {  	s0 =	rddreg [dreg:$0x0]  }
0x2: {  	s2 =	rddreg [dreg:$0x1]  }
0x3: {  	s1 =	srdreg.scid;
	s12 =	stileid.u32  }
0x4: {  	s3 =	simm.s32 $0x0;
	s28 =	simm.s32 $0x3D80;
	s29 =	simm.s32 $0x3E00  }
0x5: {  	s30 =	simm.s32 $0x0;
	s1 =	sand.u32 $0x1, s1;
	s5 =	smul.u32 $0x14000, s12  }
0x6: {  	s4 =	sshll.u32 s12, $0x1;
	s14 =	sadd.s32 $0x9FF800, s0;
	s9 =	smul.u32 $0x50000, s12  }
0x7: {  	[smem:$0x7FF] =	sst s3;
	s15 =	sadd.s32 $0xC70800, s0;
	s16 =	smul.u32 $0x27100, s12  }
0x8: {  	s4 =	sor.u32 s1, s4;
	_ =	strace $0x8000004D;
	s8 =	smul.u32 $0x140000, s1  }
0x9: {  	s18 =	ssub.s32 $0x2, s1;
	s24 =	smul.u32 $0x13880, s1;
	s6 =	sshll.u32 s4, $0xB  }
0xa: {  	s7 =	sshrl.u32 s5, $0x3;
	s10 =	sshrl.u32 s18, $0x1;
	s11 =	smul.u32 $0x9C400, s4  }
0xb: {  	s20 =	sshrl.u32 s9, $0x2;
	s4 =	smul.u32 $0x13880, s4;
	s26 =	sadd.s32 s16, s14  }
0xc: {  	s31 =	sadd.s32 s16, s15;
	s6 =	sadd.s32 s6, s0;
	s7 =	sadd.s32 s7, s0  }
0xd: {  	s5 =	sadd.s32 s5, s8;
	s19 =	ssub.s32 s18, s10;
	s18 =	simm.s32 $0x5  }
0xe: {  	s5 =	sshrl.u32 s5, $0x3;
	s6 =	sadd.s32 $0x9EF800, s6;
	s21 =	sshrl.u32 s11, $0x3  }
0xf: {  	s22 =	sadd.s32 s14, s4;
	s10 =	sadd.s32 s15, s4;
	s13 =	smax.u32 s19, $0x1  }
0x10: {  	s25 =	sadd.s32 $0x13600, s4;
	s4 =	sadd.s32 s24, s26;
	s19 =	simm.s32 $0x4000  }
0x11: {  	s26 =	simm.s32 $0x3D00;
	s0 =	sadd.s32 s5, s0;
	[dreg:$0x3] =	wrdreg s6  }
0x12: {  	s6 =	sadd.s32 s20, s2;
	s11 =	sadd.s32 $0x280, s21;
	[dreg:$0x5] =	wrdreg s22  }
0x13: {  	s5 =	sadd.s32 $0x780, s4;
	s20 =	simm.s32 $0x5400;
	s21 =	simm.s32 $0x1  }
0x14: {  	s22 =	simm.s32 $0x28;
	[dreg:$0x4] =	wrdreg s6;
	s6 =	sadd.s32 $0x3E00, s7  }
0x15: {  	s23 =	sadd.s32 s14, s11;
	s9 =	sadd.s32 $0x2BE00, s0;
	s11 =	sadd.s32 s15, s11  }
0x16: {  	s12 =	sadd.s32 $0x7BE00, s0;
	s14 =	sadd.s32 s14, s25;
	s0 =	sadd.s32 s24, s31  }
0x17: {  	s15 =	sadd.s32 s15, s25;
	s24 =	simm.s32 $0x2;
	s25 =	simm.s32 $0x4  }
0x18: {  	[dreg:$0x6] =	wrdreg s23;
	s17 =	sadd.s32 $0x780, s0;
	s23 =	simm.s32 $0x3  }
.LBB2_1:
0x19: {  	s0 =	rddreg [dreg:$0x3]  }
0x1a: {  	[tilespmem:s3], [sflag:$0x5] =	stream.linear.gather [hbm4b:s0+s3], $0x3E80, $0x38;
	[tilespmem:$0x1A800] =	vst v63  }
0x1b: {  	s16 =	stileid.u32;
	_ =	swait.ge [sflag:s18], $0x3E80  }
0x1c: {  	s0 =	sshll.u32 s16, $0x6;
	[sflag:s18] =	ssyncset.done $0x0;
	s1 =	rddreg [dreg:$0x4]  }
0x1d: {  	s31 =	sor.u32 $0x1C05, s0;
	[sflag:s18] =	ssyncadd.s32 $0xFFFFC180;
	s0 =	sshrl.u32 s1, $0x3  }
0x1e: {  	[spmem:s0], [sflag:s31] =	dma.local [hbm:s6], $0x2800  }
0x1f: {  	_ =	swait.ge [sflag:s18], $0x2800  }
0x20: {  	[sflag:s18] =	ssyncset.done $0x0  }
0x21: {  	[sflag:s18] =	ssyncadd.s32 $0xFFFFD800  }
0x22: {  	[bflag:$0x0] =	sbarrier.arrive $0xFFFF  }
0x23: {  	s1 =	rddreg [dreg:$0x5]  }
0x24: {  	[tilespmem:s19], [sflag:$0x1] =	stream.linear.gather [hbm4b:s1+s3], $0x1400, $0x38;
	[tilespmem:$0x1A800] =	vst v63  }
0x25: {  	s4 =	rddreg [dreg:$0x6]  }
0x26: {  	[tilespmem:s20], [sflag:$0x2] =	stream.linear.gather [hbm4b:s4+s3], $0x1400, $0x38;
	[tilespmem:$0x1A800] =	vst v63  }
0x27: {  	_ =	swait.ge [sflag:s21], $0x1400  }
0x28: {  	[sflag:s21] =	ssyncset.done $0x0  }
0x29: {  	s7 =	simm.s32 $0x0;
	[sflag:s21] =	ssyncadd.s32 $0xFFFFEC00  }
0x2a: {  	[spmem:s2] =	stream.indirect.scatter.add.f32 [tilespmem:s19], [sflag:$0x3], $0x80, s7, s22, $0xb8;
	[tilespmem:$0x1A800] =	vst v63  }
0x2b: {  	_ =	swait.ge [sflag:s23], $0x1400  }
0x2c: {  	[sflag:s23] =	ssyncset.done $0x0  }
0x2d: {  	s8 =	sadd.s32 $0xFFFFFD80, s5;
	[sflag:s23] =	ssyncadd.s32 $0xFFFFEC00  }
0x2e: {  	[tilespmem:s19], [sflag:$0x1] =	stream.linear.gather [hbm4b:s8+s3], $0x1400, $0x38;
	[tilespmem:$0x1A800] =	vst v63  }
0x2f: {  	_ =	swait.ge [sflag:s24], $0x1400  }
0x30: {  	[sflag:s24] =	ssyncset.done $0x0  }
0x31: {  	s16 =	simm.s32 $0x80;
	[sflag:s24] =	ssyncadd.s32 $0xFFFFEC00  }
0x32: {  	[spmem:s2] =	stream.indirect.scatter.add.f32 [tilespmem:s20], [sflag:$0x4], $0x80, s16, s22, $0xb8;
	[tilespmem:$0x1A800] =	vst v63  }
0x33: {  	_ =	swait.ge [sflag:s25], $0x1400  }
0x34: {  	s1 =	simm.s32 $0x400;
	[sflag:s25] =	ssyncset.done $0x0  }
0x35: {  	s4 =	sadd.s32 $0x500, s5;
	s16 =	smov.u32 s5;
	[sflag:s25] =	ssyncadd.s32 $0xFFFFEC00  }
.LBB2_2:
0x36: {  	[tilespmem:s20], [sflag:$0x2] =	stream.linear.gather [hbm4b:s16+s3], $0x1400, $0x38;
	[tilespmem:$0x1A800] =	vst v63  }
0x37: {  	s7 =	smov.u32 s1;
	s16 =	smov.u32 s4  }
0x38: {  	p0 =	sne.s32 s1, $0xF000;
	s1 =	sadd.s32 $0x400, s1;
	_ =	swait.ge [sflag:s21], $0x1400  }
0x39: {  	[sflag:s21] =	ssyncset.done $0x0  }
0x3a: {  	s7 =	sshra.s32 s7, $0x2;
	[sflag:s21] =	ssyncadd.s32 $0xFFFFEC00  }
0x3b: {  	[spmem:s2] =	stream.indirect.scatter.add.f32 [tilespmem:s19], [sflag:$0x3], $0x80, s7, s22, $0xb8;
	[tilespmem:$0x1A800] =	vst v63  }
0x3c: {  	_ =	swait.ge [sflag:s23], $0x1400  }
0x3d: {  	[sflag:s23] =	ssyncset.done $0x0  }
0x3e: {  	s8 =	sadd.s32 $0xFFFFFD80, s4;
	[sflag:s23] =	ssyncadd.s32 $0xFFFFEC00  }
0x3f: {  	[tilespmem:s19], [sflag:$0x1] =	stream.linear.gather [hbm4b:s8+s3], $0x1400, $0x38;
	[tilespmem:$0x1A800] =	vst v63  }
0x40: {  	_ =	swait.ge [sflag:s24], $0x1400  }
0x41: {  	[sflag:s24] =	ssyncset.done $0x0  }
.Ltmp0:
0x42: {  	s7 =	sadd.s32 $0x80, s7;
	[sflag:s24] =	ssyncadd.s32 $0xFFFFEC00;
	(pc) =	sbr.rel @p0 .LBB2_2-.Ltmp0, $4  }
0x43: {  	[spmem:s2] =	stream.indirect.scatter.add.f32 [tilespmem:s20], [sflag:$0x4], $0x80, s7, s22, $0xb8;
	[tilespmem:$0x1A800] =	vst v63  }
0x44: {  	_ =	swait.ge [sflag:s25], $0x1400  }
0x45: {  	[sflag:s25] =	ssyncset.done $0x0  }
0x46: {  	s4 =	sadd.s32 $0x500, s4;
	[sflag:s25] =	ssyncadd.s32 $0xFFFFEC00  }
0x47: {  	[tilespmem:s20], [sflag:$0x2] =	stream.linear.gather [hbm4b:s16+s3], $0x1400, $0x38;
	[tilespmem:$0x1A800] =	vst v63  }
0x48: {  	_ =	swait.ge [sflag:s21], $0x1400  }
0x49: {  	[sflag:s21] =	ssyncset.done $0x0  }
0x4a: {  	[sflag:s21] =	ssyncadd.s32 $0xFFFFEC00  }
0x4b: {  	[spmem:s2] =	stream.indirect.scatter.add.f32 [tilespmem:s19], [sflag:$0x3], $0x80, s26, s22, $0xb8;
	[tilespmem:$0x1A800] =	vst v63  }
0x4c: {  	_ =	swait.ge [sflag:s23], $0x1400  }
0x4d: {  	[sflag:s23] =	ssyncset.done $0x0  }
0x4e: {  	s1 =	simm.s32 $0x0;
	[sflag:s23] =	ssyncadd.s32 $0xFFFFEC00  }
0x4f: {  	[tilespmem:s19], [sflag:$0x1] =	stream.linear.gather [hbm4b:s14+s1], $0x1400, $0x38;
	[tilespmem:$0x1A800] =	vst v63  }
0x50: {  	_ =	swait.ge [sflag:s24], $0x1400  }
0x51: {  	[sflag:s24] =	ssyncset.done $0x0  }
0x52: {  	[sflag:s24] =	ssyncadd.s32 $0xFFFFEC00  }
0x53: {  	[spmem:s2] =	stream.indirect.scatter.add.f32 [tilespmem:s20], [sflag:$0x4], $0x80, s28, s22, $0xb8;
	[tilespmem:$0x1A800] =	vst v63  }
0x54: {  	_ =	swait.ge [sflag:s21], $0x1400  }
0x55: {  	[sflag:s21] =	ssyncset.done $0x0  }
0x56: {  	[sflag:s21] =	ssyncadd.s32 $0xFFFFEC00  }
0x57: {  	[spmem:s2] =	stream.indirect.scatter.add.f32 [tilespmem:s19], [sflag:$0x3], $0x80, s29, s22, $0xb8;
	[tilespmem:$0x1A800] =	vst v63  }
0x58: {  	_ =	swait.ge [sflag:s23], $0x1400  }
0x59: {  	[sflag:s23] =	ssyncset.done $0x0  }
0x5a: {  	[sflag:s23] =	ssyncadd.s32 $0xFFFFEC00  }
0x5b: {  	_ =	swait.ge [sflag:s25], $0x1400  }
0x5c: {  	[sflag:s25] =	ssyncset.done $0x0  }
0x5d: {  	[sflag:s25] =	ssyncadd.s32 $0xFFFFEC00  }
0x5e: {  	[bflag:$0x0] =	sbarrier.arrive $0xFFFF  }
0x5f: {  	[hbm:s9], [sflag:s31] =	dma.local [spmem:s0], $0x2800  }
0x60: {  	_ =	swait.ge [sflag:s18], $0x2800  }
0x61: {  	[sflag:s18] =	ssyncset.done $0x0  }
0x62: {  	[sflag:s18] =	ssyncadd.s32 $0xFFFFD800  }
0x63: {  	[bflag:$0x0] =	sbarrier.arrive $0xFFFF  }
0x64: {  	[spmem:s0], [sflag:s31] =	dma.local [hbm:s6], $0x2800  }
0x65: {  	_ =	swait.ge [sflag:s18], $0x2800  }
0x66: {  	[sflag:s18] =	ssyncset.done $0x0  }
0x67: {  	[sflag:s18] =	ssyncadd.s32 $0xFFFFD800  }
0x68: {  	[bflag:$0x0] =	sbarrier.arrive $0xFFFF  }
0x69: {  	[tilespmem:s19], [sflag:$0x1] =	stream.linear.gather [hbm4b:s10+s1], $0x1400, $0x38;
	[tilespmem:$0x1A800] =	vst v63  }
0x6a: {  	_ = 	snop  }
0x6b: {  	[tilespmem:s20], [sflag:$0x2] =	stream.linear.gather [hbm4b:s11+s1], $0x1400, $0x38;
	[tilespmem:$0x1A800] =	vst v63  }
0x6c: {  	_ =	swait.ge [sflag:s21], $0x1400  }
0x6d: {  	[sflag:s21] =	ssyncset.done $0x0  }
0x6e: {  	s7 =	simm.s32 $0x0;
	[sflag:s21] =	ssyncadd.s32 $0xFFFFEC00  }
0x6f: {  	[spmem:s2] =	stream.indirect.scatter.add.f32 [tilespmem:s19], [sflag:$0x3], $0x80, s7, s22, $0xb8;
	[tilespmem:$0x1A800] =	vst v63  }
0x70: {  	_ =	swait.ge [sflag:s23], $0x1400  }
0x71: {  	[sflag:s23] =	ssyncset.done $0x0  }
0x72: {  	s8 =	sadd.s32 $0xFFFFFD80, s17;
	[sflag:s23] =	ssyncadd.s32 $0xFFFFEC00  }
0x73: {  	[tilespmem:s19], [sflag:$0x1] =	stream.linear.gather [hbm4b:s8+s3], $0x1400, $0x38;
	[tilespmem:$0x1A800] =	vst v63  }
0x74: {  	_ =	swait.ge [sflag:s24], $0x1400  }
0x75: {  	[sflag:s24] =	ssyncset.done $0x0  }
0x76: {  	s16 =	simm.s32 $0x80;
	[sflag:s24] =	ssyncadd.s32 $0xFFFFEC00  }
0x77: {  	[spmem:s2] =	stream.indirect.scatter.add.f32 [tilespmem:s20], [sflag:$0x4], $0x80, s16, s22, $0xb8;
	[tilespmem:$0x1A800] =	vst v63  }
0x78: {  	_ =	swait.ge [sflag:s25], $0x1400  }
0x79: {  	s4 =	sadd.s32 $0x500, s17;
	[sflag:s25] =	ssyncset.done $0x0  }
0x7a: {  	s1 =	simm.s32 $0x400;
	s16 =	smov.u32 s17;
	[sflag:s25] =	ssyncadd.s32 $0xFFFFEC00  }
.LBB2_4:
0x7b: {  	[tilespmem:s20], [sflag:$0x2] =	stream.linear.gather [hbm4b:s16+s3], $0x1400, $0x38;
	[tilespmem:$0x1A800] =	vst v63  }
0x7c: {  	s7 =	smov.u32 s1;
	s16 =	smov.u32 s4  }
0x7d: {  	p0 =	sne.s32 s1, $0xF000;
	s1 =	sadd.s32 $0x400, s1;
	_ =	swait.ge [sflag:s21], $0x1400  }
0x7e: {  	[sflag:s21] =	ssyncset.done $0x0  }
0x7f: {  	s7 =	sshra.s32 s7, $0x2;
	[sflag:s21] =	ssyncadd.s32 $0xFFFFEC00  }
0x80: {  	[spmem:s2] =	stream.indirect.scatter.add.f32 [tilespmem:s19], [sflag:$0x3], $0x80, s7, s22, $0xb8;
	[tilespmem:$0x1A800] =	vst v63  }
0x81: {  	_ =	swait.ge [sflag:s23], $0x1400  }
0x82: {  	[sflag:s23] =	ssyncset.done $0x0  }
0x83: {  	s8 =	sadd.s32 $0xFFFFFD80, s4;
	[sflag:s23] =	ssyncadd.s32 $0xFFFFEC00  }
0x84: {  	[tilespmem:s19], [sflag:$0x1] =	stream.linear.gather [hbm4b:s8+s3], $0x1400, $0x38;
	[tilespmem:$0x1A800] =	vst v63  }
0x85: {  	_ =	swait.ge [sflag:s24], $0x1400  }
0x86: {  	[sflag:s24] =	ssyncset.done $0x0  }
.Ltmp1:
0x87: {  	s7 =	sadd.s32 $0x80, s7;
	[sflag:s24] =	ssyncadd.s32 $0xFFFFEC00;
	(pc) =	sbr.rel @p0 .LBB2_4-.Ltmp1, $4  }
0x88: {  	[spmem:s2] =	stream.indirect.scatter.add.f32 [tilespmem:s20], [sflag:$0x4], $0x80, s7, s22, $0xb8;
	[tilespmem:$0x1A800] =	vst v63  }
0x89: {  	_ =	swait.ge [sflag:s25], $0x1400  }
0x8a: {  	[sflag:s25] =	ssyncset.done $0x0  }
0x8b: {  	s4 =	sadd.s32 $0x500, s4;
	[sflag:s25] =	ssyncadd.s32 $0xFFFFEC00  }
0x8c: {  	[tilespmem:s20], [sflag:$0x2] =	stream.linear.gather [hbm4b:s16+s3], $0x1400, $0x38;
	[tilespmem:$0x1A800] =	vst v63  }
0x8d: {  	_ =	swait.ge [sflag:s21], $0x1400  }
0x8e: {  	[sflag:s21] =	ssyncset.done $0x0  }
0x8f: {  	[sflag:s21] =	ssyncadd.s32 $0xFFFFEC00  }
0x90: {  	[spmem:s2] =	stream.indirect.scatter.add.f32 [tilespmem:s19], [sflag:$0x3], $0x80, s26, s22, $0xb8;
	[tilespmem:$0x1A800] =	vst v63  }
0x91: {  	_ =	swait.ge [sflag:s23], $0x1400  }
0x92: {  	[sflag:s23] =	ssyncset.done $0x0  }
0x93: {  	[sflag:s23] =	ssyncadd.s32 $0xFFFFEC00  }
0x94: {  	[tilespmem:s19], [sflag:$0x1] =	stream.linear.gather [hbm4b:s15+s3], $0x1400, $0x38;
	[tilespmem:$0x1A800] =	vst v63  }
0x95: {  	_ =	swait.ge [sflag:s24], $0x1400  }
0x96: {  	[sflag:s24] =	ssyncset.done $0x0  }
0x97: {  	[sflag:s24] =	ssyncadd.s32 $0xFFFFEC00  }
0x98: {  	[spmem:s2] =	stream.indirect.scatter.add.f32 [tilespmem:s20], [sflag:$0x4], $0x80, s28, s22, $0xb8;
	[tilespmem:$0x1A800] =	vst v63  }
0x99: {  	_ =	swait.ge [sflag:s21], $0x1400  }
0x9a: {  	[sflag:s21] =	ssyncset.done $0x0  }
0x9b: {  	[sflag:s21] =	ssyncadd.s32 $0xFFFFEC00  }
0x9c: {  	[spmem:s2] =	stream.indirect.scatter.add.f32 [tilespmem:s19], [sflag:$0x3], $0x80, s29, s22, $0xb8;
	[tilespmem:$0x1A800] =	vst v63  }
0x9d: {  	_ =	swait.ge [sflag:s23], $0x1400  }
0x9e: {  	[sflag:s23] =	ssyncset.done $0x0  }
0x9f: {  	[sflag:s23] =	ssyncadd.s32 $0xFFFFEC00  }
0xa0: {  	_ =	swait.ge [sflag:s25], $0x1400  }
0xa1: {  	s30 =	sadd.s32 $0x1, s30;
	[sflag:s25] =	ssyncset.done $0x0  }
0xa2: {  	p0 =	sne.s32 s30, s13;
	[sflag:s25] =	ssyncadd.s32 $0xFFFFEC00  }
.Ltmp2:
0xa3: {  	[bflag:$0x0] =	sbarrier.arrive $0xFFFF;
	(pc) =	sbr.rel @p0 .LBB2_1-.Ltmp2, $4  }
0xa4: {  	[hbm:s12], [sflag:s31] =	dma.local [spmem:s0], $0x2800  }
0xa5: {  	_ =	swait.ge [sflag:s18], $0x2800  }
0xa6: {  	[sflag:s18] =	ssyncset.done $0x0  }
0xa7: {  	[sflag:s18] =	ssyncadd.s32 $0xFFFFD800  }
0xa8: {  	_ =	sfence.sel $0x180000  }
0xa9: {  	[bflag:$0x0] =	sbarrier.arrive $0xFFFF  }
0xaa: {  	_ =	strace $0x9000004D  }
0xab: {  	s0 =	stileid.u32;
	[bflag:$0x2] =	sbarrier.arrive $0xFFFF  }
0xac: {  	p0 =	sne.s32 s0, $0x0;
	s0 =	rddreg [dreg:$0x2]  }
0xad: {  	s0 =	sadd.s32 @!p0 $0x100000, s0  }
0xae: {  	[sflag:s0] =	ssyncadd.tile.s32 @!p0 $0x1;
	_ =	shalt  }
.Lfunc_end2:
_tile_overlayer_lowered:
.L_overlay_start_2:
0xaf: {  	(tag) =	ssettag $0x2  }
0xb0: {  	s0 =	rddreg [dreg:$0x0];
	s2 =	stileid.u32  }
0xb1: {  	s1 =	rddreg [dreg:$0x1];
	p0 =	sne.s32 s2, $0x0  }
0xb2: {  	s3 =	rddreg [dreg:$0x2];
	[bflag:$0x3] =	sbarrier.arrive $0xFFFF;
	s2 =	simm.s32 @!p0 $0x1C05  }
0xb3: {  	[timem:s3], [sflag:s2] =	dma.local @!p0 [hbm:s0], s1  }
0xb4: {  	s0 =	simm.s32 @!p0 $0x5  }
0xb5: {  	_ =	swait.ge @!p0 [sflag:s0], s1  }
0xb6: {  	s1 =	ssub.s32 @!p0 $0x0, s1;
	[sflag:s0] =	ssyncset.done @!p0 $0x0  }
0xb7: {  	[sflag:s0] =	ssyncadd.s32 @!p0 s1  }
0xb8: {  	[bflag:$0x3] =	sbarrier.arrive $0xFFFF  }
0xb9: {  	_ =	shalt  }

// kernel: kernel.9.cloned.1.call-start
scs
__scs_entry_jumppad:
0x0: {  	(pc) =	sbr.rel $0x88, $3  }
0x1: {  	(tag) =	ssettag $0x0;
	lr =	simm.s32 $0x1  }
0x2: {  	[smem:$0x3F8E] =	sst lr;
	_ =	strace $0xD0000000  }
0x3: {  	_ = 	snop  }
0x4: {  	_ = 	snop  }
0x5: {  	_ = 	snop  }
0x6: {  	_ = 	snop  }
0x7: {  	_ = 	snop  }
__scs_overlays_trampoline_lowered:
0x8: {  	[smem:$0x3F9D] =	sst s0  }
0x9: {  	[smem:$0x3F9E] =	sst s1  }
0xa: {  	[smem:$0x3F9F] =	sst s2  }
0xb: {  	[smem:$0x3FA0] =	sst s3  }
0xc: {  	[smem:$0x3FA1] =	sst s4  }
0xd: {  	[smem:$0x3FA2] =	sst s5  }
0xe: {  	[smem:$0x3FA3] =	sst s6  }
0xf: {  	[smem:$0x3FA4] =	sst s7  }
0x10: {  	[smem:$0x3FA5] =	sst s8  }
0x11: {  	[smem:$0x3FA6] =	sst s9;
	s0 =	simm.s32 @!p0 $0x0  }
0x12: {  	s1 =	sld [smem:$0x3F8C];
	s0 =	simm.s32 @p0 $0x1  }
0x13: {  	[smem:$0x3FA7] =	sst s0;
	s0 =	simm.s32 @!p1 $0x0  }
0x14: {  	s2 =	sld [smem:$0x3F8B];
	s0 =	simm.s32 @p1 $0x1  }
0x15: {  	[smem:$0x3FA8] =	sst s0;
	s0 =	simm.s32 @!p2 $0x0  }
0x16: {  	s3 =	sld [smem:$0x3FDB];
	s0 =	simm.s32 @p2 $0x1  }
0x17: {  	s4 =	simm.s32 $0x1BF5;
	[smem:$0x3FAA] =	sst s0  }
0x18: {  	s0 =	sld [smem:$0x3F8D];
	_ =	swait.ge [sflag:s4], $0x0  }
0x19: {  	s7 =	sld [smem:$0x3F8E]  }
0x1a: {  	s8 =	sadd.s32 $0xFFFFE003, lr  }
0x1b: {  	s9 =	sadd.s32 $0xFFFFFEF7, lr;
	s5 =	simm.s32 $0xFFFFFFFF;
	p2 =	slt.u32 s8, $0xFFFFF086  }
0x1c: {  	p1 =	slt.u32 s9, $0xF7A;
	s5 =	simm.s32 @!p2 $0x0  }
0x1d: {  	s5 =	simm.s32 @p1 $0x1;
	p0 =	seq.s32 s7, s2  }
0x1e: {  	s7 =	smul.u32 @!p0 $0xF7A, s2;
	p2 =	seq.s32 @!p0 s5, $0x0  }
0x1f: {  	s9 =	smul.u32 $0xF7A, s1;
	s8 =	simm.s32 @!p0 $0x1BF5;
	p2 =	por !p2, p0  }
0x20: {  	[sflag:s8] =	ssyncset.s32 @!p0 $0xFFFFF086;
	s6 =	sadd.s32 @!p0 s3, s7;
	s7 =	simm.s32 @!p0 $0x108  }
0x21: {  	s3 =	sadd.s32 s3, s9;
	s6 =	sadd.s32 @!p0 $0x88, s6;
	s7 =	simm.s32 @p2 $0x1082  }
0x22: {  	[simem:s7], [sflag:s8] =	dma.local @!p0 [hbm:s6], $0xF7A  }
0x23: {  	s9 =	sor.u32 $0xD0000000, s2;
	s6 =	simm.s32 $0x108;
	_ =	swait.ge @!p0 [sflag:s8], $0x0  }
0x24: {  	s3 =	sadd.s32 $0x88, s3;
	s6 =	simm.s32 @!p1 $0x1082;
	[sflag:s4] =	ssyncset.s32 $0xFFFFF086  }
0x25: {  	[simem:s6], [sflag:s4] =	dma.local [hbm:s3], $0xF7A  }
0x26: {  	[smem:$0x3F8E] =	sst s1;
	(tag) =	ssettag s2;
	_ =	strace s9  }
0x27: {  	s1 =	sld [smem:$0x3F9E]  }
0x28: {  	s2 =	sld [smem:$0x3F9F]  }
0x29: {  	s4 =	sld [smem:$0x3FA1]  }
0x2a: {  	p0 =	seq.s32 s5, $0x0;
	s5 =	sld [smem:$0x3FA2]  }
0x2b: {  	s6 =	sld [smem:$0x3FA3]  }
0x2c: {  	s7 =	sld [smem:$0x3FA4]  }
0x2d: {  	s3 =	simm.s32 $0x108;
	s8 =	sld [smem:$0x3FA5]  }
0x2e: {  	s3 =	simm.s32 @!p0 $0x1082;
	s9 =	sld [smem:$0x3FA6]  }
0x2f: {  	lr =	sadd.s32 s0, s3;
	s0 =	sld [smem:$0x3F9D]  }
0x30: {  	s3 =	sld [smem:$0x3FA0]  }
0x31: {  	[smem:$0x3FA9] =	sst s10  }
0x32: {  	s10 =	sld [smem:$0x3FA7];
	_ =	sdelay $0x3  }
0x33: {  	p0 =	seq.s32 s10, $0x1;
	s10 =	sld [smem:$0x3FA9];
	_ =	sdelay $0x3  }
0x34: {  	[smem:$0x3FA9] =	sst s10  }
0x35: {  	s10 =	sld [smem:$0x3FA8];
	_ =	sdelay $0x3  }
0x36: {  	p1 =	seq.s32 s10, $0x1;
	s10 =	sld [smem:$0x3FA9];
	_ =	sdelay $0x3  }
0x37: {  	[smem:$0x3FA9] =	sst s10  }
0x38: {  	s10 =	sld [smem:$0x3FAA]  }
0x39: {  	_ = 	snop;
	(pc) =	sbr.ind lr, $3  }
0x3a: {  	_ = 	snop  }
0x3b: {  	_ = 	snop  }
0x3c: {  	p2 =	seq.s32 s10, $0x1;
	s10 =	sld [smem:$0x3FA9]  }
0x3d: {  	_ =	shalt  }
0x3e: {  	_ =	shalt  }
0x3f: {  	_ =	shalt  }
0x40: {  	_ =	shalt  }
0x41: {  	_ =	shalt  }
0x42: {  	_ =	shalt  }
0x43: {  	_ =	shalt  }
0x44: {  	_ =	shalt  }
0x45: {  	_ =	shalt  }
0x46: {  	_ =	shalt  }
0x47: {  	_ =	shalt  }
0x48: {  	_ =	shalt  }
0x49: {  	_ =	shalt  }
0x4a: {  	_ =	shalt  }
0x4b: {  	_ =	shalt  }
0x4c: {  	_ =	shalt  }
0x4d: {  	_ =	shalt  }
0x4e: {  	_ =	shalt  }
0x4f: {  	_ =	shalt  }
0x50: {  	_ =	shalt  }
0x51: {  	_ =	shalt  }
0x52: {  	_ =	shalt  }
0x53: {  	_ =	shalt  }
0x54: {  	_ =	shalt  }
0x55: {  	_ =	shalt  }
0x56: {  	_ =	shalt  }
0x57: {  	_ =	shalt  }
0x58: {  	_ =	shalt  }
0x59: {  	_ =	shalt  }
0x5a: {  	_ =	shalt  }
0x5b: {  	_ =	shalt  }
0x5c: {  	_ =	shalt  }
0x5d: {  	_ =	shalt  }
0x5e: {  	_ =	shalt  }
0x5f: {  	_ =	shalt  }
0x60: {  	_ =	shalt  }
0x61: {  	_ =	shalt  }
0x62: {  	_ =	shalt  }
0x63: {  	_ =	shalt  }
0x64: {  	_ =	shalt  }
0x65: {  	_ =	shalt  }
0x66: {  	_ =	shalt  }
0x67: {  	_ =	shalt  }
0x68: {  	_ =	shalt  }
0x69: {  	_ =	shalt  }
0x6a: {  	_ =	shalt  }
0x6b: {  	_ =	shalt  }
0x6c: {  	_ =	shalt  }
0x6d: {  	_ =	shalt  }
0x6e: {  	_ =	shalt  }
0x6f: {  	_ =	shalt  }
0x70: {  	_ =	shalt  }
0x71: {  	_ =	shalt  }
0x72: {  	_ =	shalt  }
0x73: {  	_ =	shalt  }
0x74: {  	_ =	shalt  }
0x75: {  	_ =	shalt  }
0x76: {  	_ =	shalt  }
0x77: {  	_ =	shalt  }
0x78: {  	_ =	shalt  }
0x79: {  	_ =	shalt  }
0x7a: {  	_ =	shalt  }
0x7b: {  	_ =	shalt  }
0x7c: {  	_ =	shalt  }
0x7d: {  	_ =	shalt  }
0x7e: {  	_ =	shalt  }
0x7f: {  	_ =	shalt  }
0x80: {  	_ =	shalt  }
0x81: {  	_ =	shalt  }
0x82: {  	_ =	shalt  }
0x83: {  	_ =	shalt  }
0x84: {  	_ =	shalt  }
0x85: {  	_ =	shalt  }
0x86: {  	_ =	shalt  }
0x87: {  	_ =	shalt  }
.Lfunc_end0:
.L_simem_size_0:
called_computation_lowered:
.L_overlay_start_0:
0x88: {  	s2 =	sld [smem:$0x3FD9]  }
0x89: {  	s3 =	sld [smem:$0x3FFE];
	_ =	sdelay $0x1  }
0x8a: {  	s1 =	srdreg.scid  }
0x8b: {  	s0 =	sand.u32 $0x1, s1  }
0x8c: {  	s17 =	sshll.u32 s0, $0xA;
	s2 =	sadd.s32 s3, s2  }
0x8d: {  	s2 =	sadd.s32 s2, s17  }
0x8e: {  	[smem:$0x3FB5] =	sst s2  }
0x8f: {  	_ = 	snop  }
0x90: {  	s4 =	sld [smem:$0x3FC8]  }
0x91: {  	s18 =	sld [smem:$0x3FD0];
	(tm) =	ssettm $0x1  }
0x92: {  	s19 =	sld [smem:$0x3FFB];
	_ =	sdelay $0x3  }
0x93: {  	_ =	strace s19  }
0x94: {  	s2 =	sld [smem:$0x3FFC];
	_ =	sdelay $0x3  }
0x95: {  	_ =	strace s2  }
0x96: {  	s2 =	sld [smem:$0x3FFD];
	_ =	sdelay $0x3  }
0x97: {  	_ =	strace s2  }
0x98: {  	_ =	strace $0x8FFFFFFF  }
0x99: {  	s20 =	sld [smem:$0x3FDB];
	_ =	sdelay $0x1  }
0x9a: {  	s5 =	simm.s32 $_scs_section_size  }
0x9b: {  	s6 =	simm.s32 $_size__tile_overlayer_lowered;
	s7 =	simm.s32 $_tile_overlayer_lowered  }
0x9c: {  	s8 =	simm.s32 $0x1BFF;
	s21 =	sshll.u32 s7, $0x1;
	s5 =	sadd.s32 s5, s20  }
0x9d: {  	s22 =	simm.s32 $0x0;
	s6 =	sshll.u32 s6, $0x1;
	s7 =	sadd.s32 s21, s5  }
0x9e: {  	[timem:s22], [sflag:s8] =	dma.local [hbm:s7], s6  }
0x9f: {  	_ =	swait.ge [sflag:s8], s6  }
0xa0: {  	s6 =	ssub.s32 $0x0, s6;
	[sflag:s8] =	ssyncset.done $0x0  }
0xa1: {  	[sflag:s8] =	ssyncadd.s32 s6;
	_ =	sdelay $0x1  }
0xa2: {  	s23 =	simm.s32 $0x1B8B  }
0xa3: {  	_ =	swait.ge [sflag:s23], $0x1  }
0xa4: {  	[sflag:s23] =	ssyncset.done $0x0  }
0xa5: {  	[sflag:s23] =	ssyncadd.s32 $0xFFFFFFFF  }
0xa6: {  	s6 =	sld [smem:$0x0]  }
0xa7: {  	s7 =	sand.u32 $0xFFFFFFFE, s1  }
0xa8: {  	p0 =	sne.s32 s1, s7  }
0xa9: {  	s7 =	sshll.u32 @p0 s7, $0xE  }
0xaa: {  	s7 =	sadd.s32 @p0 $0x11B8D, s7;
	s8 =	sshll.u32 @p0 s6, $0x11  }
0xab: {  	s7 =	sor.u32 @p0 s8, s7  }
0xac: {  	[sflag:s7] =	ssyncadd.remote.s32 @p0 $0x1;
	_ =	sdelay $0x1  }
0xad: {  	s7 =	simm.s32 @p0 $0x1B8D  }
0xae: {  	_ =	swait.eq @p0 [sflag:s7], $0x1  }
0xaf: {  	[sflag:s7] =	ssyncadd.s32 @p0 $0xFFFFFFFF  }
0xb0: {  	s8 =	sshll.u32 @!p0 s1, $0xE  }
0xb1: {  	s8 =	sor.u32 @!p0 $0x4000, s8;
	s7 =	simm.s32 @!p0 $0x1B8D  }
0xb2: {  	s6 =	sshll.u32 @!p0 s6, $0x11;
	s8 =	sadd.s32 @!p0 $0x11B8D, s8;
	_ =	swait.eq @!p0 [sflag:s7], $0x1  }
0xb3: {  	s6 =	sor.u32 @!p0 s6, s8;
	[sflag:s7] =	ssyncadd.s32 @!p0 $0xFFFFFFFF  }
0xb4: {  	s25 =	simm.s32 $0x1B8E;
	s24 =	sld [smem:$0x3FFE];
	[sflag:s6] =	ssyncadd.remote.s32 @!p0 $0x1  }
0xb5: {  	s26 =	simm.s32 $execute0_lowered;
	[smem:$0x3FD2] =	sst s25  }
0xb6: {  	s7 =	sshll.u32 s26, $0x1;
	_ =	strace $0x80000049;
	[dreg:$0x1] =	wrdreg $0xFFFFFFFF  }
0xb7: {  	s28 =	simm.s32 $_size_execute0_lowered;
	s5 =	sadd.s32 s5, s7;
	[dreg:$0x0] =	wrdreg $0x0  }
0xb8: {  	s7 =	sshll.u32 s28, $0x1;
	[dreg:$0x2] =	wrdreg s5  }
0xb9: {  	[dreg:$0x3] =	wrdreg s7  }
0xba: {  	[dreg:$0x4] =	wrdreg $0xC0  }
0xbb: {  	_ =	task [dreg:s22], $0x5FFFF  }
0xbc: {  	[dreg:$0x1] =	wrdreg $0xFFFFFFFF  }
0xbd: {  	[dreg:$0x0] =	wrdreg $0x60  }
0xbe: {  	[dreg:$0x2] =	wrdreg s4  }
0xbf: {  	[dreg:$0x3] =	wrdreg s24  }
0xc0: {  	[dreg:$0x4] =	wrdreg s18  }
0xc1: {  	[dreg:$0x5] =	wrdreg $0x9  }
0xc2: {  	_ =	task.clear_ibuf [dreg:s22], $0x6FFFF;
	_ =	strace $0x90000049  }
0xc3: {  	s29 =	simm.s32 $0x9;
	_ =	strace $0x8000004B  }
0xc4: {  	_ =	swait.ge [sflag:s29], $0x1  }
0xc5: {  	[sflag:s29] =	ssyncadd.s32 $0xFFFFFFFF  }
0xc6: {  	_ =	strace $0x9000004B  }
0xc7: {  	_ =	sfence  }
0xc8: {  	s30 =	sld [smem:$0x0];
	_ =	sdelay $0x2  }
0xc9: {  	s31 =	sshll.u32 s1, $0xD;
	s1 =	sshrl.u32 s1, $0x2  }
0xca: {  	s4 =	sand.u32 $0x4000, s31;
	s1 =	sadd.s32 s1, s30  }
0xcb: {  	s0 =	sor.u32 s4, s0;
	s1 =	sshll.u32 s1, $0x11  }
0xcc: {  	s0 =	sor.u32 s1, s0  }
0xcd: {  	s0 =	sadd.s32 $0x8F2B, s0  }
0xce: {  	[sflag:s0] =	ssyncadd.remote.s32 $0x1  }
0xcf: {  	_ =	sfence.sel $0xFFFF  }
0xd0: {  	[dreg:$0x0] =	wrdreg $0xFFFFFFFF;
	(pc) =	sbr.abs _section_cstart, $3  }
0xd1: {  	[dreg:$0x1] =	wrdreg $0xFFFFFFFF  }
0xd2: {  	_ =	task.clear_ibuf [dreg:s22], $0x2FFFF;
	_ =	strace $0x9FFFFFFF  }
0xd3: {  	(tm) =	ssettm $0x7FFFFFFF  }
tec
execute0_lowered:
.L_overlay_start_1:
0x0: {  	(tag) =	ssettag $0x1  }
0x1: {  	s1 =	rddreg [dreg:$0x0]  }
0x2: {  	s0 =	srdreg.scid;
	s7 =	rddreg [dreg:$0x1]  }
0x3: {  	s2 =	stileid.u32;
	s3 =	rddreg [dreg:$0x2]  }
0x4: {  	s5 =	simm.s32 $0x0;
	s17 =	simm.s32 $0x5;
	s19 =	simm.s32 $0xC8  }
0x5: {  	s20 =	simm.s32 $0x2800;
	s21 =	simm.s32 $0xF000;
	s28 =	simm.s32 $0x1BF00  }
0x6: {  	s29 =	simm.s32 $0x1C000;
	s0 =	sand.u32 $0x1, s0;
	s2 =	sshll.u32 s2, $0x1  }
0x7: {  	s30 =	simm.s32 $0x3;
	s2 =	sor.u32 s0, s2;
	s0 =	ssub.s32 $0x2, s0  }
0x8: {  	[smem:$0x7FF] =	sst s5;
	s4 =	smul.u32 $0x1388, s2;
	s9 =	sshrl.u32 s0, $0x1  }
0x9: {  	s6 =	sadd.s32 $0x50D800, s7;
	_ =	strace $0x8000004A;
	s0 =	ssub.s32 s0, s9  }
0xa: {  	s2 =	sshrl.u32 s4, $0x3;
	s23 =	sadd.s32 $0x12C0, s4;
	s10 =	sadd.s32 $0xC8, s4  }
0xb: {  	s16 =	smax.u32 s0, $0x1;
	s0 =	simm.s32 $0x1C200;
	s8 =	sadd.s32 s2, s7  }
0xc: {  	s31 =	simm.s32 $0x2;
	s7 =	sadd.s32 $0x77E800, s7;
	s22 =	sadd.s32 $0x503800, s8  }
0xd: {  	s24 =	sshll.u32 s23, $0x4;
	s8 =	sadd.s32 $0x508800, s8;
	[dreg:$0x4] =	wrdreg s22  }
0xe: {  	s9 =	sshrl.u32 s23, $0x3;
	s11 =	sadd.s32 s6, s24;
	[dreg:$0x5] =	wrdreg s8  }
0xf: {  	s2 =	sadd.s32 s3, s2;
	s25 =	sadd.s32 s3, s9;
	[dreg:$0x6] =	wrdreg s11  }
0x10: {  	s23 =	simm.s32 $0x1C300;
	s26 =	sadd.s32 $0x5078, s2;
	[dreg:$0x8] =	wrdreg s25  }
0x11: {  	s2 =	sadd.s32 $0x9E98, s2;
	s9 =	simm.s32 $0x0;
	[dreg:$0x9] =	wrdreg s26  }
0x12: {  	s8 =	sadd.s32 s7, s24;
	[dreg:$0xa] =	wrdreg s2;
	s22 =	simm.s32 $0x8C00  }
0x13: {  	s24 =	simm.s32 $0x15400;
	s25 =	simm.s32 $0x1;
	s26 =	simm.s32 $0x1BE00  }
0x14: {  	s2 =	simm.s32 $0x1C100;
	[dreg:$0x7] =	wrdreg s8;
	s8 =	simm.s32 $0x4  }
.LBB2_1:
0x15: {  	s11 =	rddreg [dreg:$0x4]  }
0x16: {  	[tilespmem:s5], [sflag:$0x5] =	stream.linear.gather [hbm4b:s11+s5], $0x1388, $0x38;
	[tilespmem:$0x1C400] =	vst v63  }
0x17: {  	_ =	swait.ge [sflag:s17], $0x1388  }
0x18: {  	[sflag:s17] =	ssyncset.done $0x0  }
0x19: {  	s12 =	simm.s32 $0x1400;
	s15 =	rddreg [dreg:$0x5];
	[sflag:s17] =	ssyncadd.s32 $0xFFFFEC78  }
0x1a: {  	[tilespmem:s12], [sflag:$0x5] =	stream.linear.gather [hbm4b:s15+s5], $0x1388, $0x38;
	[tilespmem:$0x1C400] =	vst v63  }
0x1b: {  	_ =	swait.ge [sflag:s17], $0x1388  }
0x1c: {  	[sflag:s17] =	ssyncset.done $0x0  }
0x1d: {  	[sflag:s17] =	ssyncadd.s32 $0xFFFFEC78  }
0x1e: {  	[tilespmem:s20], [sflag:$0x1] =	stream.indirect.gather [hbm4b:s1+s19], $0x80, s5, s19, $0xb8;
	[tilespmem:$0x1C400] =	vst v63  }
0x1f: {  	_ = 	snop  }
0x20: {  	[tilespmem:s21], [sflag:$0x1] =	stream.indirect.gather [hbm4b:s1+s19], $0x80, s12, s19, $0xb8;
	[tilespmem:$0x1C400] =	vst v63  }
0x21: {  	_ = 	snop  }
0x22: {  	[tilespmem:s22], [sflag:$0x2] =	stream.indirect.gather [hbm4b:s1+s19], $0x80, s19, s19, $0xb8;
	[tilespmem:$0x1C400] =	vst v63  }
0x23: {  	s18 =	simm.s32 $0x14C8;
	s11 =	simm.s32 $0x0  }
0x24: {  	[tilespmem:s24], [sflag:$0x2] =	stream.indirect.gather [hbm4b:s1+s19], $0x80, s18, s19, $0xb8;
	[tilespmem:$0x1C400] =	vst v63  }
.LBB2_2:
0x25: {  	_ =	swait.ge [sflag:s25], $0x6400  }
0x26: {  	[sflag:s25] =	ssyncset.done $0x0  }
0x27: {  	[sflag:s25] =	ssyncadd.s32 $0xFFFF9C00  }
0x28: {  	_ =	swait.ge [sflag:s25], $0x6400  }
0x29: {  	[sflag:s25] =	ssyncset.done $0x0  }
0x2a: {  	s13 =	simm.s32 $0x0;
	[sflag:s25] =	ssyncadd.s32 $0xFFFF9C00  }
0x2b: {  	v2 =	vld [tilespmem:s13+$0x1B800]  }
0x2c: {  	v1 =	vld [tilespmem:s13+$0x1B900]  }
0x2d: {  	v0 =	vld [tilespmem:s13+$0x1BA00]  }
0x2e: {  	v4 =	vld [tilespmem:s13+$0x1BE00]  }
0x2f: {  	s12 =	simm.s32 $0x40;
	v3 =	vld [tilespmem:s13+$0x1BF00]  }
.LBB2_3:
0x30: {  	p0 =	sne.s32 s12, $0x300;
	v5 =	vld [tilespmem:s13+$0x1C000];
	_ =	sdelay $0x1  }
0x31: {  	s18 =	sshra.s32 s12, $0x2  }
.Ltmp0:
0x32: {  	v4 =	vsub.f32 v2, v4;
	v2 =	vld [tilespmem:s18+$0x1B800];
	(pc) =	sbr.rel @p0 .LBB2_3-.Ltmp0, $4  }
0x33: {  	v3 =	vsub.f32 v1, v3;
	v1 =	vld [tilespmem:s18+$0x1B900]  }
0x34: {  	[tilespmem:s13+$0x1BE00] =	vst v4;
	v5 =	vsub.f32 v0, v5;
	v0 =	vld [tilespmem:s18+$0x1BA00]  }
0x35: {  	v4 =	vld [tilespmem:s18+$0x1BE00];
	[tilespmem:s13+$0x1BF00] =	vst v3  }
0x36: {  	s12 =	sadd.s32 $0x40, s12;
	v3 =	vld [tilespmem:s18+$0x1BF00];
	[tilespmem:s13+$0x1C000] =	vst v5;
	s13 =	smov.u32 s18  }
0x37: {  	v5 =	vld [tilespmem:s13+$0x1C000];
	_ =	sdelay $0x2  }
0x38: {  	s12 =	smul.u32 $0x190, s11;
	v2 =	vsub.f32 v2, v4  }
0x39: {  	v1 =	vsub.f32 v1, v3  }
0x3a: {  	s18 =	sadd.s32 s4, s12;
	[tilespmem:s13+$0x1BE00] =	vst v2;
	v0 =	vsub.f32 v0, v5  }
0x3b: {  	s14 =	sshll.u32 s18, $0x4;
	[tilespmem:s13+$0x1BF00] =	vst v1  }
0x3c: {  	s15 =	simm.s32 $0x0;
	[tilespmem:s13+$0x1C000] =	vst v0;
	s13 =	sadd.s32 s6, s14  }
0x3d: {  	[hbm4b:s13+s15] =	stream.linear.scatter [tilespmem:s20], [sflag:$0x3], $0x6400, $0x38;
	[tilespmem:$0x1C400] =	vst v63  }
0x3e: {  	s14 =	sadd.s32 s7, s14  }
0x3f: {  	[hbm4b:s14+s15] =	stream.linear.scatter [tilespmem:s21], [sflag:$0x3], $0x6400, $0x38;
	[tilespmem:$0x1C400] =	vst v63  }
0x40: {  	s14 =	sshrl.u32 s18, $0x3  }
0x41: {  	s13 =	sadd.s32 s3, s14  }
0x42: {  	[hbm4b:s13+s15] =	stream.linear.scatter [tilespmem:s26], [sflag:$0x3], $0xC8, $0x38;
	[tilespmem:$0x1C400] =	vst v63  }
0x43: {  	s18 =	sadd.s32 $0x4E20, s13  }
0x44: {  	[hbm4b:s18+s15] =	stream.linear.scatter [tilespmem:s28], [sflag:$0x3], $0xC8, $0x38;
	[tilespmem:$0x1C400] =	vst v63  }
0x45: {  	s13 =	sadd.s32 $0x9C40, s13  }
0x46: {  	[hbm4b:s13+s15] =	stream.linear.scatter [tilespmem:s29], [sflag:$0x3], $0xC8, $0x38;
	[tilespmem:$0x1C400] =	vst v63  }
0x47: {  	_ =	swait.ge [sflag:s30], $0x6400  }
0x48: {  	[sflag:s30] =	ssyncset.done $0x0  }
0x49: {  	[sflag:s30] =	ssyncadd.s32 $0xFFFF9C00  }
0x4a: {  	_ =	swait.ge [sflag:s30], $0x6400  }
0x4b: {  	[sflag:s30] =	ssyncset.done $0x0  }
0x4c: {  	[sflag:s30] =	ssyncadd.s32 $0xFFFF9C00  }
0x4d: {  	_ =	swait.ge [sflag:s30], $0xC8  }
0x4e: {  	[sflag:s30] =	ssyncset.done $0x0  }
0x4f: {  	[sflag:s30] =	ssyncadd.s32 $0xFFFFFF38  }
0x50: {  	_ =	swait.ge [sflag:s30], $0xC8  }
0x51: {  	[sflag:s30] =	ssyncset.done $0x0  }
0x52: {  	[sflag:s30] =	ssyncadd.s32 $0xFFFFFF38  }
0x53: {  	_ =	swait.ge [sflag:s30], $0xC8  }
0x54: {  	[sflag:s30] =	ssyncset.done $0x0  }
0x55: {  	s15 =	sadd.s32 $0x190, s12;
	[sflag:s30] =	ssyncadd.s32 $0xFFFFFF38  }
0x56: {  	[tilespmem:s20], [sflag:$0x1] =	stream.indirect.gather [hbm4b:s1+s19], $0x80, s15, s19, $0xb8;
	[tilespmem:$0x1C400] =	vst v63  }
0x57: {  	s18 =	sadd.s32 $0x1590, s12  }
0x58: {  	[tilespmem:s21], [sflag:$0x1] =	stream.indirect.gather [hbm4b:s1+s19], $0x80, s18, s19, $0xb8;
	[tilespmem:$0x1C400] =	vst v63  }
0x59: {  	_ =	swait.ge [sflag:s31], $0x6400  }
0x5a: {  	[sflag:s31] =	ssyncset.done $0x0  }
0x5b: {  	[sflag:s31] =	ssyncadd.s32 $0xFFFF9C00  }
0x5c: {  	_ =	swait.ge [sflag:s31], $0x6400  }
0x5d: {  	[sflag:s31] =	ssyncset.done $0x0  }
0x5e: {  	s13 =	simm.s32 $0x0;
	[sflag:s31] =	ssyncadd.s32 $0xFFFF9C00  }
0x5f: {  	v1 =	vld [tilespmem:s13+$0x1BB00]  }
0x60: {  	v2 =	vld [tilespmem:s13+$0x1BC00]  }
0x61: {  	v0 =	vld [tilespmem:s13+$0x1BD00]  }
0x62: {  	v3 =	vld [tilespmem:s13+$0x1C100]  }
0x63: {  	s18 =	simm.s32 $0x40;
	v4 =	vld [tilespmem:s13+$0x1C200]  }
.LBB2_5:
0x64: {  	p0 =	sne.s32 s18, $0x300;
	v5 =	vld [tilespmem:s13+$0x1C300];
	_ =	sdelay $0x1  }
0x65: {  	s14 =	sshra.s32 s18, $0x2  }
.Ltmp1:
0x66: {  	v3 =	vsub.f32 v1, v3;
	v1 =	vld [tilespmem:s14+$0x1BB00];
	(pc) =	sbr.rel @p0 .LBB2_5-.Ltmp1, $4  }
0x67: {  	v4 =	vsub.f32 v2, v4;
	v2 =	vld [tilespmem:s14+$0x1BC00]  }
0x68: {  	[tilespmem:s13+$0x1C100] =	vst v3;
	v5 =	vsub.f32 v0, v5;
	v0 =	vld [tilespmem:s14+$0x1BD00]  }
0x69: {  	v3 =	vld [tilespmem:s14+$0x1C100];
	[tilespmem:s13+$0x1C200] =	vst v4  }
0x6a: {  	s18 =	sadd.s32 $0x40, s18;
	v4 =	vld [tilespmem:s14+$0x1C200];
	[tilespmem:s13+$0x1C300] =	vst v5;
	s13 =	smov.u32 s14  }
0x6b: {  	v5 =	vld [tilespmem:s13+$0x1C300];
	_ =	sdelay $0x2  }
0x6c: {  	v1 =	vsub.f32 v1, v3  }
0x6d: {  	v2 =	vsub.f32 v2, v4  }
0x6e: {  	s14 =	sadd.s32 s12, s10;
	[tilespmem:s13+$0x1C100] =	vst v1;
	v0 =	vsub.f32 v0, v5  }
0x6f: {  	s15 =	sshll.u32 s14, $0x4;
	[tilespmem:s13+$0x1C200] =	vst v2  }
0x70: {  	s18 =	sadd.s32 s6, s15;
	[tilespmem:s13+$0x1C300] =	vst v0  }
0x71: {  	[hbm4b:s18+s5] =	stream.linear.scatter [tilespmem:s22], [sflag:$0x4], $0x6400, $0x38;
	[tilespmem:$0x1C400] =	vst v63  }
0x72: {  	s18 =	sadd.s32 s7, s15;
	s15 =	sshrl.u32 s14, $0x3  }
0x73: {  	[hbm4b:s18+s5] =	stream.linear.scatter [tilespmem:s24], [sflag:$0x4], $0x6400, $0x38;
	[tilespmem:$0x1C400] =	vst v63  }
0x74: {  	p0 =	seq.s32 s11, $0xB;
	s13 =	sadd.s32 s3, s15  }
0x75: {  	[hbm4b:s13+s5] =	stream.linear.scatter [tilespmem:s2], [sflag:$0x4], $0xC8, $0x38;
	[tilespmem:$0x1C400] =	vst v63  }
.Ltmp2:
0x76: {  	_ = 	snop;
	(pc) =	sbr.rel @p0 .LBB2_8-.Ltmp2, $4  }
0x77: {  	s18 =	sadd.s32 $0x4E20, s13  }
0x78: {  	[hbm4b:s18+s5] =	stream.linear.scatter [tilespmem:s0], [sflag:$0x4], $0xC8, $0x38;
	[tilespmem:$0x1C400] =	vst v63  }
0x79: {  	s13 =	sadd.s32 $0x9C40, s13  }
0x7a: {  	[hbm4b:s13+s5] =	stream.linear.scatter [tilespmem:s23], [sflag:$0x4], $0xC8, $0x38;
	[tilespmem:$0x1C400] =	vst v63  }
0x7b: {  	_ =	swait.ge [sflag:s8], $0x6400  }
0x7c: {  	[sflag:s8] =	ssyncset.done $0x0  }
0x7d: {  	[sflag:s8] =	ssyncadd.s32 $0xFFFF9C00  }
0x7e: {  	_ =	swait.ge [sflag:s8], $0x6400  }
0x7f: {  	[sflag:s8] =	ssyncset.done $0x0  }
0x80: {  	[sflag:s8] =	ssyncadd.s32 $0xFFFF9C00  }
0x81: {  	_ =	swait.ge [sflag:s8], $0xC8  }
0x82: {  	[sflag:s8] =	ssyncset.done $0x0  }
0x83: {  	[sflag:s8] =	ssyncadd.s32 $0xFFFFFF38  }
0x84: {  	_ =	swait.ge [sflag:s8], $0xC8  }
0x85: {  	[sflag:s8] =	ssyncset.done $0x0  }
0x86: {  	[sflag:s8] =	ssyncadd.s32 $0xFFFFFF38  }
0x87: {  	_ =	swait.ge [sflag:s8], $0xC8  }
.Ltmp3:
0x88: {  	[sflag:s8] =	ssyncset.done $0x0;
	(pc) =	sbr.rel .LBB2_2-.Ltmp3, $4  }
0x89: {  	s13 =	sadd.s32 $0x258, s12;
	[sflag:s8] =	ssyncadd.s32 $0xFFFFFF38  }
0x8a: {  	[tilespmem:s22], [sflag:$0x2] =	stream.indirect.gather [hbm4b:s1+s19], $0x80, s13, s19, $0xb8;
	[tilespmem:$0x1C400] =	vst v63  }
0x8b: {  	s18 =	sadd.s32 $0x1658, s12;
	s11 =	sadd.s32 $0x1, s11  }
0x8c: {  	[tilespmem:s24], [sflag:$0x2] =	stream.indirect.gather [hbm4b:s1+s19], $0x80, s18, s19, $0xb8;
	[tilespmem:$0x1C400] =	vst v63  }
.LBB2_8:
0x8d: {  	_ =	swait.ge [sflag:s25], $0x6400  }
0x8e: {  	[sflag:s25] =	ssyncset.done $0x0  }
0x8f: {  	[sflag:s25] =	ssyncadd.s32 $0xFFFF9C00  }
0x90: {  	_ =	swait.ge [sflag:s25], $0x6400  }
0x91: {  	[sflag:s25] =	ssyncset.done $0x0  }
0x92: {  	s11 =	simm.s32 $0x0;
	[sflag:s25] =	ssyncadd.s32 $0xFFFF9C00  }
0x93: {  	v1 =	vld [tilespmem:s11+$0x1B800]  }
0x94: {  	v2 =	vld [tilespmem:s11+$0x1B900]  }
0x95: {  	v0 =	vld [tilespmem:s11+$0x1BA00]  }
0x96: {  	v3 =	vld [tilespmem:s11+$0x1BE00]  }
0x97: {  	s12 =	simm.s32 $0x40;
	v4 =	vld [tilespmem:s11+$0x1BF00]  }
.LBB2_9:
0x98: {  	p0 =	sne.s32 s12, $0x300;
	v5 =	vld [tilespmem:s11+$0x1C000];
	_ =	sdelay $0x1  }
0x99: {  	s13 =	sshra.s32 s12, $0x2  }
.Ltmp4:
0x9a: {  	v3 =	vsub.f32 v1, v3;
	v1 =	vld [tilespmem:s13+$0x1B800];
	(pc) =	sbr.rel @p0 .LBB2_9-.Ltmp4, $4  }
0x9b: {  	v4 =	vsub.f32 v2, v4;
	v2 =	vld [tilespmem:s13+$0x1B900]  }
0x9c: {  	[tilespmem:s11+$0x1BE00] =	vst v3;
	v5 =	vsub.f32 v0, v5;
	v0 =	vld [tilespmem:s13+$0x1BA00]  }
0x9d: {  	v3 =	vld [tilespmem:s13+$0x1BE00];
	[tilespmem:s11+$0x1BF00] =	vst v4  }
0x9e: {  	s12 =	sadd.s32 $0x40, s12;
	v4 =	vld [tilespmem:s13+$0x1BF00];
	[tilespmem:s11+$0x1C000] =	vst v5;
	s11 =	smov.u32 s13  }
0x9f: {  	v5 =	vld [tilespmem:s11+$0x1C000];
	_ =	sdelay $0x2  }
0xa0: {  	v1 =	vsub.f32 v1, v3  }
0xa1: {  	v2 =	vsub.f32 v2, v4  }
0xa2: {  	[tilespmem:s11+$0x1BE00] =	vst v1;
	v0 =	vsub.f32 v0, v5  }
0xa3: {  	[tilespmem:s11+$0x1BF00] =	vst v2  }
0xa4: {  	s12 =	rddreg [dreg:$0x6];
	[tilespmem:s11+$0x1C000] =	vst v0  }
0xa5: {  	[hbm4b:s12+s5] =	stream.linear.scatter [tilespmem:s20], [sflag:$0x3], $0x6400, $0x38;
	[tilespmem:$0x1C400] =	vst v63  }
0xa6: {  	s13 =	rddreg [dreg:$0x7]  }
0xa7: {  	[hbm4b:s13+s5] =	stream.linear.scatter [tilespmem:s21], [sflag:$0x3], $0x6400, $0x38;
	[tilespmem:$0x1C400] =	vst v63  }
0xa8: {  	s14 =	rddreg [dreg:$0x8]  }
0xa9: {  	[hbm4b:s14+s5] =	stream.linear.scatter [tilespmem:s26], [sflag:$0x3], $0xC8, $0x38;
	[tilespmem:$0x1C400] =	vst v63  }
0xaa: {  	s15 =	rddreg [dreg:$0x9]  }
0xab: {  	[hbm4b:s15+s5] =	stream.linear.scatter [tilespmem:s28], [sflag:$0x3], $0xC8, $0x38;
	[tilespmem:$0x1C400] =	vst v63  }
0xac: {  	s18 =	rddreg [dreg:$0xa]  }
0xad: {  	[hbm4b:s18+s5] =	stream.linear.scatter [tilespmem:s29], [sflag:$0x3], $0xC8, $0x38;
	[tilespmem:$0x1C400] =	vst v63  }
0xae: {  	_ =	swait.ge [sflag:s30], $0x6400  }
0xaf: {  	[sflag:s30] =	ssyncset.done $0x0  }
0xb0: {  	[sflag:s30] =	ssyncadd.s32 $0xFFFF9C00  }
0xb1: {  	_ =	swait.ge [sflag:s30], $0x6400  }
0xb2: {  	[sflag:s30] =	ssyncset.done $0x0  }
0xb3: {  	[sflag:s30] =	ssyncadd.s32 $0xFFFF9C00  }
0xb4: {  	_ =	swait.ge [sflag:s30], $0xC8  }
0xb5: {  	[sflag:s30] =	ssyncset.done $0x0  }
0xb6: {  	[sflag:s30] =	ssyncadd.s32 $0xFFFFFF38  }
0xb7: {  	_ =	swait.ge [sflag:s30], $0xC8  }
0xb8: {  	[sflag:s30] =	ssyncset.done $0x0  }
0xb9: {  	[sflag:s30] =	ssyncadd.s32 $0xFFFFFF38  }
0xba: {  	_ =	swait.ge [sflag:s30], $0xC8  }
0xbb: {  	[sflag:s30] =	ssyncset.done $0x0  }
0xbc: {  	[sflag:s30] =	ssyncadd.s32 $0xFFFFFF38  }
0xbd: {  	_ =	swait.ge [sflag:s8], $0x6400  }
0xbe: {  	[sflag:s8] =	ssyncset.done $0x0  }
0xbf: {  	[sflag:s8] =	ssyncadd.s32 $0xFFFF9C00  }
0xc0: {  	_ =	swait.ge [sflag:s8], $0x6400  }
0xc1: {  	[sflag:s8] =	ssyncset.done $0x0  }
0xc2: {  	[sflag:s8] =	ssyncadd.s32 $0xFFFF9C00  }
0xc3: {  	_ =	swait.ge [sflag:s8], $0xC8  }
0xc4: {  	[sflag:s8] =	ssyncset.done $0x0  }
0xc5: {  	s9 =	sadd.s32 $0x1, s9;
	[sflag:s8] =	ssyncadd.s32 $0xFFFFFF38  }
0xc6: {  	p0 =	sne.s32 s9, s16;
	_ =	swait.ge [sflag:s8], $0xC8  }
.Ltmp5:
0xc7: {  	[sflag:s8] =	ssyncset.done $0x0;
	(pc) =	sbr.rel @p0 .LBB2_1-.Ltmp5, $4  }
0xc8: {  	[sflag:s8] =	ssyncadd.s32 $0xFFFFFF38  }
0xc9: {  	_ =	swait.ge [sflag:s8], $0xC8  }
0xca: {  	[sflag:s8] =	ssyncset.done $0x0  }
0xcb: {  	[sflag:s8] =	ssyncadd.s32 $0xFFFFFF38  }
0xcc: {  	_ =	sfence.sel $0x180000  }
0xcd: {  	[bflag:$0x0] =	sbarrier.arrive $0xFFFF  }
0xce: {  	_ =	strace $0x9000004A  }
0xcf: {  	s0 =	stileid.u32;
	[bflag:$0x2] =	sbarrier.arrive $0xFFFF  }
0xd0: {  	p0 =	sne.s32 s0, $0x0;
	s0 =	rddreg [dreg:$0x3]  }
0xd1: {  	s0 =	sadd.s32 @!p0 $0x100000, s0  }
0xd2: {  	[sflag:s0] =	ssyncadd.tile.s32 @!p0 $0x1;
	_ =	shalt  }
.Lfunc_end2:
_tile_overlayer_lowered:
.L_overlay_start_2:
0xd3: {  	(tag) =	ssettag $0x2  }
0xd4: {  	s0 =	rddreg [dreg:$0x0];
	s2 =	stileid.u32  }
0xd5: {  	s1 =	rddreg [dreg:$0x1];
	p0 =	sne.s32 s2, $0x0  }
0xd6: {  	s3 =	rddreg [dreg:$0x2];
	[bflag:$0x3] =	sbarrier.arrive $0xFFFF;
	s2 =	simm.s32 @!p0 $0x1C05  }
0xd7: {  	[timem:s3], [sflag:s2] =	dma.local @!p0 [hbm:s0], s1  }
0xd8: {  	s0 =	simm.s32 @!p0 $0x5  }
0xd9: {  	_ =	swait.ge @!p0 [sflag:s0], s1  }
0xda: {  	s1 =	ssub.s32 @!p0 $0x0, s1;
	[sflag:s0] =	ssyncset.done @!p0 $0x0  }
0xdb: {  	[sflag:s0] =	ssyncadd.s32 @!p0 s1  }
0xdc: {  	[bflag:$0x3] =	sbarrier.arrive $0xFFFF  }
0xdd: {  	_ =	shalt  }

</sc_bundles>
